<compile_context>
chip_gen: v7x
topology: tpu7x:2x2x1
jax: 0.10.2.dev20260603
libtpu: 0.0.44.dev20260713+nightly
codegen_flags: <defaults>
</compile_context>

<pallas_src>
import jax
import jax.numpy as jnp
from jax import lax
from jax.experimental import pallas as pl
from jax.experimental.pallas import tpu as pltpu
from jax.experimental.pallas import tpu_sc as plsc

N_INIT = 16384
N_LAYERS = 8
LAYER = 2048
D = 128
N_RULES = 32
N_TOTAL = N_INIT + N_LAYERS * LAYER

_NC, _NS = 2, 16
_NW = _NC * _NS
_CHUNK = 128

_BLK = 256


def _sc_gather(table, idx, out_rows, n_gather, idx_off):
    n_chunks = n_gather // (_NW * _CHUNK)
    assert n_chunks * _NW * _CHUNK == n_gather
    mesh = plsc.VectorSubcoreMesh(core_axis_name="c", subcore_axis_name="s",
                                  num_cores=_NC, num_subcores=_NS)

    def body(table_hbm, idx_hbm, out_hbm, idx_v, rows_v, sem):
        wid = lax.axis_index("s") * _NC + lax.axis_index("c")
        for c in range(n_chunks):
            base = (wid * n_chunks + c) * _CHUNK
            pltpu.sync_copy(idx_hbm.at[pl.ds(idx_off + base, _CHUNK)], idx_v)
            pltpu.async_copy(table_hbm.at[idx_v], rows_v, sem).wait()
            pltpu.sync_copy(rows_v, out_hbm.at[pl.ds(base, _CHUNK)])

    fn = pl.kernel(
        body,
        out_type=jax.ShapeDtypeStruct((out_rows, D), jnp.float32),
        mesh=mesh,
        scratch_types=[pltpu.VMEM((_CHUNK,), jnp.int32),
                       pltpu.VMEM((_CHUNK, D), jnp.float32),
                       pltpu.SemaphoreType.DMA],
    )
    return fn(table, idx)




def _layer_body(store_ref, xa_ref, xb_ref, r_ref, wt_ref, b_ref, h_ref):
    del store_ref
    xa = xa_ref[...].astype(jnp.bfloat16)
    xb = xb_ref[...].astype(jnp.bfloat16)
    x = jnp.concatenate([xa, xb], axis=1)
    rule = r_ref[0]
    mask = (rule == lax.broadcasted_iota(jnp.int32, (_BLK, N_RULES), 1))
    maskf = mask.astype(jnp.float32)
    y = jnp.dot(x, wt_ref[...], preferred_element_type=jnp.float32)
    acc = jnp.zeros((_BLK, D), jnp.float32)
    for r in range(N_RULES):
        acc = acc + maskf[:, r:r + 1] * (y[:, r * D:(r + 1) * D]
                                         + b_ref[r:r + 1, :])
    h_ref[...] = jnp.tanh(acc)


def _tc_layer(store, x, rules2, w_t, b, layer_idx):
    grid = (LAYER // _BLK,)
    row_blk0 = (N_INIT + layer_idx * LAYER) // _BLK
    par1_blk0 = LAYER // _BLK
    return pl.pallas_call(
        _layer_body,
        grid=grid,
        in_specs=[
            pl.BlockSpec(memory_space=pl.ANY),
            pl.BlockSpec((_BLK, D), lambda i: (i, 0)),
            pl.BlockSpec((_BLK, D), lambda i: (par1_blk0 + i, 0)),
            pl.BlockSpec((1, _BLK, 1), lambda i: (layer_idx, i, 0)),
            pl.BlockSpec((2 * D, N_RULES * D), lambda i: (0, 0)),
            pl.BlockSpec((N_RULES, D), lambda i: (0, 0)),
        ],
        out_specs=pl.BlockSpec((_BLK, D), lambda i: (row_blk0 + i, 0)),
        out_shape=jax.ShapeDtypeStruct((N_TOTAL, D), jnp.float32),
        input_output_aliases={0: 0},
    )(store, x, x, rules2, w_t, b)


def _eval_body(s_ref, wbig_ref, be_ref, pos_ref, neg_ref,
               loss_ref, pr_ref, nr_ref):
    logits = jnp.dot(s_ref[...].astype(jnp.bfloat16), wbig_ref[...],
                     preferred_element_type=jnp.float32) + be_ref[0, 0]
    pos = pos_ref[...]
    neg = neg_ref[...]
    tot = pos + neg
    t = pos / tot
    tot_pos = jnp.sum(pos)
    tot_neg = jnp.sum(neg)
    pw = tot_neg / tot_pos
    common = jnp.log1p(jnp.exp(-jnp.abs(logits)))
    sp_pos = jnp.maximum(logits, 0.0) + common
    sp_neg = jnp.maximum(-logits, 0.0) + common
    per = pw * t * sp_neg + (1.0 - t) * sp_pos
    loss_ref[0, 0] = jnp.sum(tot * per)
    pr_ref[0, 0] = jnp.sum(jnp.where(logits >= 0.0, pos, 0.0)) / tot_pos
    nr_ref[0, 0] = jnp.sum(jnp.where(logits < 0.0, neg, 0.0)) / tot_neg


def _tc_eval(store_flat, w_big, b_eval_2d, pos2d, neg2d):
    return pl.pallas_call(
        _eval_body,
        in_specs=[
            pl.BlockSpec(memory_space=pltpu.VMEM),
            pl.BlockSpec(memory_space=pltpu.VMEM),
            pl.BlockSpec(memory_space=pltpu.SMEM),
            pl.BlockSpec(memory_space=pltpu.VMEM),
            pl.BlockSpec(memory_space=pltpu.VMEM),
        ],
        out_specs=[
            pl.BlockSpec(memory_space=pltpu.SMEM),
            pl.BlockSpec(memory_space=pltpu.SMEM),
            pl.BlockSpec(memory_space=pltpu.SMEM),
        ],
        out_shape=[
            jax.ShapeDtypeStruct((1, 1), jnp.float32),
            jax.ShapeDtypeStruct((1, 1), jnp.float32),
            jax.ShapeDtypeStruct((1, 1), jnp.float32),
        ],
    )(store_flat, w_big, b_eval_2d, pos2d, neg2d)


def kernel(thax, pars, rules, pos_vals, neg_vals, init_table, W, b,
           w_eval, b_eval):
    thax = thax.astype(jnp.int32)
    store = _sc_gather(init_table, thax, N_TOTAL, N_INIT, 0)

    w_t = jnp.transpose(W, (1, 0, 2)).astype(jnp.bfloat16)
    w_t = w_t.reshape(2 * D, N_RULES * D)
    rules2 = rules.astype(jnp.int32).reshape(N_LAYERS, LAYER, 1)
    parsT = pars.astype(jnp.int32).transpose(0, 2, 1).reshape(
        N_LAYERS * 2 * LAYER)

    for l in range(N_LAYERS):
        x = _sc_gather(store, parsT, 2 * LAYER, 2 * LAYER, l * 2 * LAYER)
        store = _tc_layer(store, x, rules2, w_t, b, l)

    eye = jnp.eye(D, dtype=jnp.float32)
    w_big = (eye[:, None, :] * w_eval[None, :, None]).reshape(D * D, D)
    w_big = w_big.astype(jnp.bfloat16)
    store_flat = store.reshape(N_TOTAL // D, D * D)
    pos2d = pos_vals.reshape(N_TOTAL // D, D)
    neg2d = neg_vals.reshape(N_TOTAL // D, D)
    loss, pr, nr = _tc_eval(store_flat, w_big,
                            b_eval.reshape(1, 1).astype(jnp.float32),
                            pos2d, neg2d)
    return (loss.reshape(1), pr.reshape(()), nr.reshape(()))

# --- scband reference (transcript-rebuilt; emitter-appended) ---
"""Pipeline reference for scband-learning-model-76484777607762 (READ-ONLY COPY).

The authoritative reference and input builder live on the scoring server;
editing this copy changes nothing except your own understanding.
"""

import jax, jax.numpy as jnp
import numpy as np

N_INIT = 16384
N_LAYERS = 8
LAYER = 2048
D = 128
N_THAX = 1000
N_RULES = 32
N_TOTAL = N_INIT + N_LAYERS * LAYER


def setup_inputs(seed: int = 0) -> dict:
    key = jax.random.key(seed)
    ks = jax.random.split(key, 12)
    thax = jax.random.randint(ks[0], (N_INIT,), 0, N_THAX + 1)
    # parents of layer l must already exist: id < N_INIT + l*LAYER
    pars_list = []
    for l in range(N_LAYERS):
        hi = N_INIT + l * LAYER
        pars_list.append(jax.random.randint(jax.random.fold_in(ks[1], l), (LAYER, 2), 0, hi))
    pars = jnp.stack(pars_list)  # [N_LAYERS, LAYER, 2]
    rules = jax.random.randint(ks[2], (N_LAYERS * LAYER,), 0, N_RULES)
    pos_vals = jax.random.uniform(ks[3], (N_TOTAL,), dtype=jnp.float32) + 1e-3
    neg_vals = jax.random.uniform(ks[4], (N_TOTAL,), dtype=jnp.float32) + 1e-3
    init_table = jax.random.normal(ks[5], (N_THAX + 1, D), dtype=jnp.float32) * 0.1
    W = jax.random.normal(ks[6], (N_RULES, 2 * D, D), dtype=jnp.float32) * (1.0 / np.sqrt(2 * D))
    b = jax.random.normal(ks[7], (N_RULES, D), dtype=jnp.float32) * 0.01
    w_eval = jax.random.normal(ks[8], (D,), dtype=jnp.float32) * 0.1
    b_eval = jnp.zeros((1,), dtype=jnp.float32)
    return {
        'thax': thax, 'pars': pars, 'rules': rules,
        'pos_vals': pos_vals, 'neg_vals': neg_vals,
        'init_table': init_table, 'W': W, 'b': b,
        'w_eval': w_eval, 'b_eval': b_eval,
    }


def _softplus(x):
    return jnp.logaddexp(x, 0.0)


def reference(thax, pars, rules, pos_vals, neg_vals, init_table, W, b, w_eval, b_eval):
    # ---- init nodes: embedding lookup per thax (init_embeds[str(thax)]()) ----
    store = jnp.zeros((N_TOTAL, D), dtype=init_table.dtype)
    store = store.at[:N_INIT].set(jnp.take(init_table, thax, axis=0))
    rules2 = rules.reshape(N_LAYERS, LAYER)
    # ---- deriv nodes, layer by layer (topological order of the DAG) ----
    for l in range(N_LAYERS):
        p = jnp.take(store, pars[l].reshape(-1), axis=0)  # gather parents [LAYER*2, D]
        x = p.reshape(LAYER, 2 * D)
        r = rules2[l]
        Wg = jnp.take(W, r, axis=0)                        # per-node rule weight gather
        bg = jnp.take(b, r, axis=0)
        h = jnp.tanh(jnp.einsum('nf,nfd->nd', x, Wg) + bg)  # deriv_mlps[str(rule)](par_embeds)
        start = N_INIT + l * LAYER
        store = store.at[start:start + LAYER].set(h)
    # ---- contribute(): eval_net + weighted BCEWithLogits over all labeled nodes ----
    logits = store @ w_eval + b_eval[0]                    # [N_TOTAL]
    tot = pos_vals + neg_vals
    t = pos_vals / tot                                     # target pos/(pos+neg)
    tot_pos = jnp.sum(pos_vals)
    tot_neg = jnp.sum(neg_vals)
    pw = (1.0 / tot_pos) / (1.0 / tot_neg)                 # pos_weight / neg_weight (POS_BIAS=NEG_BIAS=1)
    per_node = pw * t * _softplus(-logits) + (1.0 - t) * _softplus(logits)
    loss = jnp.sum(tot * per_node).reshape(1)
    posOK = jnp.sum(jnp.where(logits >= 0.0, pos_vals, 0.0))
    negOK = jnp.sum(jnp.where(logits < 0.0, neg_vals, 0.0))
    pos_rate = posOK / tot_pos
    neg_rate = negOK / tot_neg
    return (loss, pos_rate, neg_rate)

if __name__ == "__main__":
    import jax
    _d = setup_inputs()
    print(jax.jit(kernel)(*tuple(_d.values())))

</pallas_src>

<mosaic_0001>
#map = affine_map<(d0, d1) -> (0, 0)>
#map1 = affine_map<(d0, d1) -> (0)>
module attributes {stable_mosaic.version = 14 : i64} {
  func.func @body(%arg0: i32, %arg1: i32, %arg2: memref<1001x128xf32, #tpu.memory_space<hbm>>, %arg3: memref<16384xi32, #tpu.memory_space<hbm>>, %arg4: memref<32768x128xf32, #tpu.memory_space<hbm>>, %arg5: memref<128xi32, #tpu.memory_space<vmem>>, %arg6: memref<128x128xf32, #tpu.memory_space<vmem>>, %arg7: memref<!tpu.dma_semaphore, #tpu.memory_space<semaphore_mem>>) attributes {dimension_semantics = [#tpu.dimension_semantics<core_parallel>, #tpu.dimension_semantics<subcore_parallel>], iteration_bounds = array<i64: 2, 16>, scalar_prefetch = 0 : i64, scratch_operands = 3 : i64, tpu.core_type = #tpu.core_type<sc_vector_subcore>, window_params = [{transform_indices = #map}, {transform_indices = #map1}, {transform_indices = #map}]} {
    %mul3A = arith.constant 2 : i32
    %mul3A_0 = arith.muli %arg1, %mul3A : i32
    %add3A = arith.addi %mul3A_0, %arg0 : i32
    %mul3A_1 = arith.constant 4 : i32
    %mul3A_2 = arith.muli %add3A, %mul3A_1 : i32
    %add3A_3 = arith.constant 0 : i32
    %add3A_4 = arith.addi %mul3A_2, %add3A_3 : i32
    %mul3A_5 = arith.constant 128 : i32
    %mul3A_6 = arith.muli %add3A_4, %mul3A_5 : i32
    %add3A_7 = arith.constant 0 : i32
    %add3A_8 = arith.addi %add3A_7, %mul3A_6 : i32
    "tpu.region"() ({
      %run_scoped3A = tpu.sem_alloc : memref<!tpu.dma_semaphore, #tpu.memory_space<semaphore_mem>>
      %dma_start3A_55 = tpu.memref_slice %arg3[%add3A_8] : memref<16384xi32, #tpu.memory_space<hbm>> -> memref<128xi32, #tpu.memory_space<hbm>>
      %dma_start3A_56 = tpu.memref_slice %arg3[%add3A_8] : memref<16384xi32, #tpu.memory_space<hbm>> -> memref<128xi32, #tpu.memory_space<hbm>>
      tpu.enqueue_dma source(%dma_start3A_56 : memref<128xi32, #tpu.memory_space<hbm>>) target(%arg5 : memref<128xi32, #tpu.memory_space<vmem>>) target_semaphore(%run_scoped3A : memref<!tpu.dma_semaphore, #tpu.memory_space<semaphore_mem>>)
      %dma_wait3A_57 = tpu.memref_slice %arg3[%add3A_8] : memref<16384xi32, #tpu.memory_space<hbm>> -> memref<128xi32, #tpu.memory_space<hbm>>
      %dma_wait3A_58 = tpu.memref_slice %arg3[%add3A_8] : memref<16384xi32, #tpu.memory_space<hbm>> -> memref<128xi32, #tpu.memory_space<hbm>>
      tpu.wait_dma2 semaphore(%run_scoped3A : memref<!tpu.dma_semaphore, #tpu.memory_space<semaphore_mem>>) src(%dma_wait3A_58 : memref<128xi32, #tpu.memory_space<hbm>>) dst(%arg5 : memref<128xi32, #tpu.memory_space<vmem>>)
      tpu.yield
    }) : () -> ()
    %dma_start3A = arith.constant 0 : i32
    %dma_start3A_9 = arith.constant 0 : i32
    %dma_start3A_10 = tpu.memref_slice %arg2[%dma_start3A, %dma_start3A_9] : memref<1001x128xf32, #tpu.memory_space<hbm>> -> memref<1001x128xf32, #tpu.memory_space<hbm>>
    tpu.enqueue_indirect_dma source(%dma_start3A_10 : memref<1001x128xf32, #tpu.memory_space<hbm>>) target(%arg6 : memref<128x128xf32, #tpu.memory_space<vmem>>) offsets(%arg5 : memref<128xi32, #tpu.memory_space<vmem>>) semaphore(%arg7 : memref<!tpu.dma_semaphore, #tpu.memory_space<semaphore_mem>>)
    %dma_wait3A = arith.constant 0 : i32
    %dma_wait3A_11 = arith.constant 0 : i32
    %dma_wait3A_12 = tpu.memref_slice %arg2[%dma_wait3A, %dma_wait3A_11] : memref<1001x128xf32, #tpu.memory_space<hbm>> -> memref<1001x128xf32, #tpu.memory_space<hbm>>
    tpu.wait_indirect_dma semaphore(%arg7 : memref<!tpu.dma_semaphore, #tpu.memory_space<semaphore_mem>>) src(%dma_wait3A_12 : memref<1001x128xf32, #tpu.memory_space<hbm>>) dst(%arg6 : memref<128x128xf32, #tpu.memory_space<vmem>>)
    "tpu.region"() ({
      %run_scoped3A = tpu.sem_alloc : memref<!tpu.dma_semaphore, #tpu.memory_space<semaphore_mem>>
      %dma_start3A_55 = arith.constant 0 : i32
      %dma_start3A_56 = tpu.memref_slice %arg4[%mul3A_6, %dma_start3A_55] : memref<32768x128xf32, #tpu.memory_space<hbm>> -> memref<128x128xf32, #tpu.memory_space<hbm>>
      %dma_start3A_57 = arith.constant 0 : i32
      %dma_start3A_58 = tpu.memref_slice %arg4[%mul3A_6, %dma_start3A_57] : memref<32768x128xf32, #tpu.memory_space<hbm>> -> memref<128x128xf32, #tpu.memory_space<hbm>>
      tpu.enqueue_dma source(%arg6 : memref<128x128xf32, #tpu.memory_space<vmem>>) target(%dma_start3A_58 : memref<128x128xf32, #tpu.memory_space<hbm>>) target_semaphore(%run_scoped3A : memref<!tpu.dma_semaphore, #tpu.memory_space<semaphore_mem>>)
      %dma_wait3A_59 = arith.constant 0 : i32
      %dma_wait3A_60 = tpu.memref_slice %arg4[%mul3A_6, %dma_wait3A_59] : memref<32768x128xf32, #tpu.memory_space<hbm>> -> memref<128x128xf32, #tpu.memory_space<hbm>>
      %dma_wait3A_61 = arith.constant 0 : i32
      %dma_wait3A_62 = tpu.memref_slice %arg4[%mul3A_6, %dma_wait3A_61] : memref<32768x128xf32, #tpu.memory_space<hbm>> -> memref<128x128xf32, #tpu.memory_space<hbm>>
      tpu.wait_dma2 semaphore(%run_scoped3A : memref<!tpu.dma_semaphore, #tpu.memory_space<semaphore_mem>>) src(%arg6 : memref<128x128xf32, #tpu.memory_space<vmem>>) dst(%dma_wait3A_62 : memref<128x128xf32, #tpu.memory_space<hbm>>)
      tpu.yield
    }) : () -> ()
    %mul3A_13 = arith.constant 4 : i32
    %mul3A_14 = arith.muli %add3A, %mul3A_13 : i32
    %add3A_15 = arith.constant 1 : i32
    %add3A_16 = arith.addi %mul3A_14, %add3A_15 : i32
    %mul3A_17 = arith.constant 128 : i32
    %mul3A_18 = arith.muli %add3A_16, %mul3A_17 : i32
    %add3A_19 = arith.constant 0 : i32
    %add3A_20 = arith.addi %add3A_19, %mul3A_18 : i32
    "tpu.region"() ({
      %run_scoped3A = tpu.sem_alloc : memref<!tpu.dma_semaphore, #tpu.memory_space<semaphore_mem>>
      %dma_start3A_55 = tpu.memref_slice %arg3[%add3A_20] : memref<16384xi32, #tpu.memory_space<hbm>> -> memref<128xi32, #tpu.memory_space<hbm>>
      %dma_start3A_56 = tpu.memref_slice %arg3[%add3A_20] : memref<16384xi32, #tpu.memory_space<hbm>> -> memref<128xi32, #tpu.memory_space<hbm>>
      tpu.enqueue_dma source(%dma_start3A_56 : memref<128xi32, #tpu.memory_space<hbm>>) target(%arg5 : memref<128xi32, #tpu.memory_space<vmem>>) target_semaphore(%run_scoped3A : memref<!tpu.dma_semaphore, #tpu.memory_space<semaphore_mem>>)
      %dma_wait3A_57 = tpu.memref_slice %arg3[%add3A_20] : memref<16384xi32, #tpu.memory_space<hbm>> -> memref<128xi32, #tpu.memory_space<hbm>>
      %dma_wait3A_58 = tpu.memref_slice %arg3[%add3A_20] : memref<16384xi32, #tpu.memory_space<hbm>> -> memref<128xi32, #tpu.memory_space<hbm>>
      tpu.wait_dma2 semaphore(%run_scoped3A : memref<!tpu.dma_semaphore, #tpu.memory_space<semaphore_mem>>) src(%dma_wait3A_58 : memref<128xi32, #tpu.memory_space<hbm>>) dst(%arg5 : memref<128xi32, #tpu.memory_space<vmem>>)
      tpu.yield
    }) : () -> ()
    %dma_start3A_21 = arith.constant 0 : i32
    %dma_start3A_22 = arith.constant 0 : i32
    %dma_start3A_23 = tpu.memref_slice %arg2[%dma_start3A_21, %dma_start3A_22] : memref<1001x128xf32, #tpu.memory_space<hbm>> -> memref<1001x128xf32, #tpu.memory_space<hbm>>
    tpu.enqueue_indirect_dma source(%dma_start3A_23 : memref<1001x128xf32, #tpu.memory_space<hbm>>) target(%arg6 : memref<128x128xf32, #tpu.memory_space<vmem>>) offsets(%arg5 : memref<128xi32, #tpu.memory_space<vmem>>) semaphore(%arg7 : memref<!tpu.dma_semaphore, #tpu.memory_space<semaphore_mem>>)
    %dma_wait3A_24 = arith.constant 0 : i32
    %dma_wait3A_25 = arith.constant 0 : i32
    %dma_wait3A_26 = tpu.memref_slice %arg2[%dma_wait3A_24, %dma_wait3A_25] : memref<1001x128xf32, #tpu.memory_space<hbm>> -> memref<1001x128xf32, #tpu.memory_space<hbm>>
    tpu.wait_indirect_dma semaphore(%arg7 : memref<!tpu.dma_semaphore, #tpu.memory_space<semaphore_mem>>) src(%dma_wait3A_26 : memref<1001x128xf32, #tpu.memory_space<hbm>>) dst(%arg6 : memref<128x128xf32, #tpu.memory_space<vmem>>)
    "tpu.region"() ({
      %run_scoped3A = tpu.sem_alloc : memref<!tpu.dma_semaphore, #tpu.memory_space<semaphore_mem>>
      %dma_start3A_55 = arith.constant 0 : i32
      %dma_start3A_56 = tpu.memref_slice %arg4[%mul3A_18, %dma_start3A_55] : memref<32768x128xf32, #tpu.memory_space<hbm>> -> memref<128x128xf32, #tpu.memory_space<hbm>>
      %dma_start3A_57 = arith.constant 0 : i32
      %dma_start3A_58 = tpu.memref_slice %arg4[%mul3A_18, %dma_start3A_57] : memref<32768x128xf32, #tpu.memory_space<hbm>> -> memref<128x128xf32, #tpu.memory_space<hbm>>
      tpu.enqueue_dma source(%arg6 : memref<128x128xf32, #tpu.memory_space<vmem>>) target(%dma_start3A_58 : memref<128x128xf32, #tpu.memory_space<hbm>>) target_semaphore(%run_scoped3A : memref<!tpu.dma_semaphore, #tpu.memory_space<semaphore_mem>>)
      %dma_wait3A_59 = arith.constant 0 : i32
      %dma_wait3A_60 = tpu.memref_slice %arg4[%mul3A_18, %dma_wait3A_59] : memref<32768x128xf32, #tpu.memory_space<hbm>> -> memref<128x128xf32, #tpu.memory_space<hbm>>
      %dma_wait3A_61 = arith.constant 0 : i32
      %dma_wait3A_62 = tpu.memref_slice %arg4[%mul3A_18, %dma_wait3A_61] : memref<32768x128xf32, #tpu.memory_space<hbm>> -> memref<128x128xf32, #tpu.memory_space<hbm>>
      tpu.wait_dma2 semaphore(%run_scoped3A : memref<!tpu.dma_semaphore, #tpu.memory_space<semaphore_mem>>) src(%arg6 : memref<128x128xf32, #tpu.memory_space<vmem>>) dst(%dma_wait3A_62 : memref<128x128xf32, #tpu.memory_space<hbm>>)
      tpu.yield
    }) : () -> ()
    %mul3A_27 = arith.constant 4 : i32
    %mul3A_28 = arith.muli %add3A, %mul3A_27 : i32
    %add3A_29 = arith.constant 2 : i32
    %add3A_30 = arith.addi %mul3A_28, %add3A_29 : i32
    %mul3A_31 = arith.constant 128 : i32
    %mul3A_32 = arith.muli %add3A_30, %mul3A_31 : i32
    %add3A_33 = arith.constant 0 : i32
    %add3A_34 = arith.addi %add3A_33, %mul3A_32 : i32
    "tpu.region"() ({
      %run_scoped3A = tpu.sem_alloc : memref<!tpu.dma_semaphore, #tpu.memory_space<semaphore_mem>>
      %dma_start3A_55 = tpu.memref_slice %arg3[%add3A_34] : memref<16384xi32, #tpu.memory_space<hbm>> -> memref<128xi32, #tpu.memory_space<hbm>>
      %dma_start3A_56 = tpu.memref_slice %arg3[%add3A_34] : memref<16384xi32, #tpu.memory_space<hbm>> -> memref<128xi32, #tpu.memory_space<hbm>>
      tpu.enqueue_dma source(%dma_start3A_56 : memref<128xi32, #tpu.memory_space<hbm>>) target(%arg5 : memref<128xi32, #tpu.memory_space<vmem>>) target_semaphore(%run_scoped3A : memref<!tpu.dma_semaphore, #tpu.memory_space<semaphore_mem>>)
      %dma_wait3A_57 = tpu.memref_slice %arg3[%add3A_34] : memref<16384xi32, #tpu.memory_space<hbm>> -> memref<128xi32, #tpu.memory_space<hbm>>
      %dma_wait3A_58 = tpu.memref_slice %arg3[%add3A_34] : memref<16384xi32, #tpu.memory_space<hbm>> -> memref<128xi32, #tpu.memory_space<hbm>>
      tpu.wait_dma2 semaphore(%run_scoped3A : memref<!tpu.dma_semaphore, #tpu.memory_space<semaphore_mem>>) src(%dma_wait3A_58 : memref<128xi32, #tpu.memory_space<hbm>>) dst(%arg5 : memref<128xi32, #tpu.memory_space<vmem>>)
      tpu.yield
    }) : () -> ()
    %dma_start3A_35 = arith.constant 0 : i32
    %dma_start3A_36 = arith.constant 0 : i32
    %dma_start3A_37 = tpu.memref_slice %arg2[%dma_start3A_35, %dma_start3A_36] : memref<1001x128xf32, #tpu.memory_space<hbm>> -> memref<1001x128xf32, #tpu.memory_space<hbm>>
    tpu.enqueue_indirect_dma source(%dma_start3A_37 : memref<1001x128xf32, #tpu.memory_space<hbm>>) target(%arg6 : memref<128x128xf32, #tpu.memory_space<vmem>>) offsets(%arg5 : memref<128xi32, #tpu.memory_space<vmem>>) semaphore(%arg7 : memref<!tpu.dma_semaphore, #tpu.memory_space<semaphore_mem>>)
    %dma_wait3A_38 = arith.constant 0 : i32
    %dma_wait3A_39 = arith.constant 0 : i32
    %dma_wait3A_40 = tpu.memref_slice %arg2[%dma_wait3A_38, %dma_wait3A_39] : memref<1001x128xf32, #tpu.memory_space<hbm>> -> memref<1001x128xf32, #tpu.memory_space<hbm>>
    tpu.wait_indirect_dma semaphore(%arg7 : memref<!tpu.dma_semaphore, #tpu.memory_space<semaphore_mem>>) src(%dma_wait3A_40 : memref<1001x128xf32, #tpu.memory_space<hbm>>) dst(%arg6 : memref<128x128xf32, #tpu.memory_space<vmem>>)
    "tpu.region"() ({
      %run_scoped3A = tpu.sem_alloc : memref<!tpu.dma_semaphore, #tpu.memory_space<semaphore_mem>>
      %dma_start3A_55 = arith.constant 0 : i32
      %dma_start3A_56 = tpu.memref_slice %arg4[%mul3A_32, %dma_start3A_55] : memref<32768x128xf32, #tpu.memory_space<hbm>> -> memref<128x128xf32, #tpu.memory_space<hbm>>
      %dma_start3A_57 = arith.constant 0 : i32
      %dma_start3A_58 = tpu.memref_slice %arg4[%mul3A_32, %dma_start3A_57] : memref<32768x128xf32, #tpu.memory_space<hbm>> -> memref<128x128xf32, #tpu.memory_space<hbm>>
      tpu.enqueue_dma source(%arg6 : memref<128x128xf32, #tpu.memory_space<vmem>>) target(%dma_start3A_58 : memref<128x128xf32, #tpu.memory_space<hbm>>) target_semaphore(%run_scoped3A : memref<!tpu.dma_semaphore, #tpu.memory_space<semaphore_mem>>)
      %dma_wait3A_59 = arith.constant 0 : i32
      %dma_wait3A_60 = tpu.memref_slice %arg4[%mul3A_32, %dma_wait3A_59] : memref<32768x128xf32, #tpu.memory_space<hbm>> -> memref<128x128xf32, #tpu.memory_space<hbm>>
      %dma_wait3A_61 = arith.constant 0 : i32
      %dma_wait3A_62 = tpu.memref_slice %arg4[%mul3A_32, %dma_wait3A_61] : memref<32768x128xf32, #tpu.memory_space<hbm>> -> memref<128x128xf32, #tpu.memory_space<hbm>>
      tpu.wait_dma2 semaphore(%run_scoped3A : memref<!tpu.dma_semaphore, #tpu.memory_space<semaphore_mem>>) src(%arg6 : memref<128x128xf32, #tpu.memory_space<vmem>>) dst(%dma_wait3A_62 : memref<128x128xf32, #tpu.memory_space<hbm>>)
      tpu.yield
    }) : () -> ()
    %mul3A_41 = arith.constant 4 : i32
    %mul3A_42 = arith.muli %add3A, %mul3A_41 : i32
    %add3A_43 = arith.constant 3 : i32
    %add3A_44 = arith.addi %mul3A_42, %add3A_43 : i32
    %mul3A_45 = arith.constant 128 : i32
    %mul3A_46 = arith.muli %add3A_44, %mul3A_45 : i32
    %add3A_47 = arith.constant 0 : i32
    %add3A_48 = arith.addi %add3A_47, %mul3A_46 : i32
    "tpu.region"() ({
      %run_scoped3A = tpu.sem_alloc : memref<!tpu.dma_semaphore, #tpu.memory_space<semaphore_mem>>
      %dma_start3A_55 = tpu.memref_slice %arg3[%add3A_48] : memref<16384xi32, #tpu.memory_space<hbm>> -> memref<128xi32, #tpu.memory_space<hbm>>
      %dma_start3A_56 = tpu.memref_slice %arg3[%add3A_48] : memref<16384xi32, #tpu.memory_space<hbm>> -> memref<128xi32, #tpu.memory_space<hbm>>
      tpu.enqueue_dma source(%dma_start3A_56 : memref<128xi32, #tpu.memory_space<hbm>>) target(%arg5 : memref<128xi32, #tpu.memory_space<vmem>>) target_semaphore(%run_scoped3A : memref<!tpu.dma_semaphore, #tpu.memory_space<semaphore_mem>>)
      %dma_wait3A_57 = tpu.memref_slice %arg3[%add3A_48] : memref<16384xi32, #tpu.memory_space<hbm>> -> memref<128xi32, #tpu.memory_space<hbm>>
      %dma_wait3A_58 = tpu.memref_slice %arg3[%add3A_48] : memref<16384xi32, #tpu.memory_space<hbm>> -> memref<128xi32, #tpu.memory_space<hbm>>
      tpu.wait_dma2 semaphore(%run_scoped3A : memref<!tpu.dma_semaphore, #tpu.memory_space<semaphore_mem>>) src(%dma_wait3A_58 : memref<128xi32, #tpu.memory_space<hbm>>) dst(%arg5 : memref<128xi32, #tpu.memory_space<vmem>>)
      tpu.yield
    }) : () -> ()
    %dma_start3A_49 = arith.constant 0 : i32
    %dma_start3A_50 = arith.constant 0 : i32
    %dma_start3A_51 = tpu.memref_slice %arg2[%dma_start3A_49, %dma_start3A_50] : memref<1001x128xf32, #tpu.memory_space<hbm>> -> memref<1001x128xf32, #tpu.memory_space<hbm>>
    tpu.enqueue_indirect_dma source(%dma_start3A_51 : memref<1001x128xf32, #tpu.memory_space<hbm>>) target(%arg6 : memref<128x128xf32, #tpu.memory_space<vmem>>) offsets(%arg5 : memref<128xi32, #tpu.memory_space<vmem>>) semaphore(%arg7 : memref<!tpu.dma_semaphore, #tpu.memory_space<semaphore_mem>>)
    %dma_wait3A_52 = arith.constant 0 : i32
    %dma_wait3A_53 = arith.constant 0 : i32
    %dma_wait3A_54 = tpu.memref_slice %arg2[%dma_wait3A_52, %dma_wait3A_53] : memref<1001x128xf32, #tpu.memory_space<hbm>> -> memref<1001x128xf32, #tpu.memory_space<hbm>>
    tpu.wait_indirect_dma semaphore(%arg7 : memref<!tpu.dma_semaphore, #tpu.memory_space<semaphore_mem>>) src(%dma_wait3A_54 : memref<1001x128xf32, #tpu.memory_space<hbm>>) dst(%arg6 : memref<128x128xf32, #tpu.memory_space<vmem>>)
    "tpu.region"() ({
      %run_scoped3A = tpu.sem_alloc : memref<!tpu.dma_semaphore, #tpu.memory_space<semaphore_mem>>
      %dma_start3A_55 = arith.constant 0 : i32
      %dma_start3A_56 = tpu.memref_slice %arg4[%mul3A_46, %dma_start3A_55] : memref<32768x128xf32, #tpu.memory_space<hbm>> -> memref<128x128xf32, #tpu.memory_space<hbm>>
      %dma_start3A_57 = arith.constant 0 : i32
      %dma_start3A_58 = tpu.memref_slice %arg4[%mul3A_46, %dma_start3A_57] : memref<32768x128xf32, #tpu.memory_space<hbm>> -> memref<128x128xf32, #tpu.memory_space<hbm>>
      tpu.enqueue_dma source(%arg6 : memref<128x128xf32, #tpu.memory_space<vmem>>) target(%dma_start3A_58 : memref<128x128xf32, #tpu.memory_space<hbm>>) target_semaphore(%run_scoped3A : memref<!tpu.dma_semaphore, #tpu.memory_space<semaphore_mem>>)
      %dma_wait3A_59 = arith.constant 0 : i32
      %dma_wait3A_60 = tpu.memref_slice %arg4[%mul3A_46, %dma_wait3A_59] : memref<32768x128xf32, #tpu.memory_space<hbm>> -> memref<128x128xf32, #tpu.memory_space<hbm>>
      %dma_wait3A_61 = arith.constant 0 : i32
      %dma_wait3A_62 = tpu.memref_slice %arg4[%mul3A_46, %dma_wait3A_61] : memref<32768x128xf32, #tpu.memory_space<hbm>> -> memref<128x128xf32, #tpu.memory_space<hbm>>
      tpu.wait_dma2 semaphore(%run_scoped3A : memref<!tpu.dma_semaphore, #tpu.memory_space<semaphore_mem>>) src(%arg6 : memref<128x128xf32, #tpu.memory_space<vmem>>) dst(%dma_wait3A_62 : memref<128x128xf32, #tpu.memory_space<hbm>>)
      tpu.yield
    }) : () -> ()
    return
  }
}

#map = affine_map<(d0, d1) -> (0, 0)>
#map1 = affine_map<(d0, d1) -> (0)>
module attributes {stable_mosaic.version = 14 : i64} {
  func.func @body(%arg0: i32, %arg1: i32, %arg2: memref<32768x128xf32, #tpu.memory_space<hbm>>, %arg3: memref<32768xi32, #tpu.memory_space<hbm>>, %arg4: memref<4096x128xf32, #tpu.memory_space<hbm>>, %arg5: memref<128xi32, #tpu.memory_space<vmem>>, %arg6: memref<128x128xf32, #tpu.memory_space<vmem>>, %arg7: memref<!tpu.dma_semaphore, #tpu.memory_space<semaphore_mem>>) attributes {dimension_semantics = [#tpu.dimension_semantics<core_parallel>, #tpu.dimension_semantics<subcore_parallel>], iteration_bounds = array<i64: 2, 16>, scalar_prefetch = 0 : i64, scratch_operands = 3 : i64, tpu.core_type = #tpu.core_type<sc_vector_subcore>, window_params = [{transform_indices = #map}, {transform_indices = #map1}, {transform_indices = #map}]} {
    %mul3A = arith.constant 2 : i32
    %mul3A_0 = arith.muli %arg1, %mul3A : i32
    %add3A = arith.addi %mul3A_0, %arg0 : i32
    %mul3A_1 = arith.constant 1 : i32
    %mul3A_2 = arith.muli %add3A, %mul3A_1 : i32
    %add3A_3 = arith.constant 0 : i32
    %add3A_4 = arith.addi %mul3A_2, %add3A_3 : i32
    %mul3A_5 = arith.constant 128 : i32
    %mul3A_6 = arith.muli %add3A_4, %mul3A_5 : i32
    %add3A_7 = arith.constant 4096 : i32
    %add3A_8 = arith.addi %add3A_7, %mul3A_6 : i32
    "tpu.region"() ({
      %run_scoped3A = tpu.sem_alloc : memref<!tpu.dma_semaphore, #tpu.memory_space<semaphore_mem>>
      %dma_start3A_13 = tpu.memref_slice %arg3[%add3A_8] : memref<32768xi32, #tpu.memory_space<hbm>> -> memref<128xi32, #tpu.memory_space<hbm>>
      %dma_start3A_14 = tpu.memref_slice %arg3[%add3A_8] : memref<32768xi32, #tpu.memory_space<hbm>> -> memref<128xi32, #tpu.memory_space<hbm>>
      tpu.enqueue_dma source(%dma_start3A_14 : memref<128xi32, #tpu.memory_space<hbm>>) target(%arg5 : memref<128xi32, #tpu.memory_space<vmem>>) target_semaphore(%run_scoped3A : memref<!tpu.dma_semaphore, #tpu.memory_space<semaphore_mem>>)
      %dma_wait3A_15 = tpu.memref_slice %arg3[%add3A_8] : memref<32768xi32, #tpu.memory_space<hbm>> -> memref<128xi32, #tpu.memory_space<hbm>>
      %dma_wait3A_16 = tpu.memref_slice %arg3[%add3A_8] : memref<32768xi32, #tpu.memory_space<hbm>> -> memref<128xi32, #tpu.memory_space<hbm>>
      tpu.wait_dma2 semaphore(%run_scoped3A : memref<!tpu.dma_semaphore, #tpu.memory_space<semaphore_mem>>) src(%dma_wait3A_16 : memref<128xi32, #tpu.memory_space<hbm>>) dst(%arg5 : memref<128xi32, #tpu.memory_space<vmem>>)
      tpu.yield
    }) : () -> ()
    %dma_start3A = arith.constant 0 : i32
    %dma_start3A_9 = arith.constant 0 : i32
    %dma_start3A_10 = tpu.memref_slice %arg2[%dma_start3A, %dma_start3A_9] : memref<32768x128xf32, #tpu.memory_space<hbm>> -> memref<32768x128xf32, #tpu.memory_space<hbm>>
    tpu.enqueue_indirect_dma source(%dma_start3A_10 : memref<32768x128xf32, #tpu.memory_space<hbm>>) target(%arg6 : memref<128x128xf32, #tpu.memory_space<vmem>>) offsets(%arg5 : memref<128xi32, #tpu.memory_space<vmem>>) semaphore(%arg7 : memref<!tpu.dma_semaphore, #tpu.memory_space<semaphore_mem>>)
    %dma_wait3A = arith.constant 0 : i32
    %dma_wait3A_11 = arith.constant 0 : i32
    %dma_wait3A_12 = tpu.memref_slice %arg2[%dma_wait3A, %dma_wait3A_11] : memref<32768x128xf32, #tpu.memory_space<hbm>> -> memref<32768x128xf32, #tpu.memory_space<hbm>>
    tpu.wait_indirect_dma semaphore(%arg7 : memref<!tpu.dma_semaphore, #tpu.memory_space<semaphore_mem>>) src(%dma_wait3A_12 : memref<32768x128xf32, #tpu.memory_space<hbm>>) dst(%arg6 : memref<128x128xf32, #tpu.memory_space<vmem>>)
    "tpu.region"() ({
      %run_scoped3A = tpu.sem_alloc : memref<!tpu.dma_semaphore, #tpu.memory_space<semaphore_mem>>
      %dma_start3A_13 = arith.constant 0 : i32
      %dma_start3A_14 = tpu.memref_slice %arg4[%mul3A_6, %dma_start3A_13] : memref<4096x128xf32, #tpu.memory_space<hbm>> -> memref<128x128xf32, #tpu.memory_space<hbm>>
      %dma_start3A_15 = arith.constant 0 : i32
      %dma_start3A_16 = tpu.memref_slice %arg4[%mul3A_6, %dma_start3A_15] : memref<4096x128xf32, #tpu.memory_space<hbm>> -> memref<128x128xf32, #tpu.memory_space<hbm>>
      tpu.enqueue_dma source(%arg6 : memref<128x128xf32, #tpu.memory_space<vmem>>) target(%dma_start3A_16 : memref<128x128xf32, #tpu.memory_space<hbm>>) target_semaphore(%run_scoped3A : memref<!tpu.dma_semaphore, #tpu.memory_space<semaphore_mem>>)
      %dma_wait3A_17 = arith.constant 0 : i32
      %dma_wait3A_18 = tpu.memref_slice %arg4[%mul3A_6, %dma_wait3A_17] : memref<4096x128xf32, #tpu.memory_space<hbm>> -> memref<128x128xf32, #tpu.memory_space<hbm>>
      %dma_wait3A_19 = arith.constant 0 : i32
      %dma_wait3A_20 = tpu.memref_slice %arg4[%mul3A_6, %dma_wait3A_19] : memref<4096x128xf32, #tpu.memory_space<hbm>> -> memref<128x128xf32, #tpu.memory_space<hbm>>
      tpu.wait_dma2 semaphore(%run_scoped3A : memref<!tpu.dma_semaphore, #tpu.memory_space<semaphore_mem>>) src(%arg6 : memref<128x128xf32, #tpu.memory_space<vmem>>) dst(%dma_wait3A_20 : memref<128x128xf32, #tpu.memory_space<hbm>>)
      tpu.yield
    }) : () -> ()
    return
  }
}

#map = affine_map<(d0, d1) -> (0, 0)>
#map1 = affine_map<(d0, d1) -> (0)>
module attributes {stable_mosaic.version = 14 : i64} {
  func.func @body(%arg0: i32, %arg1: i32, %arg2: memref<32768x128xf32, #tpu.memory_space<hbm>>, %arg3: memref<32768xi32, #tpu.memory_space<hbm>>, %arg4: memref<4096x128xf32, #tpu.memory_space<hbm>>, %arg5: memref<128xi32, #tpu.memory_space<vmem>>, %arg6: memref<128x128xf32, #tpu.memory_space<vmem>>, %arg7: memref<!tpu.dma_semaphore, #tpu.memory_space<semaphore_mem>>) attributes {dimension_semantics = [#tpu.dimension_semantics<core_parallel>, #tpu.dimension_semantics<subcore_parallel>], iteration_bounds = array<i64: 2, 16>, scalar_prefetch = 0 : i64, scratch_operands = 3 : i64, tpu.core_type = #tpu.core_type<sc_vector_subcore>, window_params = [{transform_indices = #map}, {transform_indices = #map1}, {transform_indices = #map}]} {
    %mul3A = arith.constant 2 : i32
    %mul3A_0 = arith.muli %arg1, %mul3A : i32
    %add3A = arith.addi %mul3A_0, %arg0 : i32
    %mul3A_1 = arith.constant 1 : i32
    %mul3A_2 = arith.muli %add3A, %mul3A_1 : i32
    %add3A_3 = arith.constant 0 : i32
    %add3A_4 = arith.addi %mul3A_2, %add3A_3 : i32
    %mul3A_5 = arith.constant 128 : i32
    %mul3A_6 = arith.muli %add3A_4, %mul3A_5 : i32
    %add3A_7 = arith.constant 0 : i32
    %add3A_8 = arith.addi %add3A_7, %mul3A_6 : i32
    "tpu.region"() ({
      %run_scoped3A = tpu.sem_alloc : memref<!tpu.dma_semaphore, #tpu.memory_space<semaphore_mem>>
      %dma_start3A_13 = tpu.memref_slice %arg3[%add3A_8] : memref<32768xi32, #tpu.memory_space<hbm>> -> memref<128xi32, #tpu.memory_space<hbm>>
      %dma_start3A_14 = tpu.memref_slice %arg3[%add3A_8] : memref<32768xi32, #tpu.memory_space<hbm>> -> memref<128xi32, #tpu.memory_space<hbm>>
      tpu.enqueue_dma source(%dma_start3A_14 : memref<128xi32, #tpu.memory_space<hbm>>) target(%arg5 : memref<128xi32, #tpu.memory_space<vmem>>) target_semaphore(%run_scoped3A : memref<!tpu.dma_semaphore, #tpu.memory_space<semaphore_mem>>)
      %dma_wait3A_15 = tpu.memref_slice %arg3[%add3A_8] : memref<32768xi32, #tpu.memory_space<hbm>> -> memref<128xi32, #tpu.memory_space<hbm>>
      %dma_wait3A_16 = tpu.memref_slice %arg3[%add3A_8] : memref<32768xi32, #tpu.memory_space<hbm>> -> memref<128xi32, #tpu.memory_space<hbm>>
      tpu.wait_dma2 semaphore(%run_scoped3A : memref<!tpu.dma_semaphore, #tpu.memory_space<semaphore_mem>>) src(%dma_wait3A_16 : memref<128xi32, #tpu.memory_space<hbm>>) dst(%arg5 : memref<128xi32, #tpu.memory_space<vmem>>)
      tpu.yield
    }) : () -> ()
    %dma_start3A = arith.constant 0 : i32
    %dma_start3A_9 = arith.constant 0 : i32
    %dma_start3A_10 = tpu.memref_slice %arg2[%dma_start3A, %dma_start3A_9] : memref<32768x128xf32, #tpu.memory_space<hbm>> -> memref<32768x128xf32, #tpu.memory_space<hbm>>
    tpu.enqueue_indirect_dma source(%dma_start3A_10 : memref<32768x128xf32, #tpu.memory_space<hbm>>) target(%arg6 : memref<128x128xf32, #tpu.memory_space<vmem>>) offsets(%arg5 : memref<128xi32, #tpu.memory_space<vmem>>) semaphore(%arg7 : memref<!tpu.dma_semaphore, #tpu.memory_space<semaphore_mem>>)
    %dma_wait3A = arith.constant 0 : i32
    %dma_wait3A_11 = arith.constant 0 : i32
    %dma_wait3A_12 = tpu.memref_slice %arg2[%dma_wait3A, %dma_wait3A_11] : memref<32768x128xf32, #tpu.memory_space<hbm>> -> memref<32768x128xf32, #tpu.memory_space<hbm>>
    tpu.wait_indirect_dma semaphore(%arg7 : memref<!tpu.dma_semaphore, #tpu.memory_space<semaphore_mem>>) src(%dma_wait3A_12 : memref<32768x128xf32, #tpu.memory_space<hbm>>) dst(%arg6 : memref<128x128xf32, #tpu.memory_space<vmem>>)
    "tpu.region"() ({
      %run_scoped3A = tpu.sem_alloc : memref<!tpu.dma_semaphore, #tpu.memory_space<semaphore_mem>>
      %dma_start3A_13 = arith.constant 0 : i32
      %dma_start3A_14 = tpu.memref_slice %arg4[%mul3A_6, %dma_start3A_13] : memref<4096x128xf32, #tpu.memory_space<hbm>> -> memref<128x128xf32, #tpu.memory_space<hbm>>
      %dma_start3A_15 = arith.constant 0 : i32
      %dma_start3A_16 = tpu.memref_slice %arg4[%mul3A_6, %dma_start3A_15] : memref<4096x128xf32, #tpu.memory_space<hbm>> -> memref<128x128xf32, #tpu.memory_space<hbm>>
      tpu.enqueue_dma source(%arg6 : memref<128x128xf32, #tpu.memory_space<vmem>>) target(%dma_start3A_16 : memref<128x128xf32, #tpu.memory_space<hbm>>) target_semaphore(%run_scoped3A : memref<!tpu.dma_semaphore, #tpu.memory_space<semaphore_mem>>)
      %dma_wait3A_17 = arith.constant 0 : i32
      %dma_wait3A_18 = tpu.memref_slice %arg4[%mul3A_6, %dma_wait3A_17] : memref<4096x128xf32, #tpu.memory_space<hbm>> -> memref<128x128xf32, #tpu.memory_space<hbm>>
      %dma_wait3A_19 = arith.constant 0 : i32
      %dma_wait3A_20 = tpu.memref_slice %arg4[%mul3A_6, %dma_wait3A_19] : memref<4096x128xf32, #tpu.memory_space<hbm>> -> memref<128x128xf32, #tpu.memory_space<hbm>>
      tpu.wait_dma2 semaphore(%run_scoped3A : memref<!tpu.dma_semaphore, #tpu.memory_space<semaphore_mem>>) src(%arg6 : memref<128x128xf32, #tpu.memory_space<vmem>>) dst(%dma_wait3A_20 : memref<128x128xf32, #tpu.memory_space<hbm>>)
      tpu.yield
    }) : () -> ()
    return
  }
}

#map = affine_map<(d0, d1) -> (0, 0)>
#map1 = affine_map<(d0, d1) -> (0)>
module attributes {stable_mosaic.version = 14 : i64} {
  func.func @body(%arg0: i32, %arg1: i32, %arg2: memref<32768x128xf32, #tpu.memory_space<hbm>>, %arg3: memref<32768xi32, #tpu.memory_space<hbm>>, %arg4: memref<4096x128xf32, #tpu.memory_space<hbm>>, %arg5: memref<128xi32, #tpu.memory_space<vmem>>, %arg6: memref<128x128xf32, #tpu.memory_space<vmem>>, %arg7: memref<!tpu.dma_semaphore, #tpu.memory_space<semaphore_mem>>) attributes {dimension_semantics = [#tpu.dimension_semantics<core_parallel>, #tpu.dimension_semantics<subcore_parallel>], iteration_bounds = array<i64: 2, 16>, scalar_prefetch = 0 : i64, scratch_operands = 3 : i64, tpu.core_type = #tpu.core_type<sc_vector_subcore>, window_params = [{transform_indices = #map}, {transform_indices = #map1}, {transform_indices = #map}]} {
    %mul3A = arith.constant 2 : i32
    %mul3A_0 = arith.muli %arg1, %mul3A : i32
    %add3A = arith.addi %mul3A_0, %arg0 : i32
    %mul3A_1 = arith.constant 1 : i32
    %mul3A_2 = arith.muli %add3A, %mul3A_1 : i32
    %add3A_3 = arith.constant 0 : i32
    %add3A_4 = arith.addi %mul3A_2, %add3A_3 : i32
    %mul3A_5 = arith.constant 128 : i32
    %mul3A_6 = arith.muli %add3A_4, %mul3A_5 : i32
    %add3A_7 = arith.constant 8192 : i32
    %add3A_8 = arith.addi %add3A_7, %mul3A_6 : i32
    "tpu.region"() ({
      %run_scoped3A = tpu.sem_alloc : memref<!tpu.dma_semaphore, #tpu.memory_space<semaphore_mem>>
      %dma_start3A_13 = tpu.memref_slice %arg3[%add3A_8] : memref<32768xi32, #tpu.memory_space<hbm>> -> memref<128xi32, #tpu.memory_space<hbm>>
      %dma_start3A_14 = tpu.memref_slice %arg3[%add3A_8] : memref<32768xi32, #tpu.memory_space<hbm>> -> memref<128xi32, #tpu.memory_space<hbm>>
      tpu.enqueue_dma source(%dma_start3A_14 : memref<128xi32, #tpu.memory_space<hbm>>) target(%arg5 : memref<128xi32, #tpu.memory_space<vmem>>) target_semaphore(%run_scoped3A : memref<!tpu.dma_semaphore, #tpu.memory_space<semaphore_mem>>)
      %dma_wait3A_15 = tpu.memref_slice %arg3[%add3A_8] : memref<32768xi32, #tpu.memory_space<hbm>> -> memref<128xi32, #tpu.memory_space<hbm>>
      %dma_wait3A_16 = tpu.memref_slice %arg3[%add3A_8] : memref<32768xi32, #tpu.memory_space<hbm>> -> memref<128xi32, #tpu.memory_space<hbm>>
      tpu.wait_dma2 semaphore(%run_scoped3A : memref<!tpu.dma_semaphore, #tpu.memory_space<semaphore_mem>>) src(%dma_wait3A_16 : memref<128xi32, #tpu.memory_space<hbm>>) dst(%arg5 : memref<128xi32, #tpu.memory_space<vmem>>)
      tpu.yield
    }) : () -> ()
    %dma_start3A = arith.constant 0 : i32
    %dma_start3A_9 = arith.constant 0 : i32
    %dma_start3A_10 = tpu.memref_slice %arg2[%dma_start3A, %dma_start3A_9] : memref<32768x128xf32, #tpu.memory_space<hbm>> -> memref<32768x128xf32, #tpu.memory_space<hbm>>
    tpu.enqueue_indirect_dma source(%dma_start3A_10 : memref<32768x128xf32, #tpu.memory_space<hbm>>) target(%arg6 : memref<128x128xf32, #tpu.memory_space<vmem>>) offsets(%arg5 : memref<128xi32, #tpu.memory_space<vmem>>) semaphore(%arg7 : memref<!tpu.dma_semaphore, #tpu.memory_space<semaphore_mem>>)
    %dma_wait3A = arith.constant 0 : i32
    %dma_wait3A_11 = arith.constant 0 : i32
    %dma_wait3A_12 = tpu.memref_slice %arg2[%dma_wait3A, %dma_wait3A_11] : memref<32768x128xf32, #tpu.memory_space<hbm>> -> memref<32768x128xf32, #tpu.memory_space<hbm>>
    tpu.wait_indirect_dma semaphore(%arg7 : memref<!tpu.dma_semaphore, #tpu.memory_space<semaphore_mem>>) src(%dma_wait3A_12 : memref<32768x128xf32, #tpu.memory_space<hbm>>) dst(%arg6 : memref<128x128xf32, #tpu.memory_space<vmem>>)
    "tpu.region"() ({
      %run_scoped3A = tpu.sem_alloc : memref<!tpu.dma_semaphore, #tpu.memory_space<semaphore_mem>>
      %dma_start3A_13 = arith.constant 0 : i32
      %dma_start3A_14 = tpu.memref_slice %arg4[%mul3A_6, %dma_start3A_13] : memref<4096x128xf32, #tpu.memory_space<hbm>> -> memref<128x128xf32, #tpu.memory_space<hbm>>
      %dma_start3A_15 = arith.constant 0 : i32
      %dma_start3A_16 = tpu.memref_slice %arg4[%mul3A_6, %dma_start3A_15] : memref<4096x128xf32, #tpu.memory_space<hbm>> -> memref<128x128xf32, #tpu.memory_space<hbm>>
      tpu.enqueue_dma source(%arg6 : memref<128x128xf32, #tpu.memory_space<vmem>>) target(%dma_start3A_16 : memref<128x128xf32, #tpu.memory_space<hbm>>) target_semaphore(%run_scoped3A : memref<!tpu.dma_semaphore, #tpu.memory_space<semaphore_mem>>)
      %dma_wait3A_17 = arith.constant 0 : i32
      %dma_wait3A_18 = tpu.memref_slice %arg4[%mul3A_6, %dma_wait3A_17] : memref<4096x128xf32, #tpu.memory_space<hbm>> -> memref<128x128xf32, #tpu.memory_space<hbm>>
      %dma_wait3A_19 = arith.constant 0 : i32
      %dma_wait3A_20 = tpu.memref_slice %arg4[%mul3A_6, %dma_wait3A_19] : memref<4096x128xf32, #tpu.memory_space<hbm>> -> memref<128x128xf32, #tpu.memory_space<hbm>>
      tpu.wait_dma2 semaphore(%run_scoped3A : memref<!tpu.dma_semaphore, #tpu.memory_space<semaphore_mem>>) src(%arg6 : memref<128x128xf32, #tpu.memory_space<vmem>>) dst(%dma_wait3A_20 : memref<128x128xf32, #tpu.memory_space<hbm>>)
      tpu.yield
    }) : () -> ()
    return
  }
}

#map = affine_map<(d0, d1) -> (0, 0)>
#map1 = affine_map<(d0, d1) -> (0)>
module attributes {stable_mosaic.version = 14 : i64} {
  func.func @body(%arg0: i32, %arg1: i32, %arg2: memref<32768x128xf32, #tpu.memory_space<hbm>>, %arg3: memref<32768xi32, #tpu.memory_space<hbm>>, %arg4: memref<4096x128xf32, #tpu.memory_space<hbm>>, %arg5: memref<128xi32, #tpu.memory_space<vmem>>, %arg6: memref<128x128xf32, #tpu.memory_space<vmem>>, %arg7: memref<!tpu.dma_semaphore, #tpu.memory_space<semaphore_mem>>) attributes {dimension_semantics = [#tpu.dimension_semantics<core_parallel>, #tpu.dimension_semantics<subcore_parallel>], iteration_bounds = array<i64: 2, 16>, scalar_prefetch = 0 : i64, scratch_operands = 3 : i64, tpu.core_type = #tpu.core_type<sc_vector_subcore>, window_params = [{transform_indices = #map}, {transform_indices = #map1}, {transform_indices = #map}]} {
    %mul3A = arith.constant 2 : i32
    %mul3A_0 = arith.muli %arg1, %mul3A : i32
    %add3A = arith.addi %mul3A_0, %arg0 : i32
    %mul3A_1 = arith.constant 1 : i32
    %mul3A_2 = arith.muli %add3A, %mul3A_1 : i32
    %add3A_3 = arith.constant 0 : i32
    %add3A_4 = arith.addi %mul3A_2, %add3A_3 : i32
    %mul3A_5 = arith.constant 128 : i32
    %mul3A_6 = arith.muli %add3A_4, %mul3A_5 : i32
    %add3A_7 = arith.constant 12288 : i32
    %add3A_8 = arith.addi %add3A_7, %mul3A_6 : i32
    "tpu.region"() ({
      %run_scoped3A = tpu.sem_alloc : memref<!tpu.dma_semaphore, #tpu.memory_space<semaphore_mem>>
      %dma_start3A_13 = tpu.memref_slice %arg3[%add3A_8] : memref<32768xi32, #tpu.memory_space<hbm>> -> memref<128xi32, #tpu.memory_space<hbm>>
      %dma_start3A_14 = tpu.memref_slice %arg3[%add3A_8] : memref<32768xi32, #tpu.memory_space<hbm>> -> memref<128xi32, #tpu.memory_space<hbm>>
      tpu.enqueue_dma source(%dma_start3A_14 : memref<128xi32, #tpu.memory_space<hbm>>) target(%arg5 : memref<128xi32, #tpu.memory_space<vmem>>) target_semaphore(%run_scoped3A : memref<!tpu.dma_semaphore, #tpu.memory_space<semaphore_mem>>)
      %dma_wait3A_15 = tpu.memref_slice %arg3[%add3A_8] : memref<32768xi32, #tpu.memory_space<hbm>> -> memref<128xi32, #tpu.memory_space<hbm>>
      %dma_wait3A_16 = tpu.memref_slice %arg3[%add3A_8] : memref<32768xi32, #tpu.memory_space<hbm>> -> memref<128xi32, #tpu.memory_space<hbm>>
      tpu.wait_dma2 semaphore(%run_scoped3A : memref<!tpu.dma_semaphore, #tpu.memory_space<semaphore_mem>>) src(%dma_wait3A_16 : memref<128xi32, #tpu.memory_space<hbm>>) dst(%arg5 : memref<128xi32, #tpu.memory_space<vmem>>)
      tpu.yield
    }) : () -> ()
    %dma_start3A = arith.constant 0 : i32
    %dma_start3A_9 = arith.constant 0 : i32
    %dma_start3A_10 = tpu.memref_slice %arg2[%dma_start3A, %dma_start3A_9] : memref<32768x128xf32, #tpu.memory_space<hbm>> -> memref<32768x128xf32, #tpu.memory_space<hbm>>
    tpu.enqueue_indirect_dma source(%dma_start3A_10 : memref<32768x128xf32, #tpu.memory_space<hbm>>) target(%arg6 : memref<128x128xf32, #tpu.memory_space<vmem>>) offsets(%arg5 : memref<128xi32, #tpu.memory_space<vmem>>) semaphore(%arg7 : memref<!tpu.dma_semaphore, #tpu.memory_space<semaphore_mem>>)
    %dma_wait3A = arith.constant 0 : i32
    %dma_wait3A_11 = arith.constant 0 : i32
    %dma_wait3A_12 = tpu.memref_slice %arg2[%dma_wait3A, %dma_wait3A_11] : memref<32768x128xf32, #tpu.memory_space<hbm>> -> memref<32768x128xf32, #tpu.memory_space<hbm>>
    tpu.wait_indirect_dma semaphore(%arg7 : memref<!tpu.dma_semaphore, #tpu.memory_space<semaphore_mem>>) src(%dma_wait3A_12 : memref<32768x128xf32, #tpu.memory_space<hbm>>) dst(%arg6 : memref<128x128xf32, #tpu.memory_space<vmem>>)
    "tpu.region"() ({
      %run_scoped3A = tpu.sem_alloc : memref<!tpu.dma_semaphore, #tpu.memory_space<semaphore_mem>>
      %dma_start3A_13 = arith.constant 0 : i32
      %dma_start3A_14 = tpu.memref_slice %arg4[%mul3A_6, %dma_start3A_13] : memref<4096x128xf32, #tpu.memory_space<hbm>> -> memref<128x128xf32, #tpu.memory_space<hbm>>
      %dma_start3A_15 = arith.constant 0 : i32
      %dma_start3A_16 = tpu.memref_slice %arg4[%mul3A_6, %dma_start3A_15] : memref<4096x128xf32, #tpu.memory_space<hbm>> -> memref<128x128xf32, #tpu.memory_space<hbm>>
      tpu.enqueue_dma source(%arg6 : memref<128x128xf32, #tpu.memory_space<vmem>>) target(%dma_start3A_16 : memref<128x128xf32, #tpu.memory_space<hbm>>) target_semaphore(%run_scoped3A : memref<!tpu.dma_semaphore, #tpu.memory_space<semaphore_mem>>)
      %dma_wait3A_17 = arith.constant 0 : i32
      %dma_wait3A_18 = tpu.memref_slice %arg4[%mul3A_6, %dma_wait3A_17] : memref<4096x128xf32, #tpu.memory_space<hbm>> -> memref<128x128xf32, #tpu.memory_space<hbm>>
      %dma_wait3A_19 = arith.constant 0 : i32
      %dma_wait3A_20 = tpu.memref_slice %arg4[%mul3A_6, %dma_wait3A_19] : memref<4096x128xf32, #tpu.memory_space<hbm>> -> memref<128x128xf32, #tpu.memory_space<hbm>>
      tpu.wait_dma2 semaphore(%run_scoped3A : memref<!tpu.dma_semaphore, #tpu.memory_space<semaphore_mem>>) src(%arg6 : memref<128x128xf32, #tpu.memory_space<vmem>>) dst(%dma_wait3A_20 : memref<128x128xf32, #tpu.memory_space<hbm>>)
      tpu.yield
    }) : () -> ()
    return
  }
}

#map = affine_map<(d0, d1) -> (0, 0)>
#map1 = affine_map<(d0, d1) -> (0)>
module attributes {stable_mosaic.version = 14 : i64} {
  func.func @body(%arg0: i32, %arg1: i32, %arg2: memref<32768x128xf32, #tpu.memory_space<hbm>>, %arg3: memref<32768xi32, #tpu.memory_space<hbm>>, %arg4: memref<4096x128xf32, #tpu.memory_space<hbm>>, %arg5: memref<128xi32, #tpu.memory_space<vmem>>, %arg6: memref<128x128xf32, #tpu.memory_space<vmem>>, %arg7: memref<!tpu.dma_semaphore, #tpu.memory_space<semaphore_mem>>) attributes {dimension_semantics = [#tpu.dimension_semantics<core_parallel>, #tpu.dimension_semantics<subcore_parallel>], iteration_bounds = array<i64: 2, 16>, scalar_prefetch = 0 : i64, scratch_operands = 3 : i64, tpu.core_type = #tpu.core_type<sc_vector_subcore>, window_params = [{transform_indices = #map}, {transform_indices = #map1}, {transform_indices = #map}]} {
    %mul3A = arith.constant 2 : i32
    %mul3A_0 = arith.muli %arg1, %mul3A : i32
    %add3A = arith.addi %mul3A_0, %arg0 : i32
    %mul3A_1 = arith.constant 1 : i32
    %mul3A_2 = arith.muli %add3A, %mul3A_1 : i32
    %add3A_3 = arith.constant 0 : i32
    %add3A_4 = arith.addi %mul3A_2, %add3A_3 : i32
    %mul3A_5 = arith.constant 128 : i32
    %mul3A_6 = arith.muli %add3A_4, %mul3A_5 : i32
    %add3A_7 = arith.constant 16384 : i32
    %add3A_8 = arith.addi %add3A_7, %mul3A_6 : i32
    "tpu.region"() ({
      %run_scoped3A = tpu.sem_alloc : memref<!tpu.dma_semaphore, #tpu.memory_space<semaphore_mem>>
      %dma_start3A_13 = tpu.memref_slice %arg3[%add3A_8] : memref<32768xi32, #tpu.memory_space<hbm>> -> memref<128xi32, #tpu.memory_space<hbm>>
      %dma_start3A_14 = tpu.memref_slice %arg3[%add3A_8] : memref<32768xi32, #tpu.memory_space<hbm>> -> memref<128xi32, #tpu.memory_space<hbm>>
      tpu.enqueue_dma source(%dma_start3A_14 : memref<128xi32, #tpu.memory_space<hbm>>) target(%arg5 : memref<128xi32, #tpu.memory_space<vmem>>) target_semaphore(%run_scoped3A : memref<!tpu.dma_semaphore, #tpu.memory_space<semaphore_mem>>)
      %dma_wait3A_15 = tpu.memref_slice %arg3[%add3A_8] : memref<32768xi32, #tpu.memory_space<hbm>> -> memref<128xi32, #tpu.memory_space<hbm>>
      %dma_wait3A_16 = tpu.memref_slice %arg3[%add3A_8] : memref<32768xi32, #tpu.memory_space<hbm>> -> memref<128xi32, #tpu.memory_space<hbm>>
      tpu.wait_dma2 semaphore(%run_scoped3A : memref<!tpu.dma_semaphore, #tpu.memory_space<semaphore_mem>>) src(%dma_wait3A_16 : memref<128xi32, #tpu.memory_space<hbm>>) dst(%arg5 : memref<128xi32, #tpu.memory_space<vmem>>)
      tpu.yield
    }) : () -> ()
    %dma_start3A = arith.constant 0 : i32
    %dma_start3A_9 = arith.constant 0 : i32
    %dma_start3A_10 = tpu.memref_slice %arg2[%dma_start3A, %dma_start3A_9] : memref<32768x128xf32, #tpu.memory_space<hbm>> -> memref<32768x128xf32, #tpu.memory_space<hbm>>
    tpu.enqueue_indirect_dma source(%dma_start3A_10 : memref<32768x128xf32, #tpu.memory_space<hbm>>) target(%arg6 : memref<128x128xf32, #tpu.memory_space<vmem>>) offsets(%arg5 : memref<128xi32, #tpu.memory_space<vmem>>) semaphore(%arg7 : memref<!tpu.dma_semaphore, #tpu.memory_space<semaphore_mem>>)
    %dma_wait3A = arith.constant 0 : i32
    %dma_wait3A_11 = arith.constant 0 : i32
    %dma_wait3A_12 = tpu.memref_slice %arg2[%dma_wait3A, %dma_wait3A_11] : memref<32768x128xf32, #tpu.memory_space<hbm>> -> memref<32768x128xf32, #tpu.memory_space<hbm>>
    tpu.wait_indirect_dma semaphore(%arg7 : memref<!tpu.dma_semaphore, #tpu.memory_space<semaphore_mem>>) src(%dma_wait3A_12 : memref<32768x128xf32, #tpu.memory_space<hbm>>) dst(%arg6 : memref<128x128xf32, #tpu.memory_space<vmem>>)
    "tpu.region"() ({
      %run_scoped3A = tpu.sem_alloc : memref<!tpu.dma_semaphore, #tpu.memory_space<semaphore_mem>>
      %dma_start3A_13 = arith.constant 0 : i32
      %dma_start3A_14 = tpu.memref_slice %arg4[%mul3A_6, %dma_start3A_13] : memref<4096x128xf32, #tpu.memory_space<hbm>> -> memref<128x128xf32, #tpu.memory_space<hbm>>
      %dma_start3A_15 = arith.constant 0 : i32
      %dma_start3A_16 = tpu.memref_slice %arg4[%mul3A_6, %dma_start3A_15] : memref<4096x128xf32, #tpu.memory_space<hbm>> -> memref<128x128xf32, #tpu.memory_space<hbm>>
      tpu.enqueue_dma source(%arg6 : memref<128x128xf32, #tpu.memory_space<vmem>>) target(%dma_start3A_16 : memref<128x128xf32, #tpu.memory_space<hbm>>) target_semaphore(%run_scoped3A : memref<!tpu.dma_semaphore, #tpu.memory_space<semaphore_mem>>)
      %dma_wait3A_17 = arith.constant 0 : i32
      %dma_wait3A_18 = tpu.memref_slice %arg4[%mul3A_6, %dma_wait3A_17] : memref<4096x128xf32, #tpu.memory_space<hbm>> -> memref<128x128xf32, #tpu.memory_space<hbm>>
      %dma_wait3A_19 = arith.constant 0 : i32
      %dma_wait3A_20 = tpu.memref_slice %arg4[%mul3A_6, %dma_wait3A_19] : memref<4096x128xf32, #tpu.memory_space<hbm>> -> memref<128x128xf32, #tpu.memory_space<hbm>>
      tpu.wait_dma2 semaphore(%run_scoped3A : memref<!tpu.dma_semaphore, #tpu.memory_space<semaphore_mem>>) src(%arg6 : memref<128x128xf32, #tpu.memory_space<vmem>>) dst(%dma_wait3A_20 : memref<128x128xf32, #tpu.memory_space<hbm>>)
      tpu.yield
    }) : () -> ()
    return
  }
}

#map = affine_map<(d0, d1) -> (0, 0)>
#map1 = affine_map<(d0, d1) -> (0)>
module attributes {stable_mosaic.version = 14 : i64} {
  func.func @body(%arg0: i32, %arg1: i32, %arg2: memref<32768x128xf32, #tpu.memory_space<hbm>>, %arg3: memref<32768xi32, #tpu.memory_space<hbm>>, %arg4: memref<4096x128xf32, #tpu.memory_space<hbm>>, %arg5: memref<128xi32, #tpu.memory_space<vmem>>, %arg6: memref<128x128xf32, #tpu.memory_space<vmem>>, %arg7: memref<!tpu.dma_semaphore, #tpu.memory_space<semaphore_mem>>) attributes {dimension_semantics = [#tpu.dimension_semantics<core_parallel>, #tpu.dimension_semantics<subcore_parallel>], iteration_bounds = array<i64: 2, 16>, scalar_prefetch = 0 : i64, scratch_operands = 3 : i64, tpu.core_type = #tpu.core_type<sc_vector_subcore>, window_params = [{transform_indices = #map}, {transform_indices = #map1}, {transform_indices = #map}]} {
    %mul3A = arith.constant 2 : i32
    %mul3A_0 = arith.muli %arg1, %mul3A : i32
    %add3A = arith.addi %mul3A_0, %arg0 : i32
    %mul3A_1 = arith.constant 1 : i32
    %mul3A_2 = arith.muli %add3A, %mul3A_1 : i32
    %add3A_3 = arith.constant 0 : i32
    %add3A_4 = arith.addi %mul3A_2, %add3A_3 : i32
    %mul3A_5 = arith.constant 128 : i32
    %mul3A_6 = arith.muli %add3A_4, %mul3A_5 : i32
    %add3A_7 = arith.constant 24576 : i32
    %add3A_8 = arith.addi %add3A_7, %mul3A_6 : i32
    "tpu.region"() ({
      %run_scoped3A = tpu.sem_alloc : memref<!tpu.dma_semaphore, #tpu.memory_space<semaphore_mem>>
      %dma_start3A_13 = tpu.memref_slice %arg3[%add3A_8] : memref<32768xi32, #tpu.memory_space<hbm>> -> memref<128xi32, #tpu.memory_space<hbm>>
      %dma_start3A_14 = tpu.memref_slice %arg3[%add3A_8] : memref<32768xi32, #tpu.memory_space<hbm>> -> memref<128xi32, #tpu.memory_space<hbm>>
      tpu.enqueue_dma source(%dma_start3A_14 : memref<128xi32, #tpu.memory_space<hbm>>) target(%arg5 : memref<128xi32, #tpu.memory_space<vmem>>) target_semaphore(%run_scoped3A : memref<!tpu.dma_semaphore, #tpu.memory_space<semaphore_mem>>)
      %dma_wait3A_15 = tpu.memref_slice %arg3[%add3A_8] : memref<32768xi32, #tpu.memory_space<hbm>> -> memref<128xi32, #tpu.memory_space<hbm>>
      %dma_wait3A_16 = tpu.memref_slice %arg3[%add3A_8] : memref<32768xi32, #tpu.memory_space<hbm>> -> memref<128xi32, #tpu.memory_space<hbm>>
      tpu.wait_dma2 semaphore(%run_scoped3A : memref<!tpu.dma_semaphore, #tpu.memory_space<semaphore_mem>>) src(%dma_wait3A_16 : memref<128xi32, #tpu.memory_space<hbm>>) dst(%arg5 : memref<128xi32, #tpu.memory_space<vmem>>)
      tpu.yield
    }) : () -> ()
    %dma_start3A = arith.constant 0 : i32
    %dma_start3A_9 = arith.constant 0 : i32
    %dma_start3A_10 = tpu.memref_slice %arg2[%dma_start3A, %dma_start3A_9] : memref<32768x128xf32, #tpu.memory_space<hbm>> -> memref<32768x128xf32, #tpu.memory_space<hbm>>
    tpu.enqueue_indirect_dma source(%dma_start3A_10 : memref<32768x128xf32, #tpu.memory_space<hbm>>) target(%arg6 : memref<128x128xf32, #tpu.memory_space<vmem>>) offsets(%arg5 : memref<128xi32, #tpu.memory_space<vmem>>) semaphore(%arg7 : memref<!tpu.dma_semaphore, #tpu.memory_space<semaphore_mem>>)
    %dma_wait3A = arith.constant 0 : i32
    %dma_wait3A_11 = arith.constant 0 : i32
    %dma_wait3A_12 = tpu.memref_slice %arg2[%dma_wait3A, %dma_wait3A_11] : memref<32768x128xf32, #tpu.memory_space<hbm>> -> memref<32768x128xf32, #tpu.memory_space<hbm>>
    tpu.wait_indirect_dma semaphore(%arg7 : memref<!tpu.dma_semaphore, #tpu.memory_space<semaphore_mem>>) src(%dma_wait3A_12 : memref<32768x128xf32, #tpu.memory_space<hbm>>) dst(%arg6 : memref<128x128xf32, #tpu.memory_space<vmem>>)
    "tpu.region"() ({
      %run_scoped3A = tpu.sem_alloc : memref<!tpu.dma_semaphore, #tpu.memory_space<semaphore_mem>>
      %dma_start3A_13 = arith.constant 0 : i32
      %dma_start3A_14 = tpu.memref_slice %arg4[%mul3A_6, %dma_start3A_13] : memref<4096x128xf32, #tpu.memory_space<hbm>> -> memref<128x128xf32, #tpu.memory_space<hbm>>
      %dma_start3A_15 = arith.constant 0 : i32
      %dma_start3A_16 = tpu.memref_slice %arg4[%mul3A_6, %dma_start3A_15] : memref<4096x128xf32, #tpu.memory_space<hbm>> -> memref<128x128xf32, #tpu.memory_space<hbm>>
      tpu.enqueue_dma source(%arg6 : memref<128x128xf32, #tpu.memory_space<vmem>>) target(%dma_start3A_16 : memref<128x128xf32, #tpu.memory_space<hbm>>) target_semaphore(%run_scoped3A : memref<!tpu.dma_semaphore, #tpu.memory_space<semaphore_mem>>)
      %dma_wait3A_17 = arith.constant 0 : i32
      %dma_wait3A_18 = tpu.memref_slice %arg4[%mul3A_6, %dma_wait3A_17] : memref<4096x128xf32, #tpu.memory_space<hbm>> -> memref<128x128xf32, #tpu.memory_space<hbm>>
      %dma_wait3A_19 = arith.constant 0 : i32
      %dma_wait3A_20 = tpu.memref_slice %arg4[%mul3A_6, %dma_wait3A_19] : memref<4096x128xf32, #tpu.memory_space<hbm>> -> memref<128x128xf32, #tpu.memory_space<hbm>>
      tpu.wait_dma2 semaphore(%run_scoped3A : memref<!tpu.dma_semaphore, #tpu.memory_space<semaphore_mem>>) src(%arg6 : memref<128x128xf32, #tpu.memory_space<vmem>>) dst(%dma_wait3A_20 : memref<128x128xf32, #tpu.memory_space<hbm>>)
      tpu.yield
    }) : () -> ()
    return
  }
}

#map = affine_map<(d0, d1) -> (0, 0)>
#map1 = affine_map<(d0, d1) -> (0)>
module attributes {stable_mosaic.version = 14 : i64} {
  func.func @body(%arg0: i32, %arg1: i32, %arg2: memref<32768x128xf32, #tpu.memory_space<hbm>>, %arg3: memref<32768xi32, #tpu.memory_space<hbm>>, %arg4: memref<4096x128xf32, #tpu.memory_space<hbm>>, %arg5: memref<128xi32, #tpu.memory_space<vmem>>, %arg6: memref<128x128xf32, #tpu.memory_space<vmem>>, %arg7: memref<!tpu.dma_semaphore, #tpu.memory_space<semaphore_mem>>) attributes {dimension_semantics = [#tpu.dimension_semantics<core_parallel>, #tpu.dimension_semantics<subcore_parallel>], iteration_bounds = array<i64: 2, 16>, scalar_prefetch = 0 : i64, scratch_operands = 3 : i64, tpu.core_type = #tpu.core_type<sc_vector_subcore>, window_params = [{transform_indices = #map}, {transform_indices = #map1}, {transform_indices = #map}]} {
    %mul3A = arith.constant 2 : i32
    %mul3A_0 = arith.muli %arg1, %mul3A : i32
    %add3A = arith.addi %mul3A_0, %arg0 : i32
    %mul3A_1 = arith.constant 1 : i32
    %mul3A_2 = arith.muli %add3A, %mul3A_1 : i32
    %add3A_3 = arith.constant 0 : i32
    %add3A_4 = arith.addi %mul3A_2, %add3A_3 : i32
    %mul3A_5 = arith.constant 128 : i32
    %mul3A_6 = arith.muli %add3A_4, %mul3A_5 : i32
    %add3A_7 = arith.constant 20480 : i32
    %add3A_8 = arith.addi %add3A_7, %mul3A_6 : i32
    "tpu.region"() ({
      %run_scoped3A = tpu.sem_alloc : memref<!tpu.dma_semaphore, #tpu.memory_space<semaphore_mem>>
      %dma_start3A_13 = tpu.memref_slice %arg3[%add3A_8] : memref<32768xi32, #tpu.memory_space<hbm>> -> memref<128xi32, #tpu.memory_space<hbm>>
      %dma_start3A_14 = tpu.memref_slice %arg3[%add3A_8] : memref<32768xi32, #tpu.memory_space<hbm>> -> memref<128xi32, #tpu.memory_space<hbm>>
      tpu.enqueue_dma source(%dma_start3A_14 : memref<128xi32, #tpu.memory_space<hbm>>) target(%arg5 : memref<128xi32, #tpu.memory_space<vmem>>) target_semaphore(%run_scoped3A : memref<!tpu.dma_semaphore, #tpu.memory_space<semaphore_mem>>)
      %dma_wait3A_15 = tpu.memref_slice %arg3[%add3A_8] : memref<32768xi32, #tpu.memory_space<hbm>> -> memref<128xi32, #tpu.memory_space<hbm>>
      %dma_wait3A_16 = tpu.memref_slice %arg3[%add3A_8] : memref<32768xi32, #tpu.memory_space<hbm>> -> memref<128xi32, #tpu.memory_space<hbm>>
      tpu.wait_dma2 semaphore(%run_scoped3A : memref<!tpu.dma_semaphore, #tpu.memory_space<semaphore_mem>>) src(%dma_wait3A_16 : memref<128xi32, #tpu.memory_space<hbm>>) dst(%arg5 : memref<128xi32, #tpu.memory_space<vmem>>)
      tpu.yield
    }) : () -> ()
    %dma_start3A = arith.constant 0 : i32
    %dma_start3A_9 = arith.constant 0 : i32
    %dma_start3A_10 = tpu.memref_slice %arg2[%dma_start3A, %dma_start3A_9] : memref<32768x128xf32, #tpu.memory_space<hbm>> -> memref<32768x128xf32, #tpu.memory_space<hbm>>
    tpu.enqueue_indirect_dma source(%dma_start3A_10 : memref<32768x128xf32, #tpu.memory_space<hbm>>) target(%arg6 : memref<128x128xf32, #tpu.memory_space<vmem>>) offsets(%arg5 : memref<128xi32, #tpu.memory_space<vmem>>) semaphore(%arg7 : memref<!tpu.dma_semaphore, #tpu.memory_space<semaphore_mem>>)
    %dma_wait3A = arith.constant 0 : i32
    %dma_wait3A_11 = arith.constant 0 : i32
    %dma_wait3A_12 = tpu.memref_slice %arg2[%dma_wait3A, %dma_wait3A_11] : memref<32768x128xf32, #tpu.memory_space<hbm>> -> memref<32768x128xf32, #tpu.memory_space<hbm>>
    tpu.wait_indirect_dma semaphore(%arg7 : memref<!tpu.dma_semaphore, #tpu.memory_space<semaphore_mem>>) src(%dma_wait3A_12 : memref<32768x128xf32, #tpu.memory_space<hbm>>) dst(%arg6 : memref<128x128xf32, #tpu.memory_space<vmem>>)
    "tpu.region"() ({
      %run_scoped3A = tpu.sem_alloc : memref<!tpu.dma_semaphore, #tpu.memory_space<semaphore_mem>>
      %dma_start3A_13 = arith.constant 0 : i32
      %dma_start3A_14 = tpu.memref_slice %arg4[%mul3A_6, %dma_start3A_13] : memref<4096x128xf32, #tpu.memory_space<hbm>> -> memref<128x128xf32, #tpu.memory_space<hbm>>
      %dma_start3A_15 = arith.constant 0 : i32
      %dma_start3A_16 = tpu.memref_slice %arg4[%mul3A_6, %dma_start3A_15] : memref<4096x128xf32, #tpu.memory_space<hbm>> -> memref<128x128xf32, #tpu.memory_space<hbm>>
      tpu.enqueue_dma source(%arg6 : memref<128x128xf32, #tpu.memory_space<vmem>>) target(%dma_start3A_16 : memref<128x128xf32, #tpu.memory_space<hbm>>) target_semaphore(%run_scoped3A : memref<!tpu.dma_semaphore, #tpu.memory_space<semaphore_mem>>)
      %dma_wait3A_17 = arith.constant 0 : i32
      %dma_wait3A_18 = tpu.memref_slice %arg4[%mul3A_6, %dma_wait3A_17] : memref<4096x128xf32, #tpu.memory_space<hbm>> -> memref<128x128xf32, #tpu.memory_space<hbm>>
      %dma_wait3A_19 = arith.constant 0 : i32
      %dma_wait3A_20 = tpu.memref_slice %arg4[%mul3A_6, %dma_wait3A_19] : memref<4096x128xf32, #tpu.memory_space<hbm>> -> memref<128x128xf32, #tpu.memory_space<hbm>>
      tpu.wait_dma2 semaphore(%run_scoped3A : memref<!tpu.dma_semaphore, #tpu.memory_space<semaphore_mem>>) src(%arg6 : memref<128x128xf32, #tpu.memory_space<vmem>>) dst(%dma_wait3A_20 : memref<128x128xf32, #tpu.memory_space<hbm>>)
      tpu.yield
    }) : () -> ()
    return
  }
}

#map = affine_map<(d0, d1) -> (0, 0)>
#map1 = affine_map<(d0, d1) -> (0)>
module attributes {stable_mosaic.version = 14 : i64} {
  func.func @body(%arg0: i32, %arg1: i32, %arg2: memref<32768x128xf32, #tpu.memory_space<hbm>>, %arg3: memref<32768xi32, #tpu.memory_space<hbm>>, %arg4: memref<4096x128xf32, #tpu.memory_space<hbm>>, %arg5: memref<128xi32, #tpu.memory_space<vmem>>, %arg6: memref<128x128xf32, #tpu.memory_space<vmem>>, %arg7: memref<!tpu.dma_semaphore, #tpu.memory_space<semaphore_mem>>) attributes {dimension_semantics = [#tpu.dimension_semantics<core_parallel>, #tpu.dimension_semantics<subcore_parallel>], iteration_bounds = array<i64: 2, 16>, scalar_prefetch = 0 : i64, scratch_operands = 3 : i64, tpu.core_type = #tpu.core_type<sc_vector_subcore>, window_params = [{transform_indices = #map}, {transform_indices = #map1}, {transform_indices = #map}]} {
    %mul3A = arith.constant 2 : i32
    %mul3A_0 = arith.muli %arg1, %mul3A : i32
    %add3A = arith.addi %mul3A_0, %arg0 : i32
    %mul3A_1 = arith.constant 1 : i32
    %mul3A_2 = arith.muli %add3A, %mul3A_1 : i32
    %add3A_3 = arith.constant 0 : i32
    %add3A_4 = arith.addi %mul3A_2, %add3A_3 : i32
    %mul3A_5 = arith.constant 128 : i32
    %mul3A_6 = arith.muli %add3A_4, %mul3A_5 : i32
    %add3A_7 = arith.constant 28672 : i32
    %add3A_8 = arith.addi %add3A_7, %mul3A_6 : i32
    "tpu.region"() ({
      %run_scoped3A = tpu.sem_alloc : memref<!tpu.dma_semaphore, #tpu.memory_space<semaphore_mem>>
      %dma_start3A_13 = tpu.memref_slice %arg3[%add3A_8] : memref<32768xi32, #tpu.memory_space<hbm>> -> memref<128xi32, #tpu.memory_space<hbm>>
      %dma_start3A_14 = tpu.memref_slice %arg3[%add3A_8] : memref<32768xi32, #tpu.memory_space<hbm>> -> memref<128xi32, #tpu.memory_space<hbm>>
      tpu.enqueue_dma source(%dma_start3A_14 : memref<128xi32, #tpu.memory_space<hbm>>) target(%arg5 : memref<128xi32, #tpu.memory_space<vmem>>) target_semaphore(%run_scoped3A : memref<!tpu.dma_semaphore, #tpu.memory_space<semaphore_mem>>)
      %dma_wait3A_15 = tpu.memref_slice %arg3[%add3A_8] : memref<32768xi32, #tpu.memory_space<hbm>> -> memref<128xi32, #tpu.memory_space<hbm>>
      %dma_wait3A_16 = tpu.memref_slice %arg3[%add3A_8] : memref<32768xi32, #tpu.memory_space<hbm>> -> memref<128xi32, #tpu.memory_space<hbm>>
      tpu.wait_dma2 semaphore(%run_scoped3A : memref<!tpu.dma_semaphore, #tpu.memory_space<semaphore_mem>>) src(%dma_wait3A_16 : memref<128xi32, #tpu.memory_space<hbm>>) dst(%arg5 : memref<128xi32, #tpu.memory_space<vmem>>)
      tpu.yield
    }) : () -> ()
    %dma_start3A = arith.constant 0 : i32
    %dma_start3A_9 = arith.constant 0 : i32
    %dma_start3A_10 = tpu.memref_slice %arg2[%dma_start3A, %dma_start3A_9] : memref<32768x128xf32, #tpu.memory_space<hbm>> -> memref<32768x128xf32, #tpu.memory_space<hbm>>
    tpu.enqueue_indirect_dma source(%dma_start3A_10 : memref<32768x128xf32, #tpu.memory_space<hbm>>) target(%arg6 : memref<128x128xf32, #tpu.memory_space<vmem>>) offsets(%arg5 : memref<128xi32, #tpu.memory_space<vmem>>) semaphore(%arg7 : memref<!tpu.dma_semaphore, #tpu.memory_space<semaphore_mem>>)
    %dma_wait3A = arith.constant 0 : i32
    %dma_wait3A_11 = arith.constant 0 : i32
    %dma_wait3A_12 = tpu.memref_slice %arg2[%dma_wait3A, %dma_wait3A_11] : memref<32768x128xf32, #tpu.memory_space<hbm>> -> memref<32768x128xf32, #tpu.memory_space<hbm>>
    tpu.wait_indirect_dma semaphore(%arg7 : memref<!tpu.dma_semaphore, #tpu.memory_space<semaphore_mem>>) src(%dma_wait3A_12 : memref<32768x128xf32, #tpu.memory_space<hbm>>) dst(%arg6 : memref<128x128xf32, #tpu.memory_space<vmem>>)
    "tpu.region"() ({
      %run_scoped3A = tpu.sem_alloc : memref<!tpu.dma_semaphore, #tpu.memory_space<semaphore_mem>>
      %dma_start3A_13 = arith.constant 0 : i32
      %dma_start3A_14 = tpu.memref_slice %arg4[%mul3A_6, %dma_start3A_13] : memref<4096x128xf32, #tpu.memory_space<hbm>> -> memref<128x128xf32, #tpu.memory_space<hbm>>
      %dma_start3A_15 = arith.constant 0 : i32
      %dma_start3A_16 = tpu.memref_slice %arg4[%mul3A_6, %dma_start3A_15] : memref<4096x128xf32, #tpu.memory_space<hbm>> -> memref<128x128xf32, #tpu.memory_space<hbm>>
      tpu.enqueue_dma source(%arg6 : memref<128x128xf32, #tpu.memory_space<vmem>>) target(%dma_start3A_16 : memref<128x128xf32, #tpu.memory_space<hbm>>) target_semaphore(%run_scoped3A : memref<!tpu.dma_semaphore, #tpu.memory_space<semaphore_mem>>)
      %dma_wait3A_17 = arith.constant 0 : i32
      %dma_wait3A_18 = tpu.memref_slice %arg4[%mul3A_6, %dma_wait3A_17] : memref<4096x128xf32, #tpu.memory_space<hbm>> -> memref<128x128xf32, #tpu.memory_space<hbm>>
      %dma_wait3A_19 = arith.constant 0 : i32
      %dma_wait3A_20 = tpu.memref_slice %arg4[%mul3A_6, %dma_wait3A_19] : memref<4096x128xf32, #tpu.memory_space<hbm>> -> memref<128x128xf32, #tpu.memory_space<hbm>>
      tpu.wait_dma2 semaphore(%run_scoped3A : memref<!tpu.dma_semaphore, #tpu.memory_space<semaphore_mem>>) src(%arg6 : memref<128x128xf32, #tpu.memory_space<vmem>>) dst(%dma_wait3A_20 : memref<128x128xf32, #tpu.memory_space<hbm>>)
      tpu.yield
    }) : () -> ()
    return
  }
}

module attributes {stable_mosaic.version = 14 : i64} {
  func.func @_layer_body(%arg0: i32, %arg1: memref<32768x128xf32, #tpu.memory_space<any>>, %arg2: memref<256x128xf32, #tpu.memory_space<vmem>>, %arg3: memref<256x128xf32, #tpu.memory_space<vmem>>, %arg4: memref<1x256x1xi32, #tpu.memory_space<vmem>>, %arg5: memref<256x4096xbf16, #tpu.memory_space<vmem>>, %arg6: memref<32x128xf32, #tpu.memory_space<vmem>>, %arg7: memref<256x128xf32, #tpu.memory_space<vmem>>) attributes {dimension_semantics = [#tpu.dimension_semantics<arbitrary>], iteration_bounds = array<i64: 8>, scalar_prefetch = 0 : i64, scratch_operands = 0 : i64, tpu.core_type = #tpu.core_type<tc>, window_params = [{}, {transform_indices = @transform_1, window_bounds = array<i64: 256, 128>}, {transform_indices = @transform_2, window_bounds = array<i64: 256, 128>}, {transform_indices = @transform_3, window_bounds = array<i64: 1, 256, 1>}, {pipeline_mode = #tpu.pipeline_mode<synchronous>, transform_indices = @transform_4, window_bounds = array<i64: 256, 4096>}, {pipeline_mode = #tpu.pipeline_mode<synchronous>, transform_indices = @transform_5, window_bounds = array<i64: 32, 128>}, {transform_indices = @transform_6, window_bounds = array<i64: 256, 128>}]} {
    %get3A = arith.constant 0 : index
    %get3A_0 = arith.constant 0 : index
    %get3A_1 = vector.load %arg2[%get3A, %get3A_0] : memref<256x128xf32, #tpu.memory_space<vmem>>, vector<256x128xf32>
    %convert_element_type3A = arith.truncf %get3A_1 : vector<256x128xf32> to vector<256x128xbf16>
    %get3A_2 = arith.constant 0 : index
    %get3A_3 = arith.constant 0 : index
    %get3A_4 = vector.load %arg3[%get3A_2, %get3A_3] : memref<256x128xf32, #tpu.memory_space<vmem>>, vector<256x128xf32>
    %convert_element_type3A_5 = arith.truncf %get3A_4 : vector<256x128xf32> to vector<256x128xbf16>
    %concatenate3A = tpu.concatenate %convert_element_type3A, %convert_element_type3A_5 in 1 : vector<256x128xbf16>, vector<256x128xbf16> -> vector<256x256xbf16>
    %get3A_6 = arith.constant 0 : index
    %get3A_7 = arith.constant 0 : index
    %get3A_8 = arith.constant 0 : index
    %get3A_9 = vector.load %arg4[%get3A_6, %get3A_7, %get3A_8] : memref<1x256x1xi32, #tpu.memory_space<vmem>>, vector<1x256x1xi32>
    %get3A_10 = vector.shape_cast %get3A_9 : vector<1x256x1xi32> to vector<256x1xi32>
    %iota3A = tpu.iota {dimensions = array<i32: 1>} : vector<256x32xi32>
    %eq3A = vector.broadcast %get3A_10 : vector<256x1xi32> to vector<256x32xi32>
    %eq3A_11 = arith.cmpi eq, %eq3A, %iota3A : vector<256x32xi32>
    %convert_element_type3A_12 = arith.extui %eq3A_11 : vector<256x32xi1> to vector<256x32xi32>
    %convert_element_type3A_13 = arith.sitofp %convert_element_type3A_12 : vector<256x32xi32> to vector<256x32xf32>
    %get3A_14 = arith.constant 0 : index
    %get3A_15 = arith.constant 0 : index
    %get3A_16 = vector.load %arg5[%get3A_14, %get3A_15] : memref<256x4096xbf16, #tpu.memory_space<vmem>>, vector<256x4096xbf16>
    %dot_general3A = arith.constant dense<0.000000e+00> : vector<256x4096xf32>
    %dot_general3A_17 = tpu.matmul %concatenate3A, %get3A_16, %dot_general3A {dimension_numbers = #tpu.dot_dimension_numbers<[1], [0], [0], [1], [0, 0, 1, 1], [], []>, transpose_lhs_hint = false} : vector<256x256xbf16>, vector<256x4096xbf16>, vector<256x4096xf32> -> vector<256x4096xf32>
    %broadcast_in_dim3A = arith.constant 0.000000e+00 : f32
    %broadcast_in_dim3A_18 = vector.broadcast %broadcast_in_dim3A : f32 to vector<256x128xf32>
    %slice3A = vector.extract_strided_slice %convert_element_type3A_13 {offsets = [0, 0], sizes = [256, 1], strides = [1, 1]} : vector<256x32xf32> to vector<256x1xf32>
    %slice3A_19 = vector.extract_strided_slice %dot_general3A_17 {offsets = [0, 0], sizes = [256, 128], strides = [1, 1]} : vector<256x4096xf32> to vector<256x128xf32>
    %get3A_20 = arith.constant 0 : index
    %get3A_21 = arith.constant 0 : index
    %get3A_22 = vector.load %arg6[%get3A_20, %get3A_21] : memref<32x128xf32, #tpu.memory_space<vmem>>, vector<1x128xf32>
    %add3A = vector.broadcast %get3A_22 : vector<1x128xf32> to vector<256x128xf32>
    %add3A_23 = arith.addf %slice3A_19, %add3A : vector<256x128xf32>
    %mul3A = vector.broadcast %slice3A : vector<256x1xf32> to vector<256x128xf32>
    %mul3A_24 = arith.mulf %mul3A, %add3A_23 : vector<256x128xf32>
    %add3A_25 = arith.addf %broadcast_in_dim3A_18, %mul3A_24 : vector<256x128xf32>
    %slice3A_26 = vector.extract_strided_slice %convert_element_type3A_13 {offsets = [0, 1], sizes = [256, 1], strides = [1, 1]} : vector<256x32xf32> to vector<256x1xf32>
    %slice3A_27 = vector.extract_strided_slice %dot_general3A_17 {offsets = [0, 128], sizes = [256, 128], strides = [1, 1]} : vector<256x4096xf32> to vector<256x128xf32>
    %get3A_28 = arith.constant 1 : index
    %get3A_29 = arith.constant 0 : index
    %get3A_30 = vector.load %arg6[%get3A_28, %get3A_29] : memref<32x128xf32, #tpu.memory_space<vmem>>, vector<1x128xf32>
    %add3A_31 = vector.broadcast %get3A_30 : vector<1x128xf32> to vector<256x128xf32>
    %add3A_32 = arith.addf %slice3A_27, %add3A_31 : vector<256x128xf32>
    %mul3A_33 = vector.broadcast %slice3A_26 : vector<256x1xf32> to vector<256x128xf32>
    %mul3A_34 = arith.mulf %mul3A_33, %add3A_32 : vector<256x128xf32>
    %add3A_35 = arith.addf %add3A_25, %mul3A_34 : vector<256x128xf32>
    %slice3A_36 = vector.extract_strided_slice %convert_element_type3A_13 {offsets = [0, 2], sizes = [256, 1], strides = [1, 1]} : vector<256x32xf32> to vector<256x1xf32>
    %slice3A_37 = vector.extract_strided_slice %dot_general3A_17 {offsets = [0, 256], sizes = [256, 128], strides = [1, 1]} : vector<256x4096xf32> to vector<256x128xf32>
    %get3A_38 = arith.constant 2 : index
    %get3A_39 = arith.constant 0 : index
    %get3A_40 = vector.load %arg6[%get3A_38, %get3A_39] : memref<32x128xf32, #tpu.memory_space<vmem>>, vector<1x128xf32>
    %add3A_41 = vector.broadcast %get3A_40 : vector<1x128xf32> to vector<256x128xf32>
    %add3A_42 = arith.addf %slice3A_37, %add3A_41 : vector<256x128xf32>
    %mul3A_43 = vector.broadcast %slice3A_36 : vector<256x1xf32> to vector<256x128xf32>
    %mul3A_44 = arith.mulf %mul3A_43, %add3A_42 : vector<256x128xf32>
    %add3A_45 = arith.addf %add3A_35, %mul3A_44 : vector<256x128xf32>
    %slice3A_46 = vector.extract_strided_slice %convert_element_type3A_13 {offsets = [0, 3], sizes = [256, 1], strides = [1, 1]} : vector<256x32xf32> to vector<256x1xf32>
    %slice3A_47 = vector.extract_strided_slice %dot_general3A_17 {offsets = [0, 384], sizes = [256, 128], strides = [1, 1]} : vector<256x4096xf32> to vector<256x128xf32>
    %get3A_48 = arith.constant 3 : index
    %get3A_49 = arith.constant 0 : index
    %get3A_50 = vector.load %arg6[%get3A_48, %get3A_49] : memref<32x128xf32, #tpu.memory_space<vmem>>, vector<1x128xf32>
    %add3A_51 = vector.broadcast %get3A_50 : vector<1x128xf32> to vector<256x128xf32>
    %add3A_52 = arith.addf %slice3A_47, %add3A_51 : vector<256x128xf32>
    %mul3A_53 = vector.broadcast %slice3A_46 : vector<256x1xf32> to vector<256x128xf32>
    %mul3A_54 = arith.mulf %mul3A_53, %add3A_52 : vector<256x128xf32>
    %add3A_55 = arith.addf %add3A_45, %mul3A_54 : vector<256x128xf32>
    %slice3A_56 = vector.extract_strided_slice %convert_element_type3A_13 {offsets = [0, 4], sizes = [256, 1], strides = [1, 1]} : vector<256x32xf32> to vector<256x1xf32>
    %slice3A_57 = vector.extract_strided_slice %dot_general3A_17 {offsets = [0, 512], sizes = [256, 128], strides = [1, 1]} : vector<256x4096xf32> to vector<256x128xf32>
    %get3A_58 = arith.constant 4 : index
    %get3A_59 = arith.constant 0 : index
    %get3A_60 = vector.load %arg6[%get3A_58, %get3A_59] : memref<32x128xf32, #tpu.memory_space<vmem>>, vector<1x128xf32>
    %add3A_61 = vector.broadcast %get3A_60 : vector<1x128xf32> to vector<256x128xf32>
    %add3A_62 = arith.addf %slice3A_57, %add3A_61 : vector<256x128xf32>
    %mul3A_63 = vector.broadcast %slice3A_56 : vector<256x1xf32> to vector<256x128xf32>
    %mul3A_64 = arith.mulf %mul3A_63, %add3A_62 : vector<256x128xf32>
    %add3A_65 = arith.addf %add3A_55, %mul3A_64 : vector<256x128xf32>
    %slice3A_66 = vector.extract_strided_slice %convert_element_type3A_13 {offsets = [0, 5], sizes = [256, 1], strides = [1, 1]} : vector<256x32xf32> to vector<256x1xf32>
    %slice3A_67 = vector.extract_strided_slice %dot_general3A_17 {offsets = [0, 640], sizes = [256, 128], strides = [1, 1]} : vector<256x4096xf32> to vector<256x128xf32>
    %get3A_68 = arith.constant 5 : index
    %get3A_69 = arith.constant 0 : index
    %get3A_70 = vector.load %arg6[%get3A_68, %get3A_69] : memref<32x128xf32, #tpu.memory_space<vmem>>, vector<1x128xf32>
    %add3A_71 = vector.broadcast %get3A_70 : vector<1x128xf32> to vector<256x128xf32>
    %add3A_72 = arith.addf %slice3A_67, %add3A_71 : vector<256x128xf32>
    %mul3A_73 = vector.broadcast %slice3A_66 : vector<256x1xf32> to vector<256x128xf32>
    %mul3A_74 = arith.mulf %mul3A_73, %add3A_72 : vector<256x128xf32>
    %add3A_75 = arith.addf %add3A_65, %mul3A_74 : vector<256x128xf32>
    %slice3A_76 = vector.extract_strided_slice %convert_element_type3A_13 {offsets = [0, 6], sizes = [256, 1], strides = [1, 1]} : vector<256x32xf32> to vector<256x1xf32>
    %slice3A_77 = vector.extract_strided_slice %dot_general3A_17 {offsets = [0, 768], sizes = [256, 128], strides = [1, 1]} : vector<256x4096xf32> to vector<256x128xf32>
    %get3A_78 = arith.constant 6 : index
    %get3A_79 = arith.constant 0 : index
    %get3A_80 = vector.load %arg6[%get3A_78, %get3A_79] : memref<32x128xf32, #tpu.memory_space<vmem>>, vector<1x128xf32>
    %add3A_81 = vector.broadcast %get3A_80 : vector<1x128xf32> to vector<256x128xf32>
    %add3A_82 = arith.addf %slice3A_77, %add3A_81 : vector<256x128xf32>
    %mul3A_83 = vector.broadcast %slice3A_76 : vector<256x1xf32> to vector<256x128xf32>
    %mul3A_84 = arith.mulf %mul3A_83, %add3A_82 : vector<256x128xf32>
    %add3A_85 = arith.addf %add3A_75, %mul3A_84 : vector<256x128xf32>
    %slice3A_86 = vector.extract_strided_slice %convert_element_type3A_13 {offsets = [0, 7], sizes = [256, 1], strides = [1, 1]} : vector<256x32xf32> to vector<256x1xf32>
    %slice3A_87 = vector.extract_strided_slice %dot_general3A_17 {offsets = [0, 896], sizes = [256, 128], strides = [1, 1]} : vector<256x4096xf32> to vector<256x128xf32>
    %get3A_88 = arith.constant 7 : index
    %get3A_89 = arith.constant 0 : index
    %get3A_90 = vector.load %arg6[%get3A_88, %get3A_89] : memref<32x128xf32, #tpu.memory_space<vmem>>, vector<1x128xf32>
    %add3A_91 = vector.broadcast %get3A_90 : vector<1x128xf32> to vector<256x128xf32>
    %add3A_92 = arith.addf %slice3A_87, %add3A_91 : vector<256x128xf32>
    %mul3A_93 = vector.broadcast %slice3A_86 : vector<256x1xf32> to vector<256x128xf32>
    %mul3A_94 = arith.mulf %mul3A_93, %add3A_92 : vector<256x128xf32>
    %add3A_95 = arith.addf %add3A_85, %mul3A_94 : vector<256x128xf32>
    %slice3A_96 = vector.extract_strided_slice %convert_element_type3A_13 {offsets = [0, 8], sizes = [256, 1], strides = [1, 1]} : vector<256x32xf32> to vector<256x1xf32>
    %slice3A_97 = vector.extract_strided_slice %dot_general3A_17 {offsets = [0, 1024], sizes = [256, 128], strides = [1, 1]} : vector<256x4096xf32> to vector<256x128xf32>
    %get3A_98 = arith.constant 8 : index
    %get3A_99 = arith.constant 0 : index
    %get3A_100 = vector.load %arg6[%get3A_98, %get3A_99] : memref<32x128xf32, #tpu.memory_space<vmem>>, vector<1x128xf32>
    %add3A_101 = vector.broadcast %get3A_100 : vector<1x128xf32> to vector<256x128xf32>
    %add3A_102 = arith.addf %slice3A_97, %add3A_101 : vector<256x128xf32>
    %mul3A_103 = vector.broadcast %slice3A_96 : vector<256x1xf32> to vector<256x128xf32>
    %mul3A_104 = arith.mulf %mul3A_103, %add3A_102 : vector<256x128xf32>
    %add3A_105 = arith.addf %add3A_95, %mul3A_104 : vector<256x128xf32>
    %slice3A_106 = vector.extract_strided_slice %convert_element_type3A_13 {offsets = [0, 9], sizes = [256, 1], strides = [1, 1]} : vector<256x32xf32> to vector<256x1xf32>
    %slice3A_107 = vector.extract_strided_slice %dot_general3A_17 {offsets = [0, 1152], sizes = [256, 128], strides = [1, 1]} : vector<256x4096xf32> to vector<256x128xf32>
    %get3A_108 = arith.constant 9 : index
    %get3A_109 = arith.constant 0 : index
    %get3A_110 = vector.load %arg6[%get3A_108, %get3A_109] : memref<32x128xf32, #tpu.memory_space<vmem>>, vector<1x128xf32>
    %add3A_111 = vector.broadcast %get3A_110 : vector<1x128xf32> to vector<256x128xf32>
    %add3A_112 = arith.addf %slice3A_107, %add3A_111 : vector<256x128xf32>
    %mul3A_113 = vector.broadcast %slice3A_106 : vector<256x1xf32> to vector<256x128xf32>
    %mul3A_114 = arith.mulf %mul3A_113, %add3A_112 : vector<256x128xf32>
    %add3A_115 = arith.addf %add3A_105, %mul3A_114 : vector<256x128xf32>
    %slice3A_116 = vector.extract_strided_slice %convert_element_type3A_13 {offsets = [0, 10], sizes = [256, 1], strides = [1, 1]} : vector<256x32xf32> to vector<256x1xf32>
    %slice3A_117 = vector.extract_strided_slice %dot_general3A_17 {offsets = [0, 1280], sizes = [256, 128], strides = [1, 1]} : vector<256x4096xf32> to vector<256x128xf32>
    %get3A_118 = arith.constant 10 : index
    %get3A_119 = arith.constant 0 : index
    %get3A_120 = vector.load %arg6[%get3A_118, %get3A_119] : memref<32x128xf32, #tpu.memory_space<vmem>>, vector<1x128xf32>
    %add3A_121 = vector.broadcast %get3A_120 : vector<1x128xf32> to vector<256x128xf32>
    %add3A_122 = arith.addf %slice3A_117, %add3A_121 : vector<256x128xf32>
    %mul3A_123 = vector.broadcast %slice3A_116 : vector<256x1xf32> to vector<256x128xf32>
    %mul3A_124 = arith.mulf %mul3A_123, %add3A_122 : vector<256x128xf32>
    %add3A_125 = arith.addf %add3A_115, %mul3A_124 : vector<256x128xf32>
    %slice3A_126 = vector.extract_strided_slice %convert_element_type3A_13 {offsets = [0, 11], sizes = [256, 1], strides = [1, 1]} : vector<256x32xf32> to vector<256x1xf32>
    %slice3A_127 = vector.extract_strided_slice %dot_general3A_17 {offsets = [0, 1408], sizes = [256, 128], strides = [1, 1]} : vector<256x4096xf32> to vector<256x128xf32>
    %get3A_128 = arith.constant 11 : index
    %get3A_129 = arith.constant 0 : index
    %get3A_130 = vector.load %arg6[%get3A_128, %get3A_129] : memref<32x128xf32, #tpu.memory_space<vmem>>, vector<1x128xf32>
    %add3A_131 = vector.broadcast %get3A_130 : vector<1x128xf32> to vector<256x128xf32>
    %add3A_132 = arith.addf %slice3A_127, %add3A_131 : vector<256x128xf32>
    %mul3A_133 = vector.broadcast %slice3A_126 : vector<256x1xf32> to vector<256x128xf32>
    %mul3A_134 = arith.mulf %mul3A_133, %add3A_132 : vector<256x128xf32>
    %add3A_135 = arith.addf %add3A_125, %mul3A_134 : vector<256x128xf32>
    %slice3A_136 = vector.extract_strided_slice %convert_element_type3A_13 {offsets = [0, 12], sizes = [256, 1], strides = [1, 1]} : vector<256x32xf32> to vector<256x1xf32>
    %slice3A_137 = vector.extract_strided_slice %dot_general3A_17 {offsets = [0, 1536], sizes = [256, 128], strides = [1, 1]} : vector<256x4096xf32> to vector<256x128xf32>
    %get3A_138 = arith.constant 12 : index
    %get3A_139 = arith.constant 0 : index
    %get3A_140 = vector.load %arg6[%get3A_138, %get3A_139] : memref<32x128xf32, #tpu.memory_space<vmem>>, vector<1x128xf32>
    %add3A_141 = vector.broadcast %get3A_140 : vector<1x128xf32> to vector<256x128xf32>
    %add3A_142 = arith.addf %slice3A_137, %add3A_141 : vector<256x128xf32>
    %mul3A_143 = vector.broadcast %slice3A_136 : vector<256x1xf32> to vector<256x128xf32>
    %mul3A_144 = arith.mulf %mul3A_143, %add3A_142 : vector<256x128xf32>
    %add3A_145 = arith.addf %add3A_135, %mul3A_144 : vector<256x128xf32>
    %slice3A_146 = vector.extract_strided_slice %convert_element_type3A_13 {offsets = [0, 13], sizes = [256, 1], strides = [1, 1]} : vector<256x32xf32> to vector<256x1xf32>
    %slice3A_147 = vector.extract_strided_slice %dot_general3A_17 {offsets = [0, 1664], sizes = [256, 128], strides = [1, 1]} : vector<256x4096xf32> to vector<256x128xf32>
    %get3A_148 = arith.constant 13 : index
    %get3A_149 = arith.constant 0 : index
    %get3A_150 = vector.load %arg6[%get3A_148, %get3A_149] : memref<32x128xf32, #tpu.memory_space<vmem>>, vector<1x128xf32>
    %add3A_151 = vector.broadcast %get3A_150 : vector<1x128xf32> to vector<256x128xf32>
    %add3A_152 = arith.addf %slice3A_147, %add3A_151 : vector<256x128xf32>
    %mul3A_153 = vector.broadcast %slice3A_146 : vector<256x1xf32> to vector<256x128xf32>
    %mul3A_154 = arith.mulf %mul3A_153, %add3A_152 : vector<256x128xf32>
    %add3A_155 = arith.addf %add3A_145, %mul3A_154 : vector<256x128xf32>
    %slice3A_156 = vector.extract_strided_slice %convert_element_type3A_13 {offsets = [0, 14], sizes = [256, 1], strides = [1, 1]} : vector<256x32xf32> to vector<256x1xf32>
    %slice3A_157 = vector.extract_strided_slice %dot_general3A_17 {offsets = [0, 1792], sizes = [256, 128], strides = [1, 1]} : vector<256x4096xf32> to vector<256x128xf32>
    %get3A_158 = arith.constant 14 : index
    %get3A_159 = arith.constant 0 : index
    %get3A_160 = vector.load %arg6[%get3A_158, %get3A_159] : memref<32x128xf32, #tpu.memory_space<vmem>>, vector<1x128xf32>
    %add3A_161 = vector.broadcast %get3A_160 : vector<1x128xf32> to vector<256x128xf32>
    %add3A_162 = arith.addf %slice3A_157, %add3A_161 : vector<256x128xf32>
    %mul3A_163 = vector.broadcast %slice3A_156 : vector<256x1xf32> to vector<256x128xf32>
    %mul3A_164 = arith.mulf %mul3A_163, %add3A_162 : vector<256x128xf32>
    %add3A_165 = arith.addf %add3A_155, %mul3A_164 : vector<256x128xf32>
    %slice3A_166 = vector.extract_strided_slice %convert_element_type3A_13 {offsets = [0, 15], sizes = [256, 1], strides = [1, 1]} : vector<256x32xf32> to vector<256x1xf32>
    %slice3A_167 = vector.extract_strided_slice %dot_general3A_17 {offsets = [0, 1920], sizes = [256, 128], strides = [1, 1]} : vector<256x4096xf32> to vector<256x128xf32>
    %get3A_168 = arith.constant 15 : index
    %get3A_169 = arith.constant 0 : index
    %get3A_170 = vector.load %arg6[%get3A_168, %get3A_169] : memref<32x128xf32, #tpu.memory_space<vmem>>, vector<1x128xf32>
    %add3A_171 = vector.broadcast %get3A_170 : vector<1x128xf32> to vector<256x128xf32>
    %add3A_172 = arith.addf %slice3A_167, %add3A_171 : vector<256x128xf32>
    %mul3A_173 = vector.broadcast %slice3A_166 : vector<256x1xf32> to vector<256x128xf32>
    %mul3A_174 = arith.mulf %mul3A_173, %add3A_172 : vector<256x128xf32>
    %add3A_175 = arith.addf %add3A_165, %mul3A_174 : vector<256x128xf32>
    %slice3A_176 = vector.extract_strided_slice %convert_element_type3A_13 {offsets = [0, 16], sizes = [256, 1], strides = [1, 1]} : vector<256x32xf32> to vector<256x1xf32>
    %slice3A_177 = vector.extract_strided_slice %dot_general3A_17 {offsets = [0, 2048], sizes = [256, 128], strides = [1, 1]} : vector<256x4096xf32> to vector<256x128xf32>
    %get3A_178 = arith.constant 16 : index
    %get3A_179 = arith.constant 0 : index
    %get3A_180 = vector.load %arg6[%get3A_178, %get3A_179] : memref<32x128xf32, #tpu.memory_space<vmem>>, vector<1x128xf32>
    %add3A_181 = vector.broadcast %get3A_180 : vector<1x128xf32> to vector<256x128xf32>
    %add3A_182 = arith.addf %slice3A_177, %add3A_181 : vector<256x128xf32>
    %mul3A_183 = vector.broadcast %slice3A_176 : vector<256x1xf32> to vector<256x128xf32>
    %mul3A_184 = arith.mulf %mul3A_183, %add3A_182 : vector<256x128xf32>
    %add3A_185 = arith.addf %add3A_175, %mul3A_184 : vector<256x128xf32>
    %slice3A_186 = vector.extract_strided_slice %convert_element_type3A_13 {offsets = [0, 17], sizes = [256, 1], strides = [1, 1]} : vector<256x32xf32> to vector<256x1xf32>
    %slice3A_187 = vector.extract_strided_slice %dot_general3A_17 {offsets = [0, 2176], sizes = [256, 128], strides = [1, 1]} : vector<256x4096xf32> to vector<256x128xf32>
    %get3A_188 = arith.constant 17 : index
    %get3A_189 = arith.constant 0 : index
    %get3A_190 = vector.load %arg6[%get3A_188, %get3A_189] : memref<32x128xf32, #tpu.memory_space<vmem>>, vector<1x128xf32>
    %add3A_191 = vector.broadcast %get3A_190 : vector<1x128xf32> to vector<256x128xf32>
    %add3A_192 = arith.addf %slice3A_187, %add3A_191 : vector<256x128xf32>
    %mul3A_193 = vector.broadcast %slice3A_186 : vector<256x1xf32> to vector<256x128xf32>
    %mul3A_194 = arith.mulf %mul3A_193, %add3A_192 : vector<256x128xf32>
    %add3A_195 = arith.addf %add3A_185, %mul3A_194 : vector<256x128xf32>
    %slice3A_196 = vector.extract_strided_slice %convert_element_type3A_13 {offsets = [0, 18], sizes = [256, 1], strides = [1, 1]} : vector<256x32xf32> to vector<256x1xf32>
    %slice3A_197 = vector.extract_strided_slice %dot_general3A_17 {offsets = [0, 2304], sizes = [256, 128], strides = [1, 1]} : vector<256x4096xf32> to vector<256x128xf32>
    %get3A_198 = arith.constant 18 : index
    %get3A_199 = arith.constant 0 : index
    %get3A_200 = vector.load %arg6[%get3A_198, %get3A_199] : memref<32x128xf32, #tpu.memory_space<vmem>>, vector<1x128xf32>
    %add3A_201 = vector.broadcast %get3A_200 : vector<1x128xf32> to vector<256x128xf32>
    %add3A_202 = arith.addf %slice3A_197, %add3A_201 : vector<256x128xf32>
    %mul3A_203 = vector.broadcast %slice3A_196 : vector<256x1xf32> to vector<256x128xf32>
    %mul3A_204 = arith.mulf %mul3A_203, %add3A_202 : vector<256x128xf32>
    %add3A_205 = arith.addf %add3A_195, %mul3A_204 : vector<256x128xf32>
    %slice3A_206 = vector.extract_strided_slice %convert_element_type3A_13 {offsets = [0, 19], sizes = [256, 1], strides = [1, 1]} : vector<256x32xf32> to vector<256x1xf32>
    %slice3A_207 = vector.extract_strided_slice %dot_general3A_17 {offsets = [0, 2432], sizes = [256, 128], strides = [1, 1]} : vector<256x4096xf32> to vector<256x128xf32>
    %get3A_208 = arith.constant 19 : index
    %get3A_209 = arith.constant 0 : index
    %get3A_210 = vector.load %arg6[%get3A_208, %get3A_209] : memref<32x128xf32, #tpu.memory_space<vmem>>, vector<1x128xf32>
    %add3A_211 = vector.broadcast %get3A_210 : vector<1x128xf32> to vector<256x128xf32>
    %add3A_212 = arith.addf %slice3A_207, %add3A_211 : vector<256x128xf32>
    %mul3A_213 = vector.broadcast %slice3A_206 : vector<256x1xf32> to vector<256x128xf32>
    %mul3A_214 = arith.mulf %mul3A_213, %add3A_212 : vector<256x128xf32>
    %add3A_215 = arith.addf %add3A_205, %mul3A_214 : vector<256x128xf32>
    %slice3A_216 = vector.extract_strided_slice %convert_element_type3A_13 {offsets = [0, 20], sizes = [256, 1], strides = [1, 1]} : vector<256x32xf32> to vector<256x1xf32>
    %slice3A_217 = vector.extract_strided_slice %dot_general3A_17 {offsets = [0, 2560], sizes = [256, 128], strides = [1, 1]} : vector<256x4096xf32> to vector<256x128xf32>
    %get3A_218 = arith.constant 20 : index
    %get3A_219 = arith.constant 0 : index
    %get3A_220 = vector.load %arg6[%get3A_218, %get3A_219] : memref<32x128xf32, #tpu.memory_space<vmem>>, vector<1x128xf32>
    %add3A_221 = vector.broadcast %get3A_220 : vector<1x128xf32> to vector<256x128xf32>
    %add3A_222 = arith.addf %slice3A_217, %add3A_221 : vector<256x128xf32>
    %mul3A_223 = vector.broadcast %slice3A_216 : vector<256x1xf32> to vector<256x128xf32>
    %mul3A_224 = arith.mulf %mul3A_223, %add3A_222 : vector<256x128xf32>
    %add3A_225 = arith.addf %add3A_215, %mul3A_224 : vector<256x128xf32>
    %slice3A_226 = vector.extract_strided_slice %convert_element_type3A_13 {offsets = [0, 21], sizes = [256, 1], strides = [1, 1]} : vector<256x32xf32> to vector<256x1xf32>
    %slice3A_227 = vector.extract_strided_slice %dot_general3A_17 {offsets = [0, 2688], sizes = [256, 128], strides = [1, 1]} : vector<256x4096xf32> to vector<256x128xf32>
    %get3A_228 = arith.constant 21 : index
    %get3A_229 = arith.constant 0 : index
    %get3A_230 = vector.load %arg6[%get3A_228, %get3A_229] : memref<32x128xf32, #tpu.memory_space<vmem>>, vector<1x128xf32>
    %add3A_231 = vector.broadcast %get3A_230 : vector<1x128xf32> to vector<256x128xf32>
    %add3A_232 = arith.addf %slice3A_227, %add3A_231 : vector<256x128xf32>
    %mul3A_233 = vector.broadcast %slice3A_226 : vector<256x1xf32> to vector<256x128xf32>
    %mul3A_234 = arith.mulf %mul3A_233, %add3A_232 : vector<256x128xf32>
    %add3A_235 = arith.addf %add3A_225, %mul3A_234 : vector<256x128xf32>
    %slice3A_236 = vector.extract_strided_slice %convert_element_type3A_13 {offsets = [0, 22], sizes = [256, 1], strides = [1, 1]} : vector<256x32xf32> to vector<256x1xf32>
    %slice3A_237 = vector.extract_strided_slice %dot_general3A_17 {offsets = [0, 2816], sizes = [256, 128], strides = [1, 1]} : vector<256x4096xf32> to vector<256x128xf32>
    %get3A_238 = arith.constant 22 : index
    %get3A_239 = arith.constant 0 : index
    %get3A_240 = vector.load %arg6[%get3A_238, %get3A_239] : memref<32x128xf32, #tpu.memory_space<vmem>>, vector<1x128xf32>
    %add3A_241 = vector.broadcast %get3A_240 : vector<1x128xf32> to vector<256x128xf32>
    %add3A_242 = arith.addf %slice3A_237, %add3A_241 : vector<256x128xf32>
    %mul3A_243 = vector.broadcast %slice3A_236 : vector<256x1xf32> to vector<256x128xf32>
    %mul3A_244 = arith.mulf %mul3A_243, %add3A_242 : vector<256x128xf32>
    %add3A_245 = arith.addf %add3A_235, %mul3A_244 : vector<256x128xf32>
    %slice3A_246 = vector.extract_strided_slice %convert_element_type3A_13 {offsets = [0, 23], sizes = [256, 1], strides = [1, 1]} : vector<256x32xf32> to vector<256x1xf32>
    %slice3A_247 = vector.extract_strided_slice %dot_general3A_17 {offsets = [0, 2944], sizes = [256, 128], strides = [1, 1]} : vector<256x4096xf32> to vector<256x128xf32>
    %get3A_248 = arith.constant 23 : index
    %get3A_249 = arith.constant 0 : index
    %get3A_250 = vector.load %arg6[%get3A_248, %get3A_249] : memref<32x128xf32, #tpu.memory_space<vmem>>, vector<1x128xf32>
    %add3A_251 = vector.broadcast %get3A_250 : vector<1x128xf32> to vector<256x128xf32>
    %add3A_252 = arith.addf %slice3A_247, %add3A_251 : vector<256x128xf32>
    %mul3A_253 = vector.broadcast %slice3A_246 : vector<256x1xf32> to vector<256x128xf32>
    %mul3A_254 = arith.mulf %mul3A_253, %add3A_252 : vector<256x128xf32>
    %add3A_255 = arith.addf %add3A_245, %mul3A_254 : vector<256x128xf32>
    %slice3A_256 = vector.extract_strided_slice %convert_element_type3A_13 {offsets = [0, 24], sizes = [256, 1], strides = [1, 1]} : vector<256x32xf32> to vector<256x1xf32>
    %slice3A_257 = vector.extract_strided_slice %dot_general3A_17 {offsets = [0, 3072], sizes = [256, 128], strides = [1, 1]} : vector<256x4096xf32> to vector<256x128xf32>
    %get3A_258 = arith.constant 24 : index
    %get3A_259 = arith.constant 0 : index
    %get3A_260 = vector.load %arg6[%get3A_258, %get3A_259] : memref<32x128xf32, #tpu.memory_space<vmem>>, vector<1x128xf32>
    %add3A_261 = vector.broadcast %get3A_260 : vector<1x128xf32> to vector<256x128xf32>
    %add3A_262 = arith.addf %slice3A_257, %add3A_261 : vector<256x128xf32>
    %mul3A_263 = vector.broadcast %slice3A_256 : vector<256x1xf32> to vector<256x128xf32>
    %mul3A_264 = arith.mulf %mul3A_263, %add3A_262 : vector<256x128xf32>
    %add3A_265 = arith.addf %add3A_255, %mul3A_264 : vector<256x128xf32>
    %slice3A_266 = vector.extract_strided_slice %convert_element_type3A_13 {offsets = [0, 25], sizes = [256, 1], strides = [1, 1]} : vector<256x32xf32> to vector<256x1xf32>
    %slice3A_267 = vector.extract_strided_slice %dot_general3A_17 {offsets = [0, 3200], sizes = [256, 128], strides = [1, 1]} : vector<256x4096xf32> to vector<256x128xf32>
    %get3A_268 = arith.constant 25 : index
    %get3A_269 = arith.constant 0 : index
    %get3A_270 = vector.load %arg6[%get3A_268, %get3A_269] : memref<32x128xf32, #tpu.memory_space<vmem>>, vector<1x128xf32>
    %add3A_271 = vector.broadcast %get3A_270 : vector<1x128xf32> to vector<256x128xf32>
    %add3A_272 = arith.addf %slice3A_267, %add3A_271 : vector<256x128xf32>
    %mul3A_273 = vector.broadcast %slice3A_266 : vector<256x1xf32> to vector<256x128xf32>
    %mul3A_274 = arith.mulf %mul3A_273, %add3A_272 : vector<256x128xf32>
    %add3A_275 = arith.addf %add3A_265, %mul3A_274 : vector<256x128xf32>
    %slice3A_276 = vector.extract_strided_slice %convert_element_type3A_13 {offsets = [0, 26], sizes = [256, 1], strides = [1, 1]} : vector<256x32xf32> to vector<256x1xf32>
    %slice3A_277 = vector.extract_strided_slice %dot_general3A_17 {offsets = [0, 3328], sizes = [256, 128], strides = [1, 1]} : vector<256x4096xf32> to vector<256x128xf32>
    %get3A_278 = arith.constant 26 : index
    %get3A_279 = arith.constant 0 : index
    %get3A_280 = vector.load %arg6[%get3A_278, %get3A_279] : memref<32x128xf32, #tpu.memory_space<vmem>>, vector<1x128xf32>
    %add3A_281 = vector.broadcast %get3A_280 : vector<1x128xf32> to vector<256x128xf32>
    %add3A_282 = arith.addf %slice3A_277, %add3A_281 : vector<256x128xf32>
    %mul3A_283 = vector.broadcast %slice3A_276 : vector<256x1xf32> to vector<256x128xf32>
    %mul3A_284 = arith.mulf %mul3A_283, %add3A_282 : vector<256x128xf32>
    %add3A_285 = arith.addf %add3A_275, %mul3A_284 : vector<256x128xf32>
    %slice3A_286 = vector.extract_strided_slice %convert_element_type3A_13 {offsets = [0, 27], sizes = [256, 1], strides = [1, 1]} : vector<256x32xf32> to vector<256x1xf32>
    %slice3A_287 = vector.extract_strided_slice %dot_general3A_17 {offsets = [0, 3456], sizes = [256, 128], strides = [1, 1]} : vector<256x4096xf32> to vector<256x128xf32>
    %get3A_288 = arith.constant 27 : index
    %get3A_289 = arith.constant 0 : index
    %get3A_290 = vector.load %arg6[%get3A_288, %get3A_289] : memref<32x128xf32, #tpu.memory_space<vmem>>, vector<1x128xf32>
    %add3A_291 = vector.broadcast %get3A_290 : vector<1x128xf32> to vector<256x128xf32>
    %add3A_292 = arith.addf %slice3A_287, %add3A_291 : vector<256x128xf32>
    %mul3A_293 = vector.broadcast %slice3A_286 : vector<256x1xf32> to vector<256x128xf32>
    %mul3A_294 = arith.mulf %mul3A_293, %add3A_292 : vector<256x128xf32>
    %add3A_295 = arith.addf %add3A_285, %mul3A_294 : vector<256x128xf32>
    %slice3A_296 = vector.extract_strided_slice %convert_element_type3A_13 {offsets = [0, 28], sizes = [256, 1], strides = [1, 1]} : vector<256x32xf32> to vector<256x1xf32>
    %slice3A_297 = vector.extract_strided_slice %dot_general3A_17 {offsets = [0, 3584], sizes = [256, 128], strides = [1, 1]} : vector<256x4096xf32> to vector<256x128xf32>
    %get3A_298 = arith.constant 28 : index
    %get3A_299 = arith.constant 0 : index
    %get3A_300 = vector.load %arg6[%get3A_298, %get3A_299] : memref<32x128xf32, #tpu.memory_space<vmem>>, vector<1x128xf32>
    %add3A_301 = vector.broadcast %get3A_300 : vector<1x128xf32> to vector<256x128xf32>
    %add3A_302 = arith.addf %slice3A_297, %add3A_301 : vector<256x128xf32>
    %mul3A_303 = vector.broadcast %slice3A_296 : vector<256x1xf32> to vector<256x128xf32>
    %mul3A_304 = arith.mulf %mul3A_303, %add3A_302 : vector<256x128xf32>
    %add3A_305 = arith.addf %add3A_295, %mul3A_304 : vector<256x128xf32>
    %slice3A_306 = vector.extract_strided_slice %convert_element_type3A_13 {offsets = [0, 29], sizes = [256, 1], strides = [1, 1]} : vector<256x32xf32> to vector<256x1xf32>
    %slice3A_307 = vector.extract_strided_slice %dot_general3A_17 {offsets = [0, 3712], sizes = [256, 128], strides = [1, 1]} : vector<256x4096xf32> to vector<256x128xf32>
    %get3A_308 = arith.constant 29 : index
    %get3A_309 = arith.constant 0 : index
    %get3A_310 = vector.load %arg6[%get3A_308, %get3A_309] : memref<32x128xf32, #tpu.memory_space<vmem>>, vector<1x128xf32>
    %add3A_311 = vector.broadcast %get3A_310 : vector<1x128xf32> to vector<256x128xf32>
    %add3A_312 = arith.addf %slice3A_307, %add3A_311 : vector<256x128xf32>
    %mul3A_313 = vector.broadcast %slice3A_306 : vector<256x1xf32> to vector<256x128xf32>
    %mul3A_314 = arith.mulf %mul3A_313, %add3A_312 : vector<256x128xf32>
    %add3A_315 = arith.addf %add3A_305, %mul3A_314 : vector<256x128xf32>
    %slice3A_316 = vector.extract_strided_slice %convert_element_type3A_13 {offsets = [0, 30], sizes = [256, 1], strides = [1, 1]} : vector<256x32xf32> to vector<256x1xf32>
    %slice3A_317 = vector.extract_strided_slice %dot_general3A_17 {offsets = [0, 3840], sizes = [256, 128], strides = [1, 1]} : vector<256x4096xf32> to vector<256x128xf32>
    %get3A_318 = arith.constant 30 : index
    %get3A_319 = arith.constant 0 : index
    %get3A_320 = vector.load %arg6[%get3A_318, %get3A_319] : memref<32x128xf32, #tpu.memory_space<vmem>>, vector<1x128xf32>
    %add3A_321 = vector.broadcast %get3A_320 : vector<1x128xf32> to vector<256x128xf32>
    %add3A_322 = arith.addf %slice3A_317, %add3A_321 : vector<256x128xf32>
    %mul3A_323 = vector.broadcast %slice3A_316 : vector<256x1xf32> to vector<256x128xf32>
    %mul3A_324 = arith.mulf %mul3A_323, %add3A_322 : vector<256x128xf32>
    %add3A_325 = arith.addf %add3A_315, %mul3A_324 : vector<256x128xf32>
    %slice3A_326 = vector.extract_strided_slice %convert_element_type3A_13 {offsets = [0, 31], sizes = [256, 1], strides = [1, 1]} : vector<256x32xf32> to vector<256x1xf32>
    %slice3A_327 = vector.extract_strided_slice %dot_general3A_17 {offsets = [0, 3968], sizes = [256, 128], strides = [1, 1]} : vector<256x4096xf32> to vector<256x128xf32>
    %get3A_328 = arith.constant 31 : index
    %get3A_329 = arith.constant 0 : index
    %get3A_330 = vector.load %arg6[%get3A_328, %get3A_329] : memref<32x128xf32, #tpu.memory_space<vmem>>, vector<1x128xf32>
    %add3A_331 = vector.broadcast %get3A_330 : vector<1x128xf32> to vector<256x128xf32>
    %add3A_332 = arith.addf %slice3A_327, %add3A_331 : vector<256x128xf32>
    %mul3A_333 = vector.broadcast %slice3A_326 : vector<256x1xf32> to vector<256x128xf32>
    %mul3A_334 = arith.mulf %mul3A_333, %add3A_332 : vector<256x128xf32>
    %add3A_335 = arith.addf %add3A_325, %mul3A_334 : vector<256x128xf32>
    %tanh3A = math.tanh %add3A_335 : vector<256x128xf32>
    %swap3A = arith.constant 0 : index
    %swap3A_336 = arith.constant 0 : index
    %swap3A_337 = vector.load %arg7[%swap3A, %swap3A_336] : memref<256x128xf32, #tpu.memory_space<vmem>>, vector<256x128xf32>
    tpu.vector_store %arg7[%swap3A, %swap3A_336], %tanh3A {strides = array<i32>} : memref<256x128xf32, #tpu.memory_space<vmem>>, vector<256x128xf32>,
    return
  }
  func.func @transform_1(%arg0: i32) -> (i32, i32) {
    %c0_i32 = arith.constant 0 : i32
    %c0_i32_0 = arith.constant 0 : i32
    return %arg0, %c0_i32 : i32, i32
  }
  func.func @transform_2(%arg0: i32) -> (i32, i32) {
    %add3A = arith.constant 8 : i32
    %add3A_0 = arith.addi %add3A, %arg0 : i32
    %c0_i32 = arith.constant 0 : i32
    %c0_i32_1 = arith.constant 0 : i32
    return %add3A_0, %c0_i32 : i32, i32
  }
  func.func @transform_3(%arg0: i32) -> (i32, i32, i32) {
    %c0_i32 = arith.constant 0 : i32
    %c0_i32_0 = arith.constant 0 : i32
    %c0_i32_1 = arith.constant 0 : i32
    return %c0_i32, %arg0, %c0_i32_0 : i32, i32, i32
  }
  func.func @transform_4(%arg0: i32) -> (i32, i32) {
    %c0_i32 = arith.constant 0 : i32
    %c0_i32_0 = arith.constant 0 : i32
    %c0_i32_1 = arith.constant 0 : i32
    return %c0_i32, %c0_i32_0 : i32, i32
  }
  func.func @transform_5(%arg0: i32) -> (i32, i32) {
    %c0_i32 = arith.constant 0 : i32
    %c0_i32_0 = arith.constant 0 : i32
    %c0_i32_1 = arith.constant 0 : i32
    return %c0_i32, %c0_i32_0 : i32, i32
  }
  func.func @transform_6(%arg0: i32) -> (i32, i32) {
    %add3A = arith.constant 64 : i32
    %add3A_0 = arith.addi %add3A, %arg0 : i32
    %c0_i32 = arith.constant 0 : i32
    %c0_i32_1 = arith.constant 0 : i32
    return %add3A_0, %c0_i32 : i32, i32
  }
}

module attributes {stable_mosaic.version = 14 : i64} {
  func.func @_layer_body(%arg0: i32, %arg1: memref<32768x128xf32, #tpu.memory_space<any>>, %arg2: memref<256x128xf32, #tpu.memory_space<vmem>>, %arg3: memref<256x128xf32, #tpu.memory_space<vmem>>, %arg4: memref<1x256x1xi32, #tpu.memory_space<vmem>>, %arg5: memref<256x4096xbf16, #tpu.memory_space<vmem>>, %arg6: memref<32x128xf32, #tpu.memory_space<vmem>>, %arg7: memref<256x128xf32, #tpu.memory_space<vmem>>) attributes {dimension_semantics = [#tpu.dimension_semantics<arbitrary>], iteration_bounds = array<i64: 8>, scalar_prefetch = 0 : i64, scratch_operands = 0 : i64, tpu.core_type = #tpu.core_type<tc>, window_params = [{}, {transform_indices = @transform_1, window_bounds = array<i64: 256, 128>}, {transform_indices = @transform_2, window_bounds = array<i64: 256, 128>}, {transform_indices = @transform_3, window_bounds = array<i64: 1, 256, 1>}, {pipeline_mode = #tpu.pipeline_mode<synchronous>, transform_indices = @transform_4, window_bounds = array<i64: 256, 4096>}, {pipeline_mode = #tpu.pipeline_mode<synchronous>, transform_indices = @transform_5, window_bounds = array<i64: 32, 128>}, {transform_indices = @transform_6, window_bounds = array<i64: 256, 128>}]} {
    %get3A = arith.constant 0 : index
    %get3A_0 = arith.constant 0 : index
    %get3A_1 = vector.load %arg2[%get3A, %get3A_0] : memref<256x128xf32, #tpu.memory_space<vmem>>, vector<256x128xf32>
    %convert_element_type3A = arith.truncf %get3A_1 : vector<256x128xf32> to vector<256x128xbf16>
    %get3A_2 = arith.constant 0 : index
    %get3A_3 = arith.constant 0 : index
    %get3A_4 = vector.load %arg3[%get3A_2, %get3A_3] : memref<256x128xf32, #tpu.memory_space<vmem>>, vector<256x128xf32>
    %convert_element_type3A_5 = arith.truncf %get3A_4 : vector<256x128xf32> to vector<256x128xbf16>
    %concatenate3A = tpu.concatenate %convert_element_type3A, %convert_element_type3A_5 in 1 : vector<256x128xbf16>, vector<256x128xbf16> -> vector<256x256xbf16>
    %get3A_6 = arith.constant 0 : index
    %get3A_7 = arith.constant 0 : index
    %get3A_8 = arith.constant 0 : index
    %get3A_9 = vector.load %arg4[%get3A_6, %get3A_7, %get3A_8] : memref<1x256x1xi32, #tpu.memory_space<vmem>>, vector<1x256x1xi32>
    %get3A_10 = vector.shape_cast %get3A_9 : vector<1x256x1xi32> to vector<256x1xi32>
    %iota3A = tpu.iota {dimensions = array<i32: 1>} : vector<256x32xi32>
    %eq3A = vector.broadcast %get3A_10 : vector<256x1xi32> to vector<256x32xi32>
    %eq3A_11 = arith.cmpi eq, %eq3A, %iota3A : vector<256x32xi32>
    %convert_element_type3A_12 = arith.extui %eq3A_11 : vector<256x32xi1> to vector<256x32xi32>
    %convert_element_type3A_13 = arith.sitofp %convert_element_type3A_12 : vector<256x32xi32> to vector<256x32xf32>
    %get3A_14 = arith.constant 0 : index
    %get3A_15 = arith.constant 0 : index
    %get3A_16 = vector.load %arg5[%get3A_14, %get3A_15] : memref<256x4096xbf16, #tpu.memory_space<vmem>>, vector<256x4096xbf16>
    %dot_general3A = arith.constant dense<0.000000e+00> : vector<256x4096xf32>
    %dot_general3A_17 = tpu.matmul %concatenate3A, %get3A_16, %dot_general3A {dimension_numbers = #tpu.dot_dimension_numbers<[1], [0], [0], [1], [0, 0, 1, 1], [], []>, transpose_lhs_hint = false} : vector<256x256xbf16>, vector<256x4096xbf16>, vector<256x4096xf32> -> vector<256x4096xf32>
    %broadcast_in_dim3A = arith.constant 0.000000e+00 : f32
    %broadcast_in_dim3A_18 = vector.broadcast %broadcast_in_dim3A : f32 to vector<256x128xf32>
    %slice3A = vector.extract_strided_slice %convert_element_type3A_13 {offsets = [0, 0], sizes = [256, 1], strides = [1, 1]} : vector<256x32xf32> to vector<256x1xf32>
    %slice3A_19 = vector.extract_strided_slice %dot_general3A_17 {offsets = [0, 0], sizes = [256, 128], strides = [1, 1]} : vector<256x4096xf32> to vector<256x128xf32>
    %get3A_20 = arith.constant 0 : index
    %get3A_21 = arith.constant 0 : index
    %get3A_22 = vector.load %arg6[%get3A_20, %get3A_21] : memref<32x128xf32, #tpu.memory_space<vmem>>, vector<1x128xf32>
    %add3A = vector.broadcast %get3A_22 : vector<1x128xf32> to vector<256x128xf32>
    %add3A_23 = arith.addf %slice3A_19, %add3A : vector<256x128xf32>
    %mul3A = vector.broadcast %slice3A : vector<256x1xf32> to vector<256x128xf32>
    %mul3A_24 = arith.mulf %mul3A, %add3A_23 : vector<256x128xf32>
    %add3A_25 = arith.addf %broadcast_in_dim3A_18, %mul3A_24 : vector<256x128xf32>
    %slice3A_26 = vector.extract_strided_slice %convert_element_type3A_13 {offsets = [0, 1], sizes = [256, 1], strides = [1, 1]} : vector<256x32xf32> to vector<256x1xf32>
    %slice3A_27 = vector.extract_strided_slice %dot_general3A_17 {offsets = [0, 128], sizes = [256, 128], strides = [1, 1]} : vector<256x4096xf32> to vector<256x128xf32>
    %get3A_28 = arith.constant 1 : index
    %get3A_29 = arith.constant 0 : index
    %get3A_30 = vector.load %arg6[%get3A_28, %get3A_29] : memref<32x128xf32, #tpu.memory_space<vmem>>, vector<1x128xf32>
    %add3A_31 = vector.broadcast %get3A_30 : vector<1x128xf32> to vector<256x128xf32>
    %add3A_32 = arith.addf %slice3A_27, %add3A_31 : vector<256x128xf32>
    %mul3A_33 = vector.broadcast %slice3A_26 : vector<256x1xf32> to vector<256x128xf32>
    %mul3A_34 = arith.mulf %mul3A_33, %add3A_32 : vector<256x128xf32>
    %add3A_35 = arith.addf %add3A_25, %mul3A_34 : vector<256x128xf32>
    %slice3A_36 = vector.extract_strided_slice %convert_element_type3A_13 {offsets = [0, 2], sizes = [256, 1], strides = [1, 1]} : vector<256x32xf32> to vector<256x1xf32>
    %slice3A_37 = vector.extract_strided_slice %dot_general3A_17 {offsets = [0, 256], sizes = [256, 128], strides = [1, 1]} : vector<256x4096xf32> to vector<256x128xf32>
    %get3A_38 = arith.constant 2 : index
    %get3A_39 = arith.constant 0 : index
    %get3A_40 = vector.load %arg6[%get3A_38, %get3A_39] : memref<32x128xf32, #tpu.memory_space<vmem>>, vector<1x128xf32>
    %add3A_41 = vector.broadcast %get3A_40 : vector<1x128xf32> to vector<256x128xf32>
    %add3A_42 = arith.addf %slice3A_37, %add3A_41 : vector<256x128xf32>
    %mul3A_43 = vector.broadcast %slice3A_36 : vector<256x1xf32> to vector<256x128xf32>
    %mul3A_44 = arith.mulf %mul3A_43, %add3A_42 : vector<256x128xf32>
    %add3A_45 = arith.addf %add3A_35, %mul3A_44 : vector<256x128xf32>
    %slice3A_46 = vector.extract_strided_slice %convert_element_type3A_13 {offsets = [0, 3], sizes = [256, 1], strides = [1, 1]} : vector<256x32xf32> to vector<256x1xf32>
    %slice3A_47 = vector.extract_strided_slice %dot_general3A_17 {offsets = [0, 384], sizes = [256, 128], strides = [1, 1]} : vector<256x4096xf32> to vector<256x128xf32>
    %get3A_48 = arith.constant 3 : index
    %get3A_49 = arith.constant 0 : index
    %get3A_50 = vector.load %arg6[%get3A_48, %get3A_49] : memref<32x128xf32, #tpu.memory_space<vmem>>, vector<1x128xf32>
    %add3A_51 = vector.broadcast %get3A_50 : vector<1x128xf32> to vector<256x128xf32>
    %add3A_52 = arith.addf %slice3A_47, %add3A_51 : vector<256x128xf32>
    %mul3A_53 = vector.broadcast %slice3A_46 : vector<256x1xf32> to vector<256x128xf32>
    %mul3A_54 = arith.mulf %mul3A_53, %add3A_52 : vector<256x128xf32>
    %add3A_55 = arith.addf %add3A_45, %mul3A_54 : vector<256x128xf32>
    %slice3A_56 = vector.extract_strided_slice %convert_element_type3A_13 {offsets = [0, 4], sizes = [256, 1], strides = [1, 1]} : vector<256x32xf32> to vector<256x1xf32>
    %slice3A_57 = vector.extract_strided_slice %dot_general3A_17 {offsets = [0, 512], sizes = [256, 128], strides = [1, 1]} : vector<256x4096xf32> to vector<256x128xf32>
    %get3A_58 = arith.constant 4 : index
    %get3A_59 = arith.constant 0 : index
    %get3A_60 = vector.load %arg6[%get3A_58, %get3A_59] : memref<32x128xf32, #tpu.memory_space<vmem>>, vector<1x128xf32>
    %add3A_61 = vector.broadcast %get3A_60 : vector<1x128xf32> to vector<256x128xf32>
    %add3A_62 = arith.addf %slice3A_57, %add3A_61 : vector<256x128xf32>
    %mul3A_63 = vector.broadcast %slice3A_56 : vector<256x1xf32> to vector<256x128xf32>
    %mul3A_64 = arith.mulf %mul3A_63, %add3A_62 : vector<256x128xf32>
    %add3A_65 = arith.addf %add3A_55, %mul3A_64 : vector<256x128xf32>
    %slice3A_66 = vector.extract_strided_slice %convert_element_type3A_13 {offsets = [0, 5], sizes = [256, 1], strides = [1, 1]} : vector<256x32xf32> to vector<256x1xf32>
    %slice3A_67 = vector.extract_strided_slice %dot_general3A_17 {offsets = [0, 640], sizes = [256, 128], strides = [1, 1]} : vector<256x4096xf32> to vector<256x128xf32>
    %get3A_68 = arith.constant 5 : index
    %get3A_69 = arith.constant 0 : index
    %get3A_70 = vector.load %arg6[%get3A_68, %get3A_69] : memref<32x128xf32, #tpu.memory_space<vmem>>, vector<1x128xf32>
    %add3A_71 = vector.broadcast %get3A_70 : vector<1x128xf32> to vector<256x128xf32>
    %add3A_72 = arith.addf %slice3A_67, %add3A_71 : vector<256x128xf32>
    %mul3A_73 = vector.broadcast %slice3A_66 : vector<256x1xf32> to vector<256x128xf32>
    %mul3A_74 = arith.mulf %mul3A_73, %add3A_72 : vector<256x128xf32>
    %add3A_75 = arith.addf %add3A_65, %mul3A_74 : vector<256x128xf32>
    %slice3A_76 = vector.extract_strided_slice %convert_element_type3A_13 {offsets = [0, 6], sizes = [256, 1], strides = [1, 1]} : vector<256x32xf32> to vector<256x1xf32>
    %slice3A_77 = vector.extract_strided_slice %dot_general3A_17 {offsets = [0, 768], sizes = [256, 128], strides = [1, 1]} : vector<256x4096xf32> to vector<256x128xf32>
    %get3A_78 = arith.constant 6 : index
    %get3A_79 = arith.constant 0 : index
    %get3A_80 = vector.load %arg6[%get3A_78, %get3A_79] : memref<32x128xf32, #tpu.memory_space<vmem>>, vector<1x128xf32>
    %add3A_81 = vector.broadcast %get3A_80 : vector<1x128xf32> to vector<256x128xf32>
    %add3A_82 = arith.addf %slice3A_77, %add3A_81 : vector<256x128xf32>
    %mul3A_83 = vector.broadcast %slice3A_76 : vector<256x1xf32> to vector<256x128xf32>
    %mul3A_84 = arith.mulf %mul3A_83, %add3A_82 : vector<256x128xf32>
    %add3A_85 = arith.addf %add3A_75, %mul3A_84 : vector<256x128xf32>
    %slice3A_86 = vector.extract_strided_slice %convert_element_type3A_13 {offsets = [0, 7], sizes = [256, 1], strides = [1, 1]} : vector<256x32xf32> to vector<256x1xf32>
    %slice3A_87 = vector.extract_strided_slice %dot_general3A_17 {offsets = [0, 896], sizes = [256, 128], strides = [1, 1]} : vector<256x4096xf32> to vector<256x128xf32>
    %get3A_88 = arith.constant 7 : index
    %get3A_89 = arith.constant 0 : index
    %get3A_90 = vector.load %arg6[%get3A_88, %get3A_89] : memref<32x128xf32, #tpu.memory_space<vmem>>, vector<1x128xf32>
    %add3A_91 = vector.broadcast %get3A_90 : vector<1x128xf32> to vector<256x128xf32>
    %add3A_92 = arith.addf %slice3A_87, %add3A_91 : vector<256x128xf32>
    %mul3A_93 = vector.broadcast %slice3A_86 : vector<256x1xf32> to vector<256x128xf32>
    %mul3A_94 = arith.mulf %mul3A_93, %add3A_92 : vector<256x128xf32>
    %add3A_95 = arith.addf %add3A_85, %mul3A_94 : vector<256x128xf32>
    %slice3A_96 = vector.extract_strided_slice %convert_element_type3A_13 {offsets = [0, 8], sizes = [256, 1], strides = [1, 1]} : vector<256x32xf32> to vector<256x1xf32>
    %slice3A_97 = vector.extract_strided_slice %dot_general3A_17 {offsets = [0, 1024], sizes = [256, 128], strides = [1, 1]} : vector<256x4096xf32> to vector<256x128xf32>
    %get3A_98 = arith.constant 8 : index
    %get3A_99 = arith.constant 0 : index
    %get3A_100 = vector.load %arg6[%get3A_98, %get3A_99] : memref<32x128xf32, #tpu.memory_space<vmem>>, vector<1x128xf32>
    %add3A_101 = vector.broadcast %get3A_100 : vector<1x128xf32> to vector<256x128xf32>
    %add3A_102 = arith.addf %slice3A_97, %add3A_101 : vector<256x128xf32>
    %mul3A_103 = vector.broadcast %slice3A_96 : vector<256x1xf32> to vector<256x128xf32>
    %mul3A_104 = arith.mulf %mul3A_103, %add3A_102 : vector<256x128xf32>
    %add3A_105 = arith.addf %add3A_95, %mul3A_104 : vector<256x128xf32>
    %slice3A_106 = vector.extract_strided_slice %convert_element_type3A_13 {offsets = [0, 9], sizes = [256, 1], strides = [1, 1]} : vector<256x32xf32> to vector<256x1xf32>
    %slice3A_107 = vector.extract_strided_slice %dot_general3A_17 {offsets = [0, 1152], sizes = [256, 128], strides = [1, 1]} : vector<256x4096xf32> to vector<256x128xf32>
    %get3A_108 = arith.constant 9 : index
    %get3A_109 = arith.constant 0 : index
    %get3A_110 = vector.load %arg6[%get3A_108, %get3A_109] : memref<32x128xf32, #tpu.memory_space<vmem>>, vector<1x128xf32>
    %add3A_111 = vector.broadcast %get3A_110 : vector<1x128xf32> to vector<256x128xf32>
    %add3A_112 = arith.addf %slice3A_107, %add3A_111 : vector<256x128xf32>
    %mul3A_113 = vector.broadcast %slice3A_106 : vector<256x1xf32> to vector<256x128xf32>
    %mul3A_114 = arith.mulf %mul3A_113, %add3A_112 : vector<256x128xf32>
    %add3A_115 = arith.addf %add3A_105, %mul3A_114 : vector<256x128xf32>
    %slice3A_116 = vector.extract_strided_slice %convert_element_type3A_13 {offsets = [0, 10], sizes = [256, 1], strides = [1, 1]} : vector<256x32xf32> to vector<256x1xf32>
    %slice3A_117 = vector.extract_strided_slice %dot_general3A_17 {offsets = [0, 1280], sizes = [256, 128], strides = [1, 1]} : vector<256x4096xf32> to vector<256x128xf32>
    %get3A_118 = arith.constant 10 : index
    %get3A_119 = arith.constant 0 : index
    %get3A_120 = vector.load %arg6[%get3A_118, %get3A_119] : memref<32x128xf32, #tpu.memory_space<vmem>>, vector<1x128xf32>
    %add3A_121 = vector.broadcast %get3A_120 : vector<1x128xf32> to vector<256x128xf32>
    %add3A_122 = arith.addf %slice3A_117, %add3A_121 : vector<256x128xf32>
    %mul3A_123 = vector.broadcast %slice3A_116 : vector<256x1xf32> to vector<256x128xf32>
    %mul3A_124 = arith.mulf %mul3A_123, %add3A_122 : vector<256x128xf32>
    %add3A_125 = arith.addf %add3A_115, %mul3A_124 : vector<256x128xf32>
    %slice3A_126 = vector.extract_strided_slice %convert_element_type3A_13 {offsets = [0, 11], sizes = [256, 1], strides = [1, 1]} : vector<256x32xf32> to vector<256x1xf32>
    %slice3A_127 = vector.extract_strided_slice %dot_general3A_17 {offsets = [0, 1408], sizes = [256, 128], strides = [1, 1]} : vector<256x4096xf32> to vector<256x128xf32>
    %get3A_128 = arith.constant 11 : index
    %get3A_129 = arith.constant 0 : index
    %get3A_130 = vector.load %arg6[%get3A_128, %get3A_129] : memref<32x128xf32, #tpu.memory_space<vmem>>, vector<1x128xf32>
    %add3A_131 = vector.broadcast %get3A_130 : vector<1x128xf32> to vector<256x128xf32>
    %add3A_132 = arith.addf %slice3A_127, %add3A_131 : vector<256x128xf32>
    %mul3A_133 = vector.broadcast %slice3A_126 : vector<256x1xf32> to vector<256x128xf32>
    %mul3A_134 = arith.mulf %mul3A_133, %add3A_132 : vector<256x128xf32>
    %add3A_135 = arith.addf %add3A_125, %mul3A_134 : vector<256x128xf32>
    %slice3A_136 = vector.extract_strided_slice %convert_element_type3A_13 {offsets = [0, 12], sizes = [256, 1], strides = [1, 1]} : vector<256x32xf32> to vector<256x1xf32>
    %slice3A_137 = vector.extract_strided_slice %dot_general3A_17 {offsets = [0, 1536], sizes = [256, 128], strides = [1, 1]} : vector<256x4096xf32> to vector<256x128xf32>
    %get3A_138 = arith.constant 12 : index
    %get3A_139 = arith.constant 0 : index
    %get3A_140 = vector.load %arg6[%get3A_138, %get3A_139] : memref<32x128xf32, #tpu.memory_space<vmem>>, vector<1x128xf32>
    %add3A_141 = vector.broadcast %get3A_140 : vector<1x128xf32> to vector<256x128xf32>
    %add3A_142 = arith.addf %slice3A_137, %add3A_141 : vector<256x128xf32>
    %mul3A_143 = vector.broadcast %slice3A_136 : vector<256x1xf32> to vector<256x128xf32>
    %mul3A_144 = arith.mulf %mul3A_143, %add3A_142 : vector<256x128xf32>
    %add3A_145 = arith.addf %add3A_135, %mul3A_144 : vector<256x128xf32>
    %slice3A_146 = vector.extract_strided_slice %convert_element_type3A_13 {offsets = [0, 13], sizes = [256, 1], strides = [1, 1]} : vector<256x32xf32> to vector<256x1xf32>
    %slice3A_147 = vector.extract_strided_slice %dot_general3A_17 {offsets = [0, 1664], sizes = [256, 128], strides = [1, 1]} : vector<256x4096xf32> to vector<256x128xf32>
    %get3A_148 = arith.constant 13 : index
    %get3A_149 = arith.constant 0 : index
    %get3A_150 = vector.load %arg6[%get3A_148, %get3A_149] : memref<32x128xf32, #tpu.memory_space<vmem>>, vector<1x128xf32>
    %add3A_151 = vector.broadcast %get3A_150 : vector<1x128xf32> to vector<256x128xf32>
    %add3A_152 = arith.addf %slice3A_147, %add3A_151 : vector<256x128xf32>
    %mul3A_153 = vector.broadcast %slice3A_146 : vector<256x1xf32> to vector<256x128xf32>
    %mul3A_154 = arith.mulf %mul3A_153, %add3A_152 : vector<256x128xf32>
    %add3A_155 = arith.addf %add3A_145, %mul3A_154 : vector<256x128xf32>
    %slice3A_156 = vector.extract_strided_slice %convert_element_type3A_13 {offsets = [0, 14], sizes = [256, 1], strides = [1, 1]} : vector<256x32xf32> to vector<256x1xf32>
    %slice3A_157 = vector.extract_strided_slice %dot_general3A_17 {offsets = [0, 1792], sizes = [256, 128], strides = [1, 1]} : vector<256x4096xf32> to vector<256x128xf32>
    %get3A_158 = arith.constant 14 : index
    %get3A_159 = arith.constant 0 : index
    %get3A_160 = vector.load %arg6[%get3A_158, %get3A_159] : memref<32x128xf32, #tpu.memory_space<vmem>>, vector<1x128xf32>
    %add3A_161 = vector.broadcast %get3A_160 : vector<1x128xf32> to vector<256x128xf32>
    %add3A_162 = arith.addf %slice3A_157, %add3A_161 : vector<256x128xf32>
    %mul3A_163 = vector.broadcast %slice3A_156 : vector<256x1xf32> to vector<256x128xf32>
    %mul3A_164 = arith.mulf %mul3A_163, %add3A_162 : vector<256x128xf32>
    %add3A_165 = arith.addf %add3A_155, %mul3A_164 : vector<256x128xf32>
    %slice3A_166 = vector.extract_strided_slice %convert_element_type3A_13 {offsets = [0, 15], sizes = [256, 1], strides = [1, 1]} : vector<256x32xf32> to vector<256x1xf32>
    %slice3A_167 = vector.extract_strided_slice %dot_general3A_17 {offsets = [0, 1920], sizes = [256, 128], strides = [1, 1]} : vector<256x4096xf32> to vector<256x128xf32>
    %get3A_168 = arith.constant 15 : index
    %get3A_169 = arith.constant 0 : index
    %get3A_170 = vector.load %arg6[%get3A_168, %get3A_169] : memref<32x128xf32, #tpu.memory_space<vmem>>, vector<1x128xf32>
    %add3A_171 = vector.broadcast %get3A_170 : vector<1x128xf32> to vector<256x128xf32>
    %add3A_172 = arith.addf %slice3A_167, %add3A_171 : vector<256x128xf32>
    %mul3A_173 = vector.broadcast %slice3A_166 : vector<256x1xf32> to vector<256x128xf32>
    %mul3A_174 = arith.mulf %mul3A_173, %add3A_172 : vector<256x128xf32>
    %add3A_175 = arith.addf %add3A_165, %mul3A_174 : vector<256x128xf32>
    %slice3A_176 = vector.extract_strided_slice %convert_element_type3A_13 {offsets = [0, 16], sizes = [256, 1], strides = [1, 1]} : vector<256x32xf32> to vector<256x1xf32>
    %slice3A_177 = vector.extract_strided_slice %dot_general3A_17 {offsets = [0, 2048], sizes = [256, 128], strides = [1, 1]} : vector<256x4096xf32> to vector<256x128xf32>
    %get3A_178 = arith.constant 16 : index
    %get3A_179 = arith.constant 0 : index
    %get3A_180 = vector.load %arg6[%get3A_178, %get3A_179] : memref<32x128xf32, #tpu.memory_space<vmem>>, vector<1x128xf32>
    %add3A_181 = vector.broadcast %get3A_180 : vector<1x128xf32> to vector<256x128xf32>
    %add3A_182 = arith.addf %slice3A_177, %add3A_181 : vector<256x128xf32>
    %mul3A_183 = vector.broadcast %slice3A_176 : vector<256x1xf32> to vector<256x128xf32>
    %mul3A_184 = arith.mulf %mul3A_183, %add3A_182 : vector<256x128xf32>
    %add3A_185 = arith.addf %add3A_175, %mul3A_184 : vector<256x128xf32>
    %slice3A_186 = vector.extract_strided_slice %convert_element_type3A_13 {offsets = [0, 17], sizes = [256, 1], strides = [1, 1]} : vector<256x32xf32> to vector<256x1xf32>
    %slice3A_187 = vector.extract_strided_slice %dot_general3A_17 {offsets = [0, 2176], sizes = [256, 128], strides = [1, 1]} : vector<256x4096xf32> to vector<256x128xf32>
    %get3A_188 = arith.constant 17 : index
    %get3A_189 = arith.constant 0 : index
    %get3A_190 = vector.load %arg6[%get3A_188, %get3A_189] : memref<32x128xf32, #tpu.memory_space<vmem>>, vector<1x128xf32>
    %add3A_191 = vector.broadcast %get3A_190 : vector<1x128xf32> to vector<256x128xf32>
    %add3A_192 = arith.addf %slice3A_187, %add3A_191 : vector<256x128xf32>
    %mul3A_193 = vector.broadcast %slice3A_186 : vector<256x1xf32> to vector<256x128xf32>
    %mul3A_194 = arith.mulf %mul3A_193, %add3A_192 : vector<256x128xf32>
    %add3A_195 = arith.addf %add3A_185, %mul3A_194 : vector<256x128xf32>
    %slice3A_196 = vector.extract_strided_slice %convert_element_type3A_13 {offsets = [0, 18], sizes = [256, 1], strides = [1, 1]} : vector<256x32xf32> to vector<256x1xf32>
    %slice3A_197 = vector.extract_strided_slice %dot_general3A_17 {offsets = [0, 2304], sizes = [256, 128], strides = [1, 1]} : vector<256x4096xf32> to vector<256x128xf32>
    %get3A_198 = arith.constant 18 : index
    %get3A_199 = arith.constant 0 : index
    %get3A_200 = vector.load %arg6[%get3A_198, %get3A_199] : memref<32x128xf32, #tpu.memory_space<vmem>>, vector<1x128xf32>
    %add3A_201 = vector.broadcast %get3A_200 : vector<1x128xf32> to vector<256x128xf32>
    %add3A_202 = arith.addf %slice3A_197, %add3A_201 : vector<256x128xf32>
    %mul3A_203 = vector.broadcast %slice3A_196 : vector<256x1xf32> to vector<256x128xf32>
    %mul3A_204 = arith.mulf %mul3A_203, %add3A_202 : vector<256x128xf32>
    %add3A_205 = arith.addf %add3A_195, %mul3A_204 : vector<256x128xf32>
    %slice3A_206 = vector.extract_strided_slice %convert_element_type3A_13 {offsets = [0, 19], sizes = [256, 1], strides = [1, 1]} : vector<256x32xf32> to vector<256x1xf32>
    %slice3A_207 = vector.extract_strided_slice %dot_general3A_17 {offsets = [0, 2432], sizes = [256, 128], strides = [1, 1]} : vector<256x4096xf32> to vector<256x128xf32>
    %get3A_208 = arith.constant 19 : index
    %get3A_209 = arith.constant 0 : index
    %get3A_210 = vector.load %arg6[%get3A_208, %get3A_209] : memref<32x128xf32, #tpu.memory_space<vmem>>, vector<1x128xf32>
    %add3A_211 = vector.broadcast %get3A_210 : vector<1x128xf32> to vector<256x128xf32>
    %add3A_212 = arith.addf %slice3A_207, %add3A_211 : vector<256x128xf32>
    %mul3A_213 = vector.broadcast %slice3A_206 : vector<256x1xf32> to vector<256x128xf32>
    %mul3A_214 = arith.mulf %mul3A_213, %add3A_212 : vector<256x128xf32>
    %add3A_215 = arith.addf %add3A_205, %mul3A_214 : vector<256x128xf32>
    %slice3A_216 = vector.extract_strided_slice %convert_element_type3A_13 {offsets = [0, 20], sizes = [256, 1], strides = [1, 1]} : vector<256x32xf32> to vector<256x1xf32>
    %slice3A_217 = vector.extract_strided_slice %dot_general3A_17 {offsets = [0, 2560], sizes = [256, 128], strides = [1, 1]} : vector<256x4096xf32> to vector<256x128xf32>
    %get3A_218 = arith.constant 20 : index
    %get3A_219 = arith.constant 0 : index
    %get3A_220 = vector.load %arg6[%get3A_218, %get3A_219] : memref<32x128xf32, #tpu.memory_space<vmem>>, vector<1x128xf32>
    %add3A_221 = vector.broadcast %get3A_220 : vector<1x128xf32> to vector<256x128xf32>
    %add3A_222 = arith.addf %slice3A_217, %add3A_221 : vector<256x128xf32>
    %mul3A_223 = vector.broadcast %slice3A_216 : vector<256x1xf32> to vector<256x128xf32>
    %mul3A_224 = arith.mulf %mul3A_223, %add3A_222 : vector<256x128xf32>
    %add3A_225 = arith.addf %add3A_215, %mul3A_224 : vector<256x128xf32>
    %slice3A_226 = vector.extract_strided_slice %convert_element_type3A_13 {offsets = [0, 21], sizes = [256, 1], strides = [1, 1]} : vector<256x32xf32> to vector<256x1xf32>
    %slice3A_227 = vector.extract_strided_slice %dot_general3A_17 {offsets = [0, 2688], sizes = [256, 128], strides = [1, 1]} : vector<256x4096xf32> to vector<256x128xf32>
    %get3A_228 = arith.constant 21 : index
    %get3A_229 = arith.constant 0 : index
    %get3A_230 = vector.load %arg6[%get3A_228, %get3A_229] : memref<32x128xf32, #tpu.memory_space<vmem>>, vector<1x128xf32>
    %add3A_231 = vector.broadcast %get3A_230 : vector<1x128xf32> to vector<256x128xf32>
    %add3A_232 = arith.addf %slice3A_227, %add3A_231 : vector<256x128xf32>
    %mul3A_233 = vector.broadcast %slice3A_226 : vector<256x1xf32> to vector<256x128xf32>
    %mul3A_234 = arith.mulf %mul3A_233, %add3A_232 : vector<256x128xf32>
    %add3A_235 = arith.addf %add3A_225, %mul3A_234 : vector<256x128xf32>
    %slice3A_236 = vector.extract_strided_slice %convert_element_type3A_13 {offsets = [0, 22], sizes = [256, 1], strides = [1, 1]} : vector<256x32xf32> to vector<256x1xf32>
    %slice3A_237 = vector.extract_strided_slice %dot_general3A_17 {offsets = [0, 2816], sizes = [256, 128], strides = [1, 1]} : vector<256x4096xf32> to vector<256x128xf32>
    %get3A_238 = arith.constant 22 : index
    %get3A_239 = arith.constant 0 : index
    %get3A_240 = vector.load %arg6[%get3A_238, %get3A_239] : memref<32x128xf32, #tpu.memory_space<vmem>>, vector<1x128xf32>
    %add3A_241 = vector.broadcast %get3A_240 : vector<1x128xf32> to vector<256x128xf32>
    %add3A_242 = arith.addf %slice3A_237, %add3A_241 : vector<256x128xf32>
    %mul3A_243 = vector.broadcast %slice3A_236 : vector<256x1xf32> to vector<256x128xf32>
    %mul3A_244 = arith.mulf %mul3A_243, %add3A_242 : vector<256x128xf32>
    %add3A_245 = arith.addf %add3A_235, %mul3A_244 : vector<256x128xf32>
    %slice3A_246 = vector.extract_strided_slice %convert_element_type3A_13 {offsets = [0, 23], sizes = [256, 1], strides = [1, 1]} : vector<256x32xf32> to vector<256x1xf32>
    %slice3A_247 = vector.extract_strided_slice %dot_general3A_17 {offsets = [0, 2944], sizes = [256, 128], strides = [1, 1]} : vector<256x4096xf32> to vector<256x128xf32>
    %get3A_248 = arith.constant 23 : index
    %get3A_249 = arith.constant 0 : index
    %get3A_250 = vector.load %arg6[%get3A_248, %get3A_249] : memref<32x128xf32, #tpu.memory_space<vmem>>, vector<1x128xf32>
    %add3A_251 = vector.broadcast %get3A_250 : vector<1x128xf32> to vector<256x128xf32>
    %add3A_252 = arith.addf %slice3A_247, %add3A_251 : vector<256x128xf32>
    %mul3A_253 = vector.broadcast %slice3A_246 : vector<256x1xf32> to vector<256x128xf32>
    %mul3A_254 = arith.mulf %mul3A_253, %add3A_252 : vector<256x128xf32>
    %add3A_255 = arith.addf %add3A_245, %mul3A_254 : vector<256x128xf32>
    %slice3A_256 = vector.extract_strided_slice %convert_element_type3A_13 {offsets = [0, 24], sizes = [256, 1], strides = [1, 1]} : vector<256x32xf32> to vector<256x1xf32>
    %slice3A_257 = vector.extract_strided_slice %dot_general3A_17 {offsets = [0, 3072], sizes = [256, 128], strides = [1, 1]} : vector<256x4096xf32> to vector<256x128xf32>
    %get3A_258 = arith.constant 24 : index
    %get3A_259 = arith.constant 0 : index
    %get3A_260 = vector.load %arg6[%get3A_258, %get3A_259] : memref<32x128xf32, #tpu.memory_space<vmem>>, vector<1x128xf32>
    %add3A_261 = vector.broadcast %get3A_260 : vector<1x128xf32> to vector<256x128xf32>
    %add3A_262 = arith.addf %slice3A_257, %add3A_261 : vector<256x128xf32>
    %mul3A_263 = vector.broadcast %slice3A_256 : vector<256x1xf32> to vector<256x128xf32>
    %mul3A_264 = arith.mulf %mul3A_263, %add3A_262 : vector<256x128xf32>
    %add3A_265 = arith.addf %add3A_255, %mul3A_264 : vector<256x128xf32>
    %slice3A_266 = vector.extract_strided_slice %convert_element_type3A_13 {offsets = [0, 25], sizes = [256, 1], strides = [1, 1]} : vector<256x32xf32> to vector<256x1xf32>
    %slice3A_267 = vector.extract_strided_slice %dot_general3A_17 {offsets = [0, 3200], sizes = [256, 128], strides = [1, 1]} : vector<256x4096xf32> to vector<256x128xf32>
    %get3A_268 = arith.constant 25 : index
    %get3A_269 = arith.constant 0 : index
    %get3A_270 = vector.load %arg6[%get3A_268, %get3A_269] : memref<32x128xf32, #tpu.memory_space<vmem>>, vector<1x128xf32>
    %add3A_271 = vector.broadcast %get3A_270 : vector<1x128xf32> to vector<256x128xf32>
    %add3A_272 = arith.addf %slice3A_267, %add3A_271 : vector<256x128xf32>
    %mul3A_273 = vector.broadcast %slice3A_266 : vector<256x1xf32> to vector<256x128xf32>
    %mul3A_274 = arith.mulf %mul3A_273, %add3A_272 : vector<256x128xf32>
    %add3A_275 = arith.addf %add3A_265, %mul3A_274 : vector<256x128xf32>
    %slice3A_276 = vector.extract_strided_slice %convert_element_type3A_13 {offsets = [0, 26], sizes = [256, 1], strides = [1, 1]} : vector<256x32xf32> to vector<256x1xf32>
    %slice3A_277 = vector.extract_strided_slice %dot_general3A_17 {offsets = [0, 3328], sizes = [256, 128], strides = [1, 1]} : vector<256x4096xf32> to vector<256x128xf32>
    %get3A_278 = arith.constant 26 : index
    %get3A_279 = arith.constant 0 : index
    %get3A_280 = vector.load %arg6[%get3A_278, %get3A_279] : memref<32x128xf32, #tpu.memory_space<vmem>>, vector<1x128xf32>
    %add3A_281 = vector.broadcast %get3A_280 : vector<1x128xf32> to vector<256x128xf32>
    %add3A_282 = arith.addf %slice3A_277, %add3A_281 : vector<256x128xf32>
    %mul3A_283 = vector.broadcast %slice3A_276 : vector<256x1xf32> to vector<256x128xf32>
    %mul3A_284 = arith.mulf %mul3A_283, %add3A_282 : vector<256x128xf32>
    %add3A_285 = arith.addf %add3A_275, %mul3A_284 : vector<256x128xf32>
    %slice3A_286 = vector.extract_strided_slice %convert_element_type3A_13 {offsets = [0, 27], sizes = [256, 1], strides = [1, 1]} : vector<256x32xf32> to vector<256x1xf32>
    %slice3A_287 = vector.extract_strided_slice %dot_general3A_17 {offsets = [0, 3456], sizes = [256, 128], strides = [1, 1]} : vector<256x4096xf32> to vector<256x128xf32>
    %get3A_288 = arith.constant 27 : index
    %get3A_289 = arith.constant 0 : index
    %get3A_290 = vector.load %arg6[%get3A_288, %get3A_289] : memref<32x128xf32, #tpu.memory_space<vmem>>, vector<1x128xf32>
    %add3A_291 = vector.broadcast %get3A_290 : vector<1x128xf32> to vector<256x128xf32>
    %add3A_292 = arith.addf %slice3A_287, %add3A_291 : vector<256x128xf32>
    %mul3A_293 = vector.broadcast %slice3A_286 : vector<256x1xf32> to vector<256x128xf32>
    %mul3A_294 = arith.mulf %mul3A_293, %add3A_292 : vector<256x128xf32>
    %add3A_295 = arith.addf %add3A_285, %mul3A_294 : vector<256x128xf32>
    %slice3A_296 = vector.extract_strided_slice %convert_element_type3A_13 {offsets = [0, 28], sizes = [256, 1], strides = [1, 1]} : vector<256x32xf32> to vector<256x1xf32>
    %slice3A_297 = vector.extract_strided_slice %dot_general3A_17 {offsets = [0, 3584], sizes = [256, 128], strides = [1, 1]} : vector<256x4096xf32> to vector<256x128xf32>
    %get3A_298 = arith.constant 28 : index
    %get3A_299 = arith.constant 0 : index
    %get3A_300 = vector.load %arg6[%get3A_298, %get3A_299] : memref<32x128xf32, #tpu.memory_space<vmem>>, vector<1x128xf32>
    %add3A_301 = vector.broadcast %get3A_300 : vector<1x128xf32> to vector<256x128xf32>
    %add3A_302 = arith.addf %slice3A_297, %add3A_301 : vector<256x128xf32>
    %mul3A_303 = vector.broadcast %slice3A_296 : vector<256x1xf32> to vector<256x128xf32>
    %mul3A_304 = arith.mulf %mul3A_303, %add3A_302 : vector<256x128xf32>
    %add3A_305 = arith.addf %add3A_295, %mul3A_304 : vector<256x128xf32>
    %slice3A_306 = vector.extract_strided_slice %convert_element_type3A_13 {offsets = [0, 29], sizes = [256, 1], strides = [1, 1]} : vector<256x32xf32> to vector<256x1xf32>
    %slice3A_307 = vector.extract_strided_slice %dot_general3A_17 {offsets = [0, 3712], sizes = [256, 128], strides = [1, 1]} : vector<256x4096xf32> to vector<256x128xf32>
    %get3A_308 = arith.constant 29 : index
    %get3A_309 = arith.constant 0 : index
    %get3A_310 = vector.load %arg6[%get3A_308, %get3A_309] : memref<32x128xf32, #tpu.memory_space<vmem>>, vector<1x128xf32>
    %add3A_311 = vector.broadcast %get3A_310 : vector<1x128xf32> to vector<256x128xf32>
    %add3A_312 = arith.addf %slice3A_307, %add3A_311 : vector<256x128xf32>
    %mul3A_313 = vector.broadcast %slice3A_306 : vector<256x1xf32> to vector<256x128xf32>
    %mul3A_314 = arith.mulf %mul3A_313, %add3A_312 : vector<256x128xf32>
    %add3A_315 = arith.addf %add3A_305, %mul3A_314 : vector<256x128xf32>
    %slice3A_316 = vector.extract_strided_slice %convert_element_type3A_13 {offsets = [0, 30], sizes = [256, 1], strides = [1, 1]} : vector<256x32xf32> to vector<256x1xf32>
    %slice3A_317 = vector.extract_strided_slice %dot_general3A_17 {offsets = [0, 3840], sizes = [256, 128], strides = [1, 1]} : vector<256x4096xf32> to vector<256x128xf32>
    %get3A_318 = arith.constant 30 : index
    %get3A_319 = arith.constant 0 : index
    %get3A_320 = vector.load %arg6[%get3A_318, %get3A_319] : memref<32x128xf32, #tpu.memory_space<vmem>>, vector<1x128xf32>
    %add3A_321 = vector.broadcast %get3A_320 : vector<1x128xf32> to vector<256x128xf32>
    %add3A_322 = arith.addf %slice3A_317, %add3A_321 : vector<256x128xf32>
    %mul3A_323 = vector.broadcast %slice3A_316 : vector<256x1xf32> to vector<256x128xf32>
    %mul3A_324 = arith.mulf %mul3A_323, %add3A_322 : vector<256x128xf32>
    %add3A_325 = arith.addf %add3A_315, %mul3A_324 : vector<256x128xf32>
    %slice3A_326 = vector.extract_strided_slice %convert_element_type3A_13 {offsets = [0, 31], sizes = [256, 1], strides = [1, 1]} : vector<256x32xf32> to vector<256x1xf32>
    %slice3A_327 = vector.extract_strided_slice %dot_general3A_17 {offsets = [0, 3968], sizes = [256, 128], strides = [1, 1]} : vector<256x4096xf32> to vector<256x128xf32>
    %get3A_328 = arith.constant 31 : index
    %get3A_329 = arith.constant 0 : index
    %get3A_330 = vector.load %arg6[%get3A_328, %get3A_329] : memref<32x128xf32, #tpu.memory_space<vmem>>, vector<1x128xf32>
    %add3A_331 = vector.broadcast %get3A_330 : vector<1x128xf32> to vector<256x128xf32>
    %add3A_332 = arith.addf %slice3A_327, %add3A_331 : vector<256x128xf32>
    %mul3A_333 = vector.broadcast %slice3A_326 : vector<256x1xf32> to vector<256x128xf32>
    %mul3A_334 = arith.mulf %mul3A_333, %add3A_332 : vector<256x128xf32>
    %add3A_335 = arith.addf %add3A_325, %mul3A_334 : vector<256x128xf32>
    %tanh3A = math.tanh %add3A_335 : vector<256x128xf32>
    %swap3A = arith.constant 0 : index
    %swap3A_336 = arith.constant 0 : index
    %swap3A_337 = vector.load %arg7[%swap3A, %swap3A_336] : memref<256x128xf32, #tpu.memory_space<vmem>>, vector<256x128xf32>
    tpu.vector_store %arg7[%swap3A, %swap3A_336], %tanh3A {strides = array<i32>} : memref<256x128xf32, #tpu.memory_space<vmem>>, vector<256x128xf32>,
    return
  }
  func.func @transform_1(%arg0: i32) -> (i32, i32) {
    %c0_i32 = arith.constant 0 : i32
    %c0_i32_0 = arith.constant 0 : i32
    return %arg0, %c0_i32 : i32, i32
  }
  func.func @transform_2(%arg0: i32) -> (i32, i32) {
    %add3A = arith.constant 8 : i32
    %add3A_0 = arith.addi %add3A, %arg0 : i32
    %c0_i32 = arith.constant 0 : i32
    %c0_i32_1 = arith.constant 0 : i32
    return %add3A_0, %c0_i32 : i32, i32
  }
  func.func @transform_3(%arg0: i32) -> (i32, i32, i32) {
    %c1_i32 = arith.constant 1 : i32
    %c0_i32 = arith.constant 0 : i32
    %c0_i32_0 = arith.constant 0 : i32
    return %c1_i32, %arg0, %c0_i32 : i32, i32, i32
  }
  func.func @transform_4(%arg0: i32) -> (i32, i32) {
    %c0_i32 = arith.constant 0 : i32
    %c0_i32_0 = arith.constant 0 : i32
    %c0_i32_1 = arith.constant 0 : i32
    return %c0_i32, %c0_i32_0 : i32, i32
  }
  func.func @transform_5(%arg0: i32) -> (i32, i32) {
    %c0_i32 = arith.constant 0 : i32
    %c0_i32_0 = arith.constant 0 : i32
    %c0_i32_1 = arith.constant 0 : i32
    return %c0_i32, %c0_i32_0 : i32, i32
  }
  func.func @transform_6(%arg0: i32) -> (i32, i32) {
    %add3A = arith.constant 72 : i32
    %add3A_0 = arith.addi %add3A, %arg0 : i32
    %c0_i32 = arith.constant 0 : i32
    %c0_i32_1 = arith.constant 0 : i32
    return %add3A_0, %c0_i32 : i32, i32
  }
}

module attributes {stable_mosaic.version = 14 : i64} {
  func.func @_layer_body(%arg0: i32, %arg1: memref<32768x128xf32, #tpu.memory_space<any>>, %arg2: memref<256x128xf32, #tpu.memory_space<vmem>>, %arg3: memref<256x128xf32, #tpu.memory_space<vmem>>, %arg4: memref<1x256x1xi32, #tpu.memory_space<vmem>>, %arg5: memref<256x4096xbf16, #tpu.memory_space<vmem>>, %arg6: memref<32x128xf32, #tpu.memory_space<vmem>>, %arg7: memref<256x128xf32, #tpu.memory_space<vmem>>) attributes {dimension_semantics = [#tpu.dimension_semantics<arbitrary>], iteration_bounds = array<i64: 8>, scalar_prefetch = 0 : i64, scratch_operands = 0 : i64, tpu.core_type = #tpu.core_type<tc>, window_params = [{}, {transform_indices = @transform_1, window_bounds = array<i64: 256, 128>}, {transform_indices = @transform_2, window_bounds = array<i64: 256, 128>}, {transform_indices = @transform_3, window_bounds = array<i64: 1, 256, 1>}, {pipeline_mode = #tpu.pipeline_mode<synchronous>, transform_indices = @transform_4, window_bounds = array<i64: 256, 4096>}, {pipeline_mode = #tpu.pipeline_mode<synchronous>, transform_indices = @transform_5, window_bounds = array<i64: 32, 128>}, {transform_indices = @transform_6, window_bounds = array<i64: 256, 128>}]} {
    %get3A = arith.constant 0 : index
    %get3A_0 = arith.constant 0 : index
    %get3A_1 = vector.load %arg2[%get3A, %get3A_0] : memref<256x128xf32, #tpu.memory_space<vmem>>, vector<256x128xf32>
    %convert_element_type3A = arith.truncf %get3A_1 : vector<256x128xf32> to vector<256x128xbf16>
    %get3A_2 = arith.constant 0 : index
    %get3A_3 = arith.constant 0 : index
    %get3A_4 = vector.load %arg3[%get3A_2, %get3A_3] : memref<256x128xf32, #tpu.memory_space<vmem>>, vector<256x128xf32>
    %convert_element_type3A_5 = arith.truncf %get3A_4 : vector<256x128xf32> to vector<256x128xbf16>
    %concatenate3A = tpu.concatenate %convert_element_type3A, %convert_element_type3A_5 in 1 : vector<256x128xbf16>, vector<256x128xbf16> -> vector<256x256xbf16>
    %get3A_6 = arith.constant 0 : index
    %get3A_7 = arith.constant 0 : index
    %get3A_8 = arith.constant 0 : index
    %get3A_9 = vector.load %arg4[%get3A_6, %get3A_7, %get3A_8] : memref<1x256x1xi32, #tpu.memory_space<vmem>>, vector<1x256x1xi32>
    %get3A_10 = vector.shape_cast %get3A_9 : vector<1x256x1xi32> to vector<256x1xi32>
    %iota3A = tpu.iota {dimensions = array<i32: 1>} : vector<256x32xi32>
    %eq3A = vector.broadcast %get3A_10 : vector<256x1xi32> to vector<256x32xi32>
    %eq3A_11 = arith.cmpi eq, %eq3A, %iota3A : vector<256x32xi32>
    %convert_element_type3A_12 = arith.extui %eq3A_11 : vector<256x32xi1> to vector<256x32xi32>
    %convert_element_type3A_13 = arith.sitofp %convert_element_type3A_12 : vector<256x32xi32> to vector<256x32xf32>
    %get3A_14 = arith.constant 0 : index
    %get3A_15 = arith.constant 0 : index
    %get3A_16 = vector.load %arg5[%get3A_14, %get3A_15] : memref<256x4096xbf16, #tpu.memory_space<vmem>>, vector<256x4096xbf16>
    %dot_general3A = arith.constant dense<0.000000e+00> : vector<256x4096xf32>
    %dot_general3A_17 = tpu.matmul %concatenate3A, %get3A_16, %dot_general3A {dimension_numbers = #tpu.dot_dimension_numbers<[1], [0], [0], [1], [0, 0, 1, 1], [], []>, transpose_lhs_hint = false} : vector<256x256xbf16>, vector<256x4096xbf16>, vector<256x4096xf32> -> vector<256x4096xf32>
    %broadcast_in_dim3A = arith.constant 0.000000e+00 : f32
    %broadcast_in_dim3A_18 = vector.broadcast %broadcast_in_dim3A : f32 to vector<256x128xf32>
    %slice3A = vector.extract_strided_slice %convert_element_type3A_13 {offsets = [0, 0], sizes = [256, 1], strides = [1, 1]} : vector<256x32xf32> to vector<256x1xf32>
    %slice3A_19 = vector.extract_strided_slice %dot_general3A_17 {offsets = [0, 0], sizes = [256, 128], strides = [1, 1]} : vector<256x4096xf32> to vector<256x128xf32>
    %get3A_20 = arith.constant 0 : index
    %get3A_21 = arith.constant 0 : index
    %get3A_22 = vector.load %arg6[%get3A_20, %get3A_21] : memref<32x128xf32, #tpu.memory_space<vmem>>, vector<1x128xf32>
    %add3A = vector.broadcast %get3A_22 : vector<1x128xf32> to vector<256x128xf32>
    %add3A_23 = arith.addf %slice3A_19, %add3A : vector<256x128xf32>
    %mul3A = vector.broadcast %slice3A : vector<256x1xf32> to vector<256x128xf32>
    %mul3A_24 = arith.mulf %mul3A, %add3A_23 : vector<256x128xf32>
    %add3A_25 = arith.addf %broadcast_in_dim3A_18, %mul3A_24 : vector<256x128xf32>
    %slice3A_26 = vector.extract_strided_slice %convert_element_type3A_13 {offsets = [0, 1], sizes = [256, 1], strides = [1, 1]} : vector<256x32xf32> to vector<256x1xf32>
    %slice3A_27 = vector.extract_strided_slice %dot_general3A_17 {offsets = [0, 128], sizes = [256, 128], strides = [1, 1]} : vector<256x4096xf32> to vector<256x128xf32>
    %get3A_28 = arith.constant 1 : index
    %get3A_29 = arith.constant 0 : index
    %get3A_30 = vector.load %arg6[%get3A_28, %get3A_29] : memref<32x128xf32, #tpu.memory_space<vmem>>, vector<1x128xf32>
    %add3A_31 = vector.broadcast %get3A_30 : vector<1x128xf32> to vector<256x128xf32>
    %add3A_32 = arith.addf %slice3A_27, %add3A_31 : vector<256x128xf32>
    %mul3A_33 = vector.broadcast %slice3A_26 : vector<256x1xf32> to vector<256x128xf32>
    %mul3A_34 = arith.mulf %mul3A_33, %add3A_32 : vector<256x128xf32>
    %add3A_35 = arith.addf %add3A_25, %mul3A_34 : vector<256x128xf32>
    %slice3A_36 = vector.extract_strided_slice %convert_element_type3A_13 {offsets = [0, 2], sizes = [256, 1], strides = [1, 1]} : vector<256x32xf32> to vector<256x1xf32>
    %slice3A_37 = vector.extract_strided_slice %dot_general3A_17 {offsets = [0, 256], sizes = [256, 128], strides = [1, 1]} : vector<256x4096xf32> to vector<256x128xf32>
    %get3A_38 = arith.constant 2 : index
    %get3A_39 = arith.constant 0 : index
    %get3A_40 = vector.load %arg6[%get3A_38, %get3A_39] : memref<32x128xf32, #tpu.memory_space<vmem>>, vector<1x128xf32>
    %add3A_41 = vector.broadcast %get3A_40 : vector<1x128xf32> to vector<256x128xf32>
    %add3A_42 = arith.addf %slice3A_37, %add3A_41 : vector<256x128xf32>
    %mul3A_43 = vector.broadcast %slice3A_36 : vector<256x1xf32> to vector<256x128xf32>
    %mul3A_44 = arith.mulf %mul3A_43, %add3A_42 : vector<256x128xf32>
    %add3A_45 = arith.addf %add3A_35, %mul3A_44 : vector<256x128xf32>
    %slice3A_46 = vector.extract_strided_slice %convert_element_type3A_13 {offsets = [0, 3], sizes = [256, 1], strides = [1, 1]} : vector<256x32xf32> to vector<256x1xf32>
    %slice3A_47 = vector.extract_strided_slice %dot_general3A_17 {offsets = [0, 384], sizes = [256, 128], strides = [1, 1]} : vector<256x4096xf32> to vector<256x128xf32>
    %get3A_48 = arith.constant 3 : index
    %get3A_49 = arith.constant 0 : index
    %get3A_50 = vector.load %arg6[%get3A_48, %get3A_49] : memref<32x128xf32, #tpu.memory_space<vmem>>, vector<1x128xf32>
    %add3A_51 = vector.broadcast %get3A_50 : vector<1x128xf32> to vector<256x128xf32>
    %add3A_52 = arith.addf %slice3A_47, %add3A_51 : vector<256x128xf32>
    %mul3A_53 = vector.broadcast %slice3A_46 : vector<256x1xf32> to vector<256x128xf32>
    %mul3A_54 = arith.mulf %mul3A_53, %add3A_52 : vector<256x128xf32>
    %add3A_55 = arith.addf %add3A_45, %mul3A_54 : vector<256x128xf32>
    %slice3A_56 = vector.extract_strided_slice %convert_element_type3A_13 {offsets = [0, 4], sizes = [256, 1], strides = [1, 1]} : vector<256x32xf32> to vector<256x1xf32>
    %slice3A_57 = vector.extract_strided_slice %dot_general3A_17 {offsets = [0, 512], sizes = [256, 128], strides = [1, 1]} : vector<256x4096xf32> to vector<256x128xf32>
    %get3A_58 = arith.constant 4 : index
    %get3A_59 = arith.constant 0 : index
    %get3A_60 = vector.load %arg6[%get3A_58, %get3A_59] : memref<32x128xf32, #tpu.memory_space<vmem>>, vector<1x128xf32>
    %add3A_61 = vector.broadcast %get3A_60 : vector<1x128xf32> to vector<256x128xf32>
    %add3A_62 = arith.addf %slice3A_57, %add3A_61 : vector<256x128xf32>
    %mul3A_63 = vector.broadcast %slice3A_56 : vector<256x1xf32> to vector<256x128xf32>
    %mul3A_64 = arith.mulf %mul3A_63, %add3A_62 : vector<256x128xf32>
    %add3A_65 = arith.addf %add3A_55, %mul3A_64 : vector<256x128xf32>
    %slice3A_66 = vector.extract_strided_slice %convert_element_type3A_13 {offsets = [0, 5], sizes = [256, 1], strides = [1, 1]} : vector<256x32xf32> to vector<256x1xf32>
    %slice3A_67 = vector.extract_strided_slice %dot_general3A_17 {offsets = [0, 640], sizes = [256, 128], strides = [1, 1]} : vector<256x4096xf32> to vector<256x128xf32>
    %get3A_68 = arith.constant 5 : index
    %get3A_69 = arith.constant 0 : index
    %get3A_70 = vector.load %arg6[%get3A_68, %get3A_69] : memref<32x128xf32, #tpu.memory_space<vmem>>, vector<1x128xf32>
    %add3A_71 = vector.broadcast %get3A_70 : vector<1x128xf32> to vector<256x128xf32>
    %add3A_72 = arith.addf %slice3A_67, %add3A_71 : vector<256x128xf32>
    %mul3A_73 = vector.broadcast %slice3A_66 : vector<256x1xf32> to vector<256x128xf32>
    %mul3A_74 = arith.mulf %mul3A_73, %add3A_72 : vector<256x128xf32>
    %add3A_75 = arith.addf %add3A_65, %mul3A_74 : vector<256x128xf32>
    %slice3A_76 = vector.extract_strided_slice %convert_element_type3A_13 {offsets = [0, 6], sizes = [256, 1], strides = [1, 1]} : vector<256x32xf32> to vector<256x1xf32>
    %slice3A_77 = vector.extract_strided_slice %dot_general3A_17 {offsets = [0, 768], sizes = [256, 128], strides = [1, 1]} : vector<256x4096xf32> to vector<256x128xf32>
    %get3A_78 = arith.constant 6 : index
    %get3A_79 = arith.constant 0 : index
    %get3A_80 = vector.load %arg6[%get3A_78, %get3A_79] : memref<32x128xf32, #tpu.memory_space<vmem>>, vector<1x128xf32>
    %add3A_81 = vector.broadcast %get3A_80 : vector<1x128xf32> to vector<256x128xf32>
    %add3A_82 = arith.addf %slice3A_77, %add3A_81 : vector<256x128xf32>
    %mul3A_83 = vector.broadcast %slice3A_76 : vector<256x1xf32> to vector<256x128xf32>
    %mul3A_84 = arith.mulf %mul3A_83, %add3A_82 : vector<256x128xf32>
    %add3A_85 = arith.addf %add3A_75, %mul3A_84 : vector<256x128xf32>
    %slice3A_86 = vector.extract_strided_slice %convert_element_type3A_13 {offsets = [0, 7], sizes = [256, 1], strides = [1, 1]} : vector<256x32xf32> to vector<256x1xf32>
    %slice3A_87 = vector.extract_strided_slice %dot_general3A_17 {offsets = [0, 896], sizes = [256, 128], strides = [1, 1]} : vector<256x4096xf32> to vector<256x128xf32>
    %get3A_88 = arith.constant 7 : index
    %get3A_89 = arith.constant 0 : index
    %get3A_90 = vector.load %arg6[%get3A_88, %get3A_89] : memref<32x128xf32, #tpu.memory_space<vmem>>, vector<1x128xf32>
    %add3A_91 = vector.broadcast %get3A_90 : vector<1x128xf32> to vector<256x128xf32>
    %add3A_92 = arith.addf %slice3A_87, %add3A_91 : vector<256x128xf32>
    %mul3A_93 = vector.broadcast %slice3A_86 : vector<256x1xf32> to vector<256x128xf32>
    %mul3A_94 = arith.mulf %mul3A_93, %add3A_92 : vector<256x128xf32>
    %add3A_95 = arith.addf %add3A_85, %mul3A_94 : vector<256x128xf32>
    %slice3A_96 = vector.extract_strided_slice %convert_element_type3A_13 {offsets = [0, 8], sizes = [256, 1], strides = [1, 1]} : vector<256x32xf32> to vector<256x1xf32>
    %slice3A_97 = vector.extract_strided_slice %dot_general3A_17 {offsets = [0, 1024], sizes = [256, 128], strides = [1, 1]} : vector<256x4096xf32> to vector<256x128xf32>
    %get3A_98 = arith.constant 8 : index
    %get3A_99 = arith.constant 0 : index
    %get3A_100 = vector.load %arg6[%get3A_98, %get3A_99] : memref<32x128xf32, #tpu.memory_space<vmem>>, vector<1x128xf32>
    %add3A_101 = vector.broadcast %get3A_100 : vector<1x128xf32> to vector<256x128xf32>
    %add3A_102 = arith.addf %slice3A_97, %add3A_101 : vector<256x128xf32>
    %mul3A_103 = vector.broadcast %slice3A_96 : vector<256x1xf32> to vector<256x128xf32>
    %mul3A_104 = arith.mulf %mul3A_103, %add3A_102 : vector<256x128xf32>
    %add3A_105 = arith.addf %add3A_95, %mul3A_104 : vector<256x128xf32>
    %slice3A_106 = vector.extract_strided_slice %convert_element_type3A_13 {offsets = [0, 9], sizes = [256, 1], strides = [1, 1]} : vector<256x32xf32> to vector<256x1xf32>
    %slice3A_107 = vector.extract_strided_slice %dot_general3A_17 {offsets = [0, 1152], sizes = [256, 128], strides = [1, 1]} : vector<256x4096xf32> to vector<256x128xf32>
    %get3A_108 = arith.constant 9 : index
    %get3A_109 = arith.constant 0 : index
    %get3A_110 = vector.load %arg6[%get3A_108, %get3A_109] : memref<32x128xf32, #tpu.memory_space<vmem>>, vector<1x128xf32>
    %add3A_111 = vector.broadcast %get3A_110 : vector<1x128xf32> to vector<256x128xf32>
    %add3A_112 = arith.addf %slice3A_107, %add3A_111 : vector<256x128xf32>
    %mul3A_113 = vector.broadcast %slice3A_106 : vector<256x1xf32> to vector<256x128xf32>
    %mul3A_114 = arith.mulf %mul3A_113, %add3A_112 : vector<256x128xf32>
    %add3A_115 = arith.addf %add3A_105, %mul3A_114 : vector<256x128xf32>
    %slice3A_116 = vector.extract_strided_slice %convert_element_type3A_13 {offsets = [0, 10], sizes = [256, 1], strides = [1, 1]} : vector<256x32xf32> to vector<256x1xf32>
    %slice3A_117 = vector.extract_strided_slice %dot_general3A_17 {offsets = [0, 1280], sizes = [256, 128], strides = [1, 1]} : vector<256x4096xf32> to vector<256x128xf32>
    %get3A_118 = arith.constant 10 : index
    %get3A_119 = arith.constant 0 : index
    %get3A_120 = vector.load %arg6[%get3A_118, %get3A_119] : memref<32x128xf32, #tpu.memory_space<vmem>>, vector<1x128xf32>
    %add3A_121 = vector.broadcast %get3A_120 : vector<1x128xf32> to vector<256x128xf32>
    %add3A_122 = arith.addf %slice3A_117, %add3A_121 : vector<256x128xf32>
    %mul3A_123 = vector.broadcast %slice3A_116 : vector<256x1xf32> to vector<256x128xf32>
    %mul3A_124 = arith.mulf %mul3A_123, %add3A_122 : vector<256x128xf32>
    %add3A_125 = arith.addf %add3A_115, %mul3A_124 : vector<256x128xf32>
    %slice3A_126 = vector.extract_strided_slice %convert_element_type3A_13 {offsets = [0, 11], sizes = [256, 1], strides = [1, 1]} : vector<256x32xf32> to vector<256x1xf32>
    %slice3A_127 = vector.extract_strided_slice %dot_general3A_17 {offsets = [0, 1408], sizes = [256, 128], strides = [1, 1]} : vector<256x4096xf32> to vector<256x128xf32>
    %get3A_128 = arith.constant 11 : index
    %get3A_129 = arith.constant 0 : index
    %get3A_130 = vector.load %arg6[%get3A_128, %get3A_129] : memref<32x128xf32, #tpu.memory_space<vmem>>, vector<1x128xf32>
    %add3A_131 = vector.broadcast %get3A_130 : vector<1x128xf32> to vector<256x128xf32>
    %add3A_132 = arith.addf %slice3A_127, %add3A_131 : vector<256x128xf32>
    %mul3A_133 = vector.broadcast %slice3A_126 : vector<256x1xf32> to vector<256x128xf32>
    %mul3A_134 = arith.mulf %mul3A_133, %add3A_132 : vector<256x128xf32>
    %add3A_135 = arith.addf %add3A_125, %mul3A_134 : vector<256x128xf32>
    %slice3A_136 = vector.extract_strided_slice %convert_element_type3A_13 {offsets = [0, 12], sizes = [256, 1], strides = [1, 1]} : vector<256x32xf32> to vector<256x1xf32>
    %slice3A_137 = vector.extract_strided_slice %dot_general3A_17 {offsets = [0, 1536], sizes = [256, 128], strides = [1, 1]} : vector<256x4096xf32> to vector<256x128xf32>
    %get3A_138 = arith.constant 12 : index
    %get3A_139 = arith.constant 0 : index
    %get3A_140 = vector.load %arg6[%get3A_138, %get3A_139] : memref<32x128xf32, #tpu.memory_space<vmem>>, vector<1x128xf32>
    %add3A_141 = vector.broadcast %get3A_140 : vector<1x128xf32> to vector<256x128xf32>
    %add3A_142 = arith.addf %slice3A_137, %add3A_141 : vector<256x128xf32>
    %mul3A_143 = vector.broadcast %slice3A_136 : vector<256x1xf32> to vector<256x128xf32>
    %mul3A_144 = arith.mulf %mul3A_143, %add3A_142 : vector<256x128xf32>
    %add3A_145 = arith.addf %add3A_135, %mul3A_144 : vector<256x128xf32>
    %slice3A_146 = vector.extract_strided_slice %convert_element_type3A_13 {offsets = [0, 13], sizes = [256, 1], strides = [1, 1]} : vector<256x32xf32> to vector<256x1xf32>
    %slice3A_147 = vector.extract_strided_slice %dot_general3A_17 {offsets = [0, 1664], sizes = [256, 128], strides = [1, 1]} : vector<256x4096xf32> to vector<256x128xf32>
    %get3A_148 = arith.constant 13 : index
    %get3A_149 = arith.constant 0 : index
    %get3A_150 = vector.load %arg6[%get3A_148, %get3A_149] : memref<32x128xf32, #tpu.memory_space<vmem>>, vector<1x128xf32>
    %add3A_151 = vector.broadcast %get3A_150 : vector<1x128xf32> to vector<256x128xf32>
    %add3A_152 = arith.addf %slice3A_147, %add3A_151 : vector<256x128xf32>
    %mul3A_153 = vector.broadcast %slice3A_146 : vector<256x1xf32> to vector<256x128xf32>
    %mul3A_154 = arith.mulf %mul3A_153, %add3A_152 : vector<256x128xf32>
    %add3A_155 = arith.addf %add3A_145, %mul3A_154 : vector<256x128xf32>
    %slice3A_156 = vector.extract_strided_slice %convert_element_type3A_13 {offsets = [0, 14], sizes = [256, 1], strides = [1, 1]} : vector<256x32xf32> to vector<256x1xf32>
    %slice3A_157 = vector.extract_strided_slice %dot_general3A_17 {offsets = [0, 1792], sizes = [256, 128], strides = [1, 1]} : vector<256x4096xf32> to vector<256x128xf32>
    %get3A_158 = arith.constant 14 : index
    %get3A_159 = arith.constant 0 : index
    %get3A_160 = vector.load %arg6[%get3A_158, %get3A_159] : memref<32x128xf32, #tpu.memory_space<vmem>>, vector<1x128xf32>
    %add3A_161 = vector.broadcast %get3A_160 : vector<1x128xf32> to vector<256x128xf32>
    %add3A_162 = arith.addf %slice3A_157, %add3A_161 : vector<256x128xf32>
    %mul3A_163 = vector.broadcast %slice3A_156 : vector<256x1xf32> to vector<256x128xf32>
    %mul3A_164 = arith.mulf %mul3A_163, %add3A_162 : vector<256x128xf32>
    %add3A_165 = arith.addf %add3A_155, %mul3A_164 : vector<256x128xf32>
    %slice3A_166 = vector.extract_strided_slice %convert_element_type3A_13 {offsets = [0, 15], sizes = [256, 1], strides = [1, 1]} : vector<256x32xf32> to vector<256x1xf32>
    %slice3A_167 = vector.extract_strided_slice %dot_general3A_17 {offsets = [0, 1920], sizes = [256, 128], strides = [1, 1]} : vector<256x4096xf32> to vector<256x128xf32>
    %get3A_168 = arith.constant 15 : index
    %get3A_169 = arith.constant 0 : index
    %get3A_170 = vector.load %arg6[%get3A_168, %get3A_169] : memref<32x128xf32, #tpu.memory_space<vmem>>, vector<1x128xf32>
    %add3A_171 = vector.broadcast %get3A_170 : vector<1x128xf32> to vector<256x128xf32>
    %add3A_172 = arith.addf %slice3A_167, %add3A_171 : vector<256x128xf32>
    %mul3A_173 = vector.broadcast %slice3A_166 : vector<256x1xf32> to vector<256x128xf32>
    %mul3A_174 = arith.mulf %mul3A_173, %add3A_172 : vector<256x128xf32>
    %add3A_175 = arith.addf %add3A_165, %mul3A_174 : vector<256x128xf32>
    %slice3A_176 = vector.extract_strided_slice %convert_element_type3A_13 {offsets = [0, 16], sizes = [256, 1], strides = [1, 1]} : vector<256x32xf32> to vector<256x1xf32>
    %slice3A_177 = vector.extract_strided_slice %dot_general3A_17 {offsets = [0, 2048], sizes = [256, 128], strides = [1, 1]} : vector<256x4096xf32> to vector<256x128xf32>
    %get3A_178 = arith.constant 16 : index
    %get3A_179 = arith.constant 0 : index
    %get3A_180 = vector.load %arg6[%get3A_178, %get3A_179] : memref<32x128xf32, #tpu.memory_space<vmem>>, vector<1x128xf32>
    %add3A_181 = vector.broadcast %get3A_180 : vector<1x128xf32> to vector<256x128xf32>
    %add3A_182 = arith.addf %slice3A_177, %add3A_181 : vector<256x128xf32>
    %mul3A_183 = vector.broadcast %slice3A_176 : vector<256x1xf32> to vector<256x128xf32>
    %mul3A_184 = arith.mulf %mul3A_183, %add3A_182 : vector<256x128xf32>
    %add3A_185 = arith.addf %add3A_175, %mul3A_184 : vector<256x128xf32>
    %slice3A_186 = vector.extract_strided_slice %convert_element_type3A_13 {offsets = [0, 17], sizes = [256, 1], strides = [1, 1]} : vector<256x32xf32> to vector<256x1xf32>
    %slice3A_187 = vector.extract_strided_slice %dot_general3A_17 {offsets = [0, 2176], sizes = [256, 128], strides = [1, 1]} : vector<256x4096xf32> to vector<256x128xf32>
    %get3A_188 = arith.constant 17 : index
    %get3A_189 = arith.constant 0 : index
    %get3A_190 = vector.load %arg6[%get3A_188, %get3A_189] : memref<32x128xf32, #tpu.memory_space<vmem>>, vector<1x128xf32>
    %add3A_191 = vector.broadcast %get3A_190 : vector<1x128xf32> to vector<256x128xf32>
    %add3A_192 = arith.addf %slice3A_187, %add3A_191 : vector<256x128xf32>
    %mul3A_193 = vector.broadcast %slice3A_186 : vector<256x1xf32> to vector<256x128xf32>
    %mul3A_194 = arith.mulf %mul3A_193, %add3A_192 : vector<256x128xf32>
    %add3A_195 = arith.addf %add3A_185, %mul3A_194 : vector<256x128xf32>
    %slice3A_196 = vector.extract_strided_slice %convert_element_type3A_13 {offsets = [0, 18], sizes = [256, 1], strides = [1, 1]} : vector<256x32xf32> to vector<256x1xf32>
    %slice3A_197 = vector.extract_strided_slice %dot_general3A_17 {offsets = [0, 2304], sizes = [256, 128], strides = [1, 1]} : vector<256x4096xf32> to vector<256x128xf32>
    %get3A_198 = arith.constant 18 : index
    %get3A_199 = arith.constant 0 : index
    %get3A_200 = vector.load %arg6[%get3A_198, %get3A_199] : memref<32x128xf32, #tpu.memory_space<vmem>>, vector<1x128xf32>
    %add3A_201 = vector.broadcast %get3A_200 : vector<1x128xf32> to vector<256x128xf32>
    %add3A_202 = arith.addf %slice3A_197, %add3A_201 : vector<256x128xf32>
    %mul3A_203 = vector.broadcast %slice3A_196 : vector<256x1xf32> to vector<256x128xf32>
    %mul3A_204 = arith.mulf %mul3A_203, %add3A_202 : vector<256x128xf32>
    %add3A_205 = arith.addf %add3A_195, %mul3A_204 : vector<256x128xf32>
    %slice3A_206 = vector.extract_strided_slice %convert_element_type3A_13 {offsets = [0, 19], sizes = [256, 1], strides = [1, 1]} : vector<256x32xf32> to vector<256x1xf32>
    %slice3A_207 = vector.extract_strided_slice %dot_general3A_17 {offsets = [0, 2432], sizes = [256, 128], strides = [1, 1]} : vector<256x4096xf32> to vector<256x128xf32>
    %get3A_208 = arith.constant 19 : index
    %get3A_209 = arith.constant 0 : index
    %get3A_210 = vector.load %arg6[%get3A_208, %get3A_209] : memref<32x128xf32, #tpu.memory_space<vmem>>, vector<1x128xf32>
    %add3A_211 = vector.broadcast %get3A_210 : vector<1x128xf32> to vector<256x128xf32>
    %add3A_212 = arith.addf %slice3A_207, %add3A_211 : vector<256x128xf32>
    %mul3A_213 = vector.broadcast %slice3A_206 : vector<256x1xf32> to vector<256x128xf32>
    %mul3A_214 = arith.mulf %mul3A_213, %add3A_212 : vector<256x128xf32>
    %add3A_215 = arith.addf %add3A_205, %mul3A_214 : vector<256x128xf32>
    %slice3A_216 = vector.extract_strided_slice %convert_element_type3A_13 {offsets = [0, 20], sizes = [256, 1], strides = [1, 1]} : vector<256x32xf32> to vector<256x1xf32>
    %slice3A_217 = vector.extract_strided_slice %dot_general3A_17 {offsets = [0, 2560], sizes = [256, 128], strides = [1, 1]} : vector<256x4096xf32> to vector<256x128xf32>
    %get3A_218 = arith.constant 20 : index
    %get3A_219 = arith.constant 0 : index
    %get3A_220 = vector.load %arg6[%get3A_218, %get3A_219] : memref<32x128xf32, #tpu.memory_space<vmem>>, vector<1x128xf32>
    %add3A_221 = vector.broadcast %get3A_220 : vector<1x128xf32> to vector<256x128xf32>
    %add3A_222 = arith.addf %slice3A_217, %add3A_221 : vector<256x128xf32>
    %mul3A_223 = vector.broadcast %slice3A_216 : vector<256x1xf32> to vector<256x128xf32>
    %mul3A_224 = arith.mulf %mul3A_223, %add3A_222 : vector<256x128xf32>
    %add3A_225 = arith.addf %add3A_215, %mul3A_224 : vector<256x128xf32>
    %slice3A_226 = vector.extract_strided_slice %convert_element_type3A_13 {offsets = [0, 21], sizes = [256, 1], strides = [1, 1]} : vector<256x32xf32> to vector<256x1xf32>
    %slice3A_227 = vector.extract_strided_slice %dot_general3A_17 {offsets = [0, 2688], sizes = [256, 128], strides = [1, 1]} : vector<256x4096xf32> to vector<256x128xf32>
    %get3A_228 = arith.constant 21 : index
    %get3A_229 = arith.constant 0 : index
    %get3A_230 = vector.load %arg6[%get3A_228, %get3A_229] : memref<32x128xf32, #tpu.memory_space<vmem>>, vector<1x128xf32>
    %add3A_231 = vector.broadcast %get3A_230 : vector<1x128xf32> to vector<256x128xf32>
    %add3A_232 = arith.addf %slice3A_227, %add3A_231 : vector<256x128xf32>
    %mul3A_233 = vector.broadcast %slice3A_226 : vector<256x1xf32> to vector<256x128xf32>
    %mul3A_234 = arith.mulf %mul3A_233, %add3A_232 : vector<256x128xf32>
    %add3A_235 = arith.addf %add3A_225, %mul3A_234 : vector<256x128xf32>
    %slice3A_236 = vector.extract_strided_slice %convert_element_type3A_13 {offsets = [0, 22], sizes = [256, 1], strides = [1, 1]} : vector<256x32xf32> to vector<256x1xf32>
    %slice3A_237 = vector.extract_strided_slice %dot_general3A_17 {offsets = [0, 2816], sizes = [256, 128], strides = [1, 1]} : vector<256x4096xf32> to vector<256x128xf32>
    %get3A_238 = arith.constant 22 : index
    %get3A_239 = arith.constant 0 : index
    %get3A_240 = vector.load %arg6[%get3A_238, %get3A_239] : memref<32x128xf32, #tpu.memory_space<vmem>>, vector<1x128xf32>
    %add3A_241 = vector.broadcast %get3A_240 : vector<1x128xf32> to vector<256x128xf32>
    %add3A_242 = arith.addf %slice3A_237, %add3A_241 : vector<256x128xf32>
    %mul3A_243 = vector.broadcast %slice3A_236 : vector<256x1xf32> to vector<256x128xf32>
    %mul3A_244 = arith.mulf %mul3A_243, %add3A_242 : vector<256x128xf32>
    %add3A_245 = arith.addf %add3A_235, %mul3A_244 : vector<256x128xf32>
    %slice3A_246 = vector.extract_strided_slice %convert_element_type3A_13 {offsets = [0, 23], sizes = [256, 1], strides = [1, 1]} : vector<256x32xf32> to vector<256x1xf32>
    %slice3A_247 = vector.extract_strided_slice %dot_general3A_17 {offsets = [0, 2944], sizes = [256, 128], strides = [1, 1]} : vector<256x4096xf32> to vector<256x128xf32>
    %get3A_248 = arith.constant 23 : index
    %get3A_249 = arith.constant 0 : index
    %get3A_250 = vector.load %arg6[%get3A_248, %get3A_249] : memref<32x128xf32, #tpu.memory_space<vmem>>, vector<1x128xf32>
    %add3A_251 = vector.broadcast %get3A_250 : vector<1x128xf32> to vector<256x128xf32>
    %add3A_252 = arith.addf %slice3A_247, %add3A_251 : vector<256x128xf32>
    %mul3A_253 = vector.broadcast %slice3A_246 : vector<256x1xf32> to vector<256x128xf32>
    %mul3A_254 = arith.mulf %mul3A_253, %add3A_252 : vector<256x128xf32>
    %add3A_255 = arith.addf %add3A_245, %mul3A_254 : vector<256x128xf32>
    %slice3A_256 = vector.extract_strided_slice %convert_element_type3A_13 {offsets = [0, 24], sizes = [256, 1], strides = [1, 1]} : vector<256x32xf32> to vector<256x1xf32>
    %slice3A_257 = vector.extract_strided_slice %dot_general3A_17 {offsets = [0, 3072], sizes = [256, 128], strides = [1, 1]} : vector<256x4096xf32> to vector<256x128xf32>
    %get3A_258 = arith.constant 24 : index
    %get3A_259 = arith.constant 0 : index
    %get3A_260 = vector.load %arg6[%get3A_258, %get3A_259] : memref<32x128xf32, #tpu.memory_space<vmem>>, vector<1x128xf32>
    %add3A_261 = vector.broadcast %get3A_260 : vector<1x128xf32> to vector<256x128xf32>
    %add3A_262 = arith.addf %slice3A_257, %add3A_261 : vector<256x128xf32>
    %mul3A_263 = vector.broadcast %slice3A_256 : vector<256x1xf32> to vector<256x128xf32>
    %mul3A_264 = arith.mulf %mul3A_263, %add3A_262 : vector<256x128xf32>
    %add3A_265 = arith.addf %add3A_255, %mul3A_264 : vector<256x128xf32>
    %slice3A_266 = vector.extract_strided_slice %convert_element_type3A_13 {offsets = [0, 25], sizes = [256, 1], strides = [1, 1]} : vector<256x32xf32> to vector<256x1xf32>
    %slice3A_267 = vector.extract_strided_slice %dot_general3A_17 {offsets = [0, 3200], sizes = [256, 128], strides = [1, 1]} : vector<256x4096xf32> to vector<256x128xf32>
    %get3A_268 = arith.constant 25 : index
    %get3A_269 = arith.constant 0 : index
    %get3A_270 = vector.load %arg6[%get3A_268, %get3A_269] : memref<32x128xf32, #tpu.memory_space<vmem>>, vector<1x128xf32>
    %add3A_271 = vector.broadcast %get3A_270 : vector<1x128xf32> to vector<256x128xf32>
    %add3A_272 = arith.addf %slice3A_267, %add3A_271 : vector<256x128xf32>
    %mul3A_273 = vector.broadcast %slice3A_266 : vector<256x1xf32> to vector<256x128xf32>
    %mul3A_274 = arith.mulf %mul3A_273, %add3A_272 : vector<256x128xf32>
    %add3A_275 = arith.addf %add3A_265, %mul3A_274 : vector<256x128xf32>
    %slice3A_276 = vector.extract_strided_slice %convert_element_type3A_13 {offsets = [0, 26], sizes = [256, 1], strides = [1, 1]} : vector<256x32xf32> to vector<256x1xf32>
    %slice3A_277 = vector.extract_strided_slice %dot_general3A_17 {offsets = [0, 3328], sizes = [256, 128], strides = [1, 1]} : vector<256x4096xf32> to vector<256x128xf32>
    %get3A_278 = arith.constant 26 : index
    %get3A_279 = arith.constant 0 : index
    %get3A_280 = vector.load %arg6[%get3A_278, %get3A_279] : memref<32x128xf32, #tpu.memory_space<vmem>>, vector<1x128xf32>
    %add3A_281 = vector.broadcast %get3A_280 : vector<1x128xf32> to vector<256x128xf32>
    %add3A_282 = arith.addf %slice3A_277, %add3A_281 : vector<256x128xf32>
    %mul3A_283 = vector.broadcast %slice3A_276 : vector<256x1xf32> to vector<256x128xf32>
    %mul3A_284 = arith.mulf %mul3A_283, %add3A_282 : vector<256x128xf32>
    %add3A_285 = arith.addf %add3A_275, %mul3A_284 : vector<256x128xf32>
    %slice3A_286 = vector.extract_strided_slice %convert_element_type3A_13 {offsets = [0, 27], sizes = [256, 1], strides = [1, 1]} : vector<256x32xf32> to vector<256x1xf32>
    %slice3A_287 = vector.extract_strided_slice %dot_general3A_17 {offsets = [0, 3456], sizes = [256, 128], strides = [1, 1]} : vector<256x4096xf32> to vector<256x128xf32>
    %get3A_288 = arith.constant 27 : index
    %get3A_289 = arith.constant 0 : index
    %get3A_290 = vector.load %arg6[%get3A_288, %get3A_289] : memref<32x128xf32, #tpu.memory_space<vmem>>, vector<1x128xf32>
    %add3A_291 = vector.broadcast %get3A_290 : vector<1x128xf32> to vector<256x128xf32>
    %add3A_292 = arith.addf %slice3A_287, %add3A_291 : vector<256x128xf32>
    %mul3A_293 = vector.broadcast %slice3A_286 : vector<256x1xf32> to vector<256x128xf32>
    %mul3A_294 = arith.mulf %mul3A_293, %add3A_292 : vector<256x128xf32>
    %add3A_295 = arith.addf %add3A_285, %mul3A_294 : vector<256x128xf32>
    %slice3A_296 = vector.extract_strided_slice %convert_element_type3A_13 {offsets = [0, 28], sizes = [256, 1], strides = [1, 1]} : vector<256x32xf32> to vector<256x1xf32>
    %slice3A_297 = vector.extract_strided_slice %dot_general3A_17 {offsets = [0, 3584], sizes = [256, 128], strides = [1, 1]} : vector<256x4096xf32> to vector<256x128xf32>
    %get3A_298 = arith.constant 28 : index
    %get3A_299 = arith.constant 0 : index
    %get3A_300 = vector.load %arg6[%get3A_298, %get3A_299] : memref<32x128xf32, #tpu.memory_space<vmem>>, vector<1x128xf32>
    %add3A_301 = vector.broadcast %get3A_300 : vector<1x128xf32> to vector<256x128xf32>
    %add3A_302 = arith.addf %slice3A_297, %add3A_301 : vector<256x128xf32>
    %mul3A_303 = vector.broadcast %slice3A_296 : vector<256x1xf32> to vector<256x128xf32>
    %mul3A_304 = arith.mulf %mul3A_303, %add3A_302 : vector<256x128xf32>
    %add3A_305 = arith.addf %add3A_295, %mul3A_304 : vector<256x128xf32>
    %slice3A_306 = vector.extract_strided_slice %convert_element_type3A_13 {offsets = [0, 29], sizes = [256, 1], strides = [1, 1]} : vector<256x32xf32> to vector<256x1xf32>
    %slice3A_307 = vector.extract_strided_slice %dot_general3A_17 {offsets = [0, 3712], sizes = [256, 128], strides = [1, 1]} : vector<256x4096xf32> to vector<256x128xf32>
    %get3A_308 = arith.constant 29 : index
    %get3A_309 = arith.constant 0 : index
    %get3A_310 = vector.load %arg6[%get3A_308, %get3A_309] : memref<32x128xf32, #tpu.memory_space<vmem>>, vector<1x128xf32>
    %add3A_311 = vector.broadcast %get3A_310 : vector<1x128xf32> to vector<256x128xf32>
    %add3A_312 = arith.addf %slice3A_307, %add3A_311 : vector<256x128xf32>
    %mul3A_313 = vector.broadcast %slice3A_306 : vector<256x1xf32> to vector<256x128xf32>
    %mul3A_314 = arith.mulf %mul3A_313, %add3A_312 : vector<256x128xf32>
    %add3A_315 = arith.addf %add3A_305, %mul3A_314 : vector<256x128xf32>
    %slice3A_316 = vector.extract_strided_slice %convert_element_type3A_13 {offsets = [0, 30], sizes = [256, 1], strides = [1, 1]} : vector<256x32xf32> to vector<256x1xf32>
    %slice3A_317 = vector.extract_strided_slice %dot_general3A_17 {offsets = [0, 3840], sizes = [256, 128], strides = [1, 1]} : vector<256x4096xf32> to vector<256x128xf32>
    %get3A_318 = arith.constant 30 : index
    %get3A_319 = arith.constant 0 : index
    %get3A_320 = vector.load %arg6[%get3A_318, %get3A_319] : memref<32x128xf32, #tpu.memory_space<vmem>>, vector<1x128xf32>
    %add3A_321 = vector.broadcast %get3A_320 : vector<1x128xf32> to vector<256x128xf32>
    %add3A_322 = arith.addf %slice3A_317, %add3A_321 : vector<256x128xf32>
    %mul3A_323 = vector.broadcast %slice3A_316 : vector<256x1xf32> to vector<256x128xf32>
    %mul3A_324 = arith.mulf %mul3A_323, %add3A_322 : vector<256x128xf32>
    %add3A_325 = arith.addf %add3A_315, %mul3A_324 : vector<256x128xf32>
    %slice3A_326 = vector.extract_strided_slice %convert_element_type3A_13 {offsets = [0, 31], sizes = [256, 1], strides = [1, 1]} : vector<256x32xf32> to vector<256x1xf32>
    %slice3A_327 = vector.extract_strided_slice %dot_general3A_17 {offsets = [0, 3968], sizes = [256, 128], strides = [1, 1]} : vector<256x4096xf32> to vector<256x128xf32>
    %get3A_328 = arith.constant 31 : index
    %get3A_329 = arith.constant 0 : index
    %get3A_330 = vector.load %arg6[%get3A_328, %get3A_329] : memref<32x128xf32, #tpu.memory_space<vmem>>, vector<1x128xf32>
    %add3A_331 = vector.broadcast %get3A_330 : vector<1x128xf32> to vector<256x128xf32>
    %add3A_332 = arith.addf %slice3A_327, %add3A_331 : vector<256x128xf32>
    %mul3A_333 = vector.broadcast %slice3A_326 : vector<256x1xf32> to vector<256x128xf32>
    %mul3A_334 = arith.mulf %mul3A_333, %add3A_332 : vector<256x128xf32>
    %add3A_335 = arith.addf %add3A_325, %mul3A_334 : vector<256x128xf32>
    %tanh3A = math.tanh %add3A_335 : vector<256x128xf32>
    %swap3A = arith.constant 0 : index
    %swap3A_336 = arith.constant 0 : index
    %swap3A_337 = vector.load %arg7[%swap3A, %swap3A_336] : memref<256x128xf32, #tpu.memory_space<vmem>>, vector<256x128xf32>
    tpu.vector_store %arg7[%swap3A, %swap3A_336], %tanh3A {strides = array<i32>} : memref<256x128xf32, #tpu.memory_space<vmem>>, vector<256x128xf32>,
    return
  }
  func.func @transform_1(%arg0: i32) -> (i32, i32) {
    %c0_i32 = arith.constant 0 : i32
    %c0_i32_0 = arith.constant 0 : i32
    return %arg0, %c0_i32 : i32, i32
  }
  func.func @transform_2(%arg0: i32) -> (i32, i32) {
    %add3A = arith.constant 8 : i32
    %add3A_0 = arith.addi %add3A, %arg0 : i32
    %c0_i32 = arith.constant 0 : i32
    %c0_i32_1 = arith.constant 0 : i32
    return %add3A_0, %c0_i32 : i32, i32
  }
  func.func @transform_3(%arg0: i32) -> (i32, i32, i32) {
    %c2_i32 = arith.constant 2 : i32
    %c0_i32 = arith.constant 0 : i32
    %c0_i32_0 = arith.constant 0 : i32
    return %c2_i32, %arg0, %c0_i32 : i32, i32, i32
  }
  func.func @transform_4(%arg0: i32) -> (i32, i32) {
    %c0_i32 = arith.constant 0 : i32
    %c0_i32_0 = arith.constant 0 : i32
    %c0_i32_1 = arith.constant 0 : i32
    return %c0_i32, %c0_i32_0 : i32, i32
  }
  func.func @transform_5(%arg0: i32) -> (i32, i32) {
    %c0_i32 = arith.constant 0 : i32
    %c0_i32_0 = arith.constant 0 : i32
    %c0_i32_1 = arith.constant 0 : i32
    return %c0_i32, %c0_i32_0 : i32, i32
  }
  func.func @transform_6(%arg0: i32) -> (i32, i32) {
    %add3A = arith.constant 80 : i32
    %add3A_0 = arith.addi %add3A, %arg0 : i32
    %c0_i32 = arith.constant 0 : i32
    %c0_i32_1 = arith.constant 0 : i32
    return %add3A_0, %c0_i32 : i32, i32
  }
}

module attributes {stable_mosaic.version = 14 : i64} {
  func.func @_layer_body(%arg0: i32, %arg1: memref<32768x128xf32, #tpu.memory_space<any>>, %arg2: memref<256x128xf32, #tpu.memory_space<vmem>>, %arg3: memref<256x128xf32, #tpu.memory_space<vmem>>, %arg4: memref<1x256x1xi32, #tpu.memory_space<vmem>>, %arg5: memref<256x4096xbf16, #tpu.memory_space<vmem>>, %arg6: memref<32x128xf32, #tpu.memory_space<vmem>>, %arg7: memref<256x128xf32, #tpu.memory_space<vmem>>) attributes {dimension_semantics = [#tpu.dimension_semantics<arbitrary>], iteration_bounds = array<i64: 8>, scalar_prefetch = 0 : i64, scratch_operands = 0 : i64, tpu.core_type = #tpu.core_type<tc>, window_params = [{}, {transform_indices = @transform_1, window_bounds = array<i64: 256, 128>}, {transform_indices = @transform_2, window_bounds = array<i64: 256, 128>}, {transform_indices = @transform_3, window_bounds = array<i64: 1, 256, 1>}, {pipeline_mode = #tpu.pipeline_mode<synchronous>, transform_indices = @transform_4, window_bounds = array<i64: 256, 4096>}, {pipeline_mode = #tpu.pipeline_mode<synchronous>, transform_indices = @transform_5, window_bounds = array<i64: 32, 128>}, {transform_indices = @transform_6, window_bounds = array<i64: 256, 128>}]} {
    %get3A = arith.constant 0 : index
    %get3A_0 = arith.constant 0 : index
    %get3A_1 = vector.load %arg2[%get3A, %get3A_0] : memref<256x128xf32, #tpu.memory_space<vmem>>, vector<256x128xf32>
    %convert_element_type3A = arith.truncf %get3A_1 : vector<256x128xf32> to vector<256x128xbf16>
    %get3A_2 = arith.constant 0 : index
    %get3A_3 = arith.constant 0 : index
    %get3A_4 = vector.load %arg3[%get3A_2, %get3A_3] : memref<256x128xf32, #tpu.memory_space<vmem>>, vector<256x128xf32>
    %convert_element_type3A_5 = arith.truncf %get3A_4 : vector<256x128xf32> to vector<256x128xbf16>
    %concatenate3A = tpu.concatenate %convert_element_type3A, %convert_element_type3A_5 in 1 : vector<256x128xbf16>, vector<256x128xbf16> -> vector<256x256xbf16>
    %get3A_6 = arith.constant 0 : index
    %get3A_7 = arith.constant 0 : index
    %get3A_8 = arith.constant 0 : index
    %get3A_9 = vector.load %arg4[%get3A_6, %get3A_7, %get3A_8] : memref<1x256x1xi32, #tpu.memory_space<vmem>>, vector<1x256x1xi32>
    %get3A_10 = vector.shape_cast %get3A_9 : vector<1x256x1xi32> to vector<256x1xi32>
    %iota3A = tpu.iota {dimensions = array<i32: 1>} : vector<256x32xi32>
    %eq3A = vector.broadcast %get3A_10 : vector<256x1xi32> to vector<256x32xi32>
    %eq3A_11 = arith.cmpi eq, %eq3A, %iota3A : vector<256x32xi32>
    %convert_element_type3A_12 = arith.extui %eq3A_11 : vector<256x32xi1> to vector<256x32xi32>
    %convert_element_type3A_13 = arith.sitofp %convert_element_type3A_12 : vector<256x32xi32> to vector<256x32xf32>
    %get3A_14 = arith.constant 0 : index
    %get3A_15 = arith.constant 0 : index
    %get3A_16 = vector.load %arg5[%get3A_14, %get3A_15] : memref<256x4096xbf16, #tpu.memory_space<vmem>>, vector<256x4096xbf16>
    %dot_general3A = arith.constant dense<0.000000e+00> : vector<256x4096xf32>
    %dot_general3A_17 = tpu.matmul %concatenate3A, %get3A_16, %dot_general3A {dimension_numbers = #tpu.dot_dimension_numbers<[1], [0], [0], [1], [0, 0, 1, 1], [], []>, transpose_lhs_hint = false} : vector<256x256xbf16>, vector<256x4096xbf16>, vector<256x4096xf32> -> vector<256x4096xf32>
    %broadcast_in_dim3A = arith.constant 0.000000e+00 : f32
    %broadcast_in_dim3A_18 = vector.broadcast %broadcast_in_dim3A : f32 to vector<256x128xf32>
    %slice3A = vector.extract_strided_slice %convert_element_type3A_13 {offsets = [0, 0], sizes = [256, 1], strides = [1, 1]} : vector<256x32xf32> to vector<256x1xf32>
    %slice3A_19 = vector.extract_strided_slice %dot_general3A_17 {offsets = [0, 0], sizes = [256, 128], strides = [1, 1]} : vector<256x4096xf32> to vector<256x128xf32>
    %get3A_20 = arith.constant 0 : index
    %get3A_21 = arith.constant 0 : index
    %get3A_22 = vector.load %arg6[%get3A_20, %get3A_21] : memref<32x128xf32, #tpu.memory_space<vmem>>, vector<1x128xf32>
    %add3A = vector.broadcast %get3A_22 : vector<1x128xf32> to vector<256x128xf32>
    %add3A_23 = arith.addf %slice3A_19, %add3A : vector<256x128xf32>
    %mul3A = vector.broadcast %slice3A : vector<256x1xf32> to vector<256x128xf32>
    %mul3A_24 = arith.mulf %mul3A, %add3A_23 : vector<256x128xf32>
    %add3A_25 = arith.addf %broadcast_in_dim3A_18, %mul3A_24 : vector<256x128xf32>
    %slice3A_26 = vector.extract_strided_slice %convert_element_type3A_13 {offsets = [0, 1], sizes = [256, 1], strides = [1, 1]} : vector<256x32xf32> to vector<256x1xf32>
    %slice3A_27 = vector.extract_strided_slice %dot_general3A_17 {offsets = [0, 128], sizes = [256, 128], strides = [1, 1]} : vector<256x4096xf32> to vector<256x128xf32>
    %get3A_28 = arith.constant 1 : index
    %get3A_29 = arith.constant 0 : index
    %get3A_30 = vector.load %arg6[%get3A_28, %get3A_29] : memref<32x128xf32, #tpu.memory_space<vmem>>, vector<1x128xf32>
    %add3A_31 = vector.broadcast %get3A_30 : vector<1x128xf32> to vector<256x128xf32>
    %add3A_32 = arith.addf %slice3A_27, %add3A_31 : vector<256x128xf32>
    %mul3A_33 = vector.broadcast %slice3A_26 : vector<256x1xf32> to vector<256x128xf32>
    %mul3A_34 = arith.mulf %mul3A_33, %add3A_32 : vector<256x128xf32>
    %add3A_35 = arith.addf %add3A_25, %mul3A_34 : vector<256x128xf32>
    %slice3A_36 = vector.extract_strided_slice %convert_element_type3A_13 {offsets = [0, 2], sizes = [256, 1], strides = [1, 1]} : vector<256x32xf32> to vector<256x1xf32>
    %slice3A_37 = vector.extract_strided_slice %dot_general3A_17 {offsets = [0, 256], sizes = [256, 128], strides = [1, 1]} : vector<256x4096xf32> to vector<256x128xf32>
    %get3A_38 = arith.constant 2 : index
    %get3A_39 = arith.constant 0 : index
    %get3A_40 = vector.load %arg6[%get3A_38, %get3A_39] : memref<32x128xf32, #tpu.memory_space<vmem>>, vector<1x128xf32>
    %add3A_41 = vector.broadcast %get3A_40 : vector<1x128xf32> to vector<256x128xf32>
    %add3A_42 = arith.addf %slice3A_37, %add3A_41 : vector<256x128xf32>
    %mul3A_43 = vector.broadcast %slice3A_36 : vector<256x1xf32> to vector<256x128xf32>
    %mul3A_44 = arith.mulf %mul3A_43, %add3A_42 : vector<256x128xf32>
    %add3A_45 = arith.addf %add3A_35, %mul3A_44 : vector<256x128xf32>
    %slice3A_46 = vector.extract_strided_slice %convert_element_type3A_13 {offsets = [0, 3], sizes = [256, 1], strides = [1, 1]} : vector<256x32xf32> to vector<256x1xf32>
    %slice3A_47 = vector.extract_strided_slice %dot_general3A_17 {offsets = [0, 384], sizes = [256, 128], strides = [1, 1]} : vector<256x4096xf32> to vector<256x128xf32>
    %get3A_48 = arith.constant 3 : index
    %get3A_49 = arith.constant 0 : index
    %get3A_50 = vector.load %arg6[%get3A_48, %get3A_49] : memref<32x128xf32, #tpu.memory_space<vmem>>, vector<1x128xf32>
    %add3A_51 = vector.broadcast %get3A_50 : vector<1x128xf32> to vector<256x128xf32>
    %add3A_52 = arith.addf %slice3A_47, %add3A_51 : vector<256x128xf32>
    %mul3A_53 = vector.broadcast %slice3A_46 : vector<256x1xf32> to vector<256x128xf32>
    %mul3A_54 = arith.mulf %mul3A_53, %add3A_52 : vector<256x128xf32>
    %add3A_55 = arith.addf %add3A_45, %mul3A_54 : vector<256x128xf32>
    %slice3A_56 = vector.extract_strided_slice %convert_element_type3A_13 {offsets = [0, 4], sizes = [256, 1], strides = [1, 1]} : vector<256x32xf32> to vector<256x1xf32>
    %slice3A_57 = vector.extract_strided_slice %dot_general3A_17 {offsets = [0, 512], sizes = [256, 128], strides = [1, 1]} : vector<256x4096xf32> to vector<256x128xf32>
    %get3A_58 = arith.constant 4 : index
    %get3A_59 = arith.constant 0 : index
    %get3A_60 = vector.load %arg6[%get3A_58, %get3A_59] : memref<32x128xf32, #tpu.memory_space<vmem>>, vector<1x128xf32>
    %add3A_61 = vector.broadcast %get3A_60 : vector<1x128xf32> to vector<256x128xf32>
    %add3A_62 = arith.addf %slice3A_57, %add3A_61 : vector<256x128xf32>
    %mul3A_63 = vector.broadcast %slice3A_56 : vector<256x1xf32> to vector<256x128xf32>
    %mul3A_64 = arith.mulf %mul3A_63, %add3A_62 : vector<256x128xf32>
    %add3A_65 = arith.addf %add3A_55, %mul3A_64 : vector<256x128xf32>
    %slice3A_66 = vector.extract_strided_slice %convert_element_type3A_13 {offsets = [0, 5], sizes = [256, 1], strides = [1, 1]} : vector<256x32xf32> to vector<256x1xf32>
    %slice3A_67 = vector.extract_strided_slice %dot_general3A_17 {offsets = [0, 640], sizes = [256, 128], strides = [1, 1]} : vector<256x4096xf32> to vector<256x128xf32>
    %get3A_68 = arith.constant 5 : index
    %get3A_69 = arith.constant 0 : index
    %get3A_70 = vector.load %arg6[%get3A_68, %get3A_69] : memref<32x128xf32, #tpu.memory_space<vmem>>, vector<1x128xf32>
    %add3A_71 = vector.broadcast %get3A_70 : vector<1x128xf32> to vector<256x128xf32>
    %add3A_72 = arith.addf %slice3A_67, %add3A_71 : vector<256x128xf32>
    %mul3A_73 = vector.broadcast %slice3A_66 : vector<256x1xf32> to vector<256x128xf32>
    %mul3A_74 = arith.mulf %mul3A_73, %add3A_72 : vector<256x128xf32>
    %add3A_75 = arith.addf %add3A_65, %mul3A_74 : vector<256x128xf32>
    %slice3A_76 = vector.extract_strided_slice %convert_element_type3A_13 {offsets = [0, 6], sizes = [256, 1], strides = [1, 1]} : vector<256x32xf32> to vector<256x1xf32>
    %slice3A_77 = vector.extract_strided_slice %dot_general3A_17 {offsets = [0, 768], sizes = [256, 128], strides = [1, 1]} : vector<256x4096xf32> to vector<256x128xf32>
    %get3A_78 = arith.constant 6 : index
    %get3A_79 = arith.constant 0 : index
    %get3A_80 = vector.load %arg6[%get3A_78, %get3A_79] : memref<32x128xf32, #tpu.memory_space<vmem>>, vector<1x128xf32>
    %add3A_81 = vector.broadcast %get3A_80 : vector<1x128xf32> to vector<256x128xf32>
    %add3A_82 = arith.addf %slice3A_77, %add3A_81 : vector<256x128xf32>
    %mul3A_83 = vector.broadcast %slice3A_76 : vector<256x1xf32> to vector<256x128xf32>
    %mul3A_84 = arith.mulf %mul3A_83, %add3A_82 : vector<256x128xf32>
    %add3A_85 = arith.addf %add3A_75, %mul3A_84 : vector<256x128xf32>
    %slice3A_86 = vector.extract_strided_slice %convert_element_type3A_13 {offsets = [0, 7], sizes = [256, 1], strides = [1, 1]} : vector<256x32xf32> to vector<256x1xf32>
    %slice3A_87 = vector.extract_strided_slice %dot_general3A_17 {offsets = [0, 896], sizes = [256, 128], strides = [1, 1]} : vector<256x4096xf32> to vector<256x128xf32>
    %get3A_88 = arith.constant 7 : index
    %get3A_89 = arith.constant 0 : index
    %get3A_90 = vector.load %arg6[%get3A_88, %get3A_89] : memref<32x128xf32, #tpu.memory_space<vmem>>, vector<1x128xf32>
    %add3A_91 = vector.broadcast %get3A_90 : vector<1x128xf32> to vector<256x128xf32>
    %add3A_92 = arith.addf %slice3A_87, %add3A_91 : vector<256x128xf32>
    %mul3A_93 = vector.broadcast %slice3A_86 : vector<256x1xf32> to vector<256x128xf32>
    %mul3A_94 = arith.mulf %mul3A_93, %add3A_92 : vector<256x128xf32>
    %add3A_95 = arith.addf %add3A_85, %mul3A_94 : vector<256x128xf32>
    %slice3A_96 = vector.extract_strided_slice %convert_element_type3A_13 {offsets = [0, 8], sizes = [256, 1], strides = [1, 1]} : vector<256x32xf32> to vector<256x1xf32>
    %slice3A_97 = vector.extract_strided_slice %dot_general3A_17 {offsets = [0, 1024], sizes = [256, 128], strides = [1, 1]} : vector<256x4096xf32> to vector<256x128xf32>
    %get3A_98 = arith.constant 8 : index
    %get3A_99 = arith.constant 0 : index
    %get3A_100 = vector.load %arg6[%get3A_98, %get3A_99] : memref<32x128xf32, #tpu.memory_space<vmem>>, vector<1x128xf32>
    %add3A_101 = vector.broadcast %get3A_100 : vector<1x128xf32> to vector<256x128xf32>
    %add3A_102 = arith.addf %slice3A_97, %add3A_101 : vector<256x128xf32>
    %mul3A_103 = vector.broadcast %slice3A_96 : vector<256x1xf32> to vector<256x128xf32>
    %mul3A_104 = arith.mulf %mul3A_103, %add3A_102 : vector<256x128xf32>
    %add3A_105 = arith.addf %add3A_95, %mul3A_104 : vector<256x128xf32>
    %slice3A_106 = vector.extract_strided_slice %convert_element_type3A_13 {offsets = [0, 9], sizes = [256, 1], strides = [1, 1]} : vector<256x32xf32> to vector<256x1xf32>
    %slice3A_107 = vector.extract_strided_slice %dot_general3A_17 {offsets = [0, 1152], sizes = [256, 128], strides = [1, 1]} : vector<256x4096xf32> to vector<256x128xf32>
    %get3A_108 = arith.constant 9 : index
    %get3A_109 = arith.constant 0 : index
    %get3A_110 = vector.load %arg6[%get3A_108, %get3A_109] : memref<32x128xf32, #tpu.memory_space<vmem>>, vector<1x128xf32>
    %add3A_111 = vector.broadcast %get3A_110 : vector<1x128xf32> to vector<256x128xf32>
    %add3A_112 = arith.addf %slice3A_107, %add3A_111 : vector<256x128xf32>
    %mul3A_113 = vector.broadcast %slice3A_106 : vector<256x1xf32> to vector<256x128xf32>
    %mul3A_114 = arith.mulf %mul3A_113, %add3A_112 : vector<256x128xf32>
    %add3A_115 = arith.addf %add3A_105, %mul3A_114 : vector<256x128xf32>
    %slice3A_116 = vector.extract_strided_slice %convert_element_type3A_13 {offsets = [0, 10], sizes = [256, 1], strides = [1, 1]} : vector<256x32xf32> to vector<256x1xf32>
    %slice3A_117 = vector.extract_strided_slice %dot_general3A_17 {offsets = [0, 1280], sizes = [256, 128], strides = [1, 1]} : vector<256x4096xf32> to vector<256x128xf32>
    %get3A_118 = arith.constant 10 : index
    %get3A_119 = arith.constant 0 : index
    %get3A_120 = vector.load %arg6[%get3A_118, %get3A_119] : memref<32x128xf32, #tpu.memory_space<vmem>>, vector<1x128xf32>
    %add3A_121 = vector.broadcast %get3A_120 : vector<1x128xf32> to vector<256x128xf32>
    %add3A_122 = arith.addf %slice3A_117, %add3A_121 : vector<256x128xf32>
    %mul3A_123 = vector.broadcast %slice3A_116 : vector<256x1xf32> to vector<256x128xf32>
    %mul3A_124 = arith.mulf %mul3A_123, %add3A_122 : vector<256x128xf32>
    %add3A_125 = arith.addf %add3A_115, %mul3A_124 : vector<256x128xf32>
    %slice3A_126 = vector.extract_strided_slice %convert_element_type3A_13 {offsets = [0, 11], sizes = [256, 1], strides = [1, 1]} : vector<256x32xf32> to vector<256x1xf32>
    %slice3A_127 = vector.extract_strided_slice %dot_general3A_17 {offsets = [0, 1408], sizes = [256, 128], strides = [1, 1]} : vector<256x4096xf32> to vector<256x128xf32>
    %get3A_128 = arith.constant 11 : index
    %get3A_129 = arith.constant 0 : index
    %get3A_130 = vector.load %arg6[%get3A_128, %get3A_129] : memref<32x128xf32, #tpu.memory_space<vmem>>, vector<1x128xf32>
    %add3A_131 = vector.broadcast %get3A_130 : vector<1x128xf32> to vector<256x128xf32>
    %add3A_132 = arith.addf %slice3A_127, %add3A_131 : vector<256x128xf32>
    %mul3A_133 = vector.broadcast %slice3A_126 : vector<256x1xf32> to vector<256x128xf32>
    %mul3A_134 = arith.mulf %mul3A_133, %add3A_132 : vector<256x128xf32>
    %add3A_135 = arith.addf %add3A_125, %mul3A_134 : vector<256x128xf32>
    %slice3A_136 = vector.extract_strided_slice %convert_element_type3A_13 {offsets = [0, 12], sizes = [256, 1], strides = [1, 1]} : vector<256x32xf32> to vector<256x1xf32>
    %slice3A_137 = vector.extract_strided_slice %dot_general3A_17 {offsets = [0, 1536], sizes = [256, 128], strides = [1, 1]} : vector<256x4096xf32> to vector<256x128xf32>
    %get3A_138 = arith.constant 12 : index
    %get3A_139 = arith.constant 0 : index
    %get3A_140 = vector.load %arg6[%get3A_138, %get3A_139] : memref<32x128xf32, #tpu.memory_space<vmem>>, vector<1x128xf32>
    %add3A_141 = vector.broadcast %get3A_140 : vector<1x128xf32> to vector<256x128xf32>
    %add3A_142 = arith.addf %slice3A_137, %add3A_141 : vector<256x128xf32>
    %mul3A_143 = vector.broadcast %slice3A_136 : vector<256x1xf32> to vector<256x128xf32>
    %mul3A_144 = arith.mulf %mul3A_143, %add3A_142 : vector<256x128xf32>
    %add3A_145 = arith.addf %add3A_135, %mul3A_144 : vector<256x128xf32>
    %slice3A_146 = vector.extract_strided_slice %convert_element_type3A_13 {offsets = [0, 13], sizes = [256, 1], strides = [1, 1]} : vector<256x32xf32> to vector<256x1xf32>
    %slice3A_147 = vector.extract_strided_slice %dot_general3A_17 {offsets = [0, 1664], sizes = [256, 128], strides = [1, 1]} : vector<256x4096xf32> to vector<256x128xf32>
    %get3A_148 = arith.constant 13 : index
    %get3A_149 = arith.constant 0 : index
    %get3A_150 = vector.load %arg6[%get3A_148, %get3A_149] : memref<32x128xf32, #tpu.memory_space<vmem>>, vector<1x128xf32>
    %add3A_151 = vector.broadcast %get3A_150 : vector<1x128xf32> to vector<256x128xf32>
    %add3A_152 = arith.addf %slice3A_147, %add3A_151 : vector<256x128xf32>
    %mul3A_153 = vector.broadcast %slice3A_146 : vector<256x1xf32> to vector<256x128xf32>
    %mul3A_154 = arith.mulf %mul3A_153, %add3A_152 : vector<256x128xf32>
    %add3A_155 = arith.addf %add3A_145, %mul3A_154 : vector<256x128xf32>
    %slice3A_156 = vector.extract_strided_slice %convert_element_type3A_13 {offsets = [0, 14], sizes = [256, 1], strides = [1, 1]} : vector<256x32xf32> to vector<256x1xf32>
    %slice3A_157 = vector.extract_strided_slice %dot_general3A_17 {offsets = [0, 1792], sizes = [256, 128], strides = [1, 1]} : vector<256x4096xf32> to vector<256x128xf32>
    %get3A_158 = arith.constant 14 : index
    %get3A_159 = arith.constant 0 : index
    %get3A_160 = vector.load %arg6[%get3A_158, %get3A_159] : memref<32x128xf32, #tpu.memory_space<vmem>>, vector<1x128xf32>
    %add3A_161 = vector.broadcast %get3A_160 : vector<1x128xf32> to vector<256x128xf32>
    %add3A_162 = arith.addf %slice3A_157, %add3A_161 : vector<256x128xf32>
    %mul3A_163 = vector.broadcast %slice3A_156 : vector<256x1xf32> to vector<256x128xf32>
    %mul3A_164 = arith.mulf %mul3A_163, %add3A_162 : vector<256x128xf32>
    %add3A_165 = arith.addf %add3A_155, %mul3A_164 : vector<256x128xf32>
    %slice3A_166 = vector.extract_strided_slice %convert_element_type3A_13 {offsets = [0, 15], sizes = [256, 1], strides = [1, 1]} : vector<256x32xf32> to vector<256x1xf32>
    %slice3A_167 = vector.extract_strided_slice %dot_general3A_17 {offsets = [0, 1920], sizes = [256, 128], strides = [1, 1]} : vector<256x4096xf32> to vector<256x128xf32>
    %get3A_168 = arith.constant 15 : index
    %get3A_169 = arith.constant 0 : index
    %get3A_170 = vector.load %arg6[%get3A_168, %get3A_169] : memref<32x128xf32, #tpu.memory_space<vmem>>, vector<1x128xf32>
    %add3A_171 = vector.broadcast %get3A_170 : vector<1x128xf32> to vector<256x128xf32>
    %add3A_172 = arith.addf %slice3A_167, %add3A_171 : vector<256x128xf32>
    %mul3A_173 = vector.broadcast %slice3A_166 : vector<256x1xf32> to vector<256x128xf32>
    %mul3A_174 = arith.mulf %mul3A_173, %add3A_172 : vector<256x128xf32>
    %add3A_175 = arith.addf %add3A_165, %mul3A_174 : vector<256x128xf32>
    %slice3A_176 = vector.extract_strided_slice %convert_element_type3A_13 {offsets = [0, 16], sizes = [256, 1], strides = [1, 1]} : vector<256x32xf32> to vector<256x1xf32>
    %slice3A_177 = vector.extract_strided_slice %dot_general3A_17 {offsets = [0, 2048], sizes = [256, 128], strides = [1, 1]} : vector<256x4096xf32> to vector<256x128xf32>
    %get3A_178 = arith.constant 16 : index
    %get3A_179 = arith.constant 0 : index
    %get3A_180 = vector.load %arg6[%get3A_178, %get3A_179] : memref<32x128xf32, #tpu.memory_space<vmem>>, vector<1x128xf32>
    %add3A_181 = vector.broadcast %get3A_180 : vector<1x128xf32> to vector<256x128xf32>
    %add3A_182 = arith.addf %slice3A_177, %add3A_181 : vector<256x128xf32>
    %mul3A_183 = vector.broadcast %slice3A_176 : vector<256x1xf32> to vector<256x128xf32>
    %mul3A_184 = arith.mulf %mul3A_183, %add3A_182 : vector<256x128xf32>
    %add3A_185 = arith.addf %add3A_175, %mul3A_184 : vector<256x128xf32>
    %slice3A_186 = vector.extract_strided_slice %convert_element_type3A_13 {offsets = [0, 17], sizes = [256, 1], strides = [1, 1]} : vector<256x32xf32> to vector<256x1xf32>
    %slice3A_187 = vector.extract_strided_slice %dot_general3A_17 {offsets = [0, 2176], sizes = [256, 128], strides = [1, 1]} : vector<256x4096xf32> to vector<256x128xf32>
    %get3A_188 = arith.constant 17 : index
    %get3A_189 = arith.constant 0 : index
    %get3A_190 = vector.load %arg6[%get3A_188, %get3A_189] : memref<32x128xf32, #tpu.memory_space<vmem>>, vector<1x128xf32>
    %add3A_191 = vector.broadcast %get3A_190 : vector<1x128xf32> to vector<256x128xf32>
    %add3A_192 = arith.addf %slice3A_187, %add3A_191 : vector<256x128xf32>
    %mul3A_193 = vector.broadcast %slice3A_186 : vector<256x1xf32> to vector<256x128xf32>
    %mul3A_194 = arith.mulf %mul3A_193, %add3A_192 : vector<256x128xf32>
    %add3A_195 = arith.addf %add3A_185, %mul3A_194 : vector<256x128xf32>
    %slice3A_196 = vector.extract_strided_slice %convert_element_type3A_13 {offsets = [0, 18], sizes = [256, 1], strides = [1, 1]} : vector<256x32xf32> to vector<256x1xf32>
    %slice3A_197 = vector.extract_strided_slice %dot_general3A_17 {offsets = [0, 2304], sizes = [256, 128], strides = [1, 1]} : vector<256x4096xf32> to vector<256x128xf32>
    %get3A_198 = arith.constant 18 : index
    %get3A_199 = arith.constant 0 : index
    %get3A_200 = vector.load %arg6[%get3A_198, %get3A_199] : memref<32x128xf32, #tpu.memory_space<vmem>>, vector<1x128xf32>
    %add3A_201 = vector.broadcast %get3A_200 : vector<1x128xf32> to vector<256x128xf32>
    %add3A_202 = arith.addf %slice3A_197, %add3A_201 : vector<256x128xf32>
    %mul3A_203 = vector.broadcast %slice3A_196 : vector<256x1xf32> to vector<256x128xf32>
    %mul3A_204 = arith.mulf %mul3A_203, %add3A_202 : vector<256x128xf32>
    %add3A_205 = arith.addf %add3A_195, %mul3A_204 : vector<256x128xf32>
    %slice3A_206 = vector.extract_strided_slice %convert_element_type3A_13 {offsets = [0, 19], sizes = [256, 1], strides = [1, 1]} : vector<256x32xf32> to vector<256x1xf32>
    %slice3A_207 = vector.extract_strided_slice %dot_general3A_17 {offsets = [0, 2432], sizes = [256, 128], strides = [1, 1]} : vector<256x4096xf32> to vector<256x128xf32>
    %get3A_208 = arith.constant 19 : index
    %get3A_209 = arith.constant 0 : index
    %get3A_210 = vector.load %arg6[%get3A_208, %get3A_209] : memref<32x128xf32, #tpu.memory_space<vmem>>, vector<1x128xf32>
    %add3A_211 = vector.broadcast %get3A_210 : vector<1x128xf32> to vector<256x128xf32>
    %add3A_212 = arith.addf %slice3A_207, %add3A_211 : vector<256x128xf32>
    %mul3A_213 = vector.broadcast %slice3A_206 : vector<256x1xf32> to vector<256x128xf32>
    %mul3A_214 = arith.mulf %mul3A_213, %add3A_212 : vector<256x128xf32>
    %add3A_215 = arith.addf %add3A_205, %mul3A_214 : vector<256x128xf32>
    %slice3A_216 = vector.extract_strided_slice %convert_element_type3A_13 {offsets = [0, 20], sizes = [256, 1], strides = [1, 1]} : vector<256x32xf32> to vector<256x1xf32>
    %slice3A_217 = vector.extract_strided_slice %dot_general3A_17 {offsets = [0, 2560], sizes = [256, 128], strides = [1, 1]} : vector<256x4096xf32> to vector<256x128xf32>
    %get3A_218 = arith.constant 20 : index
    %get3A_219 = arith.constant 0 : index
    %get3A_220 = vector.load %arg6[%get3A_218, %get3A_219] : memref<32x128xf32, #tpu.memory_space<vmem>>, vector<1x128xf32>
    %add3A_221 = vector.broadcast %get3A_220 : vector<1x128xf32> to vector<256x128xf32>
    %add3A_222 = arith.addf %slice3A_217, %add3A_221 : vector<256x128xf32>
    %mul3A_223 = vector.broadcast %slice3A_216 : vector<256x1xf32> to vector<256x128xf32>
    %mul3A_224 = arith.mulf %mul3A_223, %add3A_222 : vector<256x128xf32>
    %add3A_225 = arith.addf %add3A_215, %mul3A_224 : vector<256x128xf32>
    %slice3A_226 = vector.extract_strided_slice %convert_element_type3A_13 {offsets = [0, 21], sizes = [256, 1], strides = [1, 1]} : vector<256x32xf32> to vector<256x1xf32>
    %slice3A_227 = vector.extract_strided_slice %dot_general3A_17 {offsets = [0, 2688], sizes = [256, 128], strides = [1, 1]} : vector<256x4096xf32> to vector<256x128xf32>
    %get3A_228 = arith.constant 21 : index
    %get3A_229 = arith.constant 0 : index
    %get3A_230 = vector.load %arg6[%get3A_228, %get3A_229] : memref<32x128xf32, #tpu.memory_space<vmem>>, vector<1x128xf32>
    %add3A_231 = vector.broadcast %get3A_230 : vector<1x128xf32> to vector<256x128xf32>
    %add3A_232 = arith.addf %slice3A_227, %add3A_231 : vector<256x128xf32>
    %mul3A_233 = vector.broadcast %slice3A_226 : vector<256x1xf32> to vector<256x128xf32>
    %mul3A_234 = arith.mulf %mul3A_233, %add3A_232 : vector<256x128xf32>
    %add3A_235 = arith.addf %add3A_225, %mul3A_234 : vector<256x128xf32>
    %slice3A_236 = vector.extract_strided_slice %convert_element_type3A_13 {offsets = [0, 22], sizes = [256, 1], strides = [1, 1]} : vector<256x32xf32> to vector<256x1xf32>
    %slice3A_237 = vector.extract_strided_slice %dot_general3A_17 {offsets = [0, 2816], sizes = [256, 128], strides = [1, 1]} : vector<256x4096xf32> to vector<256x128xf32>
    %get3A_238 = arith.constant 22 : index
    %get3A_239 = arith.constant 0 : index
    %get3A_240 = vector.load %arg6[%get3A_238, %get3A_239] : memref<32x128xf32, #tpu.memory_space<vmem>>, vector<1x128xf32>
    %add3A_241 = vector.broadcast %get3A_240 : vector<1x128xf32> to vector<256x128xf32>
    %add3A_242 = arith.addf %slice3A_237, %add3A_241 : vector<256x128xf32>
    %mul3A_243 = vector.broadcast %slice3A_236 : vector<256x1xf32> to vector<256x128xf32>
    %mul3A_244 = arith.mulf %mul3A_243, %add3A_242 : vector<256x128xf32>
    %add3A_245 = arith.addf %add3A_235, %mul3A_244 : vector<256x128xf32>
    %slice3A_246 = vector.extract_strided_slice %convert_element_type3A_13 {offsets = [0, 23], sizes = [256, 1], strides = [1, 1]} : vector<256x32xf32> to vector<256x1xf32>
    %slice3A_247 = vector.extract_strided_slice %dot_general3A_17 {offsets = [0, 2944], sizes = [256, 128], strides = [1, 1]} : vector<256x4096xf32> to vector<256x128xf32>
    %get3A_248 = arith.constant 23 : index
    %get3A_249 = arith.constant 0 : index
    %get3A_250 = vector.load %arg6[%get3A_248, %get3A_249] : memref<32x128xf32, #tpu.memory_space<vmem>>, vector<1x128xf32>
    %add3A_251 = vector.broadcast %get3A_250 : vector<1x128xf32> to vector<256x128xf32>
    %add3A_252 = arith.addf %slice3A_247, %add3A_251 : vector<256x128xf32>
    %mul3A_253 = vector.broadcast %slice3A_246 : vector<256x1xf32> to vector<256x128xf32>
    %mul3A_254 = arith.mulf %mul3A_253, %add3A_252 : vector<256x128xf32>
    %add3A_255 = arith.addf %add3A_245, %mul3A_254 : vector<256x128xf32>
    %slice3A_256 = vector.extract_strided_slice %convert_element_type3A_13 {offsets = [0, 24], sizes = [256, 1], strides = [1, 1]} : vector<256x32xf32> to vector<256x1xf32>
    %slice3A_257 = vector.extract_strided_slice %dot_general3A_17 {offsets = [0, 3072], sizes = [256, 128], strides = [1, 1]} : vector<256x4096xf32> to vector<256x128xf32>
    %get3A_258 = arith.constant 24 : index
    %get3A_259 = arith.constant 0 : index
    %get3A_260 = vector.load %arg6[%get3A_258, %get3A_259] : memref<32x128xf32, #tpu.memory_space<vmem>>, vector<1x128xf32>
    %add3A_261 = vector.broadcast %get3A_260 : vector<1x128xf32> to vector<256x128xf32>
    %add3A_262 = arith.addf %slice3A_257, %add3A_261 : vector<256x128xf32>
    %mul3A_263 = vector.broadcast %slice3A_256 : vector<256x1xf32> to vector<256x128xf32>
    %mul3A_264 = arith.mulf %mul3A_263, %add3A_262 : vector<256x128xf32>
    %add3A_265 = arith.addf %add3A_255, %mul3A_264 : vector<256x128xf32>
    %slice3A_266 = vector.extract_strided_slice %convert_element_type3A_13 {offsets = [0, 25], sizes = [256, 1], strides = [1, 1]} : vector<256x32xf32> to vector<256x1xf32>
    %slice3A_267 = vector.extract_strided_slice %dot_general3A_17 {offsets = [0, 3200], sizes = [256, 128], strides = [1, 1]} : vector<256x4096xf32> to vector<256x128xf32>
    %get3A_268 = arith.constant 25 : index
    %get3A_269 = arith.constant 0 : index
    %get3A_270 = vector.load %arg6[%get3A_268, %get3A_269] : memref<32x128xf32, #tpu.memory_space<vmem>>, vector<1x128xf32>
    %add3A_271 = vector.broadcast %get3A_270 : vector<1x128xf32> to vector<256x128xf32>
    %add3A_272 = arith.addf %slice3A_267, %add3A_271 : vector<256x128xf32>
    %mul3A_273 = vector.broadcast %slice3A_266 : vector<256x1xf32> to vector<256x128xf32>
    %mul3A_274 = arith.mulf %mul3A_273, %add3A_272 : vector<256x128xf32>
    %add3A_275 = arith.addf %add3A_265, %mul3A_274 : vector<256x128xf32>
    %slice3A_276 = vector.extract_strided_slice %convert_element_type3A_13 {offsets = [0, 26], sizes = [256, 1], strides = [1, 1]} : vector<256x32xf32> to vector<256x1xf32>
    %slice3A_277 = vector.extract_strided_slice %dot_general3A_17 {offsets = [0, 3328], sizes = [256, 128], strides = [1, 1]} : vector<256x4096xf32> to vector<256x128xf32>
    %get3A_278 = arith.constant 26 : index
    %get3A_279 = arith.constant 0 : index
    %get3A_280 = vector.load %arg6[%get3A_278, %get3A_279] : memref<32x128xf32, #tpu.memory_space<vmem>>, vector<1x128xf32>
    %add3A_281 = vector.broadcast %get3A_280 : vector<1x128xf32> to vector<256x128xf32>
    %add3A_282 = arith.addf %slice3A_277, %add3A_281 : vector<256x128xf32>
    %mul3A_283 = vector.broadcast %slice3A_276 : vector<256x1xf32> to vector<256x128xf32>
    %mul3A_284 = arith.mulf %mul3A_283, %add3A_282 : vector<256x128xf32>
    %add3A_285 = arith.addf %add3A_275, %mul3A_284 : vector<256x128xf32>
    %slice3A_286 = vector.extract_strided_slice %convert_element_type3A_13 {offsets = [0, 27], sizes = [256, 1], strides = [1, 1]} : vector<256x32xf32> to vector<256x1xf32>
    %slice3A_287 = vector.extract_strided_slice %dot_general3A_17 {offsets = [0, 3456], sizes = [256, 128], strides = [1, 1]} : vector<256x4096xf32> to vector<256x128xf32>
    %get3A_288 = arith.constant 27 : index
    %get3A_289 = arith.constant 0 : index
    %get3A_290 = vector.load %arg6[%get3A_288, %get3A_289] : memref<32x128xf32, #tpu.memory_space<vmem>>, vector<1x128xf32>
    %add3A_291 = vector.broadcast %get3A_290 : vector<1x128xf32> to vector<256x128xf32>
    %add3A_292 = arith.addf %slice3A_287, %add3A_291 : vector<256x128xf32>
    %mul3A_293 = vector.broadcast %slice3A_286 : vector<256x1xf32> to vector<256x128xf32>
    %mul3A_294 = arith.mulf %mul3A_293, %add3A_292 : vector<256x128xf32>
    %add3A_295 = arith.addf %add3A_285, %mul3A_294 : vector<256x128xf32>
    %slice3A_296 = vector.extract_strided_slice %convert_element_type3A_13 {offsets = [0, 28], sizes = [256, 1], strides = [1, 1]} : vector<256x32xf32> to vector<256x1xf32>
    %slice3A_297 = vector.extract_strided_slice %dot_general3A_17 {offsets = [0, 3584], sizes = [256, 128], strides = [1, 1]} : vector<256x4096xf32> to vector<256x128xf32>
    %get3A_298 = arith.constant 28 : index
    %get3A_299 = arith.constant 0 : index
    %get3A_300 = vector.load %arg6[%get3A_298, %get3A_299] : memref<32x128xf32, #tpu.memory_space<vmem>>, vector<1x128xf32>
    %add3A_301 = vector.broadcast %get3A_300 : vector<1x128xf32> to vector<256x128xf32>
    %add3A_302 = arith.addf %slice3A_297, %add3A_301 : vector<256x128xf32>
    %mul3A_303 = vector.broadcast %slice3A_296 : vector<256x1xf32> to vector<256x128xf32>
    %mul3A_304 = arith.mulf %mul3A_303, %add3A_302 : vector<256x128xf32>
    %add3A_305 = arith.addf %add3A_295, %mul3A_304 : vector<256x128xf32>
    %slice3A_306 = vector.extract_strided_slice %convert_element_type3A_13 {offsets = [0, 29], sizes = [256, 1], strides = [1, 1]} : vector<256x32xf32> to vector<256x1xf32>
    %slice3A_307 = vector.extract_strided_slice %dot_general3A_17 {offsets = [0, 3712], sizes = [256, 128], strides = [1, 1]} : vector<256x4096xf32> to vector<256x128xf32>
    %get3A_308 = arith.constant 29 : index
    %get3A_309 = arith.constant 0 : index
    %get3A_310 = vector.load %arg6[%get3A_308, %get3A_309] : memref<32x128xf32, #tpu.memory_space<vmem>>, vector<1x128xf32>
    %add3A_311 = vector.broadcast %get3A_310 : vector<1x128xf32> to vector<256x128xf32>
    %add3A_312 = arith.addf %slice3A_307, %add3A_311 : vector<256x128xf32>
    %mul3A_313 = vector.broadcast %slice3A_306 : vector<256x1xf32> to vector<256x128xf32>
    %mul3A_314 = arith.mulf %mul3A_313, %add3A_312 : vector<256x128xf32>
    %add3A_315 = arith.addf %add3A_305, %mul3A_314 : vector<256x128xf32>
    %slice3A_316 = vector.extract_strided_slice %convert_element_type3A_13 {offsets = [0, 30], sizes = [256, 1], strides = [1, 1]} : vector<256x32xf32> to vector<256x1xf32>
    %slice3A_317 = vector.extract_strided_slice %dot_general3A_17 {offsets = [0, 3840], sizes = [256, 128], strides = [1, 1]} : vector<256x4096xf32> to vector<256x128xf32>
    %get3A_318 = arith.constant 30 : index
    %get3A_319 = arith.constant 0 : index
    %get3A_320 = vector.load %arg6[%get3A_318, %get3A_319] : memref<32x128xf32, #tpu.memory_space<vmem>>, vector<1x128xf32>
    %add3A_321 = vector.broadcast %get3A_320 : vector<1x128xf32> to vector<256x128xf32>
    %add3A_322 = arith.addf %slice3A_317, %add3A_321 : vector<256x128xf32>
    %mul3A_323 = vector.broadcast %slice3A_316 : vector<256x1xf32> to vector<256x128xf32>
    %mul3A_324 = arith.mulf %mul3A_323, %add3A_322 : vector<256x128xf32>
    %add3A_325 = arith.addf %add3A_315, %mul3A_324 : vector<256x128xf32>
    %slice3A_326 = vector.extract_strided_slice %convert_element_type3A_13 {offsets = [0, 31], sizes = [256, 1], strides = [1, 1]} : vector<256x32xf32> to vector<256x1xf32>
    %slice3A_327 = vector.extract_strided_slice %dot_general3A_17 {offsets = [0, 3968], sizes = [256, 128], strides = [1, 1]} : vector<256x4096xf32> to vector<256x128xf32>
    %get3A_328 = arith.constant 31 : index
    %get3A_329 = arith.constant 0 : index
    %get3A_330 = vector.load %arg6[%get3A_328, %get3A_329] : memref<32x128xf32, #tpu.memory_space<vmem>>, vector<1x128xf32>
    %add3A_331 = vector.broadcast %get3A_330 : vector<1x128xf32> to vector<256x128xf32>
    %add3A_332 = arith.addf %slice3A_327, %add3A_331 : vector<256x128xf32>
    %mul3A_333 = vector.broadcast %slice3A_326 : vector<256x1xf32> to vector<256x128xf32>
    %mul3A_334 = arith.mulf %mul3A_333, %add3A_332 : vector<256x128xf32>
    %add3A_335 = arith.addf %add3A_325, %mul3A_334 : vector<256x128xf32>
    %tanh3A = math.tanh %add3A_335 : vector<256x128xf32>
    %swap3A = arith.constant 0 : index
    %swap3A_336 = arith.constant 0 : index
    %swap3A_337 = vector.load %arg7[%swap3A, %swap3A_336] : memref<256x128xf32, #tpu.memory_space<vmem>>, vector<256x128xf32>
    tpu.vector_store %arg7[%swap3A, %swap3A_336], %tanh3A {strides = array<i32>} : memref<256x128xf32, #tpu.memory_space<vmem>>, vector<256x128xf32>,
    return
  }
  func.func @transform_1(%arg0: i32) -> (i32, i32) {
    %c0_i32 = arith.constant 0 : i32
    %c0_i32_0 = arith.constant 0 : i32
    return %arg0, %c0_i32 : i32, i32
  }
  func.func @transform_2(%arg0: i32) -> (i32, i32) {
    %add3A = arith.constant 8 : i32
    %add3A_0 = arith.addi %add3A, %arg0 : i32
    %c0_i32 = arith.constant 0 : i32
    %c0_i32_1 = arith.constant 0 : i32
    return %add3A_0, %c0_i32 : i32, i32
  }
  func.func @transform_3(%arg0: i32) -> (i32, i32, i32) {
    %c3_i32 = arith.constant 3 : i32
    %c0_i32 = arith.constant 0 : i32
    %c0_i32_0 = arith.constant 0 : i32
    return %c3_i32, %arg0, %c0_i32 : i32, i32, i32
  }
  func.func @transform_4(%arg0: i32) -> (i32, i32) {
    %c0_i32 = arith.constant 0 : i32
    %c0_i32_0 = arith.constant 0 : i32
    %c0_i32_1 = arith.constant 0 : i32
    return %c0_i32, %c0_i32_0 : i32, i32
  }
  func.func @transform_5(%arg0: i32) -> (i32, i32) {
    %c0_i32 = arith.constant 0 : i32
    %c0_i32_0 = arith.constant 0 : i32
    %c0_i32_1 = arith.constant 0 : i32
    return %c0_i32, %c0_i32_0 : i32, i32
  }
  func.func @transform_6(%arg0: i32) -> (i32, i32) {
    %add3A = arith.constant 88 : i32
    %add3A_0 = arith.addi %add3A, %arg0 : i32
    %c0_i32 = arith.constant 0 : i32
    %c0_i32_1 = arith.constant 0 : i32
    return %add3A_0, %c0_i32 : i32, i32
  }
}

module attributes {stable_mosaic.version = 14 : i64} {
  func.func @_layer_body(%arg0: i32, %arg1: memref<32768x128xf32, #tpu.memory_space<any>>, %arg2: memref<256x128xf32, #tpu.memory_space<vmem>>, %arg3: memref<256x128xf32, #tpu.memory_space<vmem>>, %arg4: memref<1x256x1xi32, #tpu.memory_space<vmem>>, %arg5: memref<256x4096xbf16, #tpu.memory_space<vmem>>, %arg6: memref<32x128xf32, #tpu.memory_space<vmem>>, %arg7: memref<256x128xf32, #tpu.memory_space<vmem>>) attributes {dimension_semantics = [#tpu.dimension_semantics<arbitrary>], iteration_bounds = array<i64: 8>, scalar_prefetch = 0 : i64, scratch_operands = 0 : i64, tpu.core_type = #tpu.core_type<tc>, window_params = [{}, {transform_indices = @transform_1, window_bounds = array<i64: 256, 128>}, {transform_indices = @transform_2, window_bounds = array<i64: 256, 128>}, {transform_indices = @transform_3, window_bounds = array<i64: 1, 256, 1>}, {pipeline_mode = #tpu.pipeline_mode<synchronous>, transform_indices = @transform_4, window_bounds = array<i64: 256, 4096>}, {pipeline_mode = #tpu.pipeline_mode<synchronous>, transform_indices = @transform_5, window_bounds = array<i64: 32, 128>}, {transform_indices = @transform_6, window_bounds = array<i64: 256, 128>}]} {
    %get3A = arith.constant 0 : index
    %get3A_0 = arith.constant 0 : index
    %get3A_1 = vector.load %arg2[%get3A, %get3A_0] : memref<256x128xf32, #tpu.memory_space<vmem>>, vector<256x128xf32>
    %convert_element_type3A = arith.truncf %get3A_1 : vector<256x128xf32> to vector<256x128xbf16>
    %get3A_2 = arith.constant 0 : index
    %get3A_3 = arith.constant 0 : index
    %get3A_4 = vector.load %arg3[%get3A_2, %get3A_3] : memref<256x128xf32, #tpu.memory_space<vmem>>, vector<256x128xf32>
    %convert_element_type3A_5 = arith.truncf %get3A_4 : vector<256x128xf32> to vector<256x128xbf16>
    %concatenate3A = tpu.concatenate %convert_element_type3A, %convert_element_type3A_5 in 1 : vector<256x128xbf16>, vector<256x128xbf16> -> vector<256x256xbf16>
    %get3A_6 = arith.constant 0 : index
    %get3A_7 = arith.constant 0 : index
    %get3A_8 = arith.constant 0 : index
    %get3A_9 = vector.load %arg4[%get3A_6, %get3A_7, %get3A_8] : memref<1x256x1xi32, #tpu.memory_space<vmem>>, vector<1x256x1xi32>
    %get3A_10 = vector.shape_cast %get3A_9 : vector<1x256x1xi32> to vector<256x1xi32>
    %iota3A = tpu.iota {dimensions = array<i32: 1>} : vector<256x32xi32>
    %eq3A = vector.broadcast %get3A_10 : vector<256x1xi32> to vector<256x32xi32>
    %eq3A_11 = arith.cmpi eq, %eq3A, %iota3A : vector<256x32xi32>
    %convert_element_type3A_12 = arith.extui %eq3A_11 : vector<256x32xi1> to vector<256x32xi32>
    %convert_element_type3A_13 = arith.sitofp %convert_element_type3A_12 : vector<256x32xi32> to vector<256x32xf32>
    %get3A_14 = arith.constant 0 : index
    %get3A_15 = arith.constant 0 : index
    %get3A_16 = vector.load %arg5[%get3A_14, %get3A_15] : memref<256x4096xbf16, #tpu.memory_space<vmem>>, vector<256x4096xbf16>
    %dot_general3A = arith.constant dense<0.000000e+00> : vector<256x4096xf32>
    %dot_general3A_17 = tpu.matmul %concatenate3A, %get3A_16, %dot_general3A {dimension_numbers = #tpu.dot_dimension_numbers<[1], [0], [0], [1], [0, 0, 1, 1], [], []>, transpose_lhs_hint = false} : vector<256x256xbf16>, vector<256x4096xbf16>, vector<256x4096xf32> -> vector<256x4096xf32>
    %broadcast_in_dim3A = arith.constant 0.000000e+00 : f32
    %broadcast_in_dim3A_18 = vector.broadcast %broadcast_in_dim3A : f32 to vector<256x128xf32>
    %slice3A = vector.extract_strided_slice %convert_element_type3A_13 {offsets = [0, 0], sizes = [256, 1], strides = [1, 1]} : vector<256x32xf32> to vector<256x1xf32>
    %slice3A_19 = vector.extract_strided_slice %dot_general3A_17 {offsets = [0, 0], sizes = [256, 128], strides = [1, 1]} : vector<256x4096xf32> to vector<256x128xf32>
    %get3A_20 = arith.constant 0 : index
    %get3A_21 = arith.constant 0 : index
    %get3A_22 = vector.load %arg6[%get3A_20, %get3A_21] : memref<32x128xf32, #tpu.memory_space<vmem>>, vector<1x128xf32>
    %add3A = vector.broadcast %get3A_22 : vector<1x128xf32> to vector<256x128xf32>
    %add3A_23 = arith.addf %slice3A_19, %add3A : vector<256x128xf32>
    %mul3A = vector.broadcast %slice3A : vector<256x1xf32> to vector<256x128xf32>
    %mul3A_24 = arith.mulf %mul3A, %add3A_23 : vector<256x128xf32>
    %add3A_25 = arith.addf %broadcast_in_dim3A_18, %mul3A_24 : vector<256x128xf32>
    %slice3A_26 = vector.extract_strided_slice %convert_element_type3A_13 {offsets = [0, 1], sizes = [256, 1], strides = [1, 1]} : vector<256x32xf32> to vector<256x1xf32>
    %slice3A_27 = vector.extract_strided_slice %dot_general3A_17 {offsets = [0, 128], sizes = [256, 128], strides = [1, 1]} : vector<256x4096xf32> to vector<256x128xf32>
    %get3A_28 = arith.constant 1 : index
    %get3A_29 = arith.constant 0 : index
    %get3A_30 = vector.load %arg6[%get3A_28, %get3A_29] : memref<32x128xf32, #tpu.memory_space<vmem>>, vector<1x128xf32>
    %add3A_31 = vector.broadcast %get3A_30 : vector<1x128xf32> to vector<256x128xf32>
    %add3A_32 = arith.addf %slice3A_27, %add3A_31 : vector<256x128xf32>
    %mul3A_33 = vector.broadcast %slice3A_26 : vector<256x1xf32> to vector<256x128xf32>
    %mul3A_34 = arith.mulf %mul3A_33, %add3A_32 : vector<256x128xf32>
    %add3A_35 = arith.addf %add3A_25, %mul3A_34 : vector<256x128xf32>
    %slice3A_36 = vector.extract_strided_slice %convert_element_type3A_13 {offsets = [0, 2], sizes = [256, 1], strides = [1, 1]} : vector<256x32xf32> to vector<256x1xf32>
    %slice3A_37 = vector.extract_strided_slice %dot_general3A_17 {offsets = [0, 256], sizes = [256, 128], strides = [1, 1]} : vector<256x4096xf32> to vector<256x128xf32>
    %get3A_38 = arith.constant 2 : index
    %get3A_39 = arith.constant 0 : index
    %get3A_40 = vector.load %arg6[%get3A_38, %get3A_39] : memref<32x128xf32, #tpu.memory_space<vmem>>, vector<1x128xf32>
    %add3A_41 = vector.broadcast %get3A_40 : vector<1x128xf32> to vector<256x128xf32>
    %add3A_42 = arith.addf %slice3A_37, %add3A_41 : vector<256x128xf32>
    %mul3A_43 = vector.broadcast %slice3A_36 : vector<256x1xf32> to vector<256x128xf32>
    %mul3A_44 = arith.mulf %mul3A_43, %add3A_42 : vector<256x128xf32>
    %add3A_45 = arith.addf %add3A_35, %mul3A_44 : vector<256x128xf32>
    %slice3A_46 = vector.extract_strided_slice %convert_element_type3A_13 {offsets = [0, 3], sizes = [256, 1], strides = [1, 1]} : vector<256x32xf32> to vector<256x1xf32>
    %slice3A_47 = vector.extract_strided_slice %dot_general3A_17 {offsets = [0, 384], sizes = [256, 128], strides = [1, 1]} : vector<256x4096xf32> to vector<256x128xf32>
    %get3A_48 = arith.constant 3 : index
    %get3A_49 = arith.constant 0 : index
    %get3A_50 = vector.load %arg6[%get3A_48, %get3A_49] : memref<32x128xf32, #tpu.memory_space<vmem>>, vector<1x128xf32>
    %add3A_51 = vector.broadcast %get3A_50 : vector<1x128xf32> to vector<256x128xf32>
    %add3A_52 = arith.addf %slice3A_47, %add3A_51 : vector<256x128xf32>
    %mul3A_53 = vector.broadcast %slice3A_46 : vector<256x1xf32> to vector<256x128xf32>
    %mul3A_54 = arith.mulf %mul3A_53, %add3A_52 : vector<256x128xf32>
    %add3A_55 = arith.addf %add3A_45, %mul3A_54 : vector<256x128xf32>
    %slice3A_56 = vector.extract_strided_slice %convert_element_type3A_13 {offsets = [0, 4], sizes = [256, 1], strides = [1, 1]} : vector<256x32xf32> to vector<256x1xf32>
    %slice3A_57 = vector.extract_strided_slice %dot_general3A_17 {offsets = [0, 512], sizes = [256, 128], strides = [1, 1]} : vector<256x4096xf32> to vector<256x128xf32>
    %get3A_58 = arith.constant 4 : index
    %get3A_59 = arith.constant 0 : index
    %get3A_60 = vector.load %arg6[%get3A_58, %get3A_59] : memref<32x128xf32, #tpu.memory_space<vmem>>, vector<1x128xf32>
    %add3A_61 = vector.broadcast %get3A_60 : vector<1x128xf32> to vector<256x128xf32>
    %add3A_62 = arith.addf %slice3A_57, %add3A_61 : vector<256x128xf32>
    %mul3A_63 = vector.broadcast %slice3A_56 : vector<256x1xf32> to vector<256x128xf32>
    %mul3A_64 = arith.mulf %mul3A_63, %add3A_62 : vector<256x128xf32>
    %add3A_65 = arith.addf %add3A_55, %mul3A_64 : vector<256x128xf32>
    %slice3A_66 = vector.extract_strided_slice %convert_element_type3A_13 {offsets = [0, 5], sizes = [256, 1], strides = [1, 1]} : vector<256x32xf32> to vector<256x1xf32>
    %slice3A_67 = vector.extract_strided_slice %dot_general3A_17 {offsets = [0, 640], sizes = [256, 128], strides = [1, 1]} : vector<256x4096xf32> to vector<256x128xf32>
    %get3A_68 = arith.constant 5 : index
    %get3A_69 = arith.constant 0 : index
    %get3A_70 = vector.load %arg6[%get3A_68, %get3A_69] : memref<32x128xf32, #tpu.memory_space<vmem>>, vector<1x128xf32>
    %add3A_71 = vector.broadcast %get3A_70 : vector<1x128xf32> to vector<256x128xf32>
    %add3A_72 = arith.addf %slice3A_67, %add3A_71 : vector<256x128xf32>
    %mul3A_73 = vector.broadcast %slice3A_66 : vector<256x1xf32> to vector<256x128xf32>
    %mul3A_74 = arith.mulf %mul3A_73, %add3A_72 : vector<256x128xf32>
    %add3A_75 = arith.addf %add3A_65, %mul3A_74 : vector<256x128xf32>
    %slice3A_76 = vector.extract_strided_slice %convert_element_type3A_13 {offsets = [0, 6], sizes = [256, 1], strides = [1, 1]} : vector<256x32xf32> to vector<256x1xf32>
    %slice3A_77 = vector.extract_strided_slice %dot_general3A_17 {offsets = [0, 768], sizes = [256, 128], strides = [1, 1]} : vector<256x4096xf32> to vector<256x128xf32>
    %get3A_78 = arith.constant 6 : index
    %get3A_79 = arith.constant 0 : index
    %get3A_80 = vector.load %arg6[%get3A_78, %get3A_79] : memref<32x128xf32, #tpu.memory_space<vmem>>, vector<1x128xf32>
    %add3A_81 = vector.broadcast %get3A_80 : vector<1x128xf32> to vector<256x128xf32>
    %add3A_82 = arith.addf %slice3A_77, %add3A_81 : vector<256x128xf32>
    %mul3A_83 = vector.broadcast %slice3A_76 : vector<256x1xf32> to vector<256x128xf32>
    %mul3A_84 = arith.mulf %mul3A_83, %add3A_82 : vector<256x128xf32>
    %add3A_85 = arith.addf %add3A_75, %mul3A_84 : vector<256x128xf32>
    %slice3A_86 = vector.extract_strided_slice %convert_element_type3A_13 {offsets = [0, 7], sizes = [256, 1], strides = [1, 1]} : vector<256x32xf32> to vector<256x1xf32>
    %slice3A_87 = vector.extract_strided_slice %dot_general3A_17 {offsets = [0, 896], sizes = [256, 128], strides = [1, 1]} : vector<256x4096xf32> to vector<256x128xf32>
    %get3A_88 = arith.constant 7 : index
    %get3A_89 = arith.constant 0 : index
    %get3A_90 = vector.load %arg6[%get3A_88, %get3A_89] : memref<32x128xf32, #tpu.memory_space<vmem>>, vector<1x128xf32>
    %add3A_91 = vector.broadcast %get3A_90 : vector<1x128xf32> to vector<256x128xf32>
    %add3A_92 = arith.addf %slice3A_87, %add3A_91 : vector<256x128xf32>
    %mul3A_93 = vector.broadcast %slice3A_86 : vector<256x1xf32> to vector<256x128xf32>
    %mul3A_94 = arith.mulf %mul3A_93, %add3A_92 : vector<256x128xf32>
    %add3A_95 = arith.addf %add3A_85, %mul3A_94 : vector<256x128xf32>
    %slice3A_96 = vector.extract_strided_slice %convert_element_type3A_13 {offsets = [0, 8], sizes = [256, 1], strides = [1, 1]} : vector<256x32xf32> to vector<256x1xf32>
    %slice3A_97 = vector.extract_strided_slice %dot_general3A_17 {offsets = [0, 1024], sizes = [256, 128], strides = [1, 1]} : vector<256x4096xf32> to vector<256x128xf32>
    %get3A_98 = arith.constant 8 : index
    %get3A_99 = arith.constant 0 : index
    %get3A_100 = vector.load %arg6[%get3A_98, %get3A_99] : memref<32x128xf32, #tpu.memory_space<vmem>>, vector<1x128xf32>
    %add3A_101 = vector.broadcast %get3A_100 : vector<1x128xf32> to vector<256x128xf32>
    %add3A_102 = arith.addf %slice3A_97, %add3A_101 : vector<256x128xf32>
    %mul3A_103 = vector.broadcast %slice3A_96 : vector<256x1xf32> to vector<256x128xf32>
    %mul3A_104 = arith.mulf %mul3A_103, %add3A_102 : vector<256x128xf32>
    %add3A_105 = arith.addf %add3A_95, %mul3A_104 : vector<256x128xf32>
    %slice3A_106 = vector.extract_strided_slice %convert_element_type3A_13 {offsets = [0, 9], sizes = [256, 1], strides = [1, 1]} : vector<256x32xf32> to vector<256x1xf32>
    %slice3A_107 = vector.extract_strided_slice %dot_general3A_17 {offsets = [0, 1152], sizes = [256, 128], strides = [1, 1]} : vector<256x4096xf32> to vector<256x128xf32>
    %get3A_108 = arith.constant 9 : index
    %get3A_109 = arith.constant 0 : index
    %get3A_110 = vector.load %arg6[%get3A_108, %get3A_109] : memref<32x128xf32, #tpu.memory_space<vmem>>, vector<1x128xf32>
    %add3A_111 = vector.broadcast %get3A_110 : vector<1x128xf32> to vector<256x128xf32>
    %add3A_112 = arith.addf %slice3A_107, %add3A_111 : vector<256x128xf32>
    %mul3A_113 = vector.broadcast %slice3A_106 : vector<256x1xf32> to vector<256x128xf32>
    %mul3A_114 = arith.mulf %mul3A_113, %add3A_112 : vector<256x128xf32>
    %add3A_115 = arith.addf %add3A_105, %mul3A_114 : vector<256x128xf32>
    %slice3A_116 = vector.extract_strided_slice %convert_element_type3A_13 {offsets = [0, 10], sizes = [256, 1], strides = [1, 1]} : vector<256x32xf32> to vector<256x1xf32>
    %slice3A_117 = vector.extract_strided_slice %dot_general3A_17 {offsets = [0, 1280], sizes = [256, 128], strides = [1, 1]} : vector<256x4096xf32> to vector<256x128xf32>
    %get3A_118 = arith.constant 10 : index
    %get3A_119 = arith.constant 0 : index
    %get3A_120 = vector.load %arg6[%get3A_118, %get3A_119] : memref<32x128xf32, #tpu.memory_space<vmem>>, vector<1x128xf32>
    %add3A_121 = vector.broadcast %get3A_120 : vector<1x128xf32> to vector<256x128xf32>
    %add3A_122 = arith.addf %slice3A_117, %add3A_121 : vector<256x128xf32>
    %mul3A_123 = vector.broadcast %slice3A_116 : vector<256x1xf32> to vector<256x128xf32>
    %mul3A_124 = arith.mulf %mul3A_123, %add3A_122 : vector<256x128xf32>
    %add3A_125 = arith.addf %add3A_115, %mul3A_124 : vector<256x128xf32>
    %slice3A_126 = vector.extract_strided_slice %convert_element_type3A_13 {offsets = [0, 11], sizes = [256, 1], strides = [1, 1]} : vector<256x32xf32> to vector<256x1xf32>
    %slice3A_127 = vector.extract_strided_slice %dot_general3A_17 {offsets = [0, 1408], sizes = [256, 128], strides = [1, 1]} : vector<256x4096xf32> to vector<256x128xf32>
    %get3A_128 = arith.constant 11 : index
    %get3A_129 = arith.constant 0 : index
    %get3A_130 = vector.load %arg6[%get3A_128, %get3A_129] : memref<32x128xf32, #tpu.memory_space<vmem>>, vector<1x128xf32>
    %add3A_131 = vector.broadcast %get3A_130 : vector<1x128xf32> to vector<256x128xf32>
    %add3A_132 = arith.addf %slice3A_127, %add3A_131 : vector<256x128xf32>
    %mul3A_133 = vector.broadcast %slice3A_126 : vector<256x1xf32> to vector<256x128xf32>
    %mul3A_134 = arith.mulf %mul3A_133, %add3A_132 : vector<256x128xf32>
    %add3A_135 = arith.addf %add3A_125, %mul3A_134 : vector<256x128xf32>
    %slice3A_136 = vector.extract_strided_slice %convert_element_type3A_13 {offsets = [0, 12], sizes = [256, 1], strides = [1, 1]} : vector<256x32xf32> to vector<256x1xf32>
    %slice3A_137 = vector.extract_strided_slice %dot_general3A_17 {offsets = [0, 1536], sizes = [256, 128], strides = [1, 1]} : vector<256x4096xf32> to vector<256x128xf32>
    %get3A_138 = arith.constant 12 : index
    %get3A_139 = arith.constant 0 : index
    %get3A_140 = vector.load %arg6[%get3A_138, %get3A_139] : memref<32x128xf32, #tpu.memory_space<vmem>>, vector<1x128xf32>
    %add3A_141 = vector.broadcast %get3A_140 : vector<1x128xf32> to vector<256x128xf32>
    %add3A_142 = arith.addf %slice3A_137, %add3A_141 : vector<256x128xf32>
    %mul3A_143 = vector.broadcast %slice3A_136 : vector<256x1xf32> to vector<256x128xf32>
    %mul3A_144 = arith.mulf %mul3A_143, %add3A_142 : vector<256x128xf32>
    %add3A_145 = arith.addf %add3A_135, %mul3A_144 : vector<256x128xf32>
    %slice3A_146 = vector.extract_strided_slice %convert_element_type3A_13 {offsets = [0, 13], sizes = [256, 1], strides = [1, 1]} : vector<256x32xf32> to vector<256x1xf32>
    %slice3A_147 = vector.extract_strided_slice %dot_general3A_17 {offsets = [0, 1664], sizes = [256, 128], strides = [1, 1]} : vector<256x4096xf32> to vector<256x128xf32>
    %get3A_148 = arith.constant 13 : index
    %get3A_149 = arith.constant 0 : index
    %get3A_150 = vector.load %arg6[%get3A_148, %get3A_149] : memref<32x128xf32, #tpu.memory_space<vmem>>, vector<1x128xf32>
    %add3A_151 = vector.broadcast %get3A_150 : vector<1x128xf32> to vector<256x128xf32>
    %add3A_152 = arith.addf %slice3A_147, %add3A_151 : vector<256x128xf32>
    %mul3A_153 = vector.broadcast %slice3A_146 : vector<256x1xf32> to vector<256x128xf32>
    %mul3A_154 = arith.mulf %mul3A_153, %add3A_152 : vector<256x128xf32>
    %add3A_155 = arith.addf %add3A_145, %mul3A_154 : vector<256x128xf32>
    %slice3A_156 = vector.extract_strided_slice %convert_element_type3A_13 {offsets = [0, 14], sizes = [256, 1], strides = [1, 1]} : vector<256x32xf32> to vector<256x1xf32>
    %slice3A_157 = vector.extract_strided_slice %dot_general3A_17 {offsets = [0, 1792], sizes = [256, 128], strides = [1, 1]} : vector<256x4096xf32> to vector<256x128xf32>
    %get3A_158 = arith.constant 14 : index
    %get3A_159 = arith.constant 0 : index
    %get3A_160 = vector.load %arg6[%get3A_158, %get3A_159] : memref<32x128xf32, #tpu.memory_space<vmem>>, vector<1x128xf32>
    %add3A_161 = vector.broadcast %get3A_160 : vector<1x128xf32> to vector<256x128xf32>
    %add3A_162 = arith.addf %slice3A_157, %add3A_161 : vector<256x128xf32>
    %mul3A_163 = vector.broadcast %slice3A_156 : vector<256x1xf32> to vector<256x128xf32>
    %mul3A_164 = arith.mulf %mul3A_163, %add3A_162 : vector<256x128xf32>
    %add3A_165 = arith.addf %add3A_155, %mul3A_164 : vector<256x128xf32>
    %slice3A_166 = vector.extract_strided_slice %convert_element_type3A_13 {offsets = [0, 15], sizes = [256, 1], strides = [1, 1]} : vector<256x32xf32> to vector<256x1xf32>
    %slice3A_167 = vector.extract_strided_slice %dot_general3A_17 {offsets = [0, 1920], sizes = [256, 128], strides = [1, 1]} : vector<256x4096xf32> to vector<256x128xf32>
    %get3A_168 = arith.constant 15 : index
    %get3A_169 = arith.constant 0 : index
    %get3A_170 = vector.load %arg6[%get3A_168, %get3A_169] : memref<32x128xf32, #tpu.memory_space<vmem>>, vector<1x128xf32>
    %add3A_171 = vector.broadcast %get3A_170 : vector<1x128xf32> to vector<256x128xf32>
    %add3A_172 = arith.addf %slice3A_167, %add3A_171 : vector<256x128xf32>
    %mul3A_173 = vector.broadcast %slice3A_166 : vector<256x1xf32> to vector<256x128xf32>
    %mul3A_174 = arith.mulf %mul3A_173, %add3A_172 : vector<256x128xf32>
    %add3A_175 = arith.addf %add3A_165, %mul3A_174 : vector<256x128xf32>
    %slice3A_176 = vector.extract_strided_slice %convert_element_type3A_13 {offsets = [0, 16], sizes = [256, 1], strides = [1, 1]} : vector<256x32xf32> to vector<256x1xf32>
    %slice3A_177 = vector.extract_strided_slice %dot_general3A_17 {offsets = [0, 2048], sizes = [256, 128], strides = [1, 1]} : vector<256x4096xf32> to vector<256x128xf32>
    %get3A_178 = arith.constant 16 : index
    %get3A_179 = arith.constant 0 : index
    %get3A_180 = vector.load %arg6[%get3A_178, %get3A_179] : memref<32x128xf32, #tpu.memory_space<vmem>>, vector<1x128xf32>
    %add3A_181 = vector.broadcast %get3A_180 : vector<1x128xf32> to vector<256x128xf32>
    %add3A_182 = arith.addf %slice3A_177, %add3A_181 : vector<256x128xf32>
    %mul3A_183 = vector.broadcast %slice3A_176 : vector<256x1xf32> to vector<256x128xf32>
    %mul3A_184 = arith.mulf %mul3A_183, %add3A_182 : vector<256x128xf32>
    %add3A_185 = arith.addf %add3A_175, %mul3A_184 : vector<256x128xf32>
    %slice3A_186 = vector.extract_strided_slice %convert_element_type3A_13 {offsets = [0, 17], sizes = [256, 1], strides = [1, 1]} : vector<256x32xf32> to vector<256x1xf32>
    %slice3A_187 = vector.extract_strided_slice %dot_general3A_17 {offsets = [0, 2176], sizes = [256, 128], strides = [1, 1]} : vector<256x4096xf32> to vector<256x128xf32>
    %get3A_188 = arith.constant 17 : index
    %get3A_189 = arith.constant 0 : index
    %get3A_190 = vector.load %arg6[%get3A_188, %get3A_189] : memref<32x128xf32, #tpu.memory_space<vmem>>, vector<1x128xf32>
    %add3A_191 = vector.broadcast %get3A_190 : vector<1x128xf32> to vector<256x128xf32>
    %add3A_192 = arith.addf %slice3A_187, %add3A_191 : vector<256x128xf32>
    %mul3A_193 = vector.broadcast %slice3A_186 : vector<256x1xf32> to vector<256x128xf32>
    %mul3A_194 = arith.mulf %mul3A_193, %add3A_192 : vector<256x128xf32>
    %add3A_195 = arith.addf %add3A_185, %mul3A_194 : vector<256x128xf32>
    %slice3A_196 = vector.extract_strided_slice %convert_element_type3A_13 {offsets = [0, 18], sizes = [256, 1], strides = [1, 1]} : vector<256x32xf32> to vector<256x1xf32>
    %slice3A_197 = vector.extract_strided_slice %dot_general3A_17 {offsets = [0, 2304], sizes = [256, 128], strides = [1, 1]} : vector<256x4096xf32> to vector<256x128xf32>
    %get3A_198 = arith.constant 18 : index
    %get3A_199 = arith.constant 0 : index
    %get3A_200 = vector.load %arg6[%get3A_198, %get3A_199] : memref<32x128xf32, #tpu.memory_space<vmem>>, vector<1x128xf32>
    %add3A_201 = vector.broadcast %get3A_200 : vector<1x128xf32> to vector<256x128xf32>
    %add3A_202 = arith.addf %slice3A_197, %add3A_201 : vector<256x128xf32>
    %mul3A_203 = vector.broadcast %slice3A_196 : vector<256x1xf32> to vector<256x128xf32>
    %mul3A_204 = arith.mulf %mul3A_203, %add3A_202 : vector<256x128xf32>
    %add3A_205 = arith.addf %add3A_195, %mul3A_204 : vector<256x128xf32>
    %slice3A_206 = vector.extract_strided_slice %convert_element_type3A_13 {offsets = [0, 19], sizes = [256, 1], strides = [1, 1]} : vector<256x32xf32> to vector<256x1xf32>
    %slice3A_207 = vector.extract_strided_slice %dot_general3A_17 {offsets = [0, 2432], sizes = [256, 128], strides = [1, 1]} : vector<256x4096xf32> to vector<256x128xf32>
    %get3A_208 = arith.constant 19 : index
    %get3A_209 = arith.constant 0 : index
    %get3A_210 = vector.load %arg6[%get3A_208, %get3A_209] : memref<32x128xf32, #tpu.memory_space<vmem>>, vector<1x128xf32>
    %add3A_211 = vector.broadcast %get3A_210 : vector<1x128xf32> to vector<256x128xf32>
    %add3A_212 = arith.addf %slice3A_207, %add3A_211 : vector<256x128xf32>
    %mul3A_213 = vector.broadcast %slice3A_206 : vector<256x1xf32> to vector<256x128xf32>
    %mul3A_214 = arith.mulf %mul3A_213, %add3A_212 : vector<256x128xf32>
    %add3A_215 = arith.addf %add3A_205, %mul3A_214 : vector<256x128xf32>
    %slice3A_216 = vector.extract_strided_slice %convert_element_type3A_13 {offsets = [0, 20], sizes = [256, 1], strides = [1, 1]} : vector<256x32xf32> to vector<256x1xf32>
    %slice3A_217 = vector.extract_strided_slice %dot_general3A_17 {offsets = [0, 2560], sizes = [256, 128], strides = [1, 1]} : vector<256x4096xf32> to vector<256x128xf32>
    %get3A_218 = arith.constant 20 : index
    %get3A_219 = arith.constant 0 : index
    %get3A_220 = vector.load %arg6[%get3A_218, %get3A_219] : memref<32x128xf32, #tpu.memory_space<vmem>>, vector<1x128xf32>
    %add3A_221 = vector.broadcast %get3A_220 : vector<1x128xf32> to vector<256x128xf32>
    %add3A_222 = arith.addf %slice3A_217, %add3A_221 : vector<256x128xf32>
    %mul3A_223 = vector.broadcast %slice3A_216 : vector<256x1xf32> to vector<256x128xf32>
    %mul3A_224 = arith.mulf %mul3A_223, %add3A_222 : vector<256x128xf32>
    %add3A_225 = arith.addf %add3A_215, %mul3A_224 : vector<256x128xf32>
    %slice3A_226 = vector.extract_strided_slice %convert_element_type3A_13 {offsets = [0, 21], sizes = [256, 1], strides = [1, 1]} : vector<256x32xf32> to vector<256x1xf32>
    %slice3A_227 = vector.extract_strided_slice %dot_general3A_17 {offsets = [0, 2688], sizes = [256, 128], strides = [1, 1]} : vector<256x4096xf32> to vector<256x128xf32>
    %get3A_228 = arith.constant 21 : index
    %get3A_229 = arith.constant 0 : index
    %get3A_230 = vector.load %arg6[%get3A_228, %get3A_229] : memref<32x128xf32, #tpu.memory_space<vmem>>, vector<1x128xf32>
    %add3A_231 = vector.broadcast %get3A_230 : vector<1x128xf32> to vector<256x128xf32>
    %add3A_232 = arith.addf %slice3A_227, %add3A_231 : vector<256x128xf32>
    %mul3A_233 = vector.broadcast %slice3A_226 : vector<256x1xf32> to vector<256x128xf32>
    %mul3A_234 = arith.mulf %mul3A_233, %add3A_232 : vector<256x128xf32>
    %add3A_235 = arith.addf %add3A_225, %mul3A_234 : vector<256x128xf32>
    %slice3A_236 = vector.extract_strided_slice %convert_element_type3A_13 {offsets = [0, 22], sizes = [256, 1], strides = [1, 1]} : vector<256x32xf32> to vector<256x1xf32>
    %slice3A_237 = vector.extract_strided_slice %dot_general3A_17 {offsets = [0, 2816], sizes = [256, 128], strides = [1, 1]} : vector<256x4096xf32> to vector<256x128xf32>
    %get3A_238 = arith.constant 22 : index
    %get3A_239 = arith.constant 0 : index
    %get3A_240 = vector.load %arg6[%get3A_238, %get3A_239] : memref<32x128xf32, #tpu.memory_space<vmem>>, vector<1x128xf32>
    %add3A_241 = vector.broadcast %get3A_240 : vector<1x128xf32> to vector<256x128xf32>
    %add3A_242 = arith.addf %slice3A_237, %add3A_241 : vector<256x128xf32>
    %mul3A_243 = vector.broadcast %slice3A_236 : vector<256x1xf32> to vector<256x128xf32>
    %mul3A_244 = arith.mulf %mul3A_243, %add3A_242 : vector<256x128xf32>
    %add3A_245 = arith.addf %add3A_235, %mul3A_244 : vector<256x128xf32>
    %slice3A_246 = vector.extract_strided_slice %convert_element_type3A_13 {offsets = [0, 23], sizes = [256, 1], strides = [1, 1]} : vector<256x32xf32> to vector<256x1xf32>
    %slice3A_247 = vector.extract_strided_slice %dot_general3A_17 {offsets = [0, 2944], sizes = [256, 128], strides = [1, 1]} : vector<256x4096xf32> to vector<256x128xf32>
    %get3A_248 = arith.constant 23 : index
    %get3A_249 = arith.constant 0 : index
    %get3A_250 = vector.load %arg6[%get3A_248, %get3A_249] : memref<32x128xf32, #tpu.memory_space<vmem>>, vector<1x128xf32>
    %add3A_251 = vector.broadcast %get3A_250 : vector<1x128xf32> to vector<256x128xf32>
    %add3A_252 = arith.addf %slice3A_247, %add3A_251 : vector<256x128xf32>
    %mul3A_253 = vector.broadcast %slice3A_246 : vector<256x1xf32> to vector<256x128xf32>
    %mul3A_254 = arith.mulf %mul3A_253, %add3A_252 : vector<256x128xf32>
    %add3A_255 = arith.addf %add3A_245, %mul3A_254 : vector<256x128xf32>
    %slice3A_256 = vector.extract_strided_slice %convert_element_type3A_13 {offsets = [0, 24], sizes = [256, 1], strides = [1, 1]} : vector<256x32xf32> to vector<256x1xf32>
    %slice3A_257 = vector.extract_strided_slice %dot_general3A_17 {offsets = [0, 3072], sizes = [256, 128], strides = [1, 1]} : vector<256x4096xf32> to vector<256x128xf32>
    %get3A_258 = arith.constant 24 : index
    %get3A_259 = arith.constant 0 : index
    %get3A_260 = vector.load %arg6[%get3A_258, %get3A_259] : memref<32x128xf32, #tpu.memory_space<vmem>>, vector<1x128xf32>
    %add3A_261 = vector.broadcast %get3A_260 : vector<1x128xf32> to vector<256x128xf32>
    %add3A_262 = arith.addf %slice3A_257, %add3A_261 : vector<256x128xf32>
    %mul3A_263 = vector.broadcast %slice3A_256 : vector<256x1xf32> to vector<256x128xf32>
    %mul3A_264 = arith.mulf %mul3A_263, %add3A_262 : vector<256x128xf32>
    %add3A_265 = arith.addf %add3A_255, %mul3A_264 : vector<256x128xf32>
    %slice3A_266 = vector.extract_strided_slice %convert_element_type3A_13 {offsets = [0, 25], sizes = [256, 1], strides = [1, 1]} : vector<256x32xf32> to vector<256x1xf32>
    %slice3A_267 = vector.extract_strided_slice %dot_general3A_17 {offsets = [0, 3200], sizes = [256, 128], strides = [1, 1]} : vector<256x4096xf32> to vector<256x128xf32>
    %get3A_268 = arith.constant 25 : index
    %get3A_269 = arith.constant 0 : index
    %get3A_270 = vector.load %arg6[%get3A_268, %get3A_269] : memref<32x128xf32, #tpu.memory_space<vmem>>, vector<1x128xf32>
    %add3A_271 = vector.broadcast %get3A_270 : vector<1x128xf32> to vector<256x128xf32>
    %add3A_272 = arith.addf %slice3A_267, %add3A_271 : vector<256x128xf32>
    %mul3A_273 = vector.broadcast %slice3A_266 : vector<256x1xf32> to vector<256x128xf32>
    %mul3A_274 = arith.mulf %mul3A_273, %add3A_272 : vector<256x128xf32>
    %add3A_275 = arith.addf %add3A_265, %mul3A_274 : vector<256x128xf32>
    %slice3A_276 = vector.extract_strided_slice %convert_element_type3A_13 {offsets = [0, 26], sizes = [256, 1], strides = [1, 1]} : vector<256x32xf32> to vector<256x1xf32>
    %slice3A_277 = vector.extract_strided_slice %dot_general3A_17 {offsets = [0, 3328], sizes = [256, 128], strides = [1, 1]} : vector<256x4096xf32> to vector<256x128xf32>
    %get3A_278 = arith.constant 26 : index
    %get3A_279 = arith.constant 0 : index
    %get3A_280 = vector.load %arg6[%get3A_278, %get3A_279] : memref<32x128xf32, #tpu.memory_space<vmem>>, vector<1x128xf32>
    %add3A_281 = vector.broadcast %get3A_280 : vector<1x128xf32> to vector<256x128xf32>
    %add3A_282 = arith.addf %slice3A_277, %add3A_281 : vector<256x128xf32>
    %mul3A_283 = vector.broadcast %slice3A_276 : vector<256x1xf32> to vector<256x128xf32>
    %mul3A_284 = arith.mulf %mul3A_283, %add3A_282 : vector<256x128xf32>
    %add3A_285 = arith.addf %add3A_275, %mul3A_284 : vector<256x128xf32>
    %slice3A_286 = vector.extract_strided_slice %convert_element_type3A_13 {offsets = [0, 27], sizes = [256, 1], strides = [1, 1]} : vector<256x32xf32> to vector<256x1xf32>
    %slice3A_287 = vector.extract_strided_slice %dot_general3A_17 {offsets = [0, 3456], sizes = [256, 128], strides = [1, 1]} : vector<256x4096xf32> to vector<256x128xf32>
    %get3A_288 = arith.constant 27 : index
    %get3A_289 = arith.constant 0 : index
    %get3A_290 = vector.load %arg6[%get3A_288, %get3A_289] : memref<32x128xf32, #tpu.memory_space<vmem>>, vector<1x128xf32>
    %add3A_291 = vector.broadcast %get3A_290 : vector<1x128xf32> to vector<256x128xf32>
    %add3A_292 = arith.addf %slice3A_287, %add3A_291 : vector<256x128xf32>
    %mul3A_293 = vector.broadcast %slice3A_286 : vector<256x1xf32> to vector<256x128xf32>
    %mul3A_294 = arith.mulf %mul3A_293, %add3A_292 : vector<256x128xf32>
    %add3A_295 = arith.addf %add3A_285, %mul3A_294 : vector<256x128xf32>
    %slice3A_296 = vector.extract_strided_slice %convert_element_type3A_13 {offsets = [0, 28], sizes = [256, 1], strides = [1, 1]} : vector<256x32xf32> to vector<256x1xf32>
    %slice3A_297 = vector.extract_strided_slice %dot_general3A_17 {offsets = [0, 3584], sizes = [256, 128], strides = [1, 1]} : vector<256x4096xf32> to vector<256x128xf32>
    %get3A_298 = arith.constant 28 : index
    %get3A_299 = arith.constant 0 : index
    %get3A_300 = vector.load %arg6[%get3A_298, %get3A_299] : memref<32x128xf32, #tpu.memory_space<vmem>>, vector<1x128xf32>
    %add3A_301 = vector.broadcast %get3A_300 : vector<1x128xf32> to vector<256x128xf32>
    %add3A_302 = arith.addf %slice3A_297, %add3A_301 : vector<256x128xf32>
    %mul3A_303 = vector.broadcast %slice3A_296 : vector<256x1xf32> to vector<256x128xf32>
    %mul3A_304 = arith.mulf %mul3A_303, %add3A_302 : vector<256x128xf32>
    %add3A_305 = arith.addf %add3A_295, %mul3A_304 : vector<256x128xf32>
    %slice3A_306 = vector.extract_strided_slice %convert_element_type3A_13 {offsets = [0, 29], sizes = [256, 1], strides = [1, 1]} : vector<256x32xf32> to vector<256x1xf32>
    %slice3A_307 = vector.extract_strided_slice %dot_general3A_17 {offsets = [0, 3712], sizes = [256, 128], strides = [1, 1]} : vector<256x4096xf32> to vector<256x128xf32>
    %get3A_308 = arith.constant 29 : index
    %get3A_309 = arith.constant 0 : index
    %get3A_310 = vector.load %arg6[%get3A_308, %get3A_309] : memref<32x128xf32, #tpu.memory_space<vmem>>, vector<1x128xf32>
    %add3A_311 = vector.broadcast %get3A_310 : vector<1x128xf32> to vector<256x128xf32>
    %add3A_312 = arith.addf %slice3A_307, %add3A_311 : vector<256x128xf32>
    %mul3A_313 = vector.broadcast %slice3A_306 : vector<256x1xf32> to vector<256x128xf32>
    %mul3A_314 = arith.mulf %mul3A_313, %add3A_312 : vector<256x128xf32>
    %add3A_315 = arith.addf %add3A_305, %mul3A_314 : vector<256x128xf32>
    %slice3A_316 = vector.extract_strided_slice %convert_element_type3A_13 {offsets = [0, 30], sizes = [256, 1], strides = [1, 1]} : vector<256x32xf32> to vector<256x1xf32>
    %slice3A_317 = vector.extract_strided_slice %dot_general3A_17 {offsets = [0, 3840], sizes = [256, 128], strides = [1, 1]} : vector<256x4096xf32> to vector<256x128xf32>
    %get3A_318 = arith.constant 30 : index
    %get3A_319 = arith.constant 0 : index
    %get3A_320 = vector.load %arg6[%get3A_318, %get3A_319] : memref<32x128xf32, #tpu.memory_space<vmem>>, vector<1x128xf32>
    %add3A_321 = vector.broadcast %get3A_320 : vector<1x128xf32> to vector<256x128xf32>
    %add3A_322 = arith.addf %slice3A_317, %add3A_321 : vector<256x128xf32>
    %mul3A_323 = vector.broadcast %slice3A_316 : vector<256x1xf32> to vector<256x128xf32>
    %mul3A_324 = arith.mulf %mul3A_323, %add3A_322 : vector<256x128xf32>
    %add3A_325 = arith.addf %add3A_315, %mul3A_324 : vector<256x128xf32>
    %slice3A_326 = vector.extract_strided_slice %convert_element_type3A_13 {offsets = [0, 31], sizes = [256, 1], strides = [1, 1]} : vector<256x32xf32> to vector<256x1xf32>
    %slice3A_327 = vector.extract_strided_slice %dot_general3A_17 {offsets = [0, 3968], sizes = [256, 128], strides = [1, 1]} : vector<256x4096xf32> to vector<256x128xf32>
    %get3A_328 = arith.constant 31 : index
    %get3A_329 = arith.constant 0 : index
    %get3A_330 = vector.load %arg6[%get3A_328, %get3A_329] : memref<32x128xf32, #tpu.memory_space<vmem>>, vector<1x128xf32>
    %add3A_331 = vector.broadcast %get3A_330 : vector<1x128xf32> to vector<256x128xf32>
    %add3A_332 = arith.addf %slice3A_327, %add3A_331 : vector<256x128xf32>
    %mul3A_333 = vector.broadcast %slice3A_326 : vector<256x1xf32> to vector<256x128xf32>
    %mul3A_334 = arith.mulf %mul3A_333, %add3A_332 : vector<256x128xf32>
    %add3A_335 = arith.addf %add3A_325, %mul3A_334 : vector<256x128xf32>
    %tanh3A = math.tanh %add3A_335 : vector<256x128xf32>
    %swap3A = arith.constant 0 : index
    %swap3A_336 = arith.constant 0 : index
    %swap3A_337 = vector.load %arg7[%swap3A, %swap3A_336] : memref<256x128xf32, #tpu.memory_space<vmem>>, vector<256x128xf32>
    tpu.vector_store %arg7[%swap3A, %swap3A_336], %tanh3A {strides = array<i32>} : memref<256x128xf32, #tpu.memory_space<vmem>>, vector<256x128xf32>,
    return
  }
  func.func @transform_1(%arg0: i32) -> (i32, i32) {
    %c0_i32 = arith.constant 0 : i32
    %c0_i32_0 = arith.constant 0 : i32
    return %arg0, %c0_i32 : i32, i32
  }
  func.func @transform_2(%arg0: i32) -> (i32, i32) {
    %add3A = arith.constant 8 : i32
    %add3A_0 = arith.addi %add3A, %arg0 : i32
    %c0_i32 = arith.constant 0 : i32
    %c0_i32_1 = arith.constant 0 : i32
    return %add3A_0, %c0_i32 : i32, i32
  }
  func.func @transform_3(%arg0: i32) -> (i32, i32, i32) {
    %c4_i32 = arith.constant 4 : i32
    %c0_i32 = arith.constant 0 : i32
    %c0_i32_0 = arith.constant 0 : i32
    return %c4_i32, %arg0, %c0_i32 : i32, i32, i32
  }
  func.func @transform_4(%arg0: i32) -> (i32, i32) {
    %c0_i32 = arith.constant 0 : i32
    %c0_i32_0 = arith.constant 0 : i32
    %c0_i32_1 = arith.constant 0 : i32
    return %c0_i32, %c0_i32_0 : i32, i32
  }
  func.func @transform_5(%arg0: i32) -> (i32, i32) {
    %c0_i32 = arith.constant 0 : i32
    %c0_i32_0 = arith.constant 0 : i32
    %c0_i32_1 = arith.constant 0 : i32
    return %c0_i32, %c0_i32_0 : i32, i32
  }
  func.func @transform_6(%arg0: i32) -> (i32, i32) {
    %add3A = arith.constant 96 : i32
    %add3A_0 = arith.addi %add3A, %arg0 : i32
    %c0_i32 = arith.constant 0 : i32
    %c0_i32_1 = arith.constant 0 : i32
    return %add3A_0, %c0_i32 : i32, i32
  }
}

module attributes {stable_mosaic.version = 14 : i64} {
  func.func @_layer_body(%arg0: i32, %arg1: memref<32768x128xf32, #tpu.memory_space<any>>, %arg2: memref<256x128xf32, #tpu.memory_space<vmem>>, %arg3: memref<256x128xf32, #tpu.memory_space<vmem>>, %arg4: memref<1x256x1xi32, #tpu.memory_space<vmem>>, %arg5: memref<256x4096xbf16, #tpu.memory_space<vmem>>, %arg6: memref<32x128xf32, #tpu.memory_space<vmem>>, %arg7: memref<256x128xf32, #tpu.memory_space<vmem>>) attributes {dimension_semantics = [#tpu.dimension_semantics<arbitrary>], iteration_bounds = array<i64: 8>, scalar_prefetch = 0 : i64, scratch_operands = 0 : i64, tpu.core_type = #tpu.core_type<tc>, window_params = [{}, {transform_indices = @transform_1, window_bounds = array<i64: 256, 128>}, {transform_indices = @transform_2, window_bounds = array<i64: 256, 128>}, {transform_indices = @transform_3, window_bounds = array<i64: 1, 256, 1>}, {pipeline_mode = #tpu.pipeline_mode<synchronous>, transform_indices = @transform_4, window_bounds = array<i64: 256, 4096>}, {pipeline_mode = #tpu.pipeline_mode<synchronous>, transform_indices = @transform_5, window_bounds = array<i64: 32, 128>}, {transform_indices = @transform_6, window_bounds = array<i64: 256, 128>}]} {
    %get3A = arith.constant 0 : index
    %get3A_0 = arith.constant 0 : index
    %get3A_1 = vector.load %arg2[%get3A, %get3A_0] : memref<256x128xf32, #tpu.memory_space<vmem>>, vector<256x128xf32>
    %convert_element_type3A = arith.truncf %get3A_1 : vector<256x128xf32> to vector<256x128xbf16>
    %get3A_2 = arith.constant 0 : index
    %get3A_3 = arith.constant 0 : index
    %get3A_4 = vector.load %arg3[%get3A_2, %get3A_3] : memref<256x128xf32, #tpu.memory_space<vmem>>, vector<256x128xf32>
    %convert_element_type3A_5 = arith.truncf %get3A_4 : vector<256x128xf32> to vector<256x128xbf16>
    %concatenate3A = tpu.concatenate %convert_element_type3A, %convert_element_type3A_5 in 1 : vector<256x128xbf16>, vector<256x128xbf16> -> vector<256x256xbf16>
    %get3A_6 = arith.constant 0 : index
    %get3A_7 = arith.constant 0 : index
    %get3A_8 = arith.constant 0 : index
    %get3A_9 = vector.load %arg4[%get3A_6, %get3A_7, %get3A_8] : memref<1x256x1xi32, #tpu.memory_space<vmem>>, vector<1x256x1xi32>
    %get3A_10 = vector.shape_cast %get3A_9 : vector<1x256x1xi32> to vector<256x1xi32>
    %iota3A = tpu.iota {dimensions = array<i32: 1>} : vector<256x32xi32>
    %eq3A = vector.broadcast %get3A_10 : vector<256x1xi32> to vector<256x32xi32>
    %eq3A_11 = arith.cmpi eq, %eq3A, %iota3A : vector<256x32xi32>
    %convert_element_type3A_12 = arith.extui %eq3A_11 : vector<256x32xi1> to vector<256x32xi32>
    %convert_element_type3A_13 = arith.sitofp %convert_element_type3A_12 : vector<256x32xi32> to vector<256x32xf32>
    %get3A_14 = arith.constant 0 : index
    %get3A_15 = arith.constant 0 : index
    %get3A_16 = vector.load %arg5[%get3A_14, %get3A_15] : memref<256x4096xbf16, #tpu.memory_space<vmem>>, vector<256x4096xbf16>
    %dot_general3A = arith.constant dense<0.000000e+00> : vector<256x4096xf32>
    %dot_general3A_17 = tpu.matmul %concatenate3A, %get3A_16, %dot_general3A {dimension_numbers = #tpu.dot_dimension_numbers<[1], [0], [0], [1], [0, 0, 1, 1], [], []>, transpose_lhs_hint = false} : vector<256x256xbf16>, vector<256x4096xbf16>, vector<256x4096xf32> -> vector<256x4096xf32>
    %broadcast_in_dim3A = arith.constant 0.000000e+00 : f32
    %broadcast_in_dim3A_18 = vector.broadcast %broadcast_in_dim3A : f32 to vector<256x128xf32>
    %slice3A = vector.extract_strided_slice %convert_element_type3A_13 {offsets = [0, 0], sizes = [256, 1], strides = [1, 1]} : vector<256x32xf32> to vector<256x1xf32>
    %slice3A_19 = vector.extract_strided_slice %dot_general3A_17 {offsets = [0, 0], sizes = [256, 128], strides = [1, 1]} : vector<256x4096xf32> to vector<256x128xf32>
    %get3A_20 = arith.constant 0 : index
    %get3A_21 = arith.constant 0 : index
    %get3A_22 = vector.load %arg6[%get3A_20, %get3A_21] : memref<32x128xf32, #tpu.memory_space<vmem>>, vector<1x128xf32>
    %add3A = vector.broadcast %get3A_22 : vector<1x128xf32> to vector<256x128xf32>
    %add3A_23 = arith.addf %slice3A_19, %add3A : vector<256x128xf32>
    %mul3A = vector.broadcast %slice3A : vector<256x1xf32> to vector<256x128xf32>
    %mul3A_24 = arith.mulf %mul3A, %add3A_23 : vector<256x128xf32>
    %add3A_25 = arith.addf %broadcast_in_dim3A_18, %mul3A_24 : vector<256x128xf32>
    %slice3A_26 = vector.extract_strided_slice %convert_element_type3A_13 {offsets = [0, 1], sizes = [256, 1], strides = [1, 1]} : vector<256x32xf32> to vector<256x1xf32>
    %slice3A_27 = vector.extract_strided_slice %dot_general3A_17 {offsets = [0, 128], sizes = [256, 128], strides = [1, 1]} : vector<256x4096xf32> to vector<256x128xf32>
    %get3A_28 = arith.constant 1 : index
    %get3A_29 = arith.constant 0 : index
    %get3A_30 = vector.load %arg6[%get3A_28, %get3A_29] : memref<32x128xf32, #tpu.memory_space<vmem>>, vector<1x128xf32>
    %add3A_31 = vector.broadcast %get3A_30 : vector<1x128xf32> to vector<256x128xf32>
    %add3A_32 = arith.addf %slice3A_27, %add3A_31 : vector<256x128xf32>
    %mul3A_33 = vector.broadcast %slice3A_26 : vector<256x1xf32> to vector<256x128xf32>
    %mul3A_34 = arith.mulf %mul3A_33, %add3A_32 : vector<256x128xf32>
    %add3A_35 = arith.addf %add3A_25, %mul3A_34 : vector<256x128xf32>
    %slice3A_36 = vector.extract_strided_slice %convert_element_type3A_13 {offsets = [0, 2], sizes = [256, 1], strides = [1, 1]} : vector<256x32xf32> to vector<256x1xf32>
    %slice3A_37 = vector.extract_strided_slice %dot_general3A_17 {offsets = [0, 256], sizes = [256, 128], strides = [1, 1]} : vector<256x4096xf32> to vector<256x128xf32>
    %get3A_38 = arith.constant 2 : index
    %get3A_39 = arith.constant 0 : index
    %get3A_40 = vector.load %arg6[%get3A_38, %get3A_39] : memref<32x128xf32, #tpu.memory_space<vmem>>, vector<1x128xf32>
    %add3A_41 = vector.broadcast %get3A_40 : vector<1x128xf32> to vector<256x128xf32>
    %add3A_42 = arith.addf %slice3A_37, %add3A_41 : vector<256x128xf32>
    %mul3A_43 = vector.broadcast %slice3A_36 : vector<256x1xf32> to vector<256x128xf32>
    %mul3A_44 = arith.mulf %mul3A_43, %add3A_42 : vector<256x128xf32>
    %add3A_45 = arith.addf %add3A_35, %mul3A_44 : vector<256x128xf32>
    %slice3A_46 = vector.extract_strided_slice %convert_element_type3A_13 {offsets = [0, 3], sizes = [256, 1], strides = [1, 1]} : vector<256x32xf32> to vector<256x1xf32>
    %slice3A_47 = vector.extract_strided_slice %dot_general3A_17 {offsets = [0, 384], sizes = [256, 128], strides = [1, 1]} : vector<256x4096xf32> to vector<256x128xf32>
    %get3A_48 = arith.constant 3 : index
    %get3A_49 = arith.constant 0 : index
    %get3A_50 = vector.load %arg6[%get3A_48, %get3A_49] : memref<32x128xf32, #tpu.memory_space<vmem>>, vector<1x128xf32>
    %add3A_51 = vector.broadcast %get3A_50 : vector<1x128xf32> to vector<256x128xf32>
    %add3A_52 = arith.addf %slice3A_47, %add3A_51 : vector<256x128xf32>
    %mul3A_53 = vector.broadcast %slice3A_46 : vector<256x1xf32> to vector<256x128xf32>
    %mul3A_54 = arith.mulf %mul3A_53, %add3A_52 : vector<256x128xf32>
    %add3A_55 = arith.addf %add3A_45, %mul3A_54 : vector<256x128xf32>
    %slice3A_56 = vector.extract_strided_slice %convert_element_type3A_13 {offsets = [0, 4], sizes = [256, 1], strides = [1, 1]} : vector<256x32xf32> to vector<256x1xf32>
    %slice3A_57 = vector.extract_strided_slice %dot_general3A_17 {offsets = [0, 512], sizes = [256, 128], strides = [1, 1]} : vector<256x4096xf32> to vector<256x128xf32>
    %get3A_58 = arith.constant 4 : index
    %get3A_59 = arith.constant 0 : index
    %get3A_60 = vector.load %arg6[%get3A_58, %get3A_59] : memref<32x128xf32, #tpu.memory_space<vmem>>, vector<1x128xf32>
    %add3A_61 = vector.broadcast %get3A_60 : vector<1x128xf32> to vector<256x128xf32>
    %add3A_62 = arith.addf %slice3A_57, %add3A_61 : vector<256x128xf32>
    %mul3A_63 = vector.broadcast %slice3A_56 : vector<256x1xf32> to vector<256x128xf32>
    %mul3A_64 = arith.mulf %mul3A_63, %add3A_62 : vector<256x128xf32>
    %add3A_65 = arith.addf %add3A_55, %mul3A_64 : vector<256x128xf32>
    %slice3A_66 = vector.extract_strided_slice %convert_element_type3A_13 {offsets = [0, 5], sizes = [256, 1], strides = [1, 1]} : vector<256x32xf32> to vector<256x1xf32>
    %slice3A_67 = vector.extract_strided_slice %dot_general3A_17 {offsets = [0, 640], sizes = [256, 128], strides = [1, 1]} : vector<256x4096xf32> to vector<256x128xf32>
    %get3A_68 = arith.constant 5 : index
    %get3A_69 = arith.constant 0 : index
    %get3A_70 = vector.load %arg6[%get3A_68, %get3A_69] : memref<32x128xf32, #tpu.memory_space<vmem>>, vector<1x128xf32>
    %add3A_71 = vector.broadcast %get3A_70 : vector<1x128xf32> to vector<256x128xf32>
    %add3A_72 = arith.addf %slice3A_67, %add3A_71 : vector<256x128xf32>
    %mul3A_73 = vector.broadcast %slice3A_66 : vector<256x1xf32> to vector<256x128xf32>
    %mul3A_74 = arith.mulf %mul3A_73, %add3A_72 : vector<256x128xf32>
    %add3A_75 = arith.addf %add3A_65, %mul3A_74 : vector<256x128xf32>
    %slice3A_76 = vector.extract_strided_slice %convert_element_type3A_13 {offsets = [0, 6], sizes = [256, 1], strides = [1, 1]} : vector<256x32xf32> to vector<256x1xf32>
    %slice3A_77 = vector.extract_strided_slice %dot_general3A_17 {offsets = [0, 768], sizes = [256, 128], strides = [1, 1]} : vector<256x4096xf32> to vector<256x128xf32>
    %get3A_78 = arith.constant 6 : index
    %get3A_79 = arith.constant 0 : index
    %get3A_80 = vector.load %arg6[%get3A_78, %get3A_79] : memref<32x128xf32, #tpu.memory_space<vmem>>, vector<1x128xf32>
    %add3A_81 = vector.broadcast %get3A_80 : vector<1x128xf32> to vector<256x128xf32>
    %add3A_82 = arith.addf %slice3A_77, %add3A_81 : vector<256x128xf32>
    %mul3A_83 = vector.broadcast %slice3A_76 : vector<256x1xf32> to vector<256x128xf32>
    %mul3A_84 = arith.mulf %mul3A_83, %add3A_82 : vector<256x128xf32>
    %add3A_85 = arith.addf %add3A_75, %mul3A_84 : vector<256x128xf32>
    %slice3A_86 = vector.extract_strided_slice %convert_element_type3A_13 {offsets = [0, 7], sizes = [256, 1], strides = [1, 1]} : vector<256x32xf32> to vector<256x1xf32>
    %slice3A_87 = vector.extract_strided_slice %dot_general3A_17 {offsets = [0, 896], sizes = [256, 128], strides = [1, 1]} : vector<256x4096xf32> to vector<256x128xf32>
    %get3A_88 = arith.constant 7 : index
    %get3A_89 = arith.constant 0 : index
    %get3A_90 = vector.load %arg6[%get3A_88, %get3A_89] : memref<32x128xf32, #tpu.memory_space<vmem>>, vector<1x128xf32>
    %add3A_91 = vector.broadcast %get3A_90 : vector<1x128xf32> to vector<256x128xf32>
    %add3A_92 = arith.addf %slice3A_87, %add3A_91 : vector<256x128xf32>
    %mul3A_93 = vector.broadcast %slice3A_86 : vector<256x1xf32> to vector<256x128xf32>
    %mul3A_94 = arith.mulf %mul3A_93, %add3A_92 : vector<256x128xf32>
    %add3A_95 = arith.addf %add3A_85, %mul3A_94 : vector<256x128xf32>
    %slice3A_96 = vector.extract_strided_slice %convert_element_type3A_13 {offsets = [0, 8], sizes = [256, 1], strides = [1, 1]} : vector<256x32xf32> to vector<256x1xf32>
    %slice3A_97 = vector.extract_strided_slice %dot_general3A_17 {offsets = [0, 1024], sizes = [256, 128], strides = [1, 1]} : vector<256x4096xf32> to vector<256x128xf32>
    %get3A_98 = arith.constant 8 : index
    %get3A_99 = arith.constant 0 : index
    %get3A_100 = vector.load %arg6[%get3A_98, %get3A_99] : memref<32x128xf32, #tpu.memory_space<vmem>>, vector<1x128xf32>
    %add3A_101 = vector.broadcast %get3A_100 : vector<1x128xf32> to vector<256x128xf32>
    %add3A_102 = arith.addf %slice3A_97, %add3A_101 : vector<256x128xf32>
    %mul3A_103 = vector.broadcast %slice3A_96 : vector<256x1xf32> to vector<256x128xf32>
    %mul3A_104 = arith.mulf %mul3A_103, %add3A_102 : vector<256x128xf32>
    %add3A_105 = arith.addf %add3A_95, %mul3A_104 : vector<256x128xf32>
    %slice3A_106 = vector.extract_strided_slice %convert_element_type3A_13 {offsets = [0, 9], sizes = [256, 1], strides = [1, 1]} : vector<256x32xf32> to vector<256x1xf32>
    %slice3A_107 = vector.extract_strided_slice %dot_general3A_17 {offsets = [0, 1152], sizes = [256, 128], strides = [1, 1]} : vector<256x4096xf32> to vector<256x128xf32>
    %get3A_108 = arith.constant 9 : index
    %get3A_109 = arith.constant 0 : index
    %get3A_110 = vector.load %arg6[%get3A_108, %get3A_109] : memref<32x128xf32, #tpu.memory_space<vmem>>, vector<1x128xf32>
    %add3A_111 = vector.broadcast %get3A_110 : vector<1x128xf32> to vector<256x128xf32>
    %add3A_112 = arith.addf %slice3A_107, %add3A_111 : vector<256x128xf32>
    %mul3A_113 = vector.broadcast %slice3A_106 : vector<256x1xf32> to vector<256x128xf32>
    %mul3A_114 = arith.mulf %mul3A_113, %add3A_112 : vector<256x128xf32>
    %add3A_115 = arith.addf %add3A_105, %mul3A_114 : vector<256x128xf32>
    %slice3A_116 = vector.extract_strided_slice %convert_element_type3A_13 {offsets = [0, 10], sizes = [256, 1], strides = [1, 1]} : vector<256x32xf32> to vector<256x1xf32>
    %slice3A_117 = vector.extract_strided_slice %dot_general3A_17 {offsets = [0, 1280], sizes = [256, 128], strides = [1, 1]} : vector<256x4096xf32> to vector<256x128xf32>
    %get3A_118 = arith.constant 10 : index
    %get3A_119 = arith.constant 0 : index
    %get3A_120 = vector.load %arg6[%get3A_118, %get3A_119] : memref<32x128xf32, #tpu.memory_space<vmem>>, vector<1x128xf32>
    %add3A_121 = vector.broadcast %get3A_120 : vector<1x128xf32> to vector<256x128xf32>
    %add3A_122 = arith.addf %slice3A_117, %add3A_121 : vector<256x128xf32>
    %mul3A_123 = vector.broadcast %slice3A_116 : vector<256x1xf32> to vector<256x128xf32>
    %mul3A_124 = arith.mulf %mul3A_123, %add3A_122 : vector<256x128xf32>
    %add3A_125 = arith.addf %add3A_115, %mul3A_124 : vector<256x128xf32>
    %slice3A_126 = vector.extract_strided_slice %convert_element_type3A_13 {offsets = [0, 11], sizes = [256, 1], strides = [1, 1]} : vector<256x32xf32> to vector<256x1xf32>
    %slice3A_127 = vector.extract_strided_slice %dot_general3A_17 {offsets = [0, 1408], sizes = [256, 128], strides = [1, 1]} : vector<256x4096xf32> to vector<256x128xf32>
    %get3A_128 = arith.constant 11 : index
    %get3A_129 = arith.constant 0 : index
    %get3A_130 = vector.load %arg6[%get3A_128, %get3A_129] : memref<32x128xf32, #tpu.memory_space<vmem>>, vector<1x128xf32>
    %add3A_131 = vector.broadcast %get3A_130 : vector<1x128xf32> to vector<256x128xf32>
    %add3A_132 = arith.addf %slice3A_127, %add3A_131 : vector<256x128xf32>
    %mul3A_133 = vector.broadcast %slice3A_126 : vector<256x1xf32> to vector<256x128xf32>
    %mul3A_134 = arith.mulf %mul3A_133, %add3A_132 : vector<256x128xf32>
    %add3A_135 = arith.addf %add3A_125, %mul3A_134 : vector<256x128xf32>
    %slice3A_136 = vector.extract_strided_slice %convert_element_type3A_13 {offsets = [0, 12], sizes = [256, 1], strides = [1, 1]} : vector<256x32xf32> to vector<256x1xf32>
    %slice3A_137 = vector.extract_strided_slice %dot_general3A_17 {offsets = [0, 1536], sizes = [256, 128], strides = [1, 1]} : vector<256x4096xf32> to vector<256x128xf32>
    %get3A_138 = arith.constant 12 : index
    %get3A_139 = arith.constant 0 : index
    %get3A_140 = vector.load %arg6[%get3A_138, %get3A_139] : memref<32x128xf32, #tpu.memory_space<vmem>>, vector<1x128xf32>
    %add3A_141 = vector.broadcast %get3A_140 : vector<1x128xf32> to vector<256x128xf32>
    %add3A_142 = arith.addf %slice3A_137, %add3A_141 : vector<256x128xf32>
    %mul3A_143 = vector.broadcast %slice3A_136 : vector<256x1xf32> to vector<256x128xf32>
    %mul3A_144 = arith.mulf %mul3A_143, %add3A_142 : vector<256x128xf32>
    %add3A_145 = arith.addf %add3A_135, %mul3A_144 : vector<256x128xf32>
    %slice3A_146 = vector.extract_strided_slice %convert_element_type3A_13 {offsets = [0, 13], sizes = [256, 1], strides = [1, 1]} : vector<256x32xf32> to vector<256x1xf32>
    %slice3A_147 = vector.extract_strided_slice %dot_general3A_17 {offsets = [0, 1664], sizes = [256, 128], strides = [1, 1]} : vector<256x4096xf32> to vector<256x128xf32>
    %get3A_148 = arith.constant 13 : index
    %get3A_149 = arith.constant 0 : index
    %get3A_150 = vector.load %arg6[%get3A_148, %get3A_149] : memref<32x128xf32, #tpu.memory_space<vmem>>, vector<1x128xf32>
    %add3A_151 = vector.broadcast %get3A_150 : vector<1x128xf32> to vector<256x128xf32>
    %add3A_152 = arith.addf %slice3A_147, %add3A_151 : vector<256x128xf32>
    %mul3A_153 = vector.broadcast %slice3A_146 : vector<256x1xf32> to vector<256x128xf32>
    %mul3A_154 = arith.mulf %mul3A_153, %add3A_152 : vector<256x128xf32>
    %add3A_155 = arith.addf %add3A_145, %mul3A_154 : vector<256x128xf32>
    %slice3A_156 = vector.extract_strided_slice %convert_element_type3A_13 {offsets = [0, 14], sizes = [256, 1], strides = [1, 1]} : vector<256x32xf32> to vector<256x1xf32>
    %slice3A_157 = vector.extract_strided_slice %dot_general3A_17 {offsets = [0, 1792], sizes = [256, 128], strides = [1, 1]} : vector<256x4096xf32> to vector<256x128xf32>
    %get3A_158 = arith.constant 14 : index
    %get3A_159 = arith.constant 0 : index
    %get3A_160 = vector.load %arg6[%get3A_158, %get3A_159] : memref<32x128xf32, #tpu.memory_space<vmem>>, vector<1x128xf32>
    %add3A_161 = vector.broadcast %get3A_160 : vector<1x128xf32> to vector<256x128xf32>
    %add3A_162 = arith.addf %slice3A_157, %add3A_161 : vector<256x128xf32>
    %mul3A_163 = vector.broadcast %slice3A_156 : vector<256x1xf32> to vector<256x128xf32>
    %mul3A_164 = arith.mulf %mul3A_163, %add3A_162 : vector<256x128xf32>
    %add3A_165 = arith.addf %add3A_155, %mul3A_164 : vector<256x128xf32>
    %slice3A_166 = vector.extract_strided_slice %convert_element_type3A_13 {offsets = [0, 15], sizes = [256, 1], strides = [1, 1]} : vector<256x32xf32> to vector<256x1xf32>
    %slice3A_167 = vector.extract_strided_slice %dot_general3A_17 {offsets = [0, 1920], sizes = [256, 128], strides = [1, 1]} : vector<256x4096xf32> to vector<256x128xf32>
    %get3A_168 = arith.constant 15 : index
    %get3A_169 = arith.constant 0 : index
    %get3A_170 = vector.load %arg6[%get3A_168, %get3A_169] : memref<32x128xf32, #tpu.memory_space<vmem>>, vector<1x128xf32>
    %add3A_171 = vector.broadcast %get3A_170 : vector<1x128xf32> to vector<256x128xf32>
    %add3A_172 = arith.addf %slice3A_167, %add3A_171 : vector<256x128xf32>
    %mul3A_173 = vector.broadcast %slice3A_166 : vector<256x1xf32> to vector<256x128xf32>
    %mul3A_174 = arith.mulf %mul3A_173, %add3A_172 : vector<256x128xf32>
    %add3A_175 = arith.addf %add3A_165, %mul3A_174 : vector<256x128xf32>
    %slice3A_176 = vector.extract_strided_slice %convert_element_type3A_13 {offsets = [0, 16], sizes = [256, 1], strides = [1, 1]} : vector<256x32xf32> to vector<256x1xf32>
    %slice3A_177 = vector.extract_strided_slice %dot_general3A_17 {offsets = [0, 2048], sizes = [256, 128], strides = [1, 1]} : vector<256x4096xf32> to vector<256x128xf32>
    %get3A_178 = arith.constant 16 : index
    %get3A_179 = arith.constant 0 : index
    %get3A_180 = vector.load %arg6[%get3A_178, %get3A_179] : memref<32x128xf32, #tpu.memory_space<vmem>>, vector<1x128xf32>
    %add3A_181 = vector.broadcast %get3A_180 : vector<1x128xf32> to vector<256x128xf32>
    %add3A_182 = arith.addf %slice3A_177, %add3A_181 : vector<256x128xf32>
    %mul3A_183 = vector.broadcast %slice3A_176 : vector<256x1xf32> to vector<256x128xf32>
    %mul3A_184 = arith.mulf %mul3A_183, %add3A_182 : vector<256x128xf32>
    %add3A_185 = arith.addf %add3A_175, %mul3A_184 : vector<256x128xf32>
    %slice3A_186 = vector.extract_strided_slice %convert_element_type3A_13 {offsets = [0, 17], sizes = [256, 1], strides = [1, 1]} : vector<256x32xf32> to vector<256x1xf32>
    %slice3A_187 = vector.extract_strided_slice %dot_general3A_17 {offsets = [0, 2176], sizes = [256, 128], strides = [1, 1]} : vector<256x4096xf32> to vector<256x128xf32>
    %get3A_188 = arith.constant 17 : index
    %get3A_189 = arith.constant 0 : index
    %get3A_190 = vector.load %arg6[%get3A_188, %get3A_189] : memref<32x128xf32, #tpu.memory_space<vmem>>, vector<1x128xf32>
    %add3A_191 = vector.broadcast %get3A_190 : vector<1x128xf32> to vector<256x128xf32>
    %add3A_192 = arith.addf %slice3A_187, %add3A_191 : vector<256x128xf32>
    %mul3A_193 = vector.broadcast %slice3A_186 : vector<256x1xf32> to vector<256x128xf32>
    %mul3A_194 = arith.mulf %mul3A_193, %add3A_192 : vector<256x128xf32>
    %add3A_195 = arith.addf %add3A_185, %mul3A_194 : vector<256x128xf32>
    %slice3A_196 = vector.extract_strided_slice %convert_element_type3A_13 {offsets = [0, 18], sizes = [256, 1], strides = [1, 1]} : vector<256x32xf32> to vector<256x1xf32>
    %slice3A_197 = vector.extract_strided_slice %dot_general3A_17 {offsets = [0, 2304], sizes = [256, 128], strides = [1, 1]} : vector<256x4096xf32> to vector<256x128xf32>
    %get3A_198 = arith.constant 18 : index
    %get3A_199 = arith.constant 0 : index
    %get3A_200 = vector.load %arg6[%get3A_198, %get3A_199] : memref<32x128xf32, #tpu.memory_space<vmem>>, vector<1x128xf32>
    %add3A_201 = vector.broadcast %get3A_200 : vector<1x128xf32> to vector<256x128xf32>
    %add3A_202 = arith.addf %slice3A_197, %add3A_201 : vector<256x128xf32>
    %mul3A_203 = vector.broadcast %slice3A_196 : vector<256x1xf32> to vector<256x128xf32>
    %mul3A_204 = arith.mulf %mul3A_203, %add3A_202 : vector<256x128xf32>
    %add3A_205 = arith.addf %add3A_195, %mul3A_204 : vector<256x128xf32>
    %slice3A_206 = vector.extract_strided_slice %convert_element_type3A_13 {offsets = [0, 19], sizes = [256, 1], strides = [1, 1]} : vector<256x32xf32> to vector<256x1xf32>
    %slice3A_207 = vector.extract_strided_slice %dot_general3A_17 {offsets = [0, 2432], sizes = [256, 128], strides = [1, 1]} : vector<256x4096xf32> to vector<256x128xf32>
    %get3A_208 = arith.constant 19 : index
    %get3A_209 = arith.constant 0 : index
    %get3A_210 = vector.load %arg6[%get3A_208, %get3A_209] : memref<32x128xf32, #tpu.memory_space<vmem>>, vector<1x128xf32>
    %add3A_211 = vector.broadcast %get3A_210 : vector<1x128xf32> to vector<256x128xf32>
    %add3A_212 = arith.addf %slice3A_207, %add3A_211 : vector<256x128xf32>
    %mul3A_213 = vector.broadcast %slice3A_206 : vector<256x1xf32> to vector<256x128xf32>
    %mul3A_214 = arith.mulf %mul3A_213, %add3A_212 : vector<256x128xf32>
    %add3A_215 = arith.addf %add3A_205, %mul3A_214 : vector<256x128xf32>
    %slice3A_216 = vector.extract_strided_slice %convert_element_type3A_13 {offsets = [0, 20], sizes = [256, 1], strides = [1, 1]} : vector<256x32xf32> to vector<256x1xf32>
    %slice3A_217 = vector.extract_strided_slice %dot_general3A_17 {offsets = [0, 2560], sizes = [256, 128], strides = [1, 1]} : vector<256x4096xf32> to vector<256x128xf32>
    %get3A_218 = arith.constant 20 : index
    %get3A_219 = arith.constant 0 : index
    %get3A_220 = vector.load %arg6[%get3A_218, %get3A_219] : memref<32x128xf32, #tpu.memory_space<vmem>>, vector<1x128xf32>
    %add3A_221 = vector.broadcast %get3A_220 : vector<1x128xf32> to vector<256x128xf32>
    %add3A_222 = arith.addf %slice3A_217, %add3A_221 : vector<256x128xf32>
    %mul3A_223 = vector.broadcast %slice3A_216 : vector<256x1xf32> to vector<256x128xf32>
    %mul3A_224 = arith.mulf %mul3A_223, %add3A_222 : vector<256x128xf32>
    %add3A_225 = arith.addf %add3A_215, %mul3A_224 : vector<256x128xf32>
    %slice3A_226 = vector.extract_strided_slice %convert_element_type3A_13 {offsets = [0, 21], sizes = [256, 1], strides = [1, 1]} : vector<256x32xf32> to vector<256x1xf32>
    %slice3A_227 = vector.extract_strided_slice %dot_general3A_17 {offsets = [0, 2688], sizes = [256, 128], strides = [1, 1]} : vector<256x4096xf32> to vector<256x128xf32>
    %get3A_228 = arith.constant 21 : index
    %get3A_229 = arith.constant 0 : index
    %get3A_230 = vector.load %arg6[%get3A_228, %get3A_229] : memref<32x128xf32, #tpu.memory_space<vmem>>, vector<1x128xf32>
    %add3A_231 = vector.broadcast %get3A_230 : vector<1x128xf32> to vector<256x128xf32>
    %add3A_232 = arith.addf %slice3A_227, %add3A_231 : vector<256x128xf32>
    %mul3A_233 = vector.broadcast %slice3A_226 : vector<256x1xf32> to vector<256x128xf32>
    %mul3A_234 = arith.mulf %mul3A_233, %add3A_232 : vector<256x128xf32>
    %add3A_235 = arith.addf %add3A_225, %mul3A_234 : vector<256x128xf32>
    %slice3A_236 = vector.extract_strided_slice %convert_element_type3A_13 {offsets = [0, 22], sizes = [256, 1], strides = [1, 1]} : vector<256x32xf32> to vector<256x1xf32>
    %slice3A_237 = vector.extract_strided_slice %dot_general3A_17 {offsets = [0, 2816], sizes = [256, 128], strides = [1, 1]} : vector<256x4096xf32> to vector<256x128xf32>
    %get3A_238 = arith.constant 22 : index
    %get3A_239 = arith.constant 0 : index
    %get3A_240 = vector.load %arg6[%get3A_238, %get3A_239] : memref<32x128xf32, #tpu.memory_space<vmem>>, vector<1x128xf32>
    %add3A_241 = vector.broadcast %get3A_240 : vector<1x128xf32> to vector<256x128xf32>
    %add3A_242 = arith.addf %slice3A_237, %add3A_241 : vector<256x128xf32>
    %mul3A_243 = vector.broadcast %slice3A_236 : vector<256x1xf32> to vector<256x128xf32>
    %mul3A_244 = arith.mulf %mul3A_243, %add3A_242 : vector<256x128xf32>
    %add3A_245 = arith.addf %add3A_235, %mul3A_244 : vector<256x128xf32>
    %slice3A_246 = vector.extract_strided_slice %convert_element_type3A_13 {offsets = [0, 23], sizes = [256, 1], strides = [1, 1]} : vector<256x32xf32> to vector<256x1xf32>
    %slice3A_247 = vector.extract_strided_slice %dot_general3A_17 {offsets = [0, 2944], sizes = [256, 128], strides = [1, 1]} : vector<256x4096xf32> to vector<256x128xf32>
    %get3A_248 = arith.constant 23 : index
    %get3A_249 = arith.constant 0 : index
    %get3A_250 = vector.load %arg6[%get3A_248, %get3A_249] : memref<32x128xf32, #tpu.memory_space<vmem>>, vector<1x128xf32>
    %add3A_251 = vector.broadcast %get3A_250 : vector<1x128xf32> to vector<256x128xf32>
    %add3A_252 = arith.addf %slice3A_247, %add3A_251 : vector<256x128xf32>
    %mul3A_253 = vector.broadcast %slice3A_246 : vector<256x1xf32> to vector<256x128xf32>
    %mul3A_254 = arith.mulf %mul3A_253, %add3A_252 : vector<256x128xf32>
    %add3A_255 = arith.addf %add3A_245, %mul3A_254 : vector<256x128xf32>
    %slice3A_256 = vector.extract_strided_slice %convert_element_type3A_13 {offsets = [0, 24], sizes = [256, 1], strides = [1, 1]} : vector<256x32xf32> to vector<256x1xf32>
    %slice3A_257 = vector.extract_strided_slice %dot_general3A_17 {offsets = [0, 3072], sizes = [256, 128], strides = [1, 1]} : vector<256x4096xf32> to vector<256x128xf32>
    %get3A_258 = arith.constant 24 : index
    %get3A_259 = arith.constant 0 : index
    %get3A_260 = vector.load %arg6[%get3A_258, %get3A_259] : memref<32x128xf32, #tpu.memory_space<vmem>>, vector<1x128xf32>
    %add3A_261 = vector.broadcast %get3A_260 : vector<1x128xf32> to vector<256x128xf32>
    %add3A_262 = arith.addf %slice3A_257, %add3A_261 : vector<256x128xf32>
    %mul3A_263 = vector.broadcast %slice3A_256 : vector<256x1xf32> to vector<256x128xf32>
    %mul3A_264 = arith.mulf %mul3A_263, %add3A_262 : vector<256x128xf32>
    %add3A_265 = arith.addf %add3A_255, %mul3A_264 : vector<256x128xf32>
    %slice3A_266 = vector.extract_strided_slice %convert_element_type3A_13 {offsets = [0, 25], sizes = [256, 1], strides = [1, 1]} : vector<256x32xf32> to vector<256x1xf32>
    %slice3A_267 = vector.extract_strided_slice %dot_general3A_17 {offsets = [0, 3200], sizes = [256, 128], strides = [1, 1]} : vector<256x4096xf32> to vector<256x128xf32>
    %get3A_268 = arith.constant 25 : index
    %get3A_269 = arith.constant 0 : index
    %get3A_270 = vector.load %arg6[%get3A_268, %get3A_269] : memref<32x128xf32, #tpu.memory_space<vmem>>, vector<1x128xf32>
    %add3A_271 = vector.broadcast %get3A_270 : vector<1x128xf32> to vector<256x128xf32>
    %add3A_272 = arith.addf %slice3A_267, %add3A_271 : vector<256x128xf32>
    %mul3A_273 = vector.broadcast %slice3A_266 : vector<256x1xf32> to vector<256x128xf32>
    %mul3A_274 = arith.mulf %mul3A_273, %add3A_272 : vector<256x128xf32>
    %add3A_275 = arith.addf %add3A_265, %mul3A_274 : vector<256x128xf32>
    %slice3A_276 = vector.extract_strided_slice %convert_element_type3A_13 {offsets = [0, 26], sizes = [256, 1], strides = [1, 1]} : vector<256x32xf32> to vector<256x1xf32>
    %slice3A_277 = vector.extract_strided_slice %dot_general3A_17 {offsets = [0, 3328], sizes = [256, 128], strides = [1, 1]} : vector<256x4096xf32> to vector<256x128xf32>
    %get3A_278 = arith.constant 26 : index
    %get3A_279 = arith.constant 0 : index
    %get3A_280 = vector.load %arg6[%get3A_278, %get3A_279] : memref<32x128xf32, #tpu.memory_space<vmem>>, vector<1x128xf32>
    %add3A_281 = vector.broadcast %get3A_280 : vector<1x128xf32> to vector<256x128xf32>
    %add3A_282 = arith.addf %slice3A_277, %add3A_281 : vector<256x128xf32>
    %mul3A_283 = vector.broadcast %slice3A_276 : vector<256x1xf32> to vector<256x128xf32>
    %mul3A_284 = arith.mulf %mul3A_283, %add3A_282 : vector<256x128xf32>
    %add3A_285 = arith.addf %add3A_275, %mul3A_284 : vector<256x128xf32>
    %slice3A_286 = vector.extract_strided_slice %convert_element_type3A_13 {offsets = [0, 27], sizes = [256, 1], strides = [1, 1]} : vector<256x32xf32> to vector<256x1xf32>
    %slice3A_287 = vector.extract_strided_slice %dot_general3A_17 {offsets = [0, 3456], sizes = [256, 128], strides = [1, 1]} : vector<256x4096xf32> to vector<256x128xf32>
    %get3A_288 = arith.constant 27 : index
    %get3A_289 = arith.constant 0 : index
    %get3A_290 = vector.load %arg6[%get3A_288, %get3A_289] : memref<32x128xf32, #tpu.memory_space<vmem>>, vector<1x128xf32>
    %add3A_291 = vector.broadcast %get3A_290 : vector<1x128xf32> to vector<256x128xf32>
    %add3A_292 = arith.addf %slice3A_287, %add3A_291 : vector<256x128xf32>
    %mul3A_293 = vector.broadcast %slice3A_286 : vector<256x1xf32> to vector<256x128xf32>
    %mul3A_294 = arith.mulf %mul3A_293, %add3A_292 : vector<256x128xf32>
    %add3A_295 = arith.addf %add3A_285, %mul3A_294 : vector<256x128xf32>
    %slice3A_296 = vector.extract_strided_slice %convert_element_type3A_13 {offsets = [0, 28], sizes = [256, 1], strides = [1, 1]} : vector<256x32xf32> to vector<256x1xf32>
    %slice3A_297 = vector.extract_strided_slice %dot_general3A_17 {offsets = [0, 3584], sizes = [256, 128], strides = [1, 1]} : vector<256x4096xf32> to vector<256x128xf32>
    %get3A_298 = arith.constant 28 : index
    %get3A_299 = arith.constant 0 : index
    %get3A_300 = vector.load %arg6[%get3A_298, %get3A_299] : memref<32x128xf32, #tpu.memory_space<vmem>>, vector<1x128xf32>
    %add3A_301 = vector.broadcast %get3A_300 : vector<1x128xf32> to vector<256x128xf32>
    %add3A_302 = arith.addf %slice3A_297, %add3A_301 : vector<256x128xf32>
    %mul3A_303 = vector.broadcast %slice3A_296 : vector<256x1xf32> to vector<256x128xf32>
    %mul3A_304 = arith.mulf %mul3A_303, %add3A_302 : vector<256x128xf32>
    %add3A_305 = arith.addf %add3A_295, %mul3A_304 : vector<256x128xf32>
    %slice3A_306 = vector.extract_strided_slice %convert_element_type3A_13 {offsets = [0, 29], sizes = [256, 1], strides = [1, 1]} : vector<256x32xf32> to vector<256x1xf32>
    %slice3A_307 = vector.extract_strided_slice %dot_general3A_17 {offsets = [0, 3712], sizes = [256, 128], strides = [1, 1]} : vector<256x4096xf32> to vector<256x128xf32>
    %get3A_308 = arith.constant 29 : index
    %get3A_309 = arith.constant 0 : index
    %get3A_310 = vector.load %arg6[%get3A_308, %get3A_309] : memref<32x128xf32, #tpu.memory_space<vmem>>, vector<1x128xf32>
    %add3A_311 = vector.broadcast %get3A_310 : vector<1x128xf32> to vector<256x128xf32>
    %add3A_312 = arith.addf %slice3A_307, %add3A_311 : vector<256x128xf32>
    %mul3A_313 = vector.broadcast %slice3A_306 : vector<256x1xf32> to vector<256x128xf32>
    %mul3A_314 = arith.mulf %mul3A_313, %add3A_312 : vector<256x128xf32>
    %add3A_315 = arith.addf %add3A_305, %mul3A_314 : vector<256x128xf32>
    %slice3A_316 = vector.extract_strided_slice %convert_element_type3A_13 {offsets = [0, 30], sizes = [256, 1], strides = [1, 1]} : vector<256x32xf32> to vector<256x1xf32>
    %slice3A_317 = vector.extract_strided_slice %dot_general3A_17 {offsets = [0, 3840], sizes = [256, 128], strides = [1, 1]} : vector<256x4096xf32> to vector<256x128xf32>
    %get3A_318 = arith.constant 30 : index
    %get3A_319 = arith.constant 0 : index
    %get3A_320 = vector.load %arg6[%get3A_318, %get3A_319] : memref<32x128xf32, #tpu.memory_space<vmem>>, vector<1x128xf32>
    %add3A_321 = vector.broadcast %get3A_320 : vector<1x128xf32> to vector<256x128xf32>
    %add3A_322 = arith.addf %slice3A_317, %add3A_321 : vector<256x128xf32>
    %mul3A_323 = vector.broadcast %slice3A_316 : vector<256x1xf32> to vector<256x128xf32>
    %mul3A_324 = arith.mulf %mul3A_323, %add3A_322 : vector<256x128xf32>
    %add3A_325 = arith.addf %add3A_315, %mul3A_324 : vector<256x128xf32>
    %slice3A_326 = vector.extract_strided_slice %convert_element_type3A_13 {offsets = [0, 31], sizes = [256, 1], strides = [1, 1]} : vector<256x32xf32> to vector<256x1xf32>
    %slice3A_327 = vector.extract_strided_slice %dot_general3A_17 {offsets = [0, 3968], sizes = [256, 128], strides = [1, 1]} : vector<256x4096xf32> to vector<256x128xf32>
    %get3A_328 = arith.constant 31 : index
    %get3A_329 = arith.constant 0 : index
    %get3A_330 = vector.load %arg6[%get3A_328, %get3A_329] : memref<32x128xf32, #tpu.memory_space<vmem>>, vector<1x128xf32>
    %add3A_331 = vector.broadcast %get3A_330 : vector<1x128xf32> to vector<256x128xf32>
    %add3A_332 = arith.addf %slice3A_327, %add3A_331 : vector<256x128xf32>
    %mul3A_333 = vector.broadcast %slice3A_326 : vector<256x1xf32> to vector<256x128xf32>
    %mul3A_334 = arith.mulf %mul3A_333, %add3A_332 : vector<256x128xf32>
    %add3A_335 = arith.addf %add3A_325, %mul3A_334 : vector<256x128xf32>
    %tanh3A = math.tanh %add3A_335 : vector<256x128xf32>
    %swap3A = arith.constant 0 : index
    %swap3A_336 = arith.constant 0 : index
    %swap3A_337 = vector.load %arg7[%swap3A, %swap3A_336] : memref<256x128xf32, #tpu.memory_space<vmem>>, vector<256x128xf32>
    tpu.vector_store %arg7[%swap3A, %swap3A_336], %tanh3A {strides = array<i32>} : memref<256x128xf32, #tpu.memory_space<vmem>>, vector<256x128xf32>,
    return
  }
  func.func @transform_1(%arg0: i32) -> (i32, i32) {
    %c0_i32 = arith.constant 0 : i32
    %c0_i32_0 = arith.constant 0 : i32
    return %arg0, %c0_i32 : i32, i32
  }
  func.func @transform_2(%arg0: i32) -> (i32, i32) {
    %add3A = arith.constant 8 : i32
    %add3A_0 = arith.addi %add3A, %arg0 : i32
    %c0_i32 = arith.constant 0 : i32
    %c0_i32_1 = arith.constant 0 : i32
    return %add3A_0, %c0_i32 : i32, i32
  }
  func.func @transform_3(%arg0: i32) -> (i32, i32, i32) {
    %c5_i32 = arith.constant 5 : i32
    %c0_i32 = arith.constant 0 : i32
    %c0_i32_0 = arith.constant 0 : i32
    return %c5_i32, %arg0, %c0_i32 : i32, i32, i32
  }
  func.func @transform_4(%arg0: i32) -> (i32, i32) {
    %c0_i32 = arith.constant 0 : i32
    %c0_i32_0 = arith.constant 0 : i32
    %c0_i32_1 = arith.constant 0 : i32
    return %c0_i32, %c0_i32_0 : i32, i32
  }
  func.func @transform_5(%arg0: i32) -> (i32, i32) {
    %c0_i32 = arith.constant 0 : i32
    %c0_i32_0 = arith.constant 0 : i32
    %c0_i32_1 = arith.constant 0 : i32
    return %c0_i32, %c0_i32_0 : i32, i32
  }
  func.func @transform_6(%arg0: i32) -> (i32, i32) {
    %add3A = arith.constant 104 : i32
    %add3A_0 = arith.addi %add3A, %arg0 : i32
    %c0_i32 = arith.constant 0 : i32
    %c0_i32_1 = arith.constant 0 : i32
    return %add3A_0, %c0_i32 : i32, i32
  }
}

module attributes {stable_mosaic.version = 14 : i64} {
  func.func @_layer_body(%arg0: i32, %arg1: memref<32768x128xf32, #tpu.memory_space<any>>, %arg2: memref<256x128xf32, #tpu.memory_space<vmem>>, %arg3: memref<256x128xf32, #tpu.memory_space<vmem>>, %arg4: memref<1x256x1xi32, #tpu.memory_space<vmem>>, %arg5: memref<256x4096xbf16, #tpu.memory_space<vmem>>, %arg6: memref<32x128xf32, #tpu.memory_space<vmem>>, %arg7: memref<256x128xf32, #tpu.memory_space<vmem>>) attributes {dimension_semantics = [#tpu.dimension_semantics<arbitrary>], iteration_bounds = array<i64: 8>, scalar_prefetch = 0 : i64, scratch_operands = 0 : i64, tpu.core_type = #tpu.core_type<tc>, window_params = [{}, {transform_indices = @transform_1, window_bounds = array<i64: 256, 128>}, {transform_indices = @transform_2, window_bounds = array<i64: 256, 128>}, {transform_indices = @transform_3, window_bounds = array<i64: 1, 256, 1>}, {pipeline_mode = #tpu.pipeline_mode<synchronous>, transform_indices = @transform_4, window_bounds = array<i64: 256, 4096>}, {pipeline_mode = #tpu.pipeline_mode<synchronous>, transform_indices = @transform_5, window_bounds = array<i64: 32, 128>}, {transform_indices = @transform_6, window_bounds = array<i64: 256, 128>}]} {
    %get3A = arith.constant 0 : index
    %get3A_0 = arith.constant 0 : index
    %get3A_1 = vector.load %arg2[%get3A, %get3A_0] : memref<256x128xf32, #tpu.memory_space<vmem>>, vector<256x128xf32>
    %convert_element_type3A = arith.truncf %get3A_1 : vector<256x128xf32> to vector<256x128xbf16>
    %get3A_2 = arith.constant 0 : index
    %get3A_3 = arith.constant 0 : index
    %get3A_4 = vector.load %arg3[%get3A_2, %get3A_3] : memref<256x128xf32, #tpu.memory_space<vmem>>, vector<256x128xf32>
    %convert_element_type3A_5 = arith.truncf %get3A_4 : vector<256x128xf32> to vector<256x128xbf16>
    %concatenate3A = tpu.concatenate %convert_element_type3A, %convert_element_type3A_5 in 1 : vector<256x128xbf16>, vector<256x128xbf16> -> vector<256x256xbf16>
    %get3A_6 = arith.constant 0 : index
    %get3A_7 = arith.constant 0 : index
    %get3A_8 = arith.constant 0 : index
    %get3A_9 = vector.load %arg4[%get3A_6, %get3A_7, %get3A_8] : memref<1x256x1xi32, #tpu.memory_space<vmem>>, vector<1x256x1xi32>
    %get3A_10 = vector.shape_cast %get3A_9 : vector<1x256x1xi32> to vector<256x1xi32>
    %iota3A = tpu.iota {dimensions = array<i32: 1>} : vector<256x32xi32>
    %eq3A = vector.broadcast %get3A_10 : vector<256x1xi32> to vector<256x32xi32>
    %eq3A_11 = arith.cmpi eq, %eq3A, %iota3A : vector<256x32xi32>
    %convert_element_type3A_12 = arith.extui %eq3A_11 : vector<256x32xi1> to vector<256x32xi32>
    %convert_element_type3A_13 = arith.sitofp %convert_element_type3A_12 : vector<256x32xi32> to vector<256x32xf32>
    %get3A_14 = arith.constant 0 : index
    %get3A_15 = arith.constant 0 : index
    %get3A_16 = vector.load %arg5[%get3A_14, %get3A_15] : memref<256x4096xbf16, #tpu.memory_space<vmem>>, vector<256x4096xbf16>
    %dot_general3A = arith.constant dense<0.000000e+00> : vector<256x4096xf32>
    %dot_general3A_17 = tpu.matmul %concatenate3A, %get3A_16, %dot_general3A {dimension_numbers = #tpu.dot_dimension_numbers<[1], [0], [0], [1], [0, 0, 1, 1], [], []>, transpose_lhs_hint = false} : vector<256x256xbf16>, vector<256x4096xbf16>, vector<256x4096xf32> -> vector<256x4096xf32>
    %broadcast_in_dim3A = arith.constant 0.000000e+00 : f32
    %broadcast_in_dim3A_18 = vector.broadcast %broadcast_in_dim3A : f32 to vector<256x128xf32>
    %slice3A = vector.extract_strided_slice %convert_element_type3A_13 {offsets = [0, 0], sizes = [256, 1], strides = [1, 1]} : vector<256x32xf32> to vector<256x1xf32>
    %slice3A_19 = vector.extract_strided_slice %dot_general3A_17 {offsets = [0, 0], sizes = [256, 128], strides = [1, 1]} : vector<256x4096xf32> to vector<256x128xf32>
    %get3A_20 = arith.constant 0 : index
    %get3A_21 = arith.constant 0 : index
    %get3A_22 = vector.load %arg6[%get3A_20, %get3A_21] : memref<32x128xf32, #tpu.memory_space<vmem>>, vector<1x128xf32>
    %add3A = vector.broadcast %get3A_22 : vector<1x128xf32> to vector<256x128xf32>
    %add3A_23 = arith.addf %slice3A_19, %add3A : vector<256x128xf32>
    %mul3A = vector.broadcast %slice3A : vector<256x1xf32> to vector<256x128xf32>
    %mul3A_24 = arith.mulf %mul3A, %add3A_23 : vector<256x128xf32>
    %add3A_25 = arith.addf %broadcast_in_dim3A_18, %mul3A_24 : vector<256x128xf32>
    %slice3A_26 = vector.extract_strided_slice %convert_element_type3A_13 {offsets = [0, 1], sizes = [256, 1], strides = [1, 1]} : vector<256x32xf32> to vector<256x1xf32>
    %slice3A_27 = vector.extract_strided_slice %dot_general3A_17 {offsets = [0, 128], sizes = [256, 128], strides = [1, 1]} : vector<256x4096xf32> to vector<256x128xf32>
    %get3A_28 = arith.constant 1 : index
    %get3A_29 = arith.constant 0 : index
    %get3A_30 = vector.load %arg6[%get3A_28, %get3A_29] : memref<32x128xf32, #tpu.memory_space<vmem>>, vector<1x128xf32>
    %add3A_31 = vector.broadcast %get3A_30 : vector<1x128xf32> to vector<256x128xf32>
    %add3A_32 = arith.addf %slice3A_27, %add3A_31 : vector<256x128xf32>
    %mul3A_33 = vector.broadcast %slice3A_26 : vector<256x1xf32> to vector<256x128xf32>
    %mul3A_34 = arith.mulf %mul3A_33, %add3A_32 : vector<256x128xf32>
    %add3A_35 = arith.addf %add3A_25, %mul3A_34 : vector<256x128xf32>
    %slice3A_36 = vector.extract_strided_slice %convert_element_type3A_13 {offsets = [0, 2], sizes = [256, 1], strides = [1, 1]} : vector<256x32xf32> to vector<256x1xf32>
    %slice3A_37 = vector.extract_strided_slice %dot_general3A_17 {offsets = [0, 256], sizes = [256, 128], strides = [1, 1]} : vector<256x4096xf32> to vector<256x128xf32>
    %get3A_38 = arith.constant 2 : index
    %get3A_39 = arith.constant 0 : index
    %get3A_40 = vector.load %arg6[%get3A_38, %get3A_39] : memref<32x128xf32, #tpu.memory_space<vmem>>, vector<1x128xf32>
    %add3A_41 = vector.broadcast %get3A_40 : vector<1x128xf32> to vector<256x128xf32>
    %add3A_42 = arith.addf %slice3A_37, %add3A_41 : vector<256x128xf32>
    %mul3A_43 = vector.broadcast %slice3A_36 : vector<256x1xf32> to vector<256x128xf32>
    %mul3A_44 = arith.mulf %mul3A_43, %add3A_42 : vector<256x128xf32>
    %add3A_45 = arith.addf %add3A_35, %mul3A_44 : vector<256x128xf32>
    %slice3A_46 = vector.extract_strided_slice %convert_element_type3A_13 {offsets = [0, 3], sizes = [256, 1], strides = [1, 1]} : vector<256x32xf32> to vector<256x1xf32>
    %slice3A_47 = vector.extract_strided_slice %dot_general3A_17 {offsets = [0, 384], sizes = [256, 128], strides = [1, 1]} : vector<256x4096xf32> to vector<256x128xf32>
    %get3A_48 = arith.constant 3 : index
    %get3A_49 = arith.constant 0 : index
    %get3A_50 = vector.load %arg6[%get3A_48, %get3A_49] : memref<32x128xf32, #tpu.memory_space<vmem>>, vector<1x128xf32>
    %add3A_51 = vector.broadcast %get3A_50 : vector<1x128xf32> to vector<256x128xf32>
    %add3A_52 = arith.addf %slice3A_47, %add3A_51 : vector<256x128xf32>
    %mul3A_53 = vector.broadcast %slice3A_46 : vector<256x1xf32> to vector<256x128xf32>
    %mul3A_54 = arith.mulf %mul3A_53, %add3A_52 : vector<256x128xf32>
    %add3A_55 = arith.addf %add3A_45, %mul3A_54 : vector<256x128xf32>
    %slice3A_56 = vector.extract_strided_slice %convert_element_type3A_13 {offsets = [0, 4], sizes = [256, 1], strides = [1, 1]} : vector<256x32xf32> to vector<256x1xf32>
    %slice3A_57 = vector.extract_strided_slice %dot_general3A_17 {offsets = [0, 512], sizes = [256, 128], strides = [1, 1]} : vector<256x4096xf32> to vector<256x128xf32>
    %get3A_58 = arith.constant 4 : index
    %get3A_59 = arith.constant 0 : index
    %get3A_60 = vector.load %arg6[%get3A_58, %get3A_59] : memref<32x128xf32, #tpu.memory_space<vmem>>, vector<1x128xf32>
    %add3A_61 = vector.broadcast %get3A_60 : vector<1x128xf32> to vector<256x128xf32>
    %add3A_62 = arith.addf %slice3A_57, %add3A_61 : vector<256x128xf32>
    %mul3A_63 = vector.broadcast %slice3A_56 : vector<256x1xf32> to vector<256x128xf32>
    %mul3A_64 = arith.mulf %mul3A_63, %add3A_62 : vector<256x128xf32>
    %add3A_65 = arith.addf %add3A_55, %mul3A_64 : vector<256x128xf32>
    %slice3A_66 = vector.extract_strided_slice %convert_element_type3A_13 {offsets = [0, 5], sizes = [256, 1], strides = [1, 1]} : vector<256x32xf32> to vector<256x1xf32>
    %slice3A_67 = vector.extract_strided_slice %dot_general3A_17 {offsets = [0, 640], sizes = [256, 128], strides = [1, 1]} : vector<256x4096xf32> to vector<256x128xf32>
    %get3A_68 = arith.constant 5 : index
    %get3A_69 = arith.constant 0 : index
    %get3A_70 = vector.load %arg6[%get3A_68, %get3A_69] : memref<32x128xf32, #tpu.memory_space<vmem>>, vector<1x128xf32>
    %add3A_71 = vector.broadcast %get3A_70 : vector<1x128xf32> to vector<256x128xf32>
    %add3A_72 = arith.addf %slice3A_67, %add3A_71 : vector<256x128xf32>
    %mul3A_73 = vector.broadcast %slice3A_66 : vector<256x1xf32> to vector<256x128xf32>
    %mul3A_74 = arith.mulf %mul3A_73, %add3A_72 : vector<256x128xf32>
    %add3A_75 = arith.addf %add3A_65, %mul3A_74 : vector<256x128xf32>
    %slice3A_76 = vector.extract_strided_slice %convert_element_type3A_13 {offsets = [0, 6], sizes = [256, 1], strides = [1, 1]} : vector<256x32xf32> to vector<256x1xf32>
    %slice3A_77 = vector.extract_strided_slice %dot_general3A_17 {offsets = [0, 768], sizes = [256, 128], strides = [1, 1]} : vector<256x4096xf32> to vector<256x128xf32>
    %get3A_78 = arith.constant 6 : index
    %get3A_79 = arith.constant 0 : index
    %get3A_80 = vector.load %arg6[%get3A_78, %get3A_79] : memref<32x128xf32, #tpu.memory_space<vmem>>, vector<1x128xf32>
    %add3A_81 = vector.broadcast %get3A_80 : vector<1x128xf32> to vector<256x128xf32>
    %add3A_82 = arith.addf %slice3A_77, %add3A_81 : vector<256x128xf32>
    %mul3A_83 = vector.broadcast %slice3A_76 : vector<256x1xf32> to vector<256x128xf32>
    %mul3A_84 = arith.mulf %mul3A_83, %add3A_82 : vector<256x128xf32>
    %add3A_85 = arith.addf %add3A_75, %mul3A_84 : vector<256x128xf32>
    %slice3A_86 = vector.extract_strided_slice %convert_element_type3A_13 {offsets = [0, 7], sizes = [256, 1], strides = [1, 1]} : vector<256x32xf32> to vector<256x1xf32>
    %slice3A_87 = vector.extract_strided_slice %dot_general3A_17 {offsets = [0, 896], sizes = [256, 128], strides = [1, 1]} : vector<256x4096xf32> to vector<256x128xf32>
    %get3A_88 = arith.constant 7 : index
    %get3A_89 = arith.constant 0 : index
    %get3A_90 = vector.load %arg6[%get3A_88, %get3A_89] : memref<32x128xf32, #tpu.memory_space<vmem>>, vector<1x128xf32>
    %add3A_91 = vector.broadcast %get3A_90 : vector<1x128xf32> to vector<256x128xf32>
    %add3A_92 = arith.addf %slice3A_87, %add3A_91 : vector<256x128xf32>
    %mul3A_93 = vector.broadcast %slice3A_86 : vector<256x1xf32> to vector<256x128xf32>
    %mul3A_94 = arith.mulf %mul3A_93, %add3A_92 : vector<256x128xf32>
    %add3A_95 = arith.addf %add3A_85, %mul3A_94 : vector<256x128xf32>
    %slice3A_96 = vector.extract_strided_slice %convert_element_type3A_13 {offsets = [0, 8], sizes = [256, 1], strides = [1, 1]} : vector<256x32xf32> to vector<256x1xf32>
    %slice3A_97 = vector.extract_strided_slice %dot_general3A_17 {offsets = [0, 1024], sizes = [256, 128], strides = [1, 1]} : vector<256x4096xf32> to vector<256x128xf32>
    %get3A_98 = arith.constant 8 : index
    %get3A_99 = arith.constant 0 : index
    %get3A_100 = vector.load %arg6[%get3A_98, %get3A_99] : memref<32x128xf32, #tpu.memory_space<vmem>>, vector<1x128xf32>
    %add3A_101 = vector.broadcast %get3A_100 : vector<1x128xf32> to vector<256x128xf32>
    %add3A_102 = arith.addf %slice3A_97, %add3A_101 : vector<256x128xf32>
    %mul3A_103 = vector.broadcast %slice3A_96 : vector<256x1xf32> to vector<256x128xf32>
    %mul3A_104 = arith.mulf %mul3A_103, %add3A_102 : vector<256x128xf32>
    %add3A_105 = arith.addf %add3A_95, %mul3A_104 : vector<256x128xf32>
    %slice3A_106 = vector.extract_strided_slice %convert_element_type3A_13 {offsets = [0, 9], sizes = [256, 1], strides = [1, 1]} : vector<256x32xf32> to vector<256x1xf32>
    %slice3A_107 = vector.extract_strided_slice %dot_general3A_17 {offsets = [0, 1152], sizes = [256, 128], strides = [1, 1]} : vector<256x4096xf32> to vector<256x128xf32>
    %get3A_108 = arith.constant 9 : index
    %get3A_109 = arith.constant 0 : index
    %get3A_110 = vector.load %arg6[%get3A_108, %get3A_109] : memref<32x128xf32, #tpu.memory_space<vmem>>, vector<1x128xf32>
    %add3A_111 = vector.broadcast %get3A_110 : vector<1x128xf32> to vector<256x128xf32>
    %add3A_112 = arith.addf %slice3A_107, %add3A_111 : vector<256x128xf32>
    %mul3A_113 = vector.broadcast %slice3A_106 : vector<256x1xf32> to vector<256x128xf32>
    %mul3A_114 = arith.mulf %mul3A_113, %add3A_112 : vector<256x128xf32>
    %add3A_115 = arith.addf %add3A_105, %mul3A_114 : vector<256x128xf32>
    %slice3A_116 = vector.extract_strided_slice %convert_element_type3A_13 {offsets = [0, 10], sizes = [256, 1], strides = [1, 1]} : vector<256x32xf32> to vector<256x1xf32>
    %slice3A_117 = vector.extract_strided_slice %dot_general3A_17 {offsets = [0, 1280], sizes = [256, 128], strides = [1, 1]} : vector<256x4096xf32> to vector<256x128xf32>
    %get3A_118 = arith.constant 10 : index
    %get3A_119 = arith.constant 0 : index
    %get3A_120 = vector.load %arg6[%get3A_118, %get3A_119] : memref<32x128xf32, #tpu.memory_space<vmem>>, vector<1x128xf32>
    %add3A_121 = vector.broadcast %get3A_120 : vector<1x128xf32> to vector<256x128xf32>
    %add3A_122 = arith.addf %slice3A_117, %add3A_121 : vector<256x128xf32>
    %mul3A_123 = vector.broadcast %slice3A_116 : vector<256x1xf32> to vector<256x128xf32>
    %mul3A_124 = arith.mulf %mul3A_123, %add3A_122 : vector<256x128xf32>
    %add3A_125 = arith.addf %add3A_115, %mul3A_124 : vector<256x128xf32>
    %slice3A_126 = vector.extract_strided_slice %convert_element_type3A_13 {offsets = [0, 11], sizes = [256, 1], strides = [1, 1]} : vector<256x32xf32> to vector<256x1xf32>
    %slice3A_127 = vector.extract_strided_slice %dot_general3A_17 {offsets = [0, 1408], sizes = [256, 128], strides = [1, 1]} : vector<256x4096xf32> to vector<256x128xf32>
    %get3A_128 = arith.constant 11 : index
    %get3A_129 = arith.constant 0 : index
    %get3A_130 = vector.load %arg6[%get3A_128, %get3A_129] : memref<32x128xf32, #tpu.memory_space<vmem>>, vector<1x128xf32>
    %add3A_131 = vector.broadcast %get3A_130 : vector<1x128xf32> to vector<256x128xf32>
    %add3A_132 = arith.addf %slice3A_127, %add3A_131 : vector<256x128xf32>
    %mul3A_133 = vector.broadcast %slice3A_126 : vector<256x1xf32> to vector<256x128xf32>
    %mul3A_134 = arith.mulf %mul3A_133, %add3A_132 : vector<256x128xf32>
    %add3A_135 = arith.addf %add3A_125, %mul3A_134 : vector<256x128xf32>
    %slice3A_136 = vector.extract_strided_slice %convert_element_type3A_13 {offsets = [0, 12], sizes = [256, 1], strides = [1, 1]} : vector<256x32xf32> to vector<256x1xf32>
    %slice3A_137 = vector.extract_strided_slice %dot_general3A_17 {offsets = [0, 1536], sizes = [256, 128], strides = [1, 1]} : vector<256x4096xf32> to vector<256x128xf32>
    %get3A_138 = arith.constant 12 : index
    %get3A_139 = arith.constant 0 : index
    %get3A_140 = vector.load %arg6[%get3A_138, %get3A_139] : memref<32x128xf32, #tpu.memory_space<vmem>>, vector<1x128xf32>
    %add3A_141 = vector.broadcast %get3A_140 : vector<1x128xf32> to vector<256x128xf32>
    %add3A_142 = arith.addf %slice3A_137, %add3A_141 : vector<256x128xf32>
    %mul3A_143 = vector.broadcast %slice3A_136 : vector<256x1xf32> to vector<256x128xf32>
    %mul3A_144 = arith.mulf %mul3A_143, %add3A_142 : vector<256x128xf32>
    %add3A_145 = arith.addf %add3A_135, %mul3A_144 : vector<256x128xf32>
    %slice3A_146 = vector.extract_strided_slice %convert_element_type3A_13 {offsets = [0, 13], sizes = [256, 1], strides = [1, 1]} : vector<256x32xf32> to vector<256x1xf32>
    %slice3A_147 = vector.extract_strided_slice %dot_general3A_17 {offsets = [0, 1664], sizes = [256, 128], strides = [1, 1]} : vector<256x4096xf32> to vector<256x128xf32>
    %get3A_148 = arith.constant 13 : index
    %get3A_149 = arith.constant 0 : index
    %get3A_150 = vector.load %arg6[%get3A_148, %get3A_149] : memref<32x128xf32, #tpu.memory_space<vmem>>, vector<1x128xf32>
    %add3A_151 = vector.broadcast %get3A_150 : vector<1x128xf32> to vector<256x128xf32>
    %add3A_152 = arith.addf %slice3A_147, %add3A_151 : vector<256x128xf32>
    %mul3A_153 = vector.broadcast %slice3A_146 : vector<256x1xf32> to vector<256x128xf32>
    %mul3A_154 = arith.mulf %mul3A_153, %add3A_152 : vector<256x128xf32>
    %add3A_155 = arith.addf %add3A_145, %mul3A_154 : vector<256x128xf32>
    %slice3A_156 = vector.extract_strided_slice %convert_element_type3A_13 {offsets = [0, 14], sizes = [256, 1], strides = [1, 1]} : vector<256x32xf32> to vector<256x1xf32>
    %slice3A_157 = vector.extract_strided_slice %dot_general3A_17 {offsets = [0, 1792], sizes = [256, 128], strides = [1, 1]} : vector<256x4096xf32> to vector<256x128xf32>
    %get3A_158 = arith.constant 14 : index
    %get3A_159 = arith.constant 0 : index
    %get3A_160 = vector.load %arg6[%get3A_158, %get3A_159] : memref<32x128xf32, #tpu.memory_space<vmem>>, vector<1x128xf32>
    %add3A_161 = vector.broadcast %get3A_160 : vector<1x128xf32> to vector<256x128xf32>
    %add3A_162 = arith.addf %slice3A_157, %add3A_161 : vector<256x128xf32>
    %mul3A_163 = vector.broadcast %slice3A_156 : vector<256x1xf32> to vector<256x128xf32>
    %mul3A_164 = arith.mulf %mul3A_163, %add3A_162 : vector<256x128xf32>
    %add3A_165 = arith.addf %add3A_155, %mul3A_164 : vector<256x128xf32>
    %slice3A_166 = vector.extract_strided_slice %convert_element_type3A_13 {offsets = [0, 15], sizes = [256, 1], strides = [1, 1]} : vector<256x32xf32> to vector<256x1xf32>
    %slice3A_167 = vector.extract_strided_slice %dot_general3A_17 {offsets = [0, 1920], sizes = [256, 128], strides = [1, 1]} : vector<256x4096xf32> to vector<256x128xf32>
    %get3A_168 = arith.constant 15 : index
    %get3A_169 = arith.constant 0 : index
    %get3A_170 = vector.load %arg6[%get3A_168, %get3A_169] : memref<32x128xf32, #tpu.memory_space<vmem>>, vector<1x128xf32>
    %add3A_171 = vector.broadcast %get3A_170 : vector<1x128xf32> to vector<256x128xf32>
    %add3A_172 = arith.addf %slice3A_167, %add3A_171 : vector<256x128xf32>
    %mul3A_173 = vector.broadcast %slice3A_166 : vector<256x1xf32> to vector<256x128xf32>
    %mul3A_174 = arith.mulf %mul3A_173, %add3A_172 : vector<256x128xf32>
    %add3A_175 = arith.addf %add3A_165, %mul3A_174 : vector<256x128xf32>
    %slice3A_176 = vector.extract_strided_slice %convert_element_type3A_13 {offsets = [0, 16], sizes = [256, 1], strides = [1, 1]} : vector<256x32xf32> to vector<256x1xf32>
    %slice3A_177 = vector.extract_strided_slice %dot_general3A_17 {offsets = [0, 2048], sizes = [256, 128], strides = [1, 1]} : vector<256x4096xf32> to vector<256x128xf32>
    %get3A_178 = arith.constant 16 : index
    %get3A_179 = arith.constant 0 : index
    %get3A_180 = vector.load %arg6[%get3A_178, %get3A_179] : memref<32x128xf32, #tpu.memory_space<vmem>>, vector<1x128xf32>
    %add3A_181 = vector.broadcast %get3A_180 : vector<1x128xf32> to vector<256x128xf32>
    %add3A_182 = arith.addf %slice3A_177, %add3A_181 : vector<256x128xf32>
    %mul3A_183 = vector.broadcast %slice3A_176 : vector<256x1xf32> to vector<256x128xf32>
    %mul3A_184 = arith.mulf %mul3A_183, %add3A_182 : vector<256x128xf32>
    %add3A_185 = arith.addf %add3A_175, %mul3A_184 : vector<256x128xf32>
    %slice3A_186 = vector.extract_strided_slice %convert_element_type3A_13 {offsets = [0, 17], sizes = [256, 1], strides = [1, 1]} : vector<256x32xf32> to vector<256x1xf32>
    %slice3A_187 = vector.extract_strided_slice %dot_general3A_17 {offsets = [0, 2176], sizes = [256, 128], strides = [1, 1]} : vector<256x4096xf32> to vector<256x128xf32>
    %get3A_188 = arith.constant 17 : index
    %get3A_189 = arith.constant 0 : index
    %get3A_190 = vector.load %arg6[%get3A_188, %get3A_189] : memref<32x128xf32, #tpu.memory_space<vmem>>, vector<1x128xf32>
    %add3A_191 = vector.broadcast %get3A_190 : vector<1x128xf32> to vector<256x128xf32>
    %add3A_192 = arith.addf %slice3A_187, %add3A_191 : vector<256x128xf32>
    %mul3A_193 = vector.broadcast %slice3A_186 : vector<256x1xf32> to vector<256x128xf32>
    %mul3A_194 = arith.mulf %mul3A_193, %add3A_192 : vector<256x128xf32>
    %add3A_195 = arith.addf %add3A_185, %mul3A_194 : vector<256x128xf32>
    %slice3A_196 = vector.extract_strided_slice %convert_element_type3A_13 {offsets = [0, 18], sizes = [256, 1], strides = [1, 1]} : vector<256x32xf32> to vector<256x1xf32>
    %slice3A_197 = vector.extract_strided_slice %dot_general3A_17 {offsets = [0, 2304], sizes = [256, 128], strides = [1, 1]} : vector<256x4096xf32> to vector<256x128xf32>
    %get3A_198 = arith.constant 18 : index
    %get3A_199 = arith.constant 0 : index
    %get3A_200 = vector.load %arg6[%get3A_198, %get3A_199] : memref<32x128xf32, #tpu.memory_space<vmem>>, vector<1x128xf32>
    %add3A_201 = vector.broadcast %get3A_200 : vector<1x128xf32> to vector<256x128xf32>
    %add3A_202 = arith.addf %slice3A_197, %add3A_201 : vector<256x128xf32>
    %mul3A_203 = vector.broadcast %slice3A_196 : vector<256x1xf32> to vector<256x128xf32>
    %mul3A_204 = arith.mulf %mul3A_203, %add3A_202 : vector<256x128xf32>
    %add3A_205 = arith.addf %add3A_195, %mul3A_204 : vector<256x128xf32>
    %slice3A_206 = vector.extract_strided_slice %convert_element_type3A_13 {offsets = [0, 19], sizes = [256, 1], strides = [1, 1]} : vector<256x32xf32> to vector<256x1xf32>
    %slice3A_207 = vector.extract_strided_slice %dot_general3A_17 {offsets = [0, 2432], sizes = [256, 128], strides = [1, 1]} : vector<256x4096xf32> to vector<256x128xf32>
    %get3A_208 = arith.constant 19 : index
    %get3A_209 = arith.constant 0 : index
    %get3A_210 = vector.load %arg6[%get3A_208, %get3A_209] : memref<32x128xf32, #tpu.memory_space<vmem>>, vector<1x128xf32>
    %add3A_211 = vector.broadcast %get3A_210 : vector<1x128xf32> to vector<256x128xf32>
    %add3A_212 = arith.addf %slice3A_207, %add3A_211 : vector<256x128xf32>
    %mul3A_213 = vector.broadcast %slice3A_206 : vector<256x1xf32> to vector<256x128xf32>
    %mul3A_214 = arith.mulf %mul3A_213, %add3A_212 : vector<256x128xf32>
    %add3A_215 = arith.addf %add3A_205, %mul3A_214 : vector<256x128xf32>
    %slice3A_216 = vector.extract_strided_slice %convert_element_type3A_13 {offsets = [0, 20], sizes = [256, 1], strides = [1, 1]} : vector<256x32xf32> to vector<256x1xf32>
    %slice3A_217 = vector.extract_strided_slice %dot_general3A_17 {offsets = [0, 2560], sizes = [256, 128], strides = [1, 1]} : vector<256x4096xf32> to vector<256x128xf32>
    %get3A_218 = arith.constant 20 : index
    %get3A_219 = arith.constant 0 : index
    %get3A_220 = vector.load %arg6[%get3A_218, %get3A_219] : memref<32x128xf32, #tpu.memory_space<vmem>>, vector<1x128xf32>
    %add3A_221 = vector.broadcast %get3A_220 : vector<1x128xf32> to vector<256x128xf32>
    %add3A_222 = arith.addf %slice3A_217, %add3A_221 : vector<256x128xf32>
    %mul3A_223 = vector.broadcast %slice3A_216 : vector<256x1xf32> to vector<256x128xf32>
    %mul3A_224 = arith.mulf %mul3A_223, %add3A_222 : vector<256x128xf32>
    %add3A_225 = arith.addf %add3A_215, %mul3A_224 : vector<256x128xf32>
    %slice3A_226 = vector.extract_strided_slice %convert_element_type3A_13 {offsets = [0, 21], sizes = [256, 1], strides = [1, 1]} : vector<256x32xf32> to vector<256x1xf32>
    %slice3A_227 = vector.extract_strided_slice %dot_general3A_17 {offsets = [0, 2688], sizes = [256, 128], strides = [1, 1]} : vector<256x4096xf32> to vector<256x128xf32>
    %get3A_228 = arith.constant 21 : index
    %get3A_229 = arith.constant 0 : index
    %get3A_230 = vector.load %arg6[%get3A_228, %get3A_229] : memref<32x128xf32, #tpu.memory_space<vmem>>, vector<1x128xf32>
    %add3A_231 = vector.broadcast %get3A_230 : vector<1x128xf32> to vector<256x128xf32>
    %add3A_232 = arith.addf %slice3A_227, %add3A_231 : vector<256x128xf32>
    %mul3A_233 = vector.broadcast %slice3A_226 : vector<256x1xf32> to vector<256x128xf32>
    %mul3A_234 = arith.mulf %mul3A_233, %add3A_232 : vector<256x128xf32>
    %add3A_235 = arith.addf %add3A_225, %mul3A_234 : vector<256x128xf32>
    %slice3A_236 = vector.extract_strided_slice %convert_element_type3A_13 {offsets = [0, 22], sizes = [256, 1], strides = [1, 1]} : vector<256x32xf32> to vector<256x1xf32>
    %slice3A_237 = vector.extract_strided_slice %dot_general3A_17 {offsets = [0, 2816], sizes = [256, 128], strides = [1, 1]} : vector<256x4096xf32> to vector<256x128xf32>
    %get3A_238 = arith.constant 22 : index
    %get3A_239 = arith.constant 0 : index
    %get3A_240 = vector.load %arg6[%get3A_238, %get3A_239] : memref<32x128xf32, #tpu.memory_space<vmem>>, vector<1x128xf32>
    %add3A_241 = vector.broadcast %get3A_240 : vector<1x128xf32> to vector<256x128xf32>
    %add3A_242 = arith.addf %slice3A_237, %add3A_241 : vector<256x128xf32>
    %mul3A_243 = vector.broadcast %slice3A_236 : vector<256x1xf32> to vector<256x128xf32>
    %mul3A_244 = arith.mulf %mul3A_243, %add3A_242 : vector<256x128xf32>
    %add3A_245 = arith.addf %add3A_235, %mul3A_244 : vector<256x128xf32>
    %slice3A_246 = vector.extract_strided_slice %convert_element_type3A_13 {offsets = [0, 23], sizes = [256, 1], strides = [1, 1]} : vector<256x32xf32> to vector<256x1xf32>
    %slice3A_247 = vector.extract_strided_slice %dot_general3A_17 {offsets = [0, 2944], sizes = [256, 128], strides = [1, 1]} : vector<256x4096xf32> to vector<256x128xf32>
    %get3A_248 = arith.constant 23 : index
    %get3A_249 = arith.constant 0 : index
    %get3A_250 = vector.load %arg6[%get3A_248, %get3A_249] : memref<32x128xf32, #tpu.memory_space<vmem>>, vector<1x128xf32>
    %add3A_251 = vector.broadcast %get3A_250 : vector<1x128xf32> to vector<256x128xf32>
    %add3A_252 = arith.addf %slice3A_247, %add3A_251 : vector<256x128xf32>
    %mul3A_253 = vector.broadcast %slice3A_246 : vector<256x1xf32> to vector<256x128xf32>
    %mul3A_254 = arith.mulf %mul3A_253, %add3A_252 : vector<256x128xf32>
    %add3A_255 = arith.addf %add3A_245, %mul3A_254 : vector<256x128xf32>
    %slice3A_256 = vector.extract_strided_slice %convert_element_type3A_13 {offsets = [0, 24], sizes = [256, 1], strides = [1, 1]} : vector<256x32xf32> to vector<256x1xf32>
    %slice3A_257 = vector.extract_strided_slice %dot_general3A_17 {offsets = [0, 3072], sizes = [256, 128], strides = [1, 1]} : vector<256x4096xf32> to vector<256x128xf32>
    %get3A_258 = arith.constant 24 : index
    %get3A_259 = arith.constant 0 : index
    %get3A_260 = vector.load %arg6[%get3A_258, %get3A_259] : memref<32x128xf32, #tpu.memory_space<vmem>>, vector<1x128xf32>
    %add3A_261 = vector.broadcast %get3A_260 : vector<1x128xf32> to vector<256x128xf32>
    %add3A_262 = arith.addf %slice3A_257, %add3A_261 : vector<256x128xf32>
    %mul3A_263 = vector.broadcast %slice3A_256 : vector<256x1xf32> to vector<256x128xf32>
    %mul3A_264 = arith.mulf %mul3A_263, %add3A_262 : vector<256x128xf32>
    %add3A_265 = arith.addf %add3A_255, %mul3A_264 : vector<256x128xf32>
    %slice3A_266 = vector.extract_strided_slice %convert_element_type3A_13 {offsets = [0, 25], sizes = [256, 1], strides = [1, 1]} : vector<256x32xf32> to vector<256x1xf32>
    %slice3A_267 = vector.extract_strided_slice %dot_general3A_17 {offsets = [0, 3200], sizes = [256, 128], strides = [1, 1]} : vector<256x4096xf32> to vector<256x128xf32>
    %get3A_268 = arith.constant 25 : index
    %get3A_269 = arith.constant 0 : index
    %get3A_270 = vector.load %arg6[%get3A_268, %get3A_269] : memref<32x128xf32, #tpu.memory_space<vmem>>, vector<1x128xf32>
    %add3A_271 = vector.broadcast %get3A_270 : vector<1x128xf32> to vector<256x128xf32>
    %add3A_272 = arith.addf %slice3A_267, %add3A_271 : vector<256x128xf32>
    %mul3A_273 = vector.broadcast %slice3A_266 : vector<256x1xf32> to vector<256x128xf32>
    %mul3A_274 = arith.mulf %mul3A_273, %add3A_272 : vector<256x128xf32>
    %add3A_275 = arith.addf %add3A_265, %mul3A_274 : vector<256x128xf32>
    %slice3A_276 = vector.extract_strided_slice %convert_element_type3A_13 {offsets = [0, 26], sizes = [256, 1], strides = [1, 1]} : vector<256x32xf32> to vector<256x1xf32>
    %slice3A_277 = vector.extract_strided_slice %dot_general3A_17 {offsets = [0, 3328], sizes = [256, 128], strides = [1, 1]} : vector<256x4096xf32> to vector<256x128xf32>
    %get3A_278 = arith.constant 26 : index
    %get3A_279 = arith.constant 0 : index
    %get3A_280 = vector.load %arg6[%get3A_278, %get3A_279] : memref<32x128xf32, #tpu.memory_space<vmem>>, vector<1x128xf32>
    %add3A_281 = vector.broadcast %get3A_280 : vector<1x128xf32> to vector<256x128xf32>
    %add3A_282 = arith.addf %slice3A_277, %add3A_281 : vector<256x128xf32>
    %mul3A_283 = vector.broadcast %slice3A_276 : vector<256x1xf32> to vector<256x128xf32>
    %mul3A_284 = arith.mulf %mul3A_283, %add3A_282 : vector<256x128xf32>
    %add3A_285 = arith.addf %add3A_275, %mul3A_284 : vector<256x128xf32>
    %slice3A_286 = vector.extract_strided_slice %convert_element_type3A_13 {offsets = [0, 27], sizes = [256, 1], strides = [1, 1]} : vector<256x32xf32> to vector<256x1xf32>
    %slice3A_287 = vector.extract_strided_slice %dot_general3A_17 {offsets = [0, 3456], sizes = [256, 128], strides = [1, 1]} : vector<256x4096xf32> to vector<256x128xf32>
    %get3A_288 = arith.constant 27 : index
    %get3A_289 = arith.constant 0 : index
    %get3A_290 = vector.load %arg6[%get3A_288, %get3A_289] : memref<32x128xf32, #tpu.memory_space<vmem>>, vector<1x128xf32>
    %add3A_291 = vector.broadcast %get3A_290 : vector<1x128xf32> to vector<256x128xf32>
    %add3A_292 = arith.addf %slice3A_287, %add3A_291 : vector<256x128xf32>
    %mul3A_293 = vector.broadcast %slice3A_286 : vector<256x1xf32> to vector<256x128xf32>
    %mul3A_294 = arith.mulf %mul3A_293, %add3A_292 : vector<256x128xf32>
    %add3A_295 = arith.addf %add3A_285, %mul3A_294 : vector<256x128xf32>
    %slice3A_296 = vector.extract_strided_slice %convert_element_type3A_13 {offsets = [0, 28], sizes = [256, 1], strides = [1, 1]} : vector<256x32xf32> to vector<256x1xf32>
    %slice3A_297 = vector.extract_strided_slice %dot_general3A_17 {offsets = [0, 3584], sizes = [256, 128], strides = [1, 1]} : vector<256x4096xf32> to vector<256x128xf32>
    %get3A_298 = arith.constant 28 : index
    %get3A_299 = arith.constant 0 : index
    %get3A_300 = vector.load %arg6[%get3A_298, %get3A_299] : memref<32x128xf32, #tpu.memory_space<vmem>>, vector<1x128xf32>
    %add3A_301 = vector.broadcast %get3A_300 : vector<1x128xf32> to vector<256x128xf32>
    %add3A_302 = arith.addf %slice3A_297, %add3A_301 : vector<256x128xf32>
    %mul3A_303 = vector.broadcast %slice3A_296 : vector<256x1xf32> to vector<256x128xf32>
    %mul3A_304 = arith.mulf %mul3A_303, %add3A_302 : vector<256x128xf32>
    %add3A_305 = arith.addf %add3A_295, %mul3A_304 : vector<256x128xf32>
    %slice3A_306 = vector.extract_strided_slice %convert_element_type3A_13 {offsets = [0, 29], sizes = [256, 1], strides = [1, 1]} : vector<256x32xf32> to vector<256x1xf32>
    %slice3A_307 = vector.extract_strided_slice %dot_general3A_17 {offsets = [0, 3712], sizes = [256, 128], strides = [1, 1]} : vector<256x4096xf32> to vector<256x128xf32>
    %get3A_308 = arith.constant 29 : index
    %get3A_309 = arith.constant 0 : index
    %get3A_310 = vector.load %arg6[%get3A_308, %get3A_309] : memref<32x128xf32, #tpu.memory_space<vmem>>, vector<1x128xf32>
    %add3A_311 = vector.broadcast %get3A_310 : vector<1x128xf32> to vector<256x128xf32>
    %add3A_312 = arith.addf %slice3A_307, %add3A_311 : vector<256x128xf32>
    %mul3A_313 = vector.broadcast %slice3A_306 : vector<256x1xf32> to vector<256x128xf32>
    %mul3A_314 = arith.mulf %mul3A_313, %add3A_312 : vector<256x128xf32>
    %add3A_315 = arith.addf %add3A_305, %mul3A_314 : vector<256x128xf32>
    %slice3A_316 = vector.extract_strided_slice %convert_element_type3A_13 {offsets = [0, 30], sizes = [256, 1], strides = [1, 1]} : vector<256x32xf32> to vector<256x1xf32>
    %slice3A_317 = vector.extract_strided_slice %dot_general3A_17 {offsets = [0, 3840], sizes = [256, 128], strides = [1, 1]} : vector<256x4096xf32> to vector<256x128xf32>
    %get3A_318 = arith.constant 30 : index
    %get3A_319 = arith.constant 0 : index
    %get3A_320 = vector.load %arg6[%get3A_318, %get3A_319] : memref<32x128xf32, #tpu.memory_space<vmem>>, vector<1x128xf32>
    %add3A_321 = vector.broadcast %get3A_320 : vector<1x128xf32> to vector<256x128xf32>
    %add3A_322 = arith.addf %slice3A_317, %add3A_321 : vector<256x128xf32>
    %mul3A_323 = vector.broadcast %slice3A_316 : vector<256x1xf32> to vector<256x128xf32>
    %mul3A_324 = arith.mulf %mul3A_323, %add3A_322 : vector<256x128xf32>
    %add3A_325 = arith.addf %add3A_315, %mul3A_324 : vector<256x128xf32>
    %slice3A_326 = vector.extract_strided_slice %convert_element_type3A_13 {offsets = [0, 31], sizes = [256, 1], strides = [1, 1]} : vector<256x32xf32> to vector<256x1xf32>
    %slice3A_327 = vector.extract_strided_slice %dot_general3A_17 {offsets = [0, 3968], sizes = [256, 128], strides = [1, 1]} : vector<256x4096xf32> to vector<256x128xf32>
    %get3A_328 = arith.constant 31 : index
    %get3A_329 = arith.constant 0 : index
    %get3A_330 = vector.load %arg6[%get3A_328, %get3A_329] : memref<32x128xf32, #tpu.memory_space<vmem>>, vector<1x128xf32>
    %add3A_331 = vector.broadcast %get3A_330 : vector<1x128xf32> to vector<256x128xf32>
    %add3A_332 = arith.addf %slice3A_327, %add3A_331 : vector<256x128xf32>
    %mul3A_333 = vector.broadcast %slice3A_326 : vector<256x1xf32> to vector<256x128xf32>
    %mul3A_334 = arith.mulf %mul3A_333, %add3A_332 : vector<256x128xf32>
    %add3A_335 = arith.addf %add3A_325, %mul3A_334 : vector<256x128xf32>
    %tanh3A = math.tanh %add3A_335 : vector<256x128xf32>
    %swap3A = arith.constant 0 : index
    %swap3A_336 = arith.constant 0 : index
    %swap3A_337 = vector.load %arg7[%swap3A, %swap3A_336] : memref<256x128xf32, #tpu.memory_space<vmem>>, vector<256x128xf32>
    tpu.vector_store %arg7[%swap3A, %swap3A_336], %tanh3A {strides = array<i32>} : memref<256x128xf32, #tpu.memory_space<vmem>>, vector<256x128xf32>,
    return
  }
  func.func @transform_1(%arg0: i32) -> (i32, i32) {
    %c0_i32 = arith.constant 0 : i32
    %c0_i32_0 = arith.constant 0 : i32
    return %arg0, %c0_i32 : i32, i32
  }
  func.func @transform_2(%arg0: i32) -> (i32, i32) {
    %add3A = arith.constant 8 : i32
    %add3A_0 = arith.addi %add3A, %arg0 : i32
    %c0_i32 = arith.constant 0 : i32
    %c0_i32_1 = arith.constant 0 : i32
    return %add3A_0, %c0_i32 : i32, i32
  }
  func.func @transform_3(%arg0: i32) -> (i32, i32, i32) {
    %c6_i32 = arith.constant 6 : i32
    %c0_i32 = arith.constant 0 : i32
    %c0_i32_0 = arith.constant 0 : i32
    return %c6_i32, %arg0, %c0_i32 : i32, i32, i32
  }
  func.func @transform_4(%arg0: i32) -> (i32, i32) {
    %c0_i32 = arith.constant 0 : i32
    %c0_i32_0 = arith.constant 0 : i32
    %c0_i32_1 = arith.constant 0 : i32
    return %c0_i32, %c0_i32_0 : i32, i32
  }
  func.func @transform_5(%arg0: i32) -> (i32, i32) {
    %c0_i32 = arith.constant 0 : i32
    %c0_i32_0 = arith.constant 0 : i32
    %c0_i32_1 = arith.constant 0 : i32
    return %c0_i32, %c0_i32_0 : i32, i32
  }
  func.func @transform_6(%arg0: i32) -> (i32, i32) {
    %add3A = arith.constant 112 : i32
    %add3A_0 = arith.addi %add3A, %arg0 : i32
    %c0_i32 = arith.constant 0 : i32
    %c0_i32_1 = arith.constant 0 : i32
    return %add3A_0, %c0_i32 : i32, i32
  }
}

module attributes {stable_mosaic.version = 14 : i64} {
  func.func @_layer_body(%arg0: i32, %arg1: memref<32768x128xf32, #tpu.memory_space<any>>, %arg2: memref<256x128xf32, #tpu.memory_space<vmem>>, %arg3: memref<256x128xf32, #tpu.memory_space<vmem>>, %arg4: memref<1x256x1xi32, #tpu.memory_space<vmem>>, %arg5: memref<256x4096xbf16, #tpu.memory_space<vmem>>, %arg6: memref<32x128xf32, #tpu.memory_space<vmem>>, %arg7: memref<256x128xf32, #tpu.memory_space<vmem>>) attributes {dimension_semantics = [#tpu.dimension_semantics<arbitrary>], iteration_bounds = array<i64: 8>, scalar_prefetch = 0 : i64, scratch_operands = 0 : i64, tpu.core_type = #tpu.core_type<tc>, window_params = [{}, {transform_indices = @transform_1, window_bounds = array<i64: 256, 128>}, {transform_indices = @transform_2, window_bounds = array<i64: 256, 128>}, {transform_indices = @transform_3, window_bounds = array<i64: 1, 256, 1>}, {pipeline_mode = #tpu.pipeline_mode<synchronous>, transform_indices = @transform_4, window_bounds = array<i64: 256, 4096>}, {pipeline_mode = #tpu.pipeline_mode<synchronous>, transform_indices = @transform_5, window_bounds = array<i64: 32, 128>}, {transform_indices = @transform_6, window_bounds = array<i64: 256, 128>}]} {
    %get3A = arith.constant 0 : index
    %get3A_0 = arith.constant 0 : index
    %get3A_1 = vector.load %arg2[%get3A, %get3A_0] : memref<256x128xf32, #tpu.memory_space<vmem>>, vector<256x128xf32>
    %convert_element_type3A = arith.truncf %get3A_1 : vector<256x128xf32> to vector<256x128xbf16>
    %get3A_2 = arith.constant 0 : index
    %get3A_3 = arith.constant 0 : index
    %get3A_4 = vector.load %arg3[%get3A_2, %get3A_3] : memref<256x128xf32, #tpu.memory_space<vmem>>, vector<256x128xf32>
    %convert_element_type3A_5 = arith.truncf %get3A_4 : vector<256x128xf32> to vector<256x128xbf16>
    %concatenate3A = tpu.concatenate %convert_element_type3A, %convert_element_type3A_5 in 1 : vector<256x128xbf16>, vector<256x128xbf16> -> vector<256x256xbf16>
    %get3A_6 = arith.constant 0 : index
    %get3A_7 = arith.constant 0 : index
    %get3A_8 = arith.constant 0 : index
    %get3A_9 = vector.load %arg4[%get3A_6, %get3A_7, %get3A_8] : memref<1x256x1xi32, #tpu.memory_space<vmem>>, vector<1x256x1xi32>
    %get3A_10 = vector.shape_cast %get3A_9 : vector<1x256x1xi32> to vector<256x1xi32>
    %iota3A = tpu.iota {dimensions = array<i32: 1>} : vector<256x32xi32>
    %eq3A = vector.broadcast %get3A_10 : vector<256x1xi32> to vector<256x32xi32>
    %eq3A_11 = arith.cmpi eq, %eq3A, %iota3A : vector<256x32xi32>
    %convert_element_type3A_12 = arith.extui %eq3A_11 : vector<256x32xi1> to vector<256x32xi32>
    %convert_element_type3A_13 = arith.sitofp %convert_element_type3A_12 : vector<256x32xi32> to vector<256x32xf32>
    %get3A_14 = arith.constant 0 : index
    %get3A_15 = arith.constant 0 : index
    %get3A_16 = vector.load %arg5[%get3A_14, %get3A_15] : memref<256x4096xbf16, #tpu.memory_space<vmem>>, vector<256x4096xbf16>
    %dot_general3A = arith.constant dense<0.000000e+00> : vector<256x4096xf32>
    %dot_general3A_17 = tpu.matmul %concatenate3A, %get3A_16, %dot_general3A {dimension_numbers = #tpu.dot_dimension_numbers<[1], [0], [0], [1], [0, 0, 1, 1], [], []>, transpose_lhs_hint = false} : vector<256x256xbf16>, vector<256x4096xbf16>, vector<256x4096xf32> -> vector<256x4096xf32>
    %broadcast_in_dim3A = arith.constant 0.000000e+00 : f32
    %broadcast_in_dim3A_18 = vector.broadcast %broadcast_in_dim3A : f32 to vector<256x128xf32>
    %slice3A = vector.extract_strided_slice %convert_element_type3A_13 {offsets = [0, 0], sizes = [256, 1], strides = [1, 1]} : vector<256x32xf32> to vector<256x1xf32>
    %slice3A_19 = vector.extract_strided_slice %dot_general3A_17 {offsets = [0, 0], sizes = [256, 128], strides = [1, 1]} : vector<256x4096xf32> to vector<256x128xf32>
    %get3A_20 = arith.constant 0 : index
    %get3A_21 = arith.constant 0 : index
    %get3A_22 = vector.load %arg6[%get3A_20, %get3A_21] : memref<32x128xf32, #tpu.memory_space<vmem>>, vector<1x128xf32>
    %add3A = vector.broadcast %get3A_22 : vector<1x128xf32> to vector<256x128xf32>
    %add3A_23 = arith.addf %slice3A_19, %add3A : vector<256x128xf32>
    %mul3A = vector.broadcast %slice3A : vector<256x1xf32> to vector<256x128xf32>
    %mul3A_24 = arith.mulf %mul3A, %add3A_23 : vector<256x128xf32>
    %add3A_25 = arith.addf %broadcast_in_dim3A_18, %mul3A_24 : vector<256x128xf32>
    %slice3A_26 = vector.extract_strided_slice %convert_element_type3A_13 {offsets = [0, 1], sizes = [256, 1], strides = [1, 1]} : vector<256x32xf32> to vector<256x1xf32>
    %slice3A_27 = vector.extract_strided_slice %dot_general3A_17 {offsets = [0, 128], sizes = [256, 128], strides = [1, 1]} : vector<256x4096xf32> to vector<256x128xf32>
    %get3A_28 = arith.constant 1 : index
    %get3A_29 = arith.constant 0 : index
    %get3A_30 = vector.load %arg6[%get3A_28, %get3A_29] : memref<32x128xf32, #tpu.memory_space<vmem>>, vector<1x128xf32>
    %add3A_31 = vector.broadcast %get3A_30 : vector<1x128xf32> to vector<256x128xf32>
    %add3A_32 = arith.addf %slice3A_27, %add3A_31 : vector<256x128xf32>
    %mul3A_33 = vector.broadcast %slice3A_26 : vector<256x1xf32> to vector<256x128xf32>
    %mul3A_34 = arith.mulf %mul3A_33, %add3A_32 : vector<256x128xf32>
    %add3A_35 = arith.addf %add3A_25, %mul3A_34 : vector<256x128xf32>
    %slice3A_36 = vector.extract_strided_slice %convert_element_type3A_13 {offsets = [0, 2], sizes = [256, 1], strides = [1, 1]} : vector<256x32xf32> to vector<256x1xf32>
    %slice3A_37 = vector.extract_strided_slice %dot_general3A_17 {offsets = [0, 256], sizes = [256, 128], strides = [1, 1]} : vector<256x4096xf32> to vector<256x128xf32>
    %get3A_38 = arith.constant 2 : index
    %get3A_39 = arith.constant 0 : index
    %get3A_40 = vector.load %arg6[%get3A_38, %get3A_39] : memref<32x128xf32, #tpu.memory_space<vmem>>, vector<1x128xf32>
    %add3A_41 = vector.broadcast %get3A_40 : vector<1x128xf32> to vector<256x128xf32>
    %add3A_42 = arith.addf %slice3A_37, %add3A_41 : vector<256x128xf32>
    %mul3A_43 = vector.broadcast %slice3A_36 : vector<256x1xf32> to vector<256x128xf32>
    %mul3A_44 = arith.mulf %mul3A_43, %add3A_42 : vector<256x128xf32>
    %add3A_45 = arith.addf %add3A_35, %mul3A_44 : vector<256x128xf32>
    %slice3A_46 = vector.extract_strided_slice %convert_element_type3A_13 {offsets = [0, 3], sizes = [256, 1], strides = [1, 1]} : vector<256x32xf32> to vector<256x1xf32>
    %slice3A_47 = vector.extract_strided_slice %dot_general3A_17 {offsets = [0, 384], sizes = [256, 128], strides = [1, 1]} : vector<256x4096xf32> to vector<256x128xf32>
    %get3A_48 = arith.constant 3 : index
    %get3A_49 = arith.constant 0 : index
    %get3A_50 = vector.load %arg6[%get3A_48, %get3A_49] : memref<32x128xf32, #tpu.memory_space<vmem>>, vector<1x128xf32>
    %add3A_51 = vector.broadcast %get3A_50 : vector<1x128xf32> to vector<256x128xf32>
    %add3A_52 = arith.addf %slice3A_47, %add3A_51 : vector<256x128xf32>
    %mul3A_53 = vector.broadcast %slice3A_46 : vector<256x1xf32> to vector<256x128xf32>
    %mul3A_54 = arith.mulf %mul3A_53, %add3A_52 : vector<256x128xf32>
    %add3A_55 = arith.addf %add3A_45, %mul3A_54 : vector<256x128xf32>
    %slice3A_56 = vector.extract_strided_slice %convert_element_type3A_13 {offsets = [0, 4], sizes = [256, 1], strides = [1, 1]} : vector<256x32xf32> to vector<256x1xf32>
    %slice3A_57 = vector.extract_strided_slice %dot_general3A_17 {offsets = [0, 512], sizes = [256, 128], strides = [1, 1]} : vector<256x4096xf32> to vector<256x128xf32>
    %get3A_58 = arith.constant 4 : index
    %get3A_59 = arith.constant 0 : index
    %get3A_60 = vector.load %arg6[%get3A_58, %get3A_59] : memref<32x128xf32, #tpu.memory_space<vmem>>, vector<1x128xf32>
    %add3A_61 = vector.broadcast %get3A_60 : vector<1x128xf32> to vector<256x128xf32>
    %add3A_62 = arith.addf %slice3A_57, %add3A_61 : vector<256x128xf32>
    %mul3A_63 = vector.broadcast %slice3A_56 : vector<256x1xf32> to vector<256x128xf32>
    %mul3A_64 = arith.mulf %mul3A_63, %add3A_62 : vector<256x128xf32>
    %add3A_65 = arith.addf %add3A_55, %mul3A_64 : vector<256x128xf32>
    %slice3A_66 = vector.extract_strided_slice %convert_element_type3A_13 {offsets = [0, 5], sizes = [256, 1], strides = [1, 1]} : vector<256x32xf32> to vector<256x1xf32>
    %slice3A_67 = vector.extract_strided_slice %dot_general3A_17 {offsets = [0, 640], sizes = [256, 128], strides = [1, 1]} : vector<256x4096xf32> to vector<256x128xf32>
    %get3A_68 = arith.constant 5 : index
    %get3A_69 = arith.constant 0 : index
    %get3A_70 = vector.load %arg6[%get3A_68, %get3A_69] : memref<32x128xf32, #tpu.memory_space<vmem>>, vector<1x128xf32>
    %add3A_71 = vector.broadcast %get3A_70 : vector<1x128xf32> to vector<256x128xf32>
    %add3A_72 = arith.addf %slice3A_67, %add3A_71 : vector<256x128xf32>
    %mul3A_73 = vector.broadcast %slice3A_66 : vector<256x1xf32> to vector<256x128xf32>
    %mul3A_74 = arith.mulf %mul3A_73, %add3A_72 : vector<256x128xf32>
    %add3A_75 = arith.addf %add3A_65, %mul3A_74 : vector<256x128xf32>
    %slice3A_76 = vector.extract_strided_slice %convert_element_type3A_13 {offsets = [0, 6], sizes = [256, 1], strides = [1, 1]} : vector<256x32xf32> to vector<256x1xf32>
    %slice3A_77 = vector.extract_strided_slice %dot_general3A_17 {offsets = [0, 768], sizes = [256, 128], strides = [1, 1]} : vector<256x4096xf32> to vector<256x128xf32>
    %get3A_78 = arith.constant 6 : index
    %get3A_79 = arith.constant 0 : index
    %get3A_80 = vector.load %arg6[%get3A_78, %get3A_79] : memref<32x128xf32, #tpu.memory_space<vmem>>, vector<1x128xf32>
    %add3A_81 = vector.broadcast %get3A_80 : vector<1x128xf32> to vector<256x128xf32>
    %add3A_82 = arith.addf %slice3A_77, %add3A_81 : vector<256x128xf32>
    %mul3A_83 = vector.broadcast %slice3A_76 : vector<256x1xf32> to vector<256x128xf32>
    %mul3A_84 = arith.mulf %mul3A_83, %add3A_82 : vector<256x128xf32>
    %add3A_85 = arith.addf %add3A_75, %mul3A_84 : vector<256x128xf32>
    %slice3A_86 = vector.extract_strided_slice %convert_element_type3A_13 {offsets = [0, 7], sizes = [256, 1], strides = [1, 1]} : vector<256x32xf32> to vector<256x1xf32>
    %slice3A_87 = vector.extract_strided_slice %dot_general3A_17 {offsets = [0, 896], sizes = [256, 128], strides = [1, 1]} : vector<256x4096xf32> to vector<256x128xf32>
    %get3A_88 = arith.constant 7 : index
    %get3A_89 = arith.constant 0 : index
    %get3A_90 = vector.load %arg6[%get3A_88, %get3A_89] : memref<32x128xf32, #tpu.memory_space<vmem>>, vector<1x128xf32>
    %add3A_91 = vector.broadcast %get3A_90 : vector<1x128xf32> to vector<256x128xf32>
    %add3A_92 = arith.addf %slice3A_87, %add3A_91 : vector<256x128xf32>
    %mul3A_93 = vector.broadcast %slice3A_86 : vector<256x1xf32> to vector<256x128xf32>
    %mul3A_94 = arith.mulf %mul3A_93, %add3A_92 : vector<256x128xf32>
    %add3A_95 = arith.addf %add3A_85, %mul3A_94 : vector<256x128xf32>
    %slice3A_96 = vector.extract_strided_slice %convert_element_type3A_13 {offsets = [0, 8], sizes = [256, 1], strides = [1, 1]} : vector<256x32xf32> to vector<256x1xf32>
    %slice3A_97 = vector.extract_strided_slice %dot_general3A_17 {offsets = [0, 1024], sizes = [256, 128], strides = [1, 1]} : vector<256x4096xf32> to vector<256x128xf32>
    %get3A_98 = arith.constant 8 : index
    %get3A_99 = arith.constant 0 : index
    %get3A_100 = vector.load %arg6[%get3A_98, %get3A_99] : memref<32x128xf32, #tpu.memory_space<vmem>>, vector<1x128xf32>
    %add3A_101 = vector.broadcast %get3A_100 : vector<1x128xf32> to vector<256x128xf32>
    %add3A_102 = arith.addf %slice3A_97, %add3A_101 : vector<256x128xf32>
    %mul3A_103 = vector.broadcast %slice3A_96 : vector<256x1xf32> to vector<256x128xf32>
    %mul3A_104 = arith.mulf %mul3A_103, %add3A_102 : vector<256x128xf32>
    %add3A_105 = arith.addf %add3A_95, %mul3A_104 : vector<256x128xf32>
    %slice3A_106 = vector.extract_strided_slice %convert_element_type3A_13 {offsets = [0, 9], sizes = [256, 1], strides = [1, 1]} : vector<256x32xf32> to vector<256x1xf32>
    %slice3A_107 = vector.extract_strided_slice %dot_general3A_17 {offsets = [0, 1152], sizes = [256, 128], strides = [1, 1]} : vector<256x4096xf32> to vector<256x128xf32>
    %get3A_108 = arith.constant 9 : index
    %get3A_109 = arith.constant 0 : index
    %get3A_110 = vector.load %arg6[%get3A_108, %get3A_109] : memref<32x128xf32, #tpu.memory_space<vmem>>, vector<1x128xf32>
    %add3A_111 = vector.broadcast %get3A_110 : vector<1x128xf32> to vector<256x128xf32>
    %add3A_112 = arith.addf %slice3A_107, %add3A_111 : vector<256x128xf32>
    %mul3A_113 = vector.broadcast %slice3A_106 : vector<256x1xf32> to vector<256x128xf32>
    %mul3A_114 = arith.mulf %mul3A_113, %add3A_112 : vector<256x128xf32>
    %add3A_115 = arith.addf %add3A_105, %mul3A_114 : vector<256x128xf32>
    %slice3A_116 = vector.extract_strided_slice %convert_element_type3A_13 {offsets = [0, 10], sizes = [256, 1], strides = [1, 1]} : vector<256x32xf32> to vector<256x1xf32>
    %slice3A_117 = vector.extract_strided_slice %dot_general3A_17 {offsets = [0, 1280], sizes = [256, 128], strides = [1, 1]} : vector<256x4096xf32> to vector<256x128xf32>
    %get3A_118 = arith.constant 10 : index
    %get3A_119 = arith.constant 0 : index
    %get3A_120 = vector.load %arg6[%get3A_118, %get3A_119] : memref<32x128xf32, #tpu.memory_space<vmem>>, vector<1x128xf32>
    %add3A_121 = vector.broadcast %get3A_120 : vector<1x128xf32> to vector<256x128xf32>
    %add3A_122 = arith.addf %slice3A_117, %add3A_121 : vector<256x128xf32>
    %mul3A_123 = vector.broadcast %slice3A_116 : vector<256x1xf32> to vector<256x128xf32>
    %mul3A_124 = arith.mulf %mul3A_123, %add3A_122 : vector<256x128xf32>
    %add3A_125 = arith.addf %add3A_115, %mul3A_124 : vector<256x128xf32>
    %slice3A_126 = vector.extract_strided_slice %convert_element_type3A_13 {offsets = [0, 11], sizes = [256, 1], strides = [1, 1]} : vector<256x32xf32> to vector<256x1xf32>
    %slice3A_127 = vector.extract_strided_slice %dot_general3A_17 {offsets = [0, 1408], sizes = [256, 128], strides = [1, 1]} : vector<256x4096xf32> to vector<256x128xf32>
    %get3A_128 = arith.constant 11 : index
    %get3A_129 = arith.constant 0 : index
    %get3A_130 = vector.load %arg6[%get3A_128, %get3A_129] : memref<32x128xf32, #tpu.memory_space<vmem>>, vector<1x128xf32>
    %add3A_131 = vector.broadcast %get3A_130 : vector<1x128xf32> to vector<256x128xf32>
    %add3A_132 = arith.addf %slice3A_127, %add3A_131 : vector<256x128xf32>
    %mul3A_133 = vector.broadcast %slice3A_126 : vector<256x1xf32> to vector<256x128xf32>
    %mul3A_134 = arith.mulf %mul3A_133, %add3A_132 : vector<256x128xf32>
    %add3A_135 = arith.addf %add3A_125, %mul3A_134 : vector<256x128xf32>
    %slice3A_136 = vector.extract_strided_slice %convert_element_type3A_13 {offsets = [0, 12], sizes = [256, 1], strides = [1, 1]} : vector<256x32xf32> to vector<256x1xf32>
    %slice3A_137 = vector.extract_strided_slice %dot_general3A_17 {offsets = [0, 1536], sizes = [256, 128], strides = [1, 1]} : vector<256x4096xf32> to vector<256x128xf32>
    %get3A_138 = arith.constant 12 : index
    %get3A_139 = arith.constant 0 : index
    %get3A_140 = vector.load %arg6[%get3A_138, %get3A_139] : memref<32x128xf32, #tpu.memory_space<vmem>>, vector<1x128xf32>
    %add3A_141 = vector.broadcast %get3A_140 : vector<1x128xf32> to vector<256x128xf32>
    %add3A_142 = arith.addf %slice3A_137, %add3A_141 : vector<256x128xf32>
    %mul3A_143 = vector.broadcast %slice3A_136 : vector<256x1xf32> to vector<256x128xf32>
    %mul3A_144 = arith.mulf %mul3A_143, %add3A_142 : vector<256x128xf32>
    %add3A_145 = arith.addf %add3A_135, %mul3A_144 : vector<256x128xf32>
    %slice3A_146 = vector.extract_strided_slice %convert_element_type3A_13 {offsets = [0, 13], sizes = [256, 1], strides = [1, 1]} : vector<256x32xf32> to vector<256x1xf32>
    %slice3A_147 = vector.extract_strided_slice %dot_general3A_17 {offsets = [0, 1664], sizes = [256, 128], strides = [1, 1]} : vector<256x4096xf32> to vector<256x128xf32>
    %get3A_148 = arith.constant 13 : index
    %get3A_149 = arith.constant 0 : index
    %get3A_150 = vector.load %arg6[%get3A_148, %get3A_149] : memref<32x128xf32, #tpu.memory_space<vmem>>, vector<1x128xf32>
    %add3A_151 = vector.broadcast %get3A_150 : vector<1x128xf32> to vector<256x128xf32>
    %add3A_152 = arith.addf %slice3A_147, %add3A_151 : vector<256x128xf32>
    %mul3A_153 = vector.broadcast %slice3A_146 : vector<256x1xf32> to vector<256x128xf32>
    %mul3A_154 = arith.mulf %mul3A_153, %add3A_152 : vector<256x128xf32>
    %add3A_155 = arith.addf %add3A_145, %mul3A_154 : vector<256x128xf32>
    %slice3A_156 = vector.extract_strided_slice %convert_element_type3A_13 {offsets = [0, 14], sizes = [256, 1], strides = [1, 1]} : vector<256x32xf32> to vector<256x1xf32>
    %slice3A_157 = vector.extract_strided_slice %dot_general3A_17 {offsets = [0, 1792], sizes = [256, 128], strides = [1, 1]} : vector<256x4096xf32> to vector<256x128xf32>
    %get3A_158 = arith.constant 14 : index
    %get3A_159 = arith.constant 0 : index
    %get3A_160 = vector.load %arg6[%get3A_158, %get3A_159] : memref<32x128xf32, #tpu.memory_space<vmem>>, vector<1x128xf32>
    %add3A_161 = vector.broadcast %get3A_160 : vector<1x128xf32> to vector<256x128xf32>
    %add3A_162 = arith.addf %slice3A_157, %add3A_161 : vector<256x128xf32>
    %mul3A_163 = vector.broadcast %slice3A_156 : vector<256x1xf32> to vector<256x128xf32>
    %mul3A_164 = arith.mulf %mul3A_163, %add3A_162 : vector<256x128xf32>
    %add3A_165 = arith.addf %add3A_155, %mul3A_164 : vector<256x128xf32>
    %slice3A_166 = vector.extract_strided_slice %convert_element_type3A_13 {offsets = [0, 15], sizes = [256, 1], strides = [1, 1]} : vector<256x32xf32> to vector<256x1xf32>
    %slice3A_167 = vector.extract_strided_slice %dot_general3A_17 {offsets = [0, 1920], sizes = [256, 128], strides = [1, 1]} : vector<256x4096xf32> to vector<256x128xf32>
    %get3A_168 = arith.constant 15 : index
    %get3A_169 = arith.constant 0 : index
    %get3A_170 = vector.load %arg6[%get3A_168, %get3A_169] : memref<32x128xf32, #tpu.memory_space<vmem>>, vector<1x128xf32>
    %add3A_171 = vector.broadcast %get3A_170 : vector<1x128xf32> to vector<256x128xf32>
    %add3A_172 = arith.addf %slice3A_167, %add3A_171 : vector<256x128xf32>
    %mul3A_173 = vector.broadcast %slice3A_166 : vector<256x1xf32> to vector<256x128xf32>
    %mul3A_174 = arith.mulf %mul3A_173, %add3A_172 : vector<256x128xf32>
    %add3A_175 = arith.addf %add3A_165, %mul3A_174 : vector<256x128xf32>
    %slice3A_176 = vector.extract_strided_slice %convert_element_type3A_13 {offsets = [0, 16], sizes = [256, 1], strides = [1, 1]} : vector<256x32xf32> to vector<256x1xf32>
    %slice3A_177 = vector.extract_strided_slice %dot_general3A_17 {offsets = [0, 2048], sizes = [256, 128], strides = [1, 1]} : vector<256x4096xf32> to vector<256x128xf32>
    %get3A_178 = arith.constant 16 : index
    %get3A_179 = arith.constant 0 : index
    %get3A_180 = vector.load %arg6[%get3A_178, %get3A_179] : memref<32x128xf32, #tpu.memory_space<vmem>>, vector<1x128xf32>
    %add3A_181 = vector.broadcast %get3A_180 : vector<1x128xf32> to vector<256x128xf32>
    %add3A_182 = arith.addf %slice3A_177, %add3A_181 : vector<256x128xf32>
    %mul3A_183 = vector.broadcast %slice3A_176 : vector<256x1xf32> to vector<256x128xf32>
    %mul3A_184 = arith.mulf %mul3A_183, %add3A_182 : vector<256x128xf32>
    %add3A_185 = arith.addf %add3A_175, %mul3A_184 : vector<256x128xf32>
    %slice3A_186 = vector.extract_strided_slice %convert_element_type3A_13 {offsets = [0, 17], sizes = [256, 1], strides = [1, 1]} : vector<256x32xf32> to vector<256x1xf32>
    %slice3A_187 = vector.extract_strided_slice %dot_general3A_17 {offsets = [0, 2176], sizes = [256, 128], strides = [1, 1]} : vector<256x4096xf32> to vector<256x128xf32>
    %get3A_188 = arith.constant 17 : index
    %get3A_189 = arith.constant 0 : index
    %get3A_190 = vector.load %arg6[%get3A_188, %get3A_189] : memref<32x128xf32, #tpu.memory_space<vmem>>, vector<1x128xf32>
    %add3A_191 = vector.broadcast %get3A_190 : vector<1x128xf32> to vector<256x128xf32>
    %add3A_192 = arith.addf %slice3A_187, %add3A_191 : vector<256x128xf32>
    %mul3A_193 = vector.broadcast %slice3A_186 : vector<256x1xf32> to vector<256x128xf32>
    %mul3A_194 = arith.mulf %mul3A_193, %add3A_192 : vector<256x128xf32>
    %add3A_195 = arith.addf %add3A_185, %mul3A_194 : vector<256x128xf32>
    %slice3A_196 = vector.extract_strided_slice %convert_element_type3A_13 {offsets = [0, 18], sizes = [256, 1], strides = [1, 1]} : vector<256x32xf32> to vector<256x1xf32>
    %slice3A_197 = vector.extract_strided_slice %dot_general3A_17 {offsets = [0, 2304], sizes = [256, 128], strides = [1, 1]} : vector<256x4096xf32> to vector<256x128xf32>
    %get3A_198 = arith.constant 18 : index
    %get3A_199 = arith.constant 0 : index
    %get3A_200 = vector.load %arg6[%get3A_198, %get3A_199] : memref<32x128xf32, #tpu.memory_space<vmem>>, vector<1x128xf32>
    %add3A_201 = vector.broadcast %get3A_200 : vector<1x128xf32> to vector<256x128xf32>
    %add3A_202 = arith.addf %slice3A_197, %add3A_201 : vector<256x128xf32>
    %mul3A_203 = vector.broadcast %slice3A_196 : vector<256x1xf32> to vector<256x128xf32>
    %mul3A_204 = arith.mulf %mul3A_203, %add3A_202 : vector<256x128xf32>
    %add3A_205 = arith.addf %add3A_195, %mul3A_204 : vector<256x128xf32>
    %slice3A_206 = vector.extract_strided_slice %convert_element_type3A_13 {offsets = [0, 19], sizes = [256, 1], strides = [1, 1]} : vector<256x32xf32> to vector<256x1xf32>
    %slice3A_207 = vector.extract_strided_slice %dot_general3A_17 {offsets = [0, 2432], sizes = [256, 128], strides = [1, 1]} : vector<256x4096xf32> to vector<256x128xf32>
    %get3A_208 = arith.constant 19 : index
    %get3A_209 = arith.constant 0 : index
    %get3A_210 = vector.load %arg6[%get3A_208, %get3A_209] : memref<32x128xf32, #tpu.memory_space<vmem>>, vector<1x128xf32>
    %add3A_211 = vector.broadcast %get3A_210 : vector<1x128xf32> to vector<256x128xf32>
    %add3A_212 = arith.addf %slice3A_207, %add3A_211 : vector<256x128xf32>
    %mul3A_213 = vector.broadcast %slice3A_206 : vector<256x1xf32> to vector<256x128xf32>
    %mul3A_214 = arith.mulf %mul3A_213, %add3A_212 : vector<256x128xf32>
    %add3A_215 = arith.addf %add3A_205, %mul3A_214 : vector<256x128xf32>
    %slice3A_216 = vector.extract_strided_slice %convert_element_type3A_13 {offsets = [0, 20], sizes = [256, 1], strides = [1, 1]} : vector<256x32xf32> to vector<256x1xf32>
    %slice3A_217 = vector.extract_strided_slice %dot_general3A_17 {offsets = [0, 2560], sizes = [256, 128], strides = [1, 1]} : vector<256x4096xf32> to vector<256x128xf32>
    %get3A_218 = arith.constant 20 : index
    %get3A_219 = arith.constant 0 : index
    %get3A_220 = vector.load %arg6[%get3A_218, %get3A_219] : memref<32x128xf32, #tpu.memory_space<vmem>>, vector<1x128xf32>
    %add3A_221 = vector.broadcast %get3A_220 : vector<1x128xf32> to vector<256x128xf32>
    %add3A_222 = arith.addf %slice3A_217, %add3A_221 : vector<256x128xf32>
    %mul3A_223 = vector.broadcast %slice3A_216 : vector<256x1xf32> to vector<256x128xf32>
    %mul3A_224 = arith.mulf %mul3A_223, %add3A_222 : vector<256x128xf32>
    %add3A_225 = arith.addf %add3A_215, %mul3A_224 : vector<256x128xf32>
    %slice3A_226 = vector.extract_strided_slice %convert_element_type3A_13 {offsets = [0, 21], sizes = [256, 1], strides = [1, 1]} : vector<256x32xf32> to vector<256x1xf32>
    %slice3A_227 = vector.extract_strided_slice %dot_general3A_17 {offsets = [0, 2688], sizes = [256, 128], strides = [1, 1]} : vector<256x4096xf32> to vector<256x128xf32>
    %get3A_228 = arith.constant 21 : index
    %get3A_229 = arith.constant 0 : index
    %get3A_230 = vector.load %arg6[%get3A_228, %get3A_229] : memref<32x128xf32, #tpu.memory_space<vmem>>, vector<1x128xf32>
    %add3A_231 = vector.broadcast %get3A_230 : vector<1x128xf32> to vector<256x128xf32>
    %add3A_232 = arith.addf %slice3A_227, %add3A_231 : vector<256x128xf32>
    %mul3A_233 = vector.broadcast %slice3A_226 : vector<256x1xf32> to vector<256x128xf32>
    %mul3A_234 = arith.mulf %mul3A_233, %add3A_232 : vector<256x128xf32>
    %add3A_235 = arith.addf %add3A_225, %mul3A_234 : vector<256x128xf32>
    %slice3A_236 = vector.extract_strided_slice %convert_element_type3A_13 {offsets = [0, 22], sizes = [256, 1], strides = [1, 1]} : vector<256x32xf32> to vector<256x1xf32>
    %slice3A_237 = vector.extract_strided_slice %dot_general3A_17 {offsets = [0, 2816], sizes = [256, 128], strides = [1, 1]} : vector<256x4096xf32> to vector<256x128xf32>
    %get3A_238 = arith.constant 22 : index
    %get3A_239 = arith.constant 0 : index
    %get3A_240 = vector.load %arg6[%get3A_238, %get3A_239] : memref<32x128xf32, #tpu.memory_space<vmem>>, vector<1x128xf32>
    %add3A_241 = vector.broadcast %get3A_240 : vector<1x128xf32> to vector<256x128xf32>
    %add3A_242 = arith.addf %slice3A_237, %add3A_241 : vector<256x128xf32>
    %mul3A_243 = vector.broadcast %slice3A_236 : vector<256x1xf32> to vector<256x128xf32>
    %mul3A_244 = arith.mulf %mul3A_243, %add3A_242 : vector<256x128xf32>
    %add3A_245 = arith.addf %add3A_235, %mul3A_244 : vector<256x128xf32>
    %slice3A_246 = vector.extract_strided_slice %convert_element_type3A_13 {offsets = [0, 23], sizes = [256, 1], strides = [1, 1]} : vector<256x32xf32> to vector<256x1xf32>
    %slice3A_247 = vector.extract_strided_slice %dot_general3A_17 {offsets = [0, 2944], sizes = [256, 128], strides = [1, 1]} : vector<256x4096xf32> to vector<256x128xf32>
    %get3A_248 = arith.constant 23 : index
    %get3A_249 = arith.constant 0 : index
    %get3A_250 = vector.load %arg6[%get3A_248, %get3A_249] : memref<32x128xf32, #tpu.memory_space<vmem>>, vector<1x128xf32>
    %add3A_251 = vector.broadcast %get3A_250 : vector<1x128xf32> to vector<256x128xf32>
    %add3A_252 = arith.addf %slice3A_247, %add3A_251 : vector<256x128xf32>
    %mul3A_253 = vector.broadcast %slice3A_246 : vector<256x1xf32> to vector<256x128xf32>
    %mul3A_254 = arith.mulf %mul3A_253, %add3A_252 : vector<256x128xf32>
    %add3A_255 = arith.addf %add3A_245, %mul3A_254 : vector<256x128xf32>
    %slice3A_256 = vector.extract_strided_slice %convert_element_type3A_13 {offsets = [0, 24], sizes = [256, 1], strides = [1, 1]} : vector<256x32xf32> to vector<256x1xf32>
    %slice3A_257 = vector.extract_strided_slice %dot_general3A_17 {offsets = [0, 3072], sizes = [256, 128], strides = [1, 1]} : vector<256x4096xf32> to vector<256x128xf32>
    %get3A_258 = arith.constant 24 : index
    %get3A_259 = arith.constant 0 : index
    %get3A_260 = vector.load %arg6[%get3A_258, %get3A_259] : memref<32x128xf32, #tpu.memory_space<vmem>>, vector<1x128xf32>
    %add3A_261 = vector.broadcast %get3A_260 : vector<1x128xf32> to vector<256x128xf32>
    %add3A_262 = arith.addf %slice3A_257, %add3A_261 : vector<256x128xf32>
    %mul3A_263 = vector.broadcast %slice3A_256 : vector<256x1xf32> to vector<256x128xf32>
    %mul3A_264 = arith.mulf %mul3A_263, %add3A_262 : vector<256x128xf32>
    %add3A_265 = arith.addf %add3A_255, %mul3A_264 : vector<256x128xf32>
    %slice3A_266 = vector.extract_strided_slice %convert_element_type3A_13 {offsets = [0, 25], sizes = [256, 1], strides = [1, 1]} : vector<256x32xf32> to vector<256x1xf32>
    %slice3A_267 = vector.extract_strided_slice %dot_general3A_17 {offsets = [0, 3200], sizes = [256, 128], strides = [1, 1]} : vector<256x4096xf32> to vector<256x128xf32>
    %get3A_268 = arith.constant 25 : index
    %get3A_269 = arith.constant 0 : index
    %get3A_270 = vector.load %arg6[%get3A_268, %get3A_269] : memref<32x128xf32, #tpu.memory_space<vmem>>, vector<1x128xf32>
    %add3A_271 = vector.broadcast %get3A_270 : vector<1x128xf32> to vector<256x128xf32>
    %add3A_272 = arith.addf %slice3A_267, %add3A_271 : vector<256x128xf32>
    %mul3A_273 = vector.broadcast %slice3A_266 : vector<256x1xf32> to vector<256x128xf32>
    %mul3A_274 = arith.mulf %mul3A_273, %add3A_272 : vector<256x128xf32>
    %add3A_275 = arith.addf %add3A_265, %mul3A_274 : vector<256x128xf32>
    %slice3A_276 = vector.extract_strided_slice %convert_element_type3A_13 {offsets = [0, 26], sizes = [256, 1], strides = [1, 1]} : vector<256x32xf32> to vector<256x1xf32>
    %slice3A_277 = vector.extract_strided_slice %dot_general3A_17 {offsets = [0, 3328], sizes = [256, 128], strides = [1, 1]} : vector<256x4096xf32> to vector<256x128xf32>
    %get3A_278 = arith.constant 26 : index
    %get3A_279 = arith.constant 0 : index
    %get3A_280 = vector.load %arg6[%get3A_278, %get3A_279] : memref<32x128xf32, #tpu.memory_space<vmem>>, vector<1x128xf32>
    %add3A_281 = vector.broadcast %get3A_280 : vector<1x128xf32> to vector<256x128xf32>
    %add3A_282 = arith.addf %slice3A_277, %add3A_281 : vector<256x128xf32>
    %mul3A_283 = vector.broadcast %slice3A_276 : vector<256x1xf32> to vector<256x128xf32>
    %mul3A_284 = arith.mulf %mul3A_283, %add3A_282 : vector<256x128xf32>
    %add3A_285 = arith.addf %add3A_275, %mul3A_284 : vector<256x128xf32>
    %slice3A_286 = vector.extract_strided_slice %convert_element_type3A_13 {offsets = [0, 27], sizes = [256, 1], strides = [1, 1]} : vector<256x32xf32> to vector<256x1xf32>
    %slice3A_287 = vector.extract_strided_slice %dot_general3A_17 {offsets = [0, 3456], sizes = [256, 128], strides = [1, 1]} : vector<256x4096xf32> to vector<256x128xf32>
    %get3A_288 = arith.constant 27 : index
    %get3A_289 = arith.constant 0 : index
    %get3A_290 = vector.load %arg6[%get3A_288, %get3A_289] : memref<32x128xf32, #tpu.memory_space<vmem>>, vector<1x128xf32>
    %add3A_291 = vector.broadcast %get3A_290 : vector<1x128xf32> to vector<256x128xf32>
    %add3A_292 = arith.addf %slice3A_287, %add3A_291 : vector<256x128xf32>
    %mul3A_293 = vector.broadcast %slice3A_286 : vector<256x1xf32> to vector<256x128xf32>
    %mul3A_294 = arith.mulf %mul3A_293, %add3A_292 : vector<256x128xf32>
    %add3A_295 = arith.addf %add3A_285, %mul3A_294 : vector<256x128xf32>
    %slice3A_296 = vector.extract_strided_slice %convert_element_type3A_13 {offsets = [0, 28], sizes = [256, 1], strides = [1, 1]} : vector<256x32xf32> to vector<256x1xf32>
    %slice3A_297 = vector.extract_strided_slice %dot_general3A_17 {offsets = [0, 3584], sizes = [256, 128], strides = [1, 1]} : vector<256x4096xf32> to vector<256x128xf32>
    %get3A_298 = arith.constant 28 : index
    %get3A_299 = arith.constant 0 : index
    %get3A_300 = vector.load %arg6[%get3A_298, %get3A_299] : memref<32x128xf32, #tpu.memory_space<vmem>>, vector<1x128xf32>
    %add3A_301 = vector.broadcast %get3A_300 : vector<1x128xf32> to vector<256x128xf32>
    %add3A_302 = arith.addf %slice3A_297, %add3A_301 : vector<256x128xf32>
    %mul3A_303 = vector.broadcast %slice3A_296 : vector<256x1xf32> to vector<256x128xf32>
    %mul3A_304 = arith.mulf %mul3A_303, %add3A_302 : vector<256x128xf32>
    %add3A_305 = arith.addf %add3A_295, %mul3A_304 : vector<256x128xf32>
    %slice3A_306 = vector.extract_strided_slice %convert_element_type3A_13 {offsets = [0, 29], sizes = [256, 1], strides = [1, 1]} : vector<256x32xf32> to vector<256x1xf32>
    %slice3A_307 = vector.extract_strided_slice %dot_general3A_17 {offsets = [0, 3712], sizes = [256, 128], strides = [1, 1]} : vector<256x4096xf32> to vector<256x128xf32>
    %get3A_308 = arith.constant 29 : index
    %get3A_309 = arith.constant 0 : index
    %get3A_310 = vector.load %arg6[%get3A_308, %get3A_309] : memref<32x128xf32, #tpu.memory_space<vmem>>, vector<1x128xf32>
    %add3A_311 = vector.broadcast %get3A_310 : vector<1x128xf32> to vector<256x128xf32>
    %add3A_312 = arith.addf %slice3A_307, %add3A_311 : vector<256x128xf32>
    %mul3A_313 = vector.broadcast %slice3A_306 : vector<256x1xf32> to vector<256x128xf32>
    %mul3A_314 = arith.mulf %mul3A_313, %add3A_312 : vector<256x128xf32>
    %add3A_315 = arith.addf %add3A_305, %mul3A_314 : vector<256x128xf32>
    %slice3A_316 = vector.extract_strided_slice %convert_element_type3A_13 {offsets = [0, 30], sizes = [256, 1], strides = [1, 1]} : vector<256x32xf32> to vector<256x1xf32>
    %slice3A_317 = vector.extract_strided_slice %dot_general3A_17 {offsets = [0, 3840], sizes = [256, 128], strides = [1, 1]} : vector<256x4096xf32> to vector<256x128xf32>
    %get3A_318 = arith.constant 30 : index
    %get3A_319 = arith.constant 0 : index
    %get3A_320 = vector.load %arg6[%get3A_318, %get3A_319] : memref<32x128xf32, #tpu.memory_space<vmem>>, vector<1x128xf32>
    %add3A_321 = vector.broadcast %get3A_320 : vector<1x128xf32> to vector<256x128xf32>
    %add3A_322 = arith.addf %slice3A_317, %add3A_321 : vector<256x128xf32>
    %mul3A_323 = vector.broadcast %slice3A_316 : vector<256x1xf32> to vector<256x128xf32>
    %mul3A_324 = arith.mulf %mul3A_323, %add3A_322 : vector<256x128xf32>
    %add3A_325 = arith.addf %add3A_315, %mul3A_324 : vector<256x128xf32>
    %slice3A_326 = vector.extract_strided_slice %convert_element_type3A_13 {offsets = [0, 31], sizes = [256, 1], strides = [1, 1]} : vector<256x32xf32> to vector<256x1xf32>
    %slice3A_327 = vector.extract_strided_slice %dot_general3A_17 {offsets = [0, 3968], sizes = [256, 128], strides = [1, 1]} : vector<256x4096xf32> to vector<256x128xf32>
    %get3A_328 = arith.constant 31 : index
    %get3A_329 = arith.constant 0 : index
    %get3A_330 = vector.load %arg6[%get3A_328, %get3A_329] : memref<32x128xf32, #tpu.memory_space<vmem>>, vector<1x128xf32>
    %add3A_331 = vector.broadcast %get3A_330 : vector<1x128xf32> to vector<256x128xf32>
    %add3A_332 = arith.addf %slice3A_327, %add3A_331 : vector<256x128xf32>
    %mul3A_333 = vector.broadcast %slice3A_326 : vector<256x1xf32> to vector<256x128xf32>
    %mul3A_334 = arith.mulf %mul3A_333, %add3A_332 : vector<256x128xf32>
    %add3A_335 = arith.addf %add3A_325, %mul3A_334 : vector<256x128xf32>
    %tanh3A = math.tanh %add3A_335 : vector<256x128xf32>
    %swap3A = arith.constant 0 : index
    %swap3A_336 = arith.constant 0 : index
    %swap3A_337 = vector.load %arg7[%swap3A, %swap3A_336] : memref<256x128xf32, #tpu.memory_space<vmem>>, vector<256x128xf32>
    tpu.vector_store %arg7[%swap3A, %swap3A_336], %tanh3A {strides = array<i32>} : memref<256x128xf32, #tpu.memory_space<vmem>>, vector<256x128xf32>,
    return
  }
  func.func @transform_1(%arg0: i32) -> (i32, i32) {
    %c0_i32 = arith.constant 0 : i32
    %c0_i32_0 = arith.constant 0 : i32
    return %arg0, %c0_i32 : i32, i32
  }
  func.func @transform_2(%arg0: i32) -> (i32, i32) {
    %add3A = arith.constant 8 : i32
    %add3A_0 = arith.addi %add3A, %arg0 : i32
    %c0_i32 = arith.constant 0 : i32
    %c0_i32_1 = arith.constant 0 : i32
    return %add3A_0, %c0_i32 : i32, i32
  }
  func.func @transform_3(%arg0: i32) -> (i32, i32, i32) {
    %c7_i32 = arith.constant 7 : i32
    %c0_i32 = arith.constant 0 : i32
    %c0_i32_0 = arith.constant 0 : i32
    return %c7_i32, %arg0, %c0_i32 : i32, i32, i32
  }
  func.func @transform_4(%arg0: i32) -> (i32, i32) {
    %c0_i32 = arith.constant 0 : i32
    %c0_i32_0 = arith.constant 0 : i32
    %c0_i32_1 = arith.constant 0 : i32
    return %c0_i32, %c0_i32_0 : i32, i32
  }
  func.func @transform_5(%arg0: i32) -> (i32, i32) {
    %c0_i32 = arith.constant 0 : i32
    %c0_i32_0 = arith.constant 0 : i32
    %c0_i32_1 = arith.constant 0 : i32
    return %c0_i32, %c0_i32_0 : i32, i32
  }
  func.func @transform_6(%arg0: i32) -> (i32, i32) {
    %add3A = arith.constant 120 : i32
    %add3A_0 = arith.addi %add3A, %arg0 : i32
    %c0_i32 = arith.constant 0 : i32
    %c0_i32_1 = arith.constant 0 : i32
    return %add3A_0, %c0_i32 : i32, i32
  }
}

module attributes {stable_mosaic.version = 14 : i64} {
  func.func @_eval_body(%arg0: memref<256x16384xf32, #tpu.memory_space<vmem>>, %arg1: memref<16384x128xbf16, #tpu.memory_space<vmem>>, %arg2: memref<1x1xf32, #tpu.memory_space<smem>>, %arg3: memref<256x128xf32, #tpu.memory_space<vmem>>, %arg4: memref<256x128xf32, #tpu.memory_space<vmem>>, %arg5: memref<1x1xf32, #tpu.memory_space<smem>>, %arg6: memref<1x1xf32, #tpu.memory_space<smem>>, %arg7: memref<1x1xf32, #tpu.memory_space<smem>>) attributes {dimension_semantics = [], scalar_prefetch = 0 : i64, scratch_operands = 0 : i64, tpu.core_type = #tpu.core_type<tc>} {
    %get3A = arith.constant 0 : index
    %get3A_0 = arith.constant 0 : index
    %get3A_1 = vector.load %arg0[%get3A, %get3A_0] : memref<256x16384xf32, #tpu.memory_space<vmem>>, vector<256x16384xf32>
    %convert_element_type3A = arith.truncf %get3A_1 : vector<256x16384xf32> to vector<256x16384xbf16>
    %get3A_2 = arith.constant 0 : index
    %get3A_3 = arith.constant 0 : index
    %get3A_4 = vector.load %arg1[%get3A_2, %get3A_3] : memref<16384x128xbf16, #tpu.memory_space<vmem>>, vector<16384x128xbf16>
    %dot_general3A = arith.constant dense<0.000000e+00> : vector<256x128xf32>
    %dot_general3A_5 = tpu.matmul %convert_element_type3A, %get3A_4, %dot_general3A {dimension_numbers = #tpu.dot_dimension_numbers<[1], [0], [0], [1], [0, 0, 1, 1], [], []>, transpose_lhs_hint = false} : vector<256x16384xbf16>, vector<16384x128xbf16>, vector<256x128xf32> -> vector<256x128xf32>
    %get3A_6 = arith.constant 0 : index
    %get3A_7 = arith.constant 0 : index
    %get3A_8 = memref.load %arg2[%get3A_6, %get3A_7] : memref<1x1xf32, #tpu.memory_space<smem>>
    %add3A = vector.broadcast %get3A_8 : f32 to vector<256x128xf32>
    %add3A_9 = arith.addf %dot_general3A_5, %add3A : vector<256x128xf32>
    %get3A_10 = arith.constant 0 : index
    %get3A_11 = arith.constant 0 : index
    %get3A_12 = vector.load %arg3[%get3A_10, %get3A_11] : memref<256x128xf32, #tpu.memory_space<vmem>>, vector<256x128xf32>
    %get3A_13 = arith.constant 0 : index
    %get3A_14 = arith.constant 0 : index
    %get3A_15 = vector.load %arg4[%get3A_13, %get3A_14] : memref<256x128xf32, #tpu.memory_space<vmem>>, vector<256x128xf32>
    %add3A_16 = arith.addf %get3A_12, %get3A_15 : vector<256x128xf32>
    %div3A = arith.divf %get3A_12, %add3A_16 : vector<256x128xf32>
    %reduce_sum3A = vector.shape_cast %get3A_12 : vector<256x128xf32> to vector<1x256x128xf32>
    %reduce_sum3A_17 = arith.constant dense<0.000000e+00> : vector<1xf32>
    %reduce_sum3A_18 = vector.multi_reduction <add>, %reduce_sum3A, %reduce_sum3A_17 [1, 2] : vector<1x256x128xf32> to vector<1xf32>
    %reduce_sum3A_19 = vector.shape_cast %reduce_sum3A_18 : vector<1xf32> to vector<1x1x1xf32>
    %reduce_sum3A_20 = vector.extract %reduce_sum3A_19[0, 0, 0] : f32 from vector<1x1x1xf32>
    %reduce_sum3A_21 = vector.shape_cast %get3A_15 : vector<256x128xf32> to vector<1x256x128xf32>
    %reduce_sum3A_22 = arith.constant dense<0.000000e+00> : vector<1xf32>
    %reduce_sum3A_23 = vector.multi_reduction <add>, %reduce_sum3A_21, %reduce_sum3A_22 [1, 2] : vector<1x256x128xf32> to vector<1xf32>
    %reduce_sum3A_24 = vector.shape_cast %reduce_sum3A_23 : vector<1xf32> to vector<1x1x1xf32>
    %reduce_sum3A_25 = vector.extract %reduce_sum3A_24[0, 0, 0] : f32 from vector<1x1x1xf32>
    %div3A_26 = arith.divf %reduce_sum3A_25, %reduce_sum3A_20 : f32
    %abs3A = math.absf %add3A_9 : vector<256x128xf32>
    %neg3A = arith.constant 0.000000e+00 : f32
    %neg3A_27 = vector.broadcast %neg3A : f32 to vector<256x128xf32>
    %neg3A_28 = arith.subf %neg3A_27, %abs3A : vector<256x128xf32>
    %exp3A = math.exp %neg3A_28 : vector<256x128xf32>
    %log1p3A = math.log1p %exp3A : vector<256x128xf32>
    %max3A = arith.constant 0.000000e+00 : f32
    %max3A_29 = vector.broadcast %max3A : f32 to vector<256x128xf32>
    %max3A_30 = arith.maximumf %add3A_9, %max3A_29 : vector<256x128xf32>
    %add3A_31 = arith.addf %max3A_30, %log1p3A : vector<256x128xf32>
    %neg3A_32 = arith.constant 0.000000e+00 : f32
    %neg3A_33 = vector.broadcast %neg3A_32 : f32 to vector<256x128xf32>
    %neg3A_34 = arith.subf %neg3A_33, %add3A_9 : vector<256x128xf32>
    %max3A_35 = arith.constant 0.000000e+00 : f32
    %max3A_36 = vector.broadcast %max3A_35 : f32 to vector<256x128xf32>
    %max3A_37 = arith.maximumf %neg3A_34, %max3A_36 : vector<256x128xf32>
    %add3A_38 = arith.addf %max3A_37, %log1p3A : vector<256x128xf32>
    %mul3A = vector.broadcast %div3A_26 : f32 to vector<256x128xf32>
    %mul3A_39 = arith.mulf %mul3A, %div3A : vector<256x128xf32>
    %mul3A_40 = arith.mulf %mul3A_39, %add3A_38 : vector<256x128xf32>
    %sub3A = arith.constant 1.000000e+00 : f32
    %sub3A_41 = vector.broadcast %sub3A : f32 to vector<256x128xf32>
    %sub3A_42 = arith.subf %sub3A_41, %div3A : vector<256x128xf32>
    %mul3A_43 = arith.mulf %sub3A_42, %add3A_31 : vector<256x128xf32>
    %add3A_44 = arith.addf %mul3A_40, %mul3A_43 : vector<256x128xf32>
    %mul3A_45 = arith.mulf %add3A_16, %add3A_44 : vector<256x128xf32>
    %reduce_sum3A_46 = vector.shape_cast %mul3A_45 : vector<256x128xf32> to vector<1x256x128xf32>
    %reduce_sum3A_47 = arith.constant dense<0.000000e+00> : vector<1xf32>
    %reduce_sum3A_48 = vector.multi_reduction <add>, %reduce_sum3A_46, %reduce_sum3A_47 [1, 2] : vector<1x256x128xf32> to vector<1xf32>
    %reduce_sum3A_49 = vector.shape_cast %reduce_sum3A_48 : vector<1xf32> to vector<1x1x1xf32>
    %reduce_sum3A_50 = vector.extract %reduce_sum3A_49[0, 0, 0] : f32 from vector<1x1x1xf32>
    %swap3A = arith.constant 0 : index
    %swap3A_51 = arith.constant 0 : index
    %swap3A_52 = memref.load %arg5[%swap3A, %swap3A_51] : memref<1x1xf32, #tpu.memory_space<smem>>
    memref.store %reduce_sum3A_50, %arg5[%swap3A, %swap3A_51] : memref<1x1xf32, #tpu.memory_space<smem>>
    %ge3A = arith.constant 0.000000e+00 : f32
    %ge3A_53 = vector.broadcast %ge3A : f32 to vector<256x128xf32>
    %ge3A_54 = arith.cmpf oge, %add3A_9, %ge3A_53 : vector<256x128xf32>
    %jit3A = arith.constant 0.000000e+00 : f32
    %broadcast_in_dim3A = vector.broadcast %jit3A : f32 to vector<256x128xf32>
    %select_n3A = arith.select %ge3A_54, %get3A_12, %broadcast_in_dim3A : vector<256x128xi1>, vector<256x128xf32>
    %reduce_sum3A_55 = vector.shape_cast %select_n3A : vector<256x128xf32> to vector<1x256x128xf32>
    %reduce_sum3A_56 = arith.constant dense<0.000000e+00> : vector<1xf32>
    %reduce_sum3A_57 = vector.multi_reduction <add>, %reduce_sum3A_55, %reduce_sum3A_56 [1, 2] : vector<1x256x128xf32> to vector<1xf32>
    %reduce_sum3A_58 = vector.shape_cast %reduce_sum3A_57 : vector<1xf32> to vector<1x1x1xf32>
    %reduce_sum3A_59 = vector.extract %reduce_sum3A_58[0, 0, 0] : f32 from vector<1x1x1xf32>
    %div3A_60 = arith.divf %reduce_sum3A_59, %reduce_sum3A_20 : f32
    %swap3A_61 = arith.constant 0 : index
    %swap3A_62 = arith.constant 0 : index
    %swap3A_63 = memref.load %arg6[%swap3A_61, %swap3A_62] : memref<1x1xf32, #tpu.memory_space<smem>>
    memref.store %div3A_60, %arg6[%swap3A_61, %swap3A_62] : memref<1x1xf32, #tpu.memory_space<smem>>
    %lt3A = arith.constant 0.000000e+00 : f32
    %lt3A_64 = vector.broadcast %lt3A : f32 to vector<256x128xf32>
    %lt3A_65 = arith.cmpf olt, %add3A_9, %lt3A_64 : vector<256x128xf32>
    %jit3A_66 = arith.constant 0.000000e+00 : f32
    %broadcast_in_dim3A_67 = vector.broadcast %jit3A_66 : f32 to vector<256x128xf32>
    %select_n3A_68 = arith.select %lt3A_65, %get3A_15, %broadcast_in_dim3A_67 : vector<256x128xi1>, vector<256x128xf32>
    %reduce_sum3A_69 = vector.shape_cast %select_n3A_68 : vector<256x128xf32> to vector<1x256x128xf32>
    %reduce_sum3A_70 = arith.constant dense<0.000000e+00> : vector<1xf32>
    %reduce_sum3A_71 = vector.multi_reduction <add>, %reduce_sum3A_69, %reduce_sum3A_70 [1, 2] : vector<1x256x128xf32> to vector<1xf32>
    %reduce_sum3A_72 = vector.shape_cast %reduce_sum3A_71 : vector<1xf32> to vector<1x1x1xf32>
    %reduce_sum3A_73 = vector.extract %reduce_sum3A_72[0, 0, 0] : f32 from vector<1x1x1xf32>
    %div3A_74 = arith.divf %reduce_sum3A_73, %reduce_sum3A_25 : f32
    %swap3A_75 = arith.constant 0 : index
    %swap3A_76 = arith.constant 0 : index
    %swap3A_77 = memref.load %arg7[%swap3A_75, %swap3A_76] : memref<1x1xf32, #tpu.memory_space<smem>>
    memref.store %div3A_74, %arg7[%swap3A_75, %swap3A_76] : memref<1x1xf32, #tpu.memory_space<smem>>
    return
  }
}

</mosaic_0001>

<sc_bundles>
// kernel: kernel.20.cloned.1.call-start
scs
__scs_entry_jumppad:
0x0: {  	(pc) =	sbr.rel $0x88, $3  }
0x1: {  	(tag) =	ssettag $0x0;
	lr =	simm.s32 $0x1  }
0x2: {  	[smem:$0x3F97] =	sst lr;
	_ =	strace $0xD0000000  }
0x3: {  	_ = 	snop  }
0x4: {  	_ = 	snop  }
0x5: {  	_ = 	snop  }
0x6: {  	_ = 	snop  }
0x7: {  	_ = 	snop  }
__scs_overlays_trampoline_lowered:
0x8: {  	[smem:$0x3FA6] =	sst s0  }
0x9: {  	[smem:$0x3FA7] =	sst s1  }
0xa: {  	[smem:$0x3FA8] =	sst s2  }
0xb: {  	[smem:$0x3FA9] =	sst s3  }
0xc: {  	[smem:$0x3FAA] =	sst s4  }
0xd: {  	[smem:$0x3FAB] =	sst s5  }
0xe: {  	[smem:$0x3FAC] =	sst s6  }
0xf: {  	[smem:$0x3FAD] =	sst s7  }
0x10: {  	[smem:$0x3FAE] =	sst s8  }
0x11: {  	[smem:$0x3FAF] =	sst s9;
	s0 =	simm.s32 @!p0 $0x0  }
0x12: {  	s1 =	sld [smem:$0x3F95];
	s0 =	simm.s32 @p0 $0x1  }
0x13: {  	[smem:$0x3FB0] =	sst s0;
	s0 =	simm.s32 @!p1 $0x0  }
0x14: {  	s2 =	sld [smem:$0x3F94];
	s0 =	simm.s32 @p1 $0x1  }
0x15: {  	[smem:$0x3FB1] =	sst s0;
	s0 =	simm.s32 @!p2 $0x0  }
0x16: {  	s3 =	sld [smem:$0x3FDB];
	s0 =	simm.s32 @p2 $0x1  }
0x17: {  	s4 =	simm.s32 $0x1BF5;
	[smem:$0x3FB3] =	sst s0  }
0x18: {  	s0 =	sld [smem:$0x3F96];
	_ =	swait.ge [sflag:s4], $0x0  }
0x19: {  	s7 =	sld [smem:$0x3F97]  }
0x1a: {  	s8 =	sadd.s32 $0xFFFFE003, lr  }
0x1b: {  	s9 =	sadd.s32 $0xFFFFFEF7, lr;
	s5 =	simm.s32 $0xFFFFFFFF;
	p2 =	slt.u32 s8, $0xFFFFF086  }
0x1c: {  	p1 =	slt.u32 s9, $0xF7A;
	s5 =	simm.s32 @!p2 $0x0  }
0x1d: {  	s5 =	simm.s32 @p1 $0x1;
	p0 =	seq.s32 s7, s2  }
0x1e: {  	s7 =	smul.u32 @!p0 $0xF7A, s2;
	p2 =	seq.s32 @!p0 s5, $0x0  }
0x1f: {  	s9 =	smul.u32 $0xF7A, s1;
	s8 =	simm.s32 @!p0 $0x1BF5;
	p2 =	por !p2, p0  }
0x20: {  	[sflag:s8] =	ssyncset.s32 @!p0 $0xFFFFF086;
	s6 =	sadd.s32 @!p0 s3, s7;
	s7 =	simm.s32 @!p0 $0x108  }
0x21: {  	s3 =	sadd.s32 s3, s9;
	s6 =	sadd.s32 @!p0 $0x88, s6;
	s7 =	simm.s32 @p2 $0x1082  }
0x22: {  	[simem:s7], [sflag:s8] =	dma.local @!p0 [hbm:s6], $0xF7A  }
0x23: {  	s9 =	sor.u32 $0xD0000000, s2;
	s6 =	simm.s32 $0x108;
	_ =	swait.ge @!p0 [sflag:s8], $0x0  }
0x24: {  	s3 =	sadd.s32 $0x88, s3;
	s6 =	simm.s32 @!p1 $0x1082;
	[sflag:s4] =	ssyncset.s32 $0xFFFFF086  }
0x25: {  	[simem:s6], [sflag:s4] =	dma.local [hbm:s3], $0xF7A  }
0x26: {  	[smem:$0x3F97] =	sst s1;
	(tag) =	ssettag s2;
	_ =	strace s9  }
0x27: {  	s1 =	sld [smem:$0x3FA7]  }
0x28: {  	s2 =	sld [smem:$0x3FA8]  }
0x29: {  	s4 =	sld [smem:$0x3FAA]  }
0x2a: {  	p0 =	seq.s32 s5, $0x0;
	s5 =	sld [smem:$0x3FAB]  }
0x2b: {  	s6 =	sld [smem:$0x3FAC]  }
0x2c: {  	s7 =	sld [smem:$0x3FAD]  }
0x2d: {  	s3 =	simm.s32 $0x108;
	s8 =	sld [smem:$0x3FAE]  }
0x2e: {  	s3 =	simm.s32 @!p0 $0x1082;
	s9 =	sld [smem:$0x3FAF]  }
0x2f: {  	lr =	sadd.s32 s0, s3;
	s0 =	sld [smem:$0x3FA6]  }
0x30: {  	s3 =	sld [smem:$0x3FA9]  }
0x31: {  	[smem:$0x3FB2] =	sst s10  }
0x32: {  	s10 =	sld [smem:$0x3FB0];
	_ =	sdelay $0x3  }
0x33: {  	p0 =	seq.s32 s10, $0x1;
	s10 =	sld [smem:$0x3FB2];
	_ =	sdelay $0x3  }
0x34: {  	[smem:$0x3FB2] =	sst s10  }
0x35: {  	s10 =	sld [smem:$0x3FB1];
	_ =	sdelay $0x3  }
0x36: {  	p1 =	seq.s32 s10, $0x1;
	s10 =	sld [smem:$0x3FB2];
	_ =	sdelay $0x3  }
0x37: {  	[smem:$0x3FB2] =	sst s10  }
0x38: {  	s10 =	sld [smem:$0x3FB3]  }
0x39: {  	_ = 	snop;
	(pc) =	sbr.ind lr, $3  }
0x3a: {  	_ = 	snop  }
0x3b: {  	_ = 	snop  }
0x3c: {  	p2 =	seq.s32 s10, $0x1;
	s10 =	sld [smem:$0x3FB2]  }
0x3d: {  	_ =	shalt  }
0x3e: {  	_ =	shalt  }
0x3f: {  	_ =	shalt  }
0x40: {  	_ =	shalt  }
0x41: {  	_ =	shalt  }
0x42: {  	_ =	shalt  }
0x43: {  	_ =	shalt  }
0x44: {  	_ =	shalt  }
0x45: {  	_ =	shalt  }
0x46: {  	_ =	shalt  }
0x47: {  	_ =	shalt  }
0x48: {  	_ =	shalt  }
0x49: {  	_ =	shalt  }
0x4a: {  	_ =	shalt  }
0x4b: {  	_ =	shalt  }
0x4c: {  	_ =	shalt  }
0x4d: {  	_ =	shalt  }
0x4e: {  	_ =	shalt  }
0x4f: {  	_ =	shalt  }
0x50: {  	_ =	shalt  }
0x51: {  	_ =	shalt  }
0x52: {  	_ =	shalt  }
0x53: {  	_ =	shalt  }
0x54: {  	_ =	shalt  }
0x55: {  	_ =	shalt  }
0x56: {  	_ =	shalt  }
0x57: {  	_ =	shalt  }
0x58: {  	_ =	shalt  }
0x59: {  	_ =	shalt  }
0x5a: {  	_ =	shalt  }
0x5b: {  	_ =	shalt  }
0x5c: {  	_ =	shalt  }
0x5d: {  	_ =	shalt  }
0x5e: {  	_ =	shalt  }
0x5f: {  	_ =	shalt  }
0x60: {  	_ =	shalt  }
0x61: {  	_ =	shalt  }
0x62: {  	_ =	shalt  }
0x63: {  	_ =	shalt  }
0x64: {  	_ =	shalt  }
0x65: {  	_ =	shalt  }
0x66: {  	_ =	shalt  }
0x67: {  	_ =	shalt  }
0x68: {  	_ =	shalt  }
0x69: {  	_ =	shalt  }
0x6a: {  	_ =	shalt  }
0x6b: {  	_ =	shalt  }
0x6c: {  	_ =	shalt  }
0x6d: {  	_ =	shalt  }
0x6e: {  	_ =	shalt  }
0x6f: {  	_ =	shalt  }
0x70: {  	_ =	shalt  }
0x71: {  	_ =	shalt  }
0x72: {  	_ =	shalt  }
0x73: {  	_ =	shalt  }
0x74: {  	_ =	shalt  }
0x75: {  	_ =	shalt  }
0x76: {  	_ =	shalt  }
0x77: {  	_ =	shalt  }
0x78: {  	_ =	shalt  }
0x79: {  	_ =	shalt  }
0x7a: {  	_ =	shalt  }
0x7b: {  	_ =	shalt  }
0x7c: {  	_ =	shalt  }
0x7d: {  	_ =	shalt  }
0x7e: {  	_ =	shalt  }
0x7f: {  	_ =	shalt  }
0x80: {  	_ =	shalt  }
0x81: {  	_ =	shalt  }
0x82: {  	_ =	shalt  }
0x83: {  	_ =	shalt  }
0x84: {  	_ =	shalt  }
0x85: {  	_ =	shalt  }
0x86: {  	_ =	shalt  }
0x87: {  	_ =	shalt  }
.Lfunc_end0:
.L_simem_size_0:
called_computation_lowered:
.L_overlay_start_0:
0x88: {  	s2 =	sld [smem:$0x3FD9]  }
0x89: {  	s3 =	sld [smem:$0x3FFE];
	_ =	sdelay $0x1  }
0x8a: {  	s1 =	srdreg.scid  }
0x8b: {  	s0 =	sand.u32 $0x1, s1  }
0x8c: {  	s17 =	sshll.u32 s0, $0xA;
	s2 =	sadd.s32 s3, s2  }
0x8d: {  	s2 =	sadd.s32 s2, s17  }
0x8e: {  	[smem:$0x3FBE] =	sst s2  }
0x8f: {  	_ = 	snop  }
0x90: {  	s2 =	sld [smem:$0x3FC9]  }
0x91: {  	s18 =	sld [smem:$0x3FC4];
	(tm) =	ssettm $0x1  }
0x92: {  	s4 =	sld [smem:$0x3FFB];
	_ =	sdelay $0x3  }
0x93: {  	_ =	strace s4  }
0x94: {  	s4 =	sld [smem:$0x3FFC];
	_ =	sdelay $0x3  }
0x95: {  	_ =	strace s4  }
0x96: {  	s4 =	sld [smem:$0x3FFD];
	_ =	sdelay $0x3  }
0x97: {  	_ =	strace s4  }
0x98: {  	_ =	strace $0x8FFFFFFF  }
0x99: {  	s19 =	sld [smem:$0x3FDB];
	_ =	sdelay $0x1  }
0x9a: {  	s5 =	simm.s32 $_scs_section_size  }
0x9b: {  	s6 =	simm.s32 $_size__tile_overlayer_lowered;
	s7 =	simm.s32 $_tile_overlayer_lowered  }
0x9c: {  	s22 =	simm.s32 $0x1BFF;
	s21 =	sshll.u32 s7, $0x1;
	s4 =	sadd.s32 s5, s19  }
0x9d: {  	s8 =	simm.s32 $0x0;
	s20 =	sshll.u32 s6, $0x1;
	s6 =	sadd.s32 s21, s4  }
0x9e: {  	[timem:s8], [sflag:s22] =	dma.local [hbm:s6], s20  }
0x9f: {  	_ =	swait.ge [sflag:s22], s20  }
0xa0: {  	s5 =	ssub.s32 $0x0, s20;
	[sflag:s22] =	ssyncset.done $0x0  }
0xa1: {  	[sflag:s22] =	ssyncadd.s32 s5;
	_ =	sdelay $0x1  }
0xa2: {  	s23 =	simm.s32 $0x1B8B  }
0xa3: {  	_ =	swait.ge [sflag:s23], $0x1  }
0xa4: {  	[sflag:s23] =	ssyncset.done $0x0  }
0xa5: {  	s25 =	simm.s32 $0x1B8E;
	s24 =	sld [smem:$0x3FFE];
	[sflag:s23] =	ssyncadd.s32 $0xFFFFFFFF  }
0xa6: {  	s26 =	simm.s32 $execute0_lowered;
	[smem:$0x3FD2] =	sst s25  }
0xa7: {  	s6 =	sshll.u32 s26, $0x1;
	_ =	strace $0x80000046;
	[dreg:$0x1] =	wrdreg $0xFFFFFFFF  }
0xa8: {  	s28 =	simm.s32 $_size_execute0_lowered;
	s4 =	sadd.s32 s4, s6;
	[dreg:$0x0] =	wrdreg $0x0  }
0xa9: {  	s6 =	sshll.u32 s28, $0x1;
	[dreg:$0x2] =	wrdreg s4  }
0xaa: {  	[dreg:$0x3] =	wrdreg s6  }
0xab: {  	[dreg:$0x4] =	wrdreg $0xC0  }
0xac: {  	_ =	task [dreg:s8], $0x5FFFF  }
0xad: {  	[dreg:$0x1] =	wrdreg $0xFFFFFFFF  }
0xae: {  	[dreg:$0x0] =	wrdreg $0x60  }
0xaf: {  	[dreg:$0x2] =	wrdreg s18  }
0xb0: {  	[dreg:$0x3] =	wrdreg s2  }
0xb1: {  	[dreg:$0x4] =	wrdreg s24  }
0xb2: {  	[dreg:$0x5] =	wrdreg $0x9  }
0xb3: {  	_ =	task.clear_ibuf [dreg:s8], $0x6FFFF;
	_ =	strace $0x90000046  }
0xb4: {  	s29 =	simm.s32 $0x9;
	_ =	strace $0x80000048  }
0xb5: {  	_ =	swait.ge [sflag:s29], $0x1  }
0xb6: {  	[sflag:s29] =	ssyncadd.s32 $0xFFFFFFFF  }
0xb7: {  	_ =	strace $0x90000048  }
0xb8: {  	_ =	sfence  }
0xb9: {  	s30 =	sld [smem:$0x0];
	_ =	sdelay $0x2  }
0xba: {  	s31 =	sshll.u32 s1, $0xD;
	s1 =	sshrl.u32 s1, $0x2  }
0xbb: {  	s3 =	sand.u32 $0x4000, s31;
	s1 =	sadd.s32 s1, s30  }
0xbc: {  	s0 =	sor.u32 s3, s0;
	s1 =	sshll.u32 s1, $0x11  }
0xbd: {  	s0 =	sor.u32 s1, s0  }
0xbe: {  	s0 =	sadd.s32 $0x8F2B, s0  }
0xbf: {  	[sflag:s0] =	ssyncadd.remote.s32 $0x1  }
0xc0: {  	_ =	sfence.sel $0xFFFF  }
0xc1: {  	[dreg:$0x0] =	wrdreg $0xFFFFFFFF;
	(pc) =	sbr.abs _section_cstart, $3  }
0xc2: {  	[dreg:$0x1] =	wrdreg $0xFFFFFFFF  }
0xc3: {  	_ =	task.clear_ibuf [dreg:s8], $0x2FFFF;
	_ =	strace $0x9FFFFFFF  }
0xc4: {  	(tm) =	ssettm $0x7FFFFFFF  }
0xc5: {  	_ =	shalt  }
tec
execute0_lowered:
.L_overlay_start_1:
0x0: {  	(tag) =	ssettag $0x1  }
0x1: {  	s2 =	rddreg [dreg:$0x0]  }
0x2: {  	s13 =	rddreg [dreg:$0x1]  }
0x3: {  	s1 =	srdreg.scid;
	s0 =	stileid.u32  }
0x4: {  	s8 =	rddreg [dreg:$0x2];
	s14 =	sand.u32 $0x1, s1;
	s4 =	sshll.u32 s0, $0x1  }
0x5: {  	s3 =	simm.s32 $0x0;
	s1 =	rddreg [dreg:$0x3];
	s9 =	sor.u32 s14, s4  }
0x6: {  	[smem:$0x7FF] =	sst s3;
	s4 =	sshll.u32 s9, $0x6  }
0x7: {  	_ =	strace $0x80000047;
	s5 =	sadd.s32 s13, s4;
	s4 =	simm.s32 $0x2  }
0x8: {  	[tilespmem:s3], [sflag:$0x2] =	stream.linear.gather [hbm4b:s5+s3], $0x80, $0x38;
	[tilespmem:$0x4080] =	vst v63  }
0x9: {  	_ =	swait.ge [sflag:s4], $0x80  }
0xa: {  	[sflag:s4] =	ssyncset.done $0x0  }
0xb: {  	s6 =	simm.s32 $0x80;
	s7 =	simm.s32 $0x1;
	[sflag:s4] =	ssyncadd.s32 $0xFFFFFF80  }
0xc: {  	[tilespmem:s6], [sflag:$0x1] =	stream.indirect.gather [hbm4b:s2+s6], $0x80, s3, s6, $0xb8;
	[tilespmem:$0x4080] =	vst v63  }
0xd: {  	_ =	swait.ge [sflag:s7], $0x4000  }
0xe: {  	s15 =	sadd.s32 $0x4400, s8;
	s26 =	sshll.u32 s9, $0xD;
	[sflag:s7] =	ssyncset.done $0x0  }
0xf: {  	s16 =	sshll.u32 s9, $0x9;
	s8 =	sadd.s32 s15, s26;
	[sflag:s7] =	ssyncadd.s32 $0xFFFFC000  }
0x10: {  	[hbm4b:s8+s3] =	stream.linear.scatter [tilespmem:s6], [sflag:$0x2], $0x4000, $0x38;
	[tilespmem:$0x4080] =	vst v63  }
0x11: {  	s10 =	sor.u32 $0x80, s16;
	_ =	swait.ge [sflag:s4], $0x4000  }
0x12: {  	s28 =	sshrl.u32 s10, $0x3;
	[sflag:s4] =	ssyncset.done $0x0  }
0x13: {  	s9 =	sadd.s32 s13, s28;
	[sflag:s4] =	ssyncadd.s32 $0xFFFFC000  }
0x14: {  	[tilespmem:s3], [sflag:$0x2] =	stream.linear.gather [hbm4b:s9+s3], $0x80, $0x38;
	[tilespmem:$0x4080] =	vst v63  }
0x15: {  	_ =	swait.ge [sflag:s4], $0x80  }
0x16: {  	[sflag:s4] =	ssyncset.done $0x0  }
0x17: {  	[sflag:s4] =	ssyncadd.s32 $0xFFFFFF80  }
0x18: {  	[tilespmem:s6], [sflag:$0x1] =	stream.indirect.gather [hbm4b:s2+s6], $0x80, s3, s6, $0xb8;
	[tilespmem:$0x4080] =	vst v63  }
0x19: {  	_ =	swait.ge [sflag:s7], $0x4000  }
0x1a: {  	s10 =	sshll.u32 s10, $0x4;
	[sflag:s7] =	ssyncset.done $0x0  }
0x1b: {  	s10 =	sadd.s32 s15, s10;
	[sflag:s7] =	ssyncadd.s32 $0xFFFFC000  }
0x1c: {  	[hbm4b:s10+s3] =	stream.linear.scatter [tilespmem:s6], [sflag:$0x2], $0x4000, $0x38;
	[tilespmem:$0x4080] =	vst v63  }
0x1d: {  	s12 =	sor.u32 $0x100, s16;
	_ =	swait.ge [sflag:s4], $0x4000  }
0x1e: {  	s11 =	sshrl.u32 s12, $0x3;
	[sflag:s4] =	ssyncset.done $0x0  }
0x1f: {  	s11 =	sadd.s32 s13, s11;
	[sflag:s4] =	ssyncadd.s32 $0xFFFFC000  }
0x20: {  	[tilespmem:s3], [sflag:$0x2] =	stream.linear.gather [hbm4b:s11+s3], $0x80, $0x38;
	[tilespmem:$0x4080] =	vst v63  }
0x21: {  	_ =	swait.ge [sflag:s4], $0x80  }
0x22: {  	[sflag:s4] =	ssyncset.done $0x0  }
0x23: {  	[sflag:s4] =	ssyncadd.s32 $0xFFFFFF80  }
0x24: {  	[tilespmem:s6], [sflag:$0x1] =	stream.indirect.gather [hbm4b:s2+s6], $0x80, s3, s6, $0xb8;
	[tilespmem:$0x4080] =	vst v63  }
0x25: {  	_ =	swait.ge [sflag:s7], $0x4000  }
0x26: {  	s12 =	sshll.u32 s12, $0x4;
	[sflag:s7] =	ssyncset.done $0x0  }
0x27: {  	s12 =	sadd.s32 s15, s12;
	[sflag:s7] =	ssyncadd.s32 $0xFFFFC000  }
0x28: {  	[hbm4b:s12+s3] =	stream.linear.scatter [tilespmem:s6], [sflag:$0x2], $0x4000, $0x38;
	[tilespmem:$0x4080] =	vst v63  }
0x29: {  	s16 =	sor.u32 $0x180, s16;
	_ =	swait.ge [sflag:s4], $0x4000  }
0x2a: {  	s17 =	sshrl.u32 s16, $0x3;
	[sflag:s4] =	ssyncset.done $0x0  }
0x2b: {  	s14 =	ssub.s32 $0x2, s14;
	s13 =	sadd.s32 s13, s17;
	[sflag:s4] =	ssyncadd.s32 $0xFFFFC000  }
0x2c: {  	[tilespmem:s3], [sflag:$0x2] =	stream.linear.gather [hbm4b:s13+s3], $0x80, $0x38;
	[tilespmem:$0x4080] =	vst v63  }
0x2d: {  	s29 =	sshrl.u32 s14, $0x1;
	_ =	swait.ge [sflag:s4], $0x80  }
0x2e: {  	s17 =	ssub.s32 s14, s29;
	[sflag:s4] =	ssyncset.done $0x0  }
0x2f: {  	s31 =	smax.u32 s17, $0x1;
	[sflag:s4] =	ssyncadd.s32 $0xFFFFFF80  }
0x30: {  	[tilespmem:s6], [sflag:$0x1] =	stream.indirect.gather [hbm4b:s2+s6], $0x80, s3, s6, $0xb8;
	[tilespmem:$0x4080] =	vst v63  }
0x31: {  	p0 =	sne.s32 s31, $0x1;
	_ =	swait.ge [sflag:s7], $0x4000  }
.Ltmp0:
0x32: {  	s30 =	sshll.u32 s16, $0x4;
	[sflag:s7] =	ssyncset.done $0x0;
	(pc) =	sbr.rel @!p0 .LBB2_2-.Ltmp0, $4  }
0x33: {  	s14 =	sadd.s32 s15, s30;
	[sflag:s7] =	ssyncadd.s32 $0xFFFFC000  }
0x34: {  	[hbm4b:s14+s3] =	stream.linear.scatter [tilespmem:s6], [sflag:$0x2], $0x4000, $0x38;
	[tilespmem:$0x4080] =	vst v63  }
0x35: {  	_ =	swait.ge [sflag:s4], $0x4000  }
0x36: {  	s15 =	sadd.s32 $0xFFFFFFFF, s31;
	[sflag:s4] =	ssyncset.done $0x0  }
.LBB2_1:
0x37: {  	p0 =	sne.s32 s15, $0x1;
	s15 =	sadd.s32 $0xFFFFFFFF, s15;
	[sflag:s4] =	ssyncadd.s32 $0xFFFFC000  }
0x38: {  	[tilespmem:s3], [sflag:$0x2] =	stream.linear.gather [hbm4b:s5+s3], $0x80, $0x38;
	[tilespmem:$0x4080] =	vst v63  }
0x39: {  	_ =	swait.ge [sflag:s4], $0x80  }
0x3a: {  	[sflag:s4] =	ssyncset.done $0x0  }
0x3b: {  	[sflag:s4] =	ssyncadd.s32 $0xFFFFFF80  }
0x3c: {  	[tilespmem:s6], [sflag:$0x1] =	stream.indirect.gather [hbm4b:s2+s6], $0x80, s3, s6, $0xb8;
	[tilespmem:$0x4080] =	vst v63  }
0x3d: {  	_ =	swait.ge [sflag:s7], $0x4000  }
0x3e: {  	[sflag:s7] =	ssyncset.done $0x0  }
0x3f: {  	[sflag:s7] =	ssyncadd.s32 $0xFFFFC000  }
0x40: {  	[hbm4b:s8+s3] =	stream.linear.scatter [tilespmem:s6], [sflag:$0x2], $0x4000, $0x38;
	[tilespmem:$0x4080] =	vst v63  }
0x41: {  	_ =	swait.ge [sflag:s4], $0x4000  }
0x42: {  	[sflag:s4] =	ssyncset.done $0x0  }
0x43: {  	[sflag:s4] =	ssyncadd.s32 $0xFFFFC000  }
0x44: {  	[tilespmem:s3], [sflag:$0x2] =	stream.linear.gather [hbm4b:s9+s3], $0x80, $0x38;
	[tilespmem:$0x4080] =	vst v63  }
0x45: {  	_ =	swait.ge [sflag:s4], $0x80  }
0x46: {  	[sflag:s4] =	ssyncset.done $0x0  }
0x47: {  	[sflag:s4] =	ssyncadd.s32 $0xFFFFFF80  }
0x48: {  	[tilespmem:s6], [sflag:$0x1] =	stream.indirect.gather [hbm4b:s2+s6], $0x80, s3, s6, $0xb8;
	[tilespmem:$0x4080] =	vst v63  }
0x49: {  	_ =	swait.ge [sflag:s7], $0x4000  }
0x4a: {  	[sflag:s7] =	ssyncset.done $0x0  }
0x4b: {  	[sflag:s7] =	ssyncadd.s32 $0xFFFFC000  }
0x4c: {  	[hbm4b:s10+s3] =	stream.linear.scatter [tilespmem:s6], [sflag:$0x2], $0x4000, $0x38;
	[tilespmem:$0x4080] =	vst v63  }
0x4d: {  	_ =	swait.ge [sflag:s4], $0x4000  }
0x4e: {  	[sflag:s4] =	ssyncset.done $0x0  }
0x4f: {  	[sflag:s4] =	ssyncadd.s32 $0xFFFFC000  }
0x50: {  	[tilespmem:s3], [sflag:$0x2] =	stream.linear.gather [hbm4b:s11+s3], $0x80, $0x38;
	[tilespmem:$0x4080] =	vst v63  }
0x51: {  	_ =	swait.ge [sflag:s4], $0x80  }
0x52: {  	[sflag:s4] =	ssyncset.done $0x0  }
0x53: {  	[sflag:s4] =	ssyncadd.s32 $0xFFFFFF80  }
0x54: {  	[tilespmem:s6], [sflag:$0x1] =	stream.indirect.gather [hbm4b:s2+s6], $0x80, s3, s6, $0xb8;
	[tilespmem:$0x4080] =	vst v63  }
0x55: {  	_ =	swait.ge [sflag:s7], $0x4000  }
0x56: {  	[sflag:s7] =	ssyncset.done $0x0  }
0x57: {  	[sflag:s7] =	ssyncadd.s32 $0xFFFFC000  }
0x58: {  	[hbm4b:s12+s3] =	stream.linear.scatter [tilespmem:s6], [sflag:$0x2], $0x4000, $0x38;
	[tilespmem:$0x4080] =	vst v63  }
0x59: {  	_ =	swait.ge [sflag:s4], $0x4000  }
0x5a: {  	[sflag:s4] =	ssyncset.done $0x0  }
0x5b: {  	[sflag:s4] =	ssyncadd.s32 $0xFFFFC000  }
0x5c: {  	[tilespmem:s3], [sflag:$0x2] =	stream.linear.gather [hbm4b:s13+s3], $0x80, $0x38;
	[tilespmem:$0x4080] =	vst v63  }
0x5d: {  	_ =	swait.ge [sflag:s4], $0x80  }
0x5e: {  	[sflag:s4] =	ssyncset.done $0x0  }
0x5f: {  	[sflag:s4] =	ssyncadd.s32 $0xFFFFFF80  }
0x60: {  	[tilespmem:s6], [sflag:$0x1] =	stream.indirect.gather [hbm4b:s2+s6], $0x80, s3, s6, $0xb8;
	[tilespmem:$0x4080] =	vst v63  }
0x61: {  	_ =	swait.ge [sflag:s7], $0x4000  }
.Ltmp1:
0x62: {  	[sflag:s7] =	ssyncset.done $0x0;
	(pc) =	sbr.rel @p0 .LBB2_1-.Ltmp1, $4  }
0x63: {  	[sflag:s7] =	ssyncadd.s32 $0xFFFFC000  }
0x64: {  	[hbm4b:s14+s3] =	stream.linear.scatter [tilespmem:s6], [sflag:$0x2], $0x4000, $0x38;
	[tilespmem:$0x4080] =	vst v63  }
0x65: {  	_ =	swait.ge [sflag:s4], $0x4000  }
0x66: {  	[sflag:s4] =	ssyncset.done $0x0  }
.LBB2_2:
0x67: {  	[sflag:s4] =	ssyncadd.s32 $0xFFFFC000  }
0x68: {  	_ =	sfence.sel $0x180000  }
0x69: {  	[bflag:$0x0] =	sbarrier.arrive $0xFFFF  }
0x6a: {  	p0 =	sne.s32 s0, $0x0;
	_ =	strace $0x90000047  }
0x6b: {  	s0 =	sadd.s32 @!p0 $0x100000, s1;
	[bflag:$0x2] =	sbarrier.arrive $0xFFFF  }
0x6c: {  	[sflag:s0] =	ssyncadd.tile.s32 @!p0 $0x1;
	_ =	shalt  }
.Lfunc_end2:
_tile_overlayer_lowered:
.L_overlay_start_2:
0x6d: {  	(tag) =	ssettag $0x2  }
0x6e: {  	s0 =	rddreg [dreg:$0x0];
	s2 =	stileid.u32  }
0x6f: {  	s1 =	rddreg [dreg:$0x1];
	p0 =	sne.s32 s2, $0x0  }
0x70: {  	s3 =	rddreg [dreg:$0x2];
	[bflag:$0x3] =	sbarrier.arrive $0xFFFF;
	s2 =	simm.s32 @!p0 $0x1C02  }
0x71: {  	[timem:s3], [sflag:s2] =	dma.local @!p0 [hbm:s0], s1  }
0x72: {  	s0 =	simm.s32 @!p0 $0x2  }
0x73: {  	_ =	swait.ge @!p0 [sflag:s0], s1  }
0x74: {  	s1 =	ssub.s32 @!p0 $0x0, s1;
	[sflag:s0] =	ssyncset.done @!p0 $0x0  }
0x75: {  	[sflag:s0] =	ssyncadd.s32 @!p0 s1  }
0x76: {  	[bflag:$0x3] =	sbarrier.arrive $0xFFFF  }
0x77: {  	_ =	shalt  }

// kernel: kernel.23.cloned.1.call-start
scs
__scs_entry_jumppad:
0x0: {  	(pc) =	sbr.rel $0x88, $3  }
0x1: {  	(tag) =	ssettag $0x0;
	lr =	simm.s32 $0x1  }
0x2: {  	[smem:$0x3F97] =	sst lr;
	_ =	strace $0xD0000000  }
0x3: {  	_ = 	snop  }
0x4: {  	_ = 	snop  }
0x5: {  	_ = 	snop  }
0x6: {  	_ = 	snop  }
0x7: {  	_ = 	snop  }
__scs_overlays_trampoline_lowered:
0x8: {  	[smem:$0x3FA6] =	sst s0  }
0x9: {  	[smem:$0x3FA7] =	sst s1  }
0xa: {  	[smem:$0x3FA8] =	sst s2  }
0xb: {  	[smem:$0x3FA9] =	sst s3  }
0xc: {  	[smem:$0x3FAA] =	sst s4  }
0xd: {  	[smem:$0x3FAB] =	sst s5  }
0xe: {  	[smem:$0x3FAC] =	sst s6  }
0xf: {  	[smem:$0x3FAD] =	sst s7  }
0x10: {  	[smem:$0x3FAE] =	sst s8  }
0x11: {  	[smem:$0x3FAF] =	sst s9;
	s0 =	simm.s32 @!p0 $0x0  }
0x12: {  	s1 =	sld [smem:$0x3F95];
	s0 =	simm.s32 @p0 $0x1  }
0x13: {  	[smem:$0x3FB0] =	sst s0;
	s0 =	simm.s32 @!p1 $0x0  }
0x14: {  	s2 =	sld [smem:$0x3F94];
	s0 =	simm.s32 @p1 $0x1  }
0x15: {  	[smem:$0x3FB1] =	sst s0;
	s0 =	simm.s32 @!p2 $0x0  }
0x16: {  	s3 =	sld [smem:$0x3FDB];
	s0 =	simm.s32 @p2 $0x1  }
0x17: {  	s4 =	simm.s32 $0x1BF5;
	[smem:$0x3FB3] =	sst s0  }
0x18: {  	s0 =	sld [smem:$0x3F96];
	_ =	swait.ge [sflag:s4], $0x0  }
0x19: {  	s7 =	sld [smem:$0x3F97]  }
0x1a: {  	s8 =	sadd.s32 $0xFFFFE003, lr  }
0x1b: {  	s9 =	sadd.s32 $0xFFFFFEF7, lr;
	s5 =	simm.s32 $0xFFFFFFFF;
	p2 =	slt.u32 s8, $0xFFFFF086  }
0x1c: {  	p1 =	slt.u32 s9, $0xF7A;
	s5 =	simm.s32 @!p2 $0x0  }
0x1d: {  	s5 =	simm.s32 @p1 $0x1;
	p0 =	seq.s32 s7, s2  }
0x1e: {  	s7 =	smul.u32 @!p0 $0xF7A, s2;
	p2 =	seq.s32 @!p0 s5, $0x0  }
0x1f: {  	s9 =	smul.u32 $0xF7A, s1;
	s8 =	simm.s32 @!p0 $0x1BF5;
	p2 =	por !p2, p0  }
0x20: {  	[sflag:s8] =	ssyncset.s32 @!p0 $0xFFFFF086;
	s6 =	sadd.s32 @!p0 s3, s7;
	s7 =	simm.s32 @!p0 $0x108  }
0x21: {  	s3 =	sadd.s32 s3, s9;
	s6 =	sadd.s32 @!p0 $0x88, s6;
	s7 =	simm.s32 @p2 $0x1082  }
0x22: {  	[simem:s7], [sflag:s8] =	dma.local @!p0 [hbm:s6], $0xF7A  }
0x23: {  	s9 =	sor.u32 $0xD0000000, s2;
	s6 =	simm.s32 $0x108;
	_ =	swait.ge @!p0 [sflag:s8], $0x0  }
0x24: {  	s3 =	sadd.s32 $0x88, s3;
	s6 =	simm.s32 @!p1 $0x1082;
	[sflag:s4] =	ssyncset.s32 $0xFFFFF086  }
0x25: {  	[simem:s6], [sflag:s4] =	dma.local [hbm:s3], $0xF7A  }
0x26: {  	[smem:$0x3F97] =	sst s1;
	(tag) =	ssettag s2;
	_ =	strace s9  }
0x27: {  	s1 =	sld [smem:$0x3FA7]  }
0x28: {  	s2 =	sld [smem:$0x3FA8]  }
0x29: {  	s4 =	sld [smem:$0x3FAA]  }
0x2a: {  	p0 =	seq.s32 s5, $0x0;
	s5 =	sld [smem:$0x3FAB]  }
0x2b: {  	s6 =	sld [smem:$0x3FAC]  }
0x2c: {  	s7 =	sld [smem:$0x3FAD]  }
0x2d: {  	s3 =	simm.s32 $0x108;
	s8 =	sld [smem:$0x3FAE]  }
0x2e: {  	s3 =	simm.s32 @!p0 $0x1082;
	s9 =	sld [smem:$0x3FAF]  }
0x2f: {  	lr =	sadd.s32 s0, s3;
	s0 =	sld [smem:$0x3FA6]  }
0x30: {  	s3 =	sld [smem:$0x3FA9]  }
0x31: {  	[smem:$0x3FB2] =	sst s10  }
0x32: {  	s10 =	sld [smem:$0x3FB0];
	_ =	sdelay $0x3  }
0x33: {  	p0 =	seq.s32 s10, $0x1;
	s10 =	sld [smem:$0x3FB2];
	_ =	sdelay $0x3  }
0x34: {  	[smem:$0x3FB2] =	sst s10  }
0x35: {  	s10 =	sld [smem:$0x3FB1];
	_ =	sdelay $0x3  }
0x36: {  	p1 =	seq.s32 s10, $0x1;
	s10 =	sld [smem:$0x3FB2];
	_ =	sdelay $0x3  }
0x37: {  	[smem:$0x3FB2] =	sst s10  }
0x38: {  	s10 =	sld [smem:$0x3FB3]  }
0x39: {  	_ = 	snop;
	(pc) =	sbr.ind lr, $3  }
0x3a: {  	_ = 	snop  }
0x3b: {  	_ = 	snop  }
0x3c: {  	p2 =	seq.s32 s10, $0x1;
	s10 =	sld [smem:$0x3FB2]  }
0x3d: {  	_ =	shalt  }
0x3e: {  	_ =	shalt  }
0x3f: {  	_ =	shalt  }
0x40: {  	_ =	shalt  }
0x41: {  	_ =	shalt  }
0x42: {  	_ =	shalt  }
0x43: {  	_ =	shalt  }
0x44: {  	_ =	shalt  }
0x45: {  	_ =	shalt  }
0x46: {  	_ =	shalt  }
0x47: {  	_ =	shalt  }
0x48: {  	_ =	shalt  }
0x49: {  	_ =	shalt  }
0x4a: {  	_ =	shalt  }
0x4b: {  	_ =	shalt  }
0x4c: {  	_ =	shalt  }
0x4d: {  	_ =	shalt  }
0x4e: {  	_ =	shalt  }
0x4f: {  	_ =	shalt  }
0x50: {  	_ =	shalt  }
0x51: {  	_ =	shalt  }
0x52: {  	_ =	shalt  }
0x53: {  	_ =	shalt  }
0x54: {  	_ =	shalt  }
0x55: {  	_ =	shalt  }
0x56: {  	_ =	shalt  }
0x57: {  	_ =	shalt  }
0x58: {  	_ =	shalt  }
0x59: {  	_ =	shalt  }
0x5a: {  	_ =	shalt  }
0x5b: {  	_ =	shalt  }
0x5c: {  	_ =	shalt  }
0x5d: {  	_ =	shalt  }
0x5e: {  	_ =	shalt  }
0x5f: {  	_ =	shalt  }
0x60: {  	_ =	shalt  }
0x61: {  	_ =	shalt  }
0x62: {  	_ =	shalt  }
0x63: {  	_ =	shalt  }
0x64: {  	_ =	shalt  }
0x65: {  	_ =	shalt  }
0x66: {  	_ =	shalt  }
0x67: {  	_ =	shalt  }
0x68: {  	_ =	shalt  }
0x69: {  	_ =	shalt  }
0x6a: {  	_ =	shalt  }
0x6b: {  	_ =	shalt  }
0x6c: {  	_ =	shalt  }
0x6d: {  	_ =	shalt  }
0x6e: {  	_ =	shalt  }
0x6f: {  	_ =	shalt  }
0x70: {  	_ =	shalt  }
0x71: {  	_ =	shalt  }
0x72: {  	_ =	shalt  }
0x73: {  	_ =	shalt  }
0x74: {  	_ =	shalt  }
0x75: {  	_ =	shalt  }
0x76: {  	_ =	shalt  }
0x77: {  	_ =	shalt  }
0x78: {  	_ =	shalt  }
0x79: {  	_ =	shalt  }
0x7a: {  	_ =	shalt  }
0x7b: {  	_ =	shalt  }
0x7c: {  	_ =	shalt  }
0x7d: {  	_ =	shalt  }
0x7e: {  	_ =	shalt  }
0x7f: {  	_ =	shalt  }
0x80: {  	_ =	shalt  }
0x81: {  	_ =	shalt  }
0x82: {  	_ =	shalt  }
0x83: {  	_ =	shalt  }
0x84: {  	_ =	shalt  }
0x85: {  	_ =	shalt  }
0x86: {  	_ =	shalt  }
0x87: {  	_ =	shalt  }
.Lfunc_end0:
.L_simem_size_0:
called_computation.1_lowered:
.L_overlay_start_0:
0x88: {  	s2 =	sld [smem:$0x3FD9]  }
0x89: {  	s3 =	sld [smem:$0x3FFE];
	_ =	sdelay $0x1  }
0x8a: {  	s1 =	srdreg.scid  }
0x8b: {  	s0 =	sand.u32 $0x1, s1  }
0x8c: {  	s16 =	sshll.u32 s0, $0xA;
	s2 =	sadd.s32 s3, s2  }
0x8d: {  	s2 =	sadd.s32 s2, s16  }
0x8e: {  	[smem:$0x3FBE] =	sst s2  }
0x8f: {  	_ = 	snop  }
0x90: {  	(tm) =	ssettm $0x1  }
0x91: {  	s17 =	sld [smem:$0x3FFB];
	_ =	sdelay $0x3  }
0x92: {  	_ =	strace s17  }
0x93: {  	s2 =	sld [smem:$0x3FFC];
	_ =	sdelay $0x3  }
0x94: {  	_ =	strace s2  }
0x95: {  	s2 =	sld [smem:$0x3FFD];
	_ =	sdelay $0x3  }
0x96: {  	_ =	strace s2  }
0x97: {  	_ =	strace $0x8FFFFFFF  }
0x98: {  	s18 =	sld [smem:$0x3FDB];
	_ =	sdelay $0x1  }
0x99: {  	s19 =	simm.s32 $_scs_section_size  }
0x9a: {  	s4 =	simm.s32 $_size__tile_overlayer_lowered;
	s5 =	simm.s32 $_tile_overlayer_lowered  }
0x9b: {  	s22 =	simm.s32 $0x1BFF;
	s21 =	sshll.u32 s5, $0x1;
	s2 =	sadd.s32 s19, s18  }
0x9c: {  	s6 =	simm.s32 $0x0;
	s20 =	sshll.u32 s4, $0x1;
	s4 =	sadd.s32 s21, s2  }
0x9d: {  	[timem:s6], [sflag:s22] =	dma.local [hbm:s4], s20  }
0x9e: {  	_ =	swait.ge [sflag:s22], s20  }
0x9f: {  	s3 =	ssub.s32 $0x0, s20;
	[sflag:s22] =	ssyncset.done $0x0  }
0xa0: {  	[sflag:s22] =	ssyncadd.s32 s3;
	_ =	sdelay $0x1  }
0xa1: {  	s23 =	simm.s32 $0x1B8B  }
0xa2: {  	_ =	swait.ge [sflag:s23], $0x1  }
0xa3: {  	[sflag:s23] =	ssyncset.done $0x0  }
0xa4: {  	s25 =	simm.s32 $0x1B8E;
	s24 =	sld [smem:$0x3FFE];
	[sflag:s23] =	ssyncadd.s32 $0xFFFFFFFF  }
0xa5: {  	s26 =	simm.s32 $execute0_lowered;
	[smem:$0x3FD2] =	sst s25  }
0xa6: {  	s4 =	sshll.u32 s26, $0x1;
	_ =	strace $0x80000049;
	[dreg:$0x1] =	wrdreg $0xFFFFFFFF  }
0xa7: {  	s28 =	simm.s32 $_size_execute0_lowered;
	s2 =	sadd.s32 s2, s4;
	[dreg:$0x0] =	wrdreg $0x0  }
0xa8: {  	s4 =	sshll.u32 s28, $0x1;
	[dreg:$0x2] =	wrdreg s2  }
0xa9: {  	[dreg:$0x3] =	wrdreg s4  }
0xaa: {  	[dreg:$0x4] =	wrdreg $0xC0  }
0xab: {  	_ =	task [dreg:s6], $0x5FFFF  }
0xac: {  	[dreg:$0x1] =	wrdreg $0xFFFFFFFF  }
0xad: {  	[dreg:$0x0] =	wrdreg $0x60  }
0xae: {  	[dreg:$0x2] =	wrdreg s24  }
0xaf: {  	[dreg:$0x3] =	wrdreg $0x9  }
0xb0: {  	_ =	task.clear_ibuf [dreg:s6], $0x4FFFF;
	_ =	strace $0x90000049  }
0xb1: {  	s29 =	simm.s32 $0x9;
	_ =	strace $0x8000004B  }
0xb2: {  	_ =	swait.ge [sflag:s29], $0x1  }
0xb3: {  	[sflag:s29] =	ssyncadd.s32 $0xFFFFFFFF  }
0xb4: {  	_ =	strace $0x9000004B  }
0xb5: {  	_ =	sfence  }
0xb6: {  	s30 =	sld [smem:$0x0];
	_ =	sdelay $0x2  }
0xb7: {  	s31 =	sshll.u32 s1, $0xD;
	s1 =	sshrl.u32 s1, $0x2  }
0xb8: {  	s3 =	sand.u32 $0x4000, s31;
	s1 =	sadd.s32 s1, s30  }
0xb9: {  	s0 =	sor.u32 s3, s0;
	s1 =	sshll.u32 s1, $0x11  }
0xba: {  	s0 =	sor.u32 s1, s0  }
0xbb: {  	s0 =	sadd.s32 $0x8F2B, s0  }
0xbc: {  	[sflag:s0] =	ssyncadd.remote.s32 $0x1  }
0xbd: {  	_ =	sfence.sel $0xFFFF  }
0xbe: {  	[dreg:$0x0] =	wrdreg $0xFFFFFFFF;
	(pc) =	sbr.abs _section_cstart, $3  }
0xbf: {  	[dreg:$0x1] =	wrdreg $0xFFFFFFFF  }
0xc0: {  	_ =	task.clear_ibuf [dreg:s6], $0x2FFFF;
	_ =	strace $0x9FFFFFFF  }
0xc1: {  	(tm) =	ssettm $0x7FFFFFFF  }
tec
execute0_lowered:
.L_overlay_start_1:
0x0: {  	(tag) =	ssettag $0x1  }
0x1: {  	s1 =	srdreg.scid  }
0x2: {  	s0 =	stileid.u32;
	s6 =	sand.u32 $0x1, s1  }
0x3: {  	s8 =	rddreg [dreg:$0x0];
	s30 =	sshll.u32 s0, $0x8;
	s2 =	sshll.u32 s6, $0x7  }
0x4: {  	s7 =	simm.s32 $0x1;
	s1 =	rddreg [dreg:$0x1];
	s9 =	sor.u32 s2, s30  }
0x5: {  	s5 =	sadd.s32 $0x4400, s8;
	s2 =	simm.s32 $0x0;
	s3 =	sshrl.u32 s9, $0x3  }
0x6: {  	s10 =	ssub.s32 $0x2, s6;
	[smem:$0x7FF] =	sst s2;
	s3 =	sadd.s32 s3, s8  }
0x7: {  	_ =	strace $0x8000004A;
	s4 =	sadd.s32 $0x84400, s3;
	s3 =	simm.s32 $0x2  }
0x8: {  	[tilespmem:s2], [sflag:$0x2] =	stream.linear.gather [hbm4b:s4+s2], $0x80, $0x38;
	[tilespmem:$0x4080] =	vst v63  }
0x9: {  	s6 =	simm.s32 $0x80;
	s11 =	sshrl.u32 s10, $0x1;
	_ =	swait.ge [sflag:s3], $0x80  }
0xa: {  	s9 =	sshll.u32 s9, $0x4;
	s31 =	ssub.s32 s10, s11;
	[sflag:s3] =	ssyncset.done $0x0  }
0xb: {  	s8 =	sadd.s32 s9, s8;
	s9 =	smax.u32 s31, $0x1;
	[sflag:s3] =	ssyncadd.s32 $0xFFFFFF80  }
0xc: {  	[tilespmem:s6], [sflag:$0x1] =	stream.indirect.gather [hbm4b:s5+s6], $0x80, s2, s6, $0xb8;
	[tilespmem:$0x4080] =	vst v63  }
0xd: {  	p0 =	sne.s32 s9, $0x1;
	_ =	swait.ge [sflag:s7], $0x4000  }
.Ltmp0:
0xe: {  	[sflag:s7] =	ssyncset.done $0x0;
	(pc) =	sbr.rel @!p0 .LBB2_2-.Ltmp0, $4  }
0xf: {  	s8 =	sadd.s32 $0x85400, s8;
	[sflag:s7] =	ssyncadd.s32 $0xFFFFC000  }
0x10: {  	[hbm4b:s8+s2] =	stream.linear.scatter [tilespmem:s6], [sflag:$0x2], $0x4000, $0x38;
	[tilespmem:$0x4080] =	vst v63  }
0x11: {  	_ =	swait.ge [sflag:s3], $0x4000  }
0x12: {  	s9 =	sadd.s32 $0xFFFFFFFF, s9;
	[sflag:s3] =	ssyncset.done $0x0  }
.LBB2_1:
0x13: {  	p0 =	sne.s32 s9, $0x1;
	s9 =	sadd.s32 $0xFFFFFFFF, s9;
	[sflag:s3] =	ssyncadd.s32 $0xFFFFC000  }
0x14: {  	[tilespmem:s2], [sflag:$0x2] =	stream.linear.gather [hbm4b:s4+s2], $0x80, $0x38;
	[tilespmem:$0x4080] =	vst v63  }
0x15: {  	_ =	swait.ge [sflag:s3], $0x80  }
0x16: {  	[sflag:s3] =	ssyncset.done $0x0  }
0x17: {  	[sflag:s3] =	ssyncadd.s32 $0xFFFFFF80  }
0x18: {  	[tilespmem:s6], [sflag:$0x1] =	stream.indirect.gather [hbm4b:s5+s6], $0x80, s2, s6, $0xb8;
	[tilespmem:$0x4080] =	vst v63  }
0x19: {  	_ =	swait.ge [sflag:s7], $0x4000  }
.Ltmp1:
0x1a: {  	[sflag:s7] =	ssyncset.done $0x0;
	(pc) =	sbr.rel @p0 .LBB2_1-.Ltmp1, $4  }
0x1b: {  	[sflag:s7] =	ssyncadd.s32 $0xFFFFC000  }
0x1c: {  	[hbm4b:s8+s2] =	stream.linear.scatter [tilespmem:s6], [sflag:$0x2], $0x4000, $0x38;
	[tilespmem:$0x4080] =	vst v63  }
0x1d: {  	_ =	swait.ge [sflag:s3], $0x4000  }
0x1e: {  	[sflag:s3] =	ssyncset.done $0x0  }
.LBB2_2:
0x1f: {  	[sflag:s3] =	ssyncadd.s32 $0xFFFFC000  }
0x20: {  	_ =	sfence.sel $0x180000  }
0x21: {  	[bflag:$0x0] =	sbarrier.arrive $0xFFFF  }
0x22: {  	p0 =	sne.s32 s0, $0x0;
	_ =	strace $0x9000004A  }
0x23: {  	s0 =	sadd.s32 @!p0 $0x100000, s1;
	[bflag:$0x2] =	sbarrier.arrive $0xFFFF  }
0x24: {  	[sflag:s0] =	ssyncadd.tile.s32 @!p0 $0x1;
	_ =	shalt  }
.Lfunc_end2:
_tile_overlayer_lowered:
.L_overlay_start_2:
0x25: {  	(tag) =	ssettag $0x2  }
0x26: {  	s0 =	rddreg [dreg:$0x0];
	s2 =	stileid.u32  }
0x27: {  	s1 =	rddreg [dreg:$0x1];
	p0 =	sne.s32 s2, $0x0  }
0x28: {  	s3 =	rddreg [dreg:$0x2];
	[bflag:$0x3] =	sbarrier.arrive $0xFFFF;
	s2 =	simm.s32 @!p0 $0x1C02  }
0x29: {  	[timem:s3], [sflag:s2] =	dma.local @!p0 [hbm:s0], s1  }
0x2a: {  	s0 =	simm.s32 @!p0 $0x2  }
0x2b: {  	_ =	swait.ge @!p0 [sflag:s0], s1  }
0x2c: {  	s1 =	ssub.s32 @!p0 $0x0, s1;
	[sflag:s0] =	ssyncset.done @!p0 $0x0  }
0x2d: {  	[sflag:s0] =	ssyncadd.s32 @!p0 s1  }
0x2e: {  	[bflag:$0x3] =	sbarrier.arrive $0xFFFF  }
0x2f: {  	_ =	shalt  }

// kernel: kernel.26.cloned.1.call-start
scs
__scs_entry_jumppad:
0x0: {  	(pc) =	sbr.rel $0x88, $3  }
0x1: {  	(tag) =	ssettag $0x0;
	lr =	simm.s32 $0x1  }
0x2: {  	[smem:$0x3F97] =	sst lr;
	_ =	strace $0xD0000000  }
0x3: {  	_ = 	snop  }
0x4: {  	_ = 	snop  }
0x5: {  	_ = 	snop  }
0x6: {  	_ = 	snop  }
0x7: {  	_ = 	snop  }
__scs_overlays_trampoline_lowered:
0x8: {  	[smem:$0x3FA6] =	sst s0  }
0x9: {  	[smem:$0x3FA7] =	sst s1  }
0xa: {  	[smem:$0x3FA8] =	sst s2  }
0xb: {  	[smem:$0x3FA9] =	sst s3  }
0xc: {  	[smem:$0x3FAA] =	sst s4  }
0xd: {  	[smem:$0x3FAB] =	sst s5  }
0xe: {  	[smem:$0x3FAC] =	sst s6  }
0xf: {  	[smem:$0x3FAD] =	sst s7  }
0x10: {  	[smem:$0x3FAE] =	sst s8  }
0x11: {  	[smem:$0x3FAF] =	sst s9;
	s0 =	simm.s32 @!p0 $0x0  }
0x12: {  	s1 =	sld [smem:$0x3F95];
	s0 =	simm.s32 @p0 $0x1  }
0x13: {  	[smem:$0x3FB0] =	sst s0;
	s0 =	simm.s32 @!p1 $0x0  }
0x14: {  	s2 =	sld [smem:$0x3F94];
	s0 =	simm.s32 @p1 $0x1  }
0x15: {  	[smem:$0x3FB1] =	sst s0;
	s0 =	simm.s32 @!p2 $0x0  }
0x16: {  	s3 =	sld [smem:$0x3FDB];
	s0 =	simm.s32 @p2 $0x1  }
0x17: {  	s4 =	simm.s32 $0x1BF5;
	[smem:$0x3FB3] =	sst s0  }
0x18: {  	s0 =	sld [smem:$0x3F96];
	_ =	swait.ge [sflag:s4], $0x0  }
0x19: {  	s7 =	sld [smem:$0x3F97]  }
0x1a: {  	s8 =	sadd.s32 $0xFFFFE003, lr  }
0x1b: {  	s9 =	sadd.s32 $0xFFFFFEF7, lr;
	s5 =	simm.s32 $0xFFFFFFFF;
	p2 =	slt.u32 s8, $0xFFFFF086  }
0x1c: {  	p1 =	slt.u32 s9, $0xF7A;
	s5 =	simm.s32 @!p2 $0x0  }
0x1d: {  	s5 =	simm.s32 @p1 $0x1;
	p0 =	seq.s32 s7, s2  }
0x1e: {  	s7 =	smul.u32 @!p0 $0xF7A, s2;
	p2 =	seq.s32 @!p0 s5, $0x0  }
0x1f: {  	s9 =	smul.u32 $0xF7A, s1;
	s8 =	simm.s32 @!p0 $0x1BF5;
	p2 =	por !p2, p0  }
0x20: {  	[sflag:s8] =	ssyncset.s32 @!p0 $0xFFFFF086;
	s6 =	sadd.s32 @!p0 s3, s7;
	s7 =	simm.s32 @!p0 $0x108  }
0x21: {  	s3 =	sadd.s32 s3, s9;
	s6 =	sadd.s32 @!p0 $0x88, s6;
	s7 =	simm.s32 @p2 $0x1082  }
0x22: {  	[simem:s7], [sflag:s8] =	dma.local @!p0 [hbm:s6], $0xF7A  }
0x23: {  	s9 =	sor.u32 $0xD0000000, s2;
	s6 =	simm.s32 $0x108;
	_ =	swait.ge @!p0 [sflag:s8], $0x0  }
0x24: {  	s3 =	sadd.s32 $0x88, s3;
	s6 =	simm.s32 @!p1 $0x1082;
	[sflag:s4] =	ssyncset.s32 $0xFFFFF086  }
0x25: {  	[simem:s6], [sflag:s4] =	dma.local [hbm:s3], $0xF7A  }
0x26: {  	[smem:$0x3F97] =	sst s1;
	(tag) =	ssettag s2;
	_ =	strace s9  }
0x27: {  	s1 =	sld [smem:$0x3FA7]  }
0x28: {  	s2 =	sld [smem:$0x3FA8]  }
0x29: {  	s4 =	sld [smem:$0x3FAA]  }
0x2a: {  	p0 =	seq.s32 s5, $0x0;
	s5 =	sld [smem:$0x3FAB]  }
0x2b: {  	s6 =	sld [smem:$0x3FAC]  }
0x2c: {  	s7 =	sld [smem:$0x3FAD]  }
0x2d: {  	s3 =	simm.s32 $0x108;
	s8 =	sld [smem:$0x3FAE]  }
0x2e: {  	s3 =	simm.s32 @!p0 $0x1082;
	s9 =	sld [smem:$0x3FAF]  }
0x2f: {  	lr =	sadd.s32 s0, s3;
	s0 =	sld [smem:$0x3FA6]  }
0x30: {  	s3 =	sld [smem:$0x3FA9]  }
0x31: {  	[smem:$0x3FB2] =	sst s10  }
0x32: {  	s10 =	sld [smem:$0x3FB0];
	_ =	sdelay $0x3  }
0x33: {  	p0 =	seq.s32 s10, $0x1;
	s10 =	sld [smem:$0x3FB2];
	_ =	sdelay $0x3  }
0x34: {  	[smem:$0x3FB2] =	sst s10  }
0x35: {  	s10 =	sld [smem:$0x3FB1];
	_ =	sdelay $0x3  }
0x36: {  	p1 =	seq.s32 s10, $0x1;
	s10 =	sld [smem:$0x3FB2];
	_ =	sdelay $0x3  }
0x37: {  	[smem:$0x3FB2] =	sst s10  }
0x38: {  	s10 =	sld [smem:$0x3FB3]  }
0x39: {  	_ = 	snop;
	(pc) =	sbr.ind lr, $3  }
0x3a: {  	_ = 	snop  }
0x3b: {  	_ = 	snop  }
0x3c: {  	p2 =	seq.s32 s10, $0x1;
	s10 =	sld [smem:$0x3FB2]  }
0x3d: {  	_ =	shalt  }
0x3e: {  	_ =	shalt  }
0x3f: {  	_ =	shalt  }
0x40: {  	_ =	shalt  }
0x41: {  	_ =	shalt  }
0x42: {  	_ =	shalt  }
0x43: {  	_ =	shalt  }
0x44: {  	_ =	shalt  }
0x45: {  	_ =	shalt  }
0x46: {  	_ =	shalt  }
0x47: {  	_ =	shalt  }
0x48: {  	_ =	shalt  }
0x49: {  	_ =	shalt  }
0x4a: {  	_ =	shalt  }
0x4b: {  	_ =	shalt  }
0x4c: {  	_ =	shalt  }
0x4d: {  	_ =	shalt  }
0x4e: {  	_ =	shalt  }
0x4f: {  	_ =	shalt  }
0x50: {  	_ =	shalt  }
0x51: {  	_ =	shalt  }
0x52: {  	_ =	shalt  }
0x53: {  	_ =	shalt  }
0x54: {  	_ =	shalt  }
0x55: {  	_ =	shalt  }
0x56: {  	_ =	shalt  }
0x57: {  	_ =	shalt  }
0x58: {  	_ =	shalt  }
0x59: {  	_ =	shalt  }
0x5a: {  	_ =	shalt  }
0x5b: {  	_ =	shalt  }
0x5c: {  	_ =	shalt  }
0x5d: {  	_ =	shalt  }
0x5e: {  	_ =	shalt  }
0x5f: {  	_ =	shalt  }
0x60: {  	_ =	shalt  }
0x61: {  	_ =	shalt  }
0x62: {  	_ =	shalt  }
0x63: {  	_ =	shalt  }
0x64: {  	_ =	shalt  }
0x65: {  	_ =	shalt  }
0x66: {  	_ =	shalt  }
0x67: {  	_ =	shalt  }
0x68: {  	_ =	shalt  }
0x69: {  	_ =	shalt  }
0x6a: {  	_ =	shalt  }
0x6b: {  	_ =	shalt  }
0x6c: {  	_ =	shalt  }
0x6d: {  	_ =	shalt  }
0x6e: {  	_ =	shalt  }
0x6f: {  	_ =	shalt  }
0x70: {  	_ =	shalt  }
0x71: {  	_ =	shalt  }
0x72: {  	_ =	shalt  }
0x73: {  	_ =	shalt  }
0x74: {  	_ =	shalt  }
0x75: {  	_ =	shalt  }
0x76: {  	_ =	shalt  }
0x77: {  	_ =	shalt  }
0x78: {  	_ =	shalt  }
0x79: {  	_ =	shalt  }
0x7a: {  	_ =	shalt  }
0x7b: {  	_ =	shalt  }
0x7c: {  	_ =	shalt  }
0x7d: {  	_ =	shalt  }
0x7e: {  	_ =	shalt  }
0x7f: {  	_ =	shalt  }
0x80: {  	_ =	shalt  }
0x81: {  	_ =	shalt  }
0x82: {  	_ =	shalt  }
0x83: {  	_ =	shalt  }
0x84: {  	_ =	shalt  }
0x85: {  	_ =	shalt  }
0x86: {  	_ =	shalt  }
0x87: {  	_ =	shalt  }
.Lfunc_end0:
.L_simem_size_0:
called_computation.2_lowered:
.L_overlay_start_0:
0x88: {  	s2 =	sld [smem:$0x3FD9]  }
0x89: {  	s3 =	sld [smem:$0x3FFE];
	_ =	sdelay $0x1  }
0x8a: {  	s1 =	srdreg.scid  }
0x8b: {  	s0 =	sand.u32 $0x1, s1  }
0x8c: {  	s16 =	sshll.u32 s0, $0xA;
	s2 =	sadd.s32 s3, s2  }
0x8d: {  	s2 =	sadd.s32 s2, s16  }
0x8e: {  	[smem:$0x3FBE] =	sst s2  }
0x8f: {  	_ = 	snop  }
0x90: {  	(tm) =	ssettm $0x1  }
0x91: {  	s17 =	sld [smem:$0x3FFB];
	_ =	sdelay $0x3  }
0x92: {  	_ =	strace s17  }
0x93: {  	s2 =	sld [smem:$0x3FFC];
	_ =	sdelay $0x3  }
0x94: {  	_ =	strace s2  }
0x95: {  	s2 =	sld [smem:$0x3FFD];
	_ =	sdelay $0x3  }
0x96: {  	_ =	strace s2  }
0x97: {  	_ =	strace $0x8FFFFFFF  }
0x98: {  	s18 =	sld [smem:$0x3FDB];
	_ =	sdelay $0x1  }
0x99: {  	s19 =	simm.s32 $_scs_section_size  }
0x9a: {  	s4 =	simm.s32 $_size__tile_overlayer_lowered;
	s5 =	simm.s32 $_tile_overlayer_lowered  }
0x9b: {  	s22 =	simm.s32 $0x1BFF;
	s21 =	sshll.u32 s5, $0x1;
	s2 =	sadd.s32 s19, s18  }
0x9c: {  	s6 =	simm.s32 $0x0;
	s20 =	sshll.u32 s4, $0x1;
	s4 =	sadd.s32 s21, s2  }
0x9d: {  	[timem:s6], [sflag:s22] =	dma.local [hbm:s4], s20  }
0x9e: {  	_ =	swait.ge [sflag:s22], s20  }
0x9f: {  	s3 =	ssub.s32 $0x0, s20;
	[sflag:s22] =	ssyncset.done $0x0  }
0xa0: {  	[sflag:s22] =	ssyncadd.s32 s3;
	_ =	sdelay $0x1  }
0xa1: {  	s23 =	simm.s32 $0x1B8B  }
0xa2: {  	_ =	swait.ge [sflag:s23], $0x1  }
0xa3: {  	[sflag:s23] =	ssyncset.done $0x0  }
0xa4: {  	s25 =	simm.s32 $0x1B8E;
	s24 =	sld [smem:$0x3FFE];
	[sflag:s23] =	ssyncadd.s32 $0xFFFFFFFF  }
0xa5: {  	s26 =	simm.s32 $execute0_lowered;
	[smem:$0x3FD2] =	sst s25  }
0xa6: {  	s4 =	sshll.u32 s26, $0x1;
	_ =	strace $0x8000004C;
	[dreg:$0x1] =	wrdreg $0xFFFFFFFF  }
0xa7: {  	s28 =	simm.s32 $_size_execute0_lowered;
	s2 =	sadd.s32 s2, s4;
	[dreg:$0x0] =	wrdreg $0x0  }
0xa8: {  	s4 =	sshll.u32 s28, $0x1;
	[dreg:$0x2] =	wrdreg s2  }
0xa9: {  	[dreg:$0x3] =	wrdreg s4  }
0xaa: {  	[dreg:$0x4] =	wrdreg $0xC0  }
0xab: {  	_ =	task [dreg:s6], $0x5FFFF  }
0xac: {  	[dreg:$0x1] =	wrdreg $0xFFFFFFFF  }
0xad: {  	[dreg:$0x0] =	wrdreg $0x60  }
0xae: {  	[dreg:$0x2] =	wrdreg s24  }
0xaf: {  	[dreg:$0x3] =	wrdreg $0x9  }
0xb0: {  	_ =	task.clear_ibuf [dreg:s6], $0x4FFFF;
	_ =	strace $0x9000004C  }
0xb1: {  	s29 =	simm.s32 $0x9;
	_ =	strace $0x8000004E  }
0xb2: {  	_ =	swait.ge [sflag:s29], $0x1  }
0xb3: {  	[sflag:s29] =	ssyncadd.s32 $0xFFFFFFFF  }
0xb4: {  	_ =	strace $0x9000004E  }
0xb5: {  	_ =	sfence  }
0xb6: {  	s30 =	sld [smem:$0x0];
	_ =	sdelay $0x2  }
0xb7: {  	s31 =	sshll.u32 s1, $0xD;
	s1 =	sshrl.u32 s1, $0x2  }
0xb8: {  	s3 =	sand.u32 $0x4000, s31;
	s1 =	sadd.s32 s1, s30  }
0xb9: {  	s0 =	sor.u32 s3, s0;
	s1 =	sshll.u32 s1, $0x11  }
0xba: {  	s0 =	sor.u32 s1, s0  }
0xbb: {  	s0 =	sadd.s32 $0x8F2B, s0  }
0xbc: {  	[sflag:s0] =	ssyncadd.remote.s32 $0x1  }
0xbd: {  	_ =	sfence.sel $0xFFFF  }
0xbe: {  	[dreg:$0x0] =	wrdreg $0xFFFFFFFF;
	(pc) =	sbr.abs _section_cstart, $3  }
0xbf: {  	[dreg:$0x1] =	wrdreg $0xFFFFFFFF  }
0xc0: {  	_ =	task.clear_ibuf [dreg:s6], $0x2FFFF;
	_ =	strace $0x9FFFFFFF  }
0xc1: {  	(tm) =	ssettm $0x7FFFFFFF  }
tec
execute0_lowered:
.L_overlay_start_1:
0x0: {  	(tag) =	ssettag $0x1  }
0x1: {  	s1 =	srdreg.scid  }
0x2: {  	s0 =	stileid.u32;
	s6 =	sand.u32 $0x1, s1  }
0x3: {  	s8 =	rddreg [dreg:$0x0];
	s30 =	sshll.u32 s0, $0x8;
	s2 =	sshll.u32 s6, $0x7  }
0x4: {  	s7 =	simm.s32 $0x1;
	s1 =	rddreg [dreg:$0x1];
	s9 =	sor.u32 s2, s30  }
0x5: {  	s5 =	sadd.s32 $0x4400, s8;
	s2 =	simm.s32 $0x0;
	s3 =	sshrl.u32 s9, $0x3  }
0x6: {  	s10 =	ssub.s32 $0x2, s6;
	[smem:$0x7FF] =	sst s2;
	s3 =	sadd.s32 s3, s8  }
0x7: {  	_ =	strace $0x8000004D;
	s4 =	sadd.s32 $0x84600, s3;
	s3 =	simm.s32 $0x2  }
0x8: {  	[tilespmem:s2], [sflag:$0x2] =	stream.linear.gather [hbm4b:s4+s2], $0x80, $0x38;
	[tilespmem:$0x4080] =	vst v63  }
0x9: {  	s6 =	simm.s32 $0x80;
	s11 =	sshrl.u32 s10, $0x1;
	_ =	swait.ge [sflag:s3], $0x80  }
0xa: {  	s9 =	sshll.u32 s9, $0x4;
	s31 =	ssub.s32 s10, s11;
	[sflag:s3] =	ssyncset.done $0x0  }
0xb: {  	s8 =	sadd.s32 s9, s8;
	s9 =	smax.u32 s31, $0x1;
	[sflag:s3] =	ssyncadd.s32 $0xFFFFFF80  }
0xc: {  	[tilespmem:s6], [sflag:$0x1] =	stream.indirect.gather [hbm4b:s5+s6], $0x80, s2, s6, $0xb8;
	[tilespmem:$0x4080] =	vst v63  }
0xd: {  	p0 =	sne.s32 s9, $0x1;
	_ =	swait.ge [sflag:s7], $0x4000  }
.Ltmp0:
0xe: {  	[sflag:s7] =	ssyncset.done $0x0;
	(pc) =	sbr.rel @!p0 .LBB2_2-.Ltmp0, $4  }
0xf: {  	s8 =	sadd.s32 $0x85400, s8;
	[sflag:s7] =	ssyncadd.s32 $0xFFFFC000  }
0x10: {  	[hbm4b:s8+s2] =	stream.linear.scatter [tilespmem:s6], [sflag:$0x2], $0x4000, $0x38;
	[tilespmem:$0x4080] =	vst v63  }
0x11: {  	_ =	swait.ge [sflag:s3], $0x4000  }
0x12: {  	s9 =	sadd.s32 $0xFFFFFFFF, s9;
	[sflag:s3] =	ssyncset.done $0x0  }
.LBB2_1:
0x13: {  	p0 =	sne.s32 s9, $0x1;
	s9 =	sadd.s32 $0xFFFFFFFF, s9;
	[sflag:s3] =	ssyncadd.s32 $0xFFFFC000  }
0x14: {  	[tilespmem:s2], [sflag:$0x2] =	stream.linear.gather [hbm4b:s4+s2], $0x80, $0x38;
	[tilespmem:$0x4080] =	vst v63  }
0x15: {  	_ =	swait.ge [sflag:s3], $0x80  }
0x16: {  	[sflag:s3] =	ssyncset.done $0x0  }
0x17: {  	[sflag:s3] =	ssyncadd.s32 $0xFFFFFF80  }
0x18: {  	[tilespmem:s6], [sflag:$0x1] =	stream.indirect.gather [hbm4b:s5+s6], $0x80, s2, s6, $0xb8;
	[tilespmem:$0x4080] =	vst v63  }
0x19: {  	_ =	swait.ge [sflag:s7], $0x4000  }
.Ltmp1:
0x1a: {  	[sflag:s7] =	ssyncset.done $0x0;
	(pc) =	sbr.rel @p0 .LBB2_1-.Ltmp1, $4  }
0x1b: {  	[sflag:s7] =	ssyncadd.s32 $0xFFFFC000  }
0x1c: {  	[hbm4b:s8+s2] =	stream.linear.scatter [tilespmem:s6], [sflag:$0x2], $0x4000, $0x38;
	[tilespmem:$0x4080] =	vst v63  }
0x1d: {  	_ =	swait.ge [sflag:s3], $0x4000  }
0x1e: {  	[sflag:s3] =	ssyncset.done $0x0  }
.LBB2_2:
0x1f: {  	[sflag:s3] =	ssyncadd.s32 $0xFFFFC000  }
0x20: {  	_ =	sfence.sel $0x180000  }
0x21: {  	[bflag:$0x0] =	sbarrier.arrive $0xFFFF  }
0x22: {  	p0 =	sne.s32 s0, $0x0;
	_ =	strace $0x9000004D  }
0x23: {  	s0 =	sadd.s32 @!p0 $0x100000, s1;
	[bflag:$0x2] =	sbarrier.arrive $0xFFFF  }
0x24: {  	[sflag:s0] =	ssyncadd.tile.s32 @!p0 $0x1;
	_ =	shalt  }
.Lfunc_end2:
_tile_overlayer_lowered:
.L_overlay_start_2:
0x25: {  	(tag) =	ssettag $0x2  }
0x26: {  	s0 =	rddreg [dreg:$0x0];
	s2 =	stileid.u32  }
0x27: {  	s1 =	rddreg [dreg:$0x1];
	p0 =	sne.s32 s2, $0x0  }
0x28: {  	s3 =	rddreg [dreg:$0x2];
	[bflag:$0x3] =	sbarrier.arrive $0xFFFF;
	s2 =	simm.s32 @!p0 $0x1C02  }
0x29: {  	[timem:s3], [sflag:s2] =	dma.local @!p0 [hbm:s0], s1  }
0x2a: {  	s0 =	simm.s32 @!p0 $0x2  }
0x2b: {  	_ =	swait.ge @!p0 [sflag:s0], s1  }
0x2c: {  	s1 =	ssub.s32 @!p0 $0x0, s1;
	[sflag:s0] =	ssyncset.done @!p0 $0x0  }
0x2d: {  	[sflag:s0] =	ssyncadd.s32 @!p0 s1  }
0x2e: {  	[bflag:$0x3] =	sbarrier.arrive $0xFFFF  }
0x2f: {  	_ =	shalt  }

// kernel: kernel.29.cloned.1.call-start
scs
__scs_entry_jumppad:
0x0: {  	(pc) =	sbr.rel $0x88, $3  }
0x1: {  	(tag) =	ssettag $0x0;
	lr =	simm.s32 $0x1  }
0x2: {  	[smem:$0x3F97] =	sst lr;
	_ =	strace $0xD0000000  }
0x3: {  	_ = 	snop  }
0x4: {  	_ = 	snop  }
0x5: {  	_ = 	snop  }
0x6: {  	_ = 	snop  }
0x7: {  	_ = 	snop  }
__scs_overlays_trampoline_lowered:
0x8: {  	[smem:$0x3FA6] =	sst s0  }
0x9: {  	[smem:$0x3FA7] =	sst s1  }
0xa: {  	[smem:$0x3FA8] =	sst s2  }
0xb: {  	[smem:$0x3FA9] =	sst s3  }
0xc: {  	[smem:$0x3FAA] =	sst s4  }
0xd: {  	[smem:$0x3FAB] =	sst s5  }
0xe: {  	[smem:$0x3FAC] =	sst s6  }
0xf: {  	[smem:$0x3FAD] =	sst s7  }
0x10: {  	[smem:$0x3FAE] =	sst s8  }
0x11: {  	[smem:$0x3FAF] =	sst s9;
	s0 =	simm.s32 @!p0 $0x0  }
0x12: {  	s1 =	sld [smem:$0x3F95];
	s0 =	simm.s32 @p0 $0x1  }
0x13: {  	[smem:$0x3FB0] =	sst s0;
	s0 =	simm.s32 @!p1 $0x0  }
0x14: {  	s2 =	sld [smem:$0x3F94];
	s0 =	simm.s32 @p1 $0x1  }
0x15: {  	[smem:$0x3FB1] =	sst s0;
	s0 =	simm.s32 @!p2 $0x0  }
0x16: {  	s3 =	sld [smem:$0x3FDB];
	s0 =	simm.s32 @p2 $0x1  }
0x17: {  	s4 =	simm.s32 $0x1BF5;
	[smem:$0x3FB3] =	sst s0  }
0x18: {  	s0 =	sld [smem:$0x3F96];
	_ =	swait.ge [sflag:s4], $0x0  }
0x19: {  	s7 =	sld [smem:$0x3F97]  }
0x1a: {  	s8 =	sadd.s32 $0xFFFFE003, lr  }
0x1b: {  	s9 =	sadd.s32 $0xFFFFFEF7, lr;
	s5 =	simm.s32 $0xFFFFFFFF;
	p2 =	slt.u32 s8, $0xFFFFF086  }
0x1c: {  	p1 =	slt.u32 s9, $0xF7A;
	s5 =	simm.s32 @!p2 $0x0  }
0x1d: {  	s5 =	simm.s32 @p1 $0x1;
	p0 =	seq.s32 s7, s2  }
0x1e: {  	s7 =	smul.u32 @!p0 $0xF7A, s2;
	p2 =	seq.s32 @!p0 s5, $0x0  }
0x1f: {  	s9 =	smul.u32 $0xF7A, s1;
	s8 =	simm.s32 @!p0 $0x1BF5;
	p2 =	por !p2, p0  }
0x20: {  	[sflag:s8] =	ssyncset.s32 @!p0 $0xFFFFF086;
	s6 =	sadd.s32 @!p0 s3, s7;
	s7 =	simm.s32 @!p0 $0x108  }
0x21: {  	s3 =	sadd.s32 s3, s9;
	s6 =	sadd.s32 @!p0 $0x88, s6;
	s7 =	simm.s32 @p2 $0x1082  }
0x22: {  	[simem:s7], [sflag:s8] =	dma.local @!p0 [hbm:s6], $0xF7A  }
0x23: {  	s9 =	sor.u32 $0xD0000000, s2;
	s6 =	simm.s32 $0x108;
	_ =	swait.ge @!p0 [sflag:s8], $0x0  }
0x24: {  	s3 =	sadd.s32 $0x88, s3;
	s6 =	simm.s32 @!p1 $0x1082;
	[sflag:s4] =	ssyncset.s32 $0xFFFFF086  }
0x25: {  	[simem:s6], [sflag:s4] =	dma.local [hbm:s3], $0xF7A  }
0x26: {  	[smem:$0x3F97] =	sst s1;
	(tag) =	ssettag s2;
	_ =	strace s9  }
0x27: {  	s1 =	sld [smem:$0x3FA7]  }
0x28: {  	s2 =	sld [smem:$0x3FA8]  }
0x29: {  	s4 =	sld [smem:$0x3FAA]  }
0x2a: {  	p0 =	seq.s32 s5, $0x0;
	s5 =	sld [smem:$0x3FAB]  }
0x2b: {  	s6 =	sld [smem:$0x3FAC]  }
0x2c: {  	s7 =	sld [smem:$0x3FAD]  }
0x2d: {  	s3 =	simm.s32 $0x108;
	s8 =	sld [smem:$0x3FAE]  }
0x2e: {  	s3 =	simm.s32 @!p0 $0x1082;
	s9 =	sld [smem:$0x3FAF]  }
0x2f: {  	lr =	sadd.s32 s0, s3;
	s0 =	sld [smem:$0x3FA6]  }
0x30: {  	s3 =	sld [smem:$0x3FA9]  }
0x31: {  	[smem:$0x3FB2] =	sst s10  }
0x32: {  	s10 =	sld [smem:$0x3FB0];
	_ =	sdelay $0x3  }
0x33: {  	p0 =	seq.s32 s10, $0x1;
	s10 =	sld [smem:$0x3FB2];
	_ =	sdelay $0x3  }
0x34: {  	[smem:$0x3FB2] =	sst s10  }
0x35: {  	s10 =	sld [smem:$0x3FB1];
	_ =	sdelay $0x3  }
0x36: {  	p1 =	seq.s32 s10, $0x1;
	s10 =	sld [smem:$0x3FB2];
	_ =	sdelay $0x3  }
0x37: {  	[smem:$0x3FB2] =	sst s10  }
0x38: {  	s10 =	sld [smem:$0x3FB3]  }
0x39: {  	_ = 	snop;
	(pc) =	sbr.ind lr, $3  }
0x3a: {  	_ = 	snop  }
0x3b: {  	_ = 	snop  }
0x3c: {  	p2 =	seq.s32 s10, $0x1;
	s10 =	sld [smem:$0x3FB2]  }
0x3d: {  	_ =	shalt  }
0x3e: {  	_ =	shalt  }
0x3f: {  	_ =	shalt  }
0x40: {  	_ =	shalt  }
0x41: {  	_ =	shalt  }
0x42: {  	_ =	shalt  }
0x43: {  	_ =	shalt  }
0x44: {  	_ =	shalt  }
0x45: {  	_ =	shalt  }
0x46: {  	_ =	shalt  }
0x47: {  	_ =	shalt  }
0x48: {  	_ =	shalt  }
0x49: {  	_ =	shalt  }
0x4a: {  	_ =	shalt  }
0x4b: {  	_ =	shalt  }
0x4c: {  	_ =	shalt  }
0x4d: {  	_ =	shalt  }
0x4e: {  	_ =	shalt  }
0x4f: {  	_ =	shalt  }
0x50: {  	_ =	shalt  }
0x51: {  	_ =	shalt  }
0x52: {  	_ =	shalt  }
0x53: {  	_ =	shalt  }
0x54: {  	_ =	shalt  }
0x55: {  	_ =	shalt  }
0x56: {  	_ =	shalt  }
0x57: {  	_ =	shalt  }
0x58: {  	_ =	shalt  }
0x59: {  	_ =	shalt  }
0x5a: {  	_ =	shalt  }
0x5b: {  	_ =	shalt  }
0x5c: {  	_ =	shalt  }
0x5d: {  	_ =	shalt  }
0x5e: {  	_ =	shalt  }
0x5f: {  	_ =	shalt  }
0x60: {  	_ =	shalt  }
0x61: {  	_ =	shalt  }
0x62: {  	_ =	shalt  }
0x63: {  	_ =	shalt  }
0x64: {  	_ =	shalt  }
0x65: {  	_ =	shalt  }
0x66: {  	_ =	shalt  }
0x67: {  	_ =	shalt  }
0x68: {  	_ =	shalt  }
0x69: {  	_ =	shalt  }
0x6a: {  	_ =	shalt  }
0x6b: {  	_ =	shalt  }
0x6c: {  	_ =	shalt  }
0x6d: {  	_ =	shalt  }
0x6e: {  	_ =	shalt  }
0x6f: {  	_ =	shalt  }
0x70: {  	_ =	shalt  }
0x71: {  	_ =	shalt  }
0x72: {  	_ =	shalt  }
0x73: {  	_ =	shalt  }
0x74: {  	_ =	shalt  }
0x75: {  	_ =	shalt  }
0x76: {  	_ =	shalt  }
0x77: {  	_ =	shalt  }
0x78: {  	_ =	shalt  }
0x79: {  	_ =	shalt  }
0x7a: {  	_ =	shalt  }
0x7b: {  	_ =	shalt  }
0x7c: {  	_ =	shalt  }
0x7d: {  	_ =	shalt  }
0x7e: {  	_ =	shalt  }
0x7f: {  	_ =	shalt  }
0x80: {  	_ =	shalt  }
0x81: {  	_ =	shalt  }
0x82: {  	_ =	shalt  }
0x83: {  	_ =	shalt  }
0x84: {  	_ =	shalt  }
0x85: {  	_ =	shalt  }
0x86: {  	_ =	shalt  }
0x87: {  	_ =	shalt  }
.Lfunc_end0:
.L_simem_size_0:
called_computation.3_lowered:
.L_overlay_start_0:
0x88: {  	s2 =	sld [smem:$0x3FD9]  }
0x89: {  	s3 =	sld [smem:$0x3FFE];
	_ =	sdelay $0x1  }
0x8a: {  	s1 =	srdreg.scid  }
0x8b: {  	s0 =	sand.u32 $0x1, s1  }
0x8c: {  	s16 =	sshll.u32 s0, $0xA;
	s2 =	sadd.s32 s3, s2  }
0x8d: {  	s2 =	sadd.s32 s2, s16  }
0x8e: {  	[smem:$0x3FBE] =	sst s2  }
0x8f: {  	_ = 	snop  }
0x90: {  	(tm) =	ssettm $0x1  }
0x91: {  	s17 =	sld [smem:$0x3FFB];
	_ =	sdelay $0x3  }
0x92: {  	_ =	strace s17  }
0x93: {  	s2 =	sld [smem:$0x3FFC];
	_ =	sdelay $0x3  }
0x94: {  	_ =	strace s2  }
0x95: {  	s2 =	sld [smem:$0x3FFD];
	_ =	sdelay $0x3  }
0x96: {  	_ =	strace s2  }
0x97: {  	_ =	strace $0x8FFFFFFF  }
0x98: {  	s18 =	sld [smem:$0x3FDB];
	_ =	sdelay $0x1  }
0x99: {  	s19 =	simm.s32 $_scs_section_size  }
0x9a: {  	s4 =	simm.s32 $_size__tile_overlayer_lowered;
	s5 =	simm.s32 $_tile_overlayer_lowered  }
0x9b: {  	s22 =	simm.s32 $0x1BFF;
	s21 =	sshll.u32 s5, $0x1;
	s2 =	sadd.s32 s19, s18  }
0x9c: {  	s6 =	simm.s32 $0x0;
	s20 =	sshll.u32 s4, $0x1;
	s4 =	sadd.s32 s21, s2  }
0x9d: {  	[timem:s6], [sflag:s22] =	dma.local [hbm:s4], s20  }
0x9e: {  	_ =	swait.ge [sflag:s22], s20  }
0x9f: {  	s3 =	ssub.s32 $0x0, s20;
	[sflag:s22] =	ssyncset.done $0x0  }
0xa0: {  	[sflag:s22] =	ssyncadd.s32 s3;
	_ =	sdelay $0x1  }
0xa1: {  	s23 =	simm.s32 $0x1B8B  }
0xa2: {  	_ =	swait.ge [sflag:s23], $0x1  }
0xa3: {  	[sflag:s23] =	ssyncset.done $0x0  }
0xa4: {  	s25 =	simm.s32 $0x1B8E;
	s24 =	sld [smem:$0x3FFE];
	[sflag:s23] =	ssyncadd.s32 $0xFFFFFFFF  }
0xa5: {  	s26 =	simm.s32 $execute0_lowered;
	[smem:$0x3FD2] =	sst s25  }
0xa6: {  	s4 =	sshll.u32 s26, $0x1;
	_ =	strace $0x8000004F;
	[dreg:$0x1] =	wrdreg $0xFFFFFFFF  }
0xa7: {  	s28 =	simm.s32 $_size_execute0_lowered;
	s2 =	sadd.s32 s2, s4;
	[dreg:$0x0] =	wrdreg $0x0  }
0xa8: {  	s4 =	sshll.u32 s28, $0x1;
	[dreg:$0x2] =	wrdreg s2  }
0xa9: {  	[dreg:$0x3] =	wrdreg s4  }
0xaa: {  	[dreg:$0x4] =	wrdreg $0xC0  }
0xab: {  	_ =	task [dreg:s6], $0x5FFFF  }
0xac: {  	[dreg:$0x1] =	wrdreg $0xFFFFFFFF  }
0xad: {  	[dreg:$0x0] =	wrdreg $0x60  }
0xae: {  	[dreg:$0x2] =	wrdreg s24  }
0xaf: {  	[dreg:$0x3] =	wrdreg $0x9  }
0xb0: {  	_ =	task.clear_ibuf [dreg:s6], $0x4FFFF;
	_ =	strace $0x9000004F  }
0xb1: {  	s29 =	simm.s32 $0x9;
	_ =	strace $0x80000051  }
0xb2: {  	_ =	swait.ge [sflag:s29], $0x1  }
0xb3: {  	[sflag:s29] =	ssyncadd.s32 $0xFFFFFFFF  }
0xb4: {  	_ =	strace $0x90000051  }
0xb5: {  	_ =	sfence  }
0xb6: {  	s30 =	sld [smem:$0x0];
	_ =	sdelay $0x2  }
0xb7: {  	s31 =	sshll.u32 s1, $0xD;
	s1 =	sshrl.u32 s1, $0x2  }
0xb8: {  	s3 =	sand.u32 $0x4000, s31;
	s1 =	sadd.s32 s1, s30  }
0xb9: {  	s0 =	sor.u32 s3, s0;
	s1 =	sshll.u32 s1, $0x11  }
0xba: {  	s0 =	sor.u32 s1, s0  }
0xbb: {  	s0 =	sadd.s32 $0x8F2B, s0  }
0xbc: {  	[sflag:s0] =	ssyncadd.remote.s32 $0x1  }
0xbd: {  	_ =	sfence.sel $0xFFFF  }
0xbe: {  	[dreg:$0x0] =	wrdreg $0xFFFFFFFF;
	(pc) =	sbr.abs _section_cstart, $3  }
0xbf: {  	[dreg:$0x1] =	wrdreg $0xFFFFFFFF  }
0xc0: {  	_ =	task.clear_ibuf [dreg:s6], $0x2FFFF;
	_ =	strace $0x9FFFFFFF  }
0xc1: {  	(tm) =	ssettm $0x7FFFFFFF  }
tec
execute0_lowered:
.L_overlay_start_1:
0x0: {  	(tag) =	ssettag $0x1  }
0x1: {  	s1 =	srdreg.scid  }
0x2: {  	s0 =	stileid.u32;
	s6 =	sand.u32 $0x1, s1  }
0x3: {  	s8 =	rddreg [dreg:$0x0];
	s30 =	sshll.u32 s0, $0x8;
	s2 =	sshll.u32 s6, $0x7  }
0x4: {  	s7 =	simm.s32 $0x1;
	s1 =	rddreg [dreg:$0x1];
	s9 =	sor.u32 s2, s30  }
0x5: {  	s5 =	sadd.s32 $0x4400, s8;
	s2 =	simm.s32 $0x0;
	s3 =	sshrl.u32 s9, $0x3  }
0x6: {  	s10 =	ssub.s32 $0x2, s6;
	[smem:$0x7FF] =	sst s2;
	s3 =	sadd.s32 s3, s8  }
0x7: {  	_ =	strace $0x80000050;
	s4 =	sadd.s32 $0x84800, s3;
	s3 =	simm.s32 $0x2  }
0x8: {  	[tilespmem:s2], [sflag:$0x2] =	stream.linear.gather [hbm4b:s4+s2], $0x80, $0x38;
	[tilespmem:$0x4080] =	vst v63  }
0x9: {  	s6 =	simm.s32 $0x80;
	s11 =	sshrl.u32 s10, $0x1;
	_ =	swait.ge [sflag:s3], $0x80  }
0xa: {  	s9 =	sshll.u32 s9, $0x4;
	s31 =	ssub.s32 s10, s11;
	[sflag:s3] =	ssyncset.done $0x0  }
0xb: {  	s8 =	sadd.s32 s9, s8;
	s9 =	smax.u32 s31, $0x1;
	[sflag:s3] =	ssyncadd.s32 $0xFFFFFF80  }
0xc: {  	[tilespmem:s6], [sflag:$0x1] =	stream.indirect.gather [hbm4b:s5+s6], $0x80, s2, s6, $0xb8;
	[tilespmem:$0x4080] =	vst v63  }
0xd: {  	p0 =	sne.s32 s9, $0x1;
	_ =	swait.ge [sflag:s7], $0x4000  }
.Ltmp0:
0xe: {  	[sflag:s7] =	ssyncset.done $0x0;
	(pc) =	sbr.rel @!p0 .LBB2_2-.Ltmp0, $4  }
0xf: {  	s8 =	sadd.s32 $0x85400, s8;
	[sflag:s7] =	ssyncadd.s32 $0xFFFFC000  }
0x10: {  	[hbm4b:s8+s2] =	stream.linear.scatter [tilespmem:s6], [sflag:$0x2], $0x4000, $0x38;
	[tilespmem:$0x4080] =	vst v63  }
0x11: {  	_ =	swait.ge [sflag:s3], $0x4000  }
0x12: {  	s9 =	sadd.s32 $0xFFFFFFFF, s9;
	[sflag:s3] =	ssyncset.done $0x0  }
.LBB2_1:
0x13: {  	p0 =	sne.s32 s9, $0x1;
	s9 =	sadd.s32 $0xFFFFFFFF, s9;
	[sflag:s3] =	ssyncadd.s32 $0xFFFFC000  }
0x14: {  	[tilespmem:s2], [sflag:$0x2] =	stream.linear.gather [hbm4b:s4+s2], $0x80, $0x38;
	[tilespmem:$0x4080] =	vst v63  }
0x15: {  	_ =	swait.ge [sflag:s3], $0x80  }
0x16: {  	[sflag:s3] =	ssyncset.done $0x0  }
0x17: {  	[sflag:s3] =	ssyncadd.s32 $0xFFFFFF80  }
0x18: {  	[tilespmem:s6], [sflag:$0x1] =	stream.indirect.gather [hbm4b:s5+s6], $0x80, s2, s6, $0xb8;
	[tilespmem:$0x4080] =	vst v63  }
0x19: {  	_ =	swait.ge [sflag:s7], $0x4000  }
.Ltmp1:
0x1a: {  	[sflag:s7] =	ssyncset.done $0x0;
	(pc) =	sbr.rel @p0 .LBB2_1-.Ltmp1, $4  }
0x1b: {  	[sflag:s7] =	ssyncadd.s32 $0xFFFFC000  }
0x1c: {  	[hbm4b:s8+s2] =	stream.linear.scatter [tilespmem:s6], [sflag:$0x2], $0x4000, $0x38;
	[tilespmem:$0x4080] =	vst v63  }
0x1d: {  	_ =	swait.ge [sflag:s3], $0x4000  }
0x1e: {  	[sflag:s3] =	ssyncset.done $0x0  }
.LBB2_2:
0x1f: {  	[sflag:s3] =	ssyncadd.s32 $0xFFFFC000  }
0x20: {  	_ =	sfence.sel $0x180000  }
0x21: {  	[bflag:$0x0] =	sbarrier.arrive $0xFFFF  }
0x22: {  	p0 =	sne.s32 s0, $0x0;
	_ =	strace $0x90000050  }
0x23: {  	s0 =	sadd.s32 @!p0 $0x100000, s1;
	[bflag:$0x2] =	sbarrier.arrive $0xFFFF  }
0x24: {  	[sflag:s0] =	ssyncadd.tile.s32 @!p0 $0x1;
	_ =	shalt  }
.Lfunc_end2:
_tile_overlayer_lowered:
.L_overlay_start_2:
0x25: {  	(tag) =	ssettag $0x2  }
0x26: {  	s0 =	rddreg [dreg:$0x0];
	s2 =	stileid.u32  }
0x27: {  	s1 =	rddreg [dreg:$0x1];
	p0 =	sne.s32 s2, $0x0  }
0x28: {  	s3 =	rddreg [dreg:$0x2];
	[bflag:$0x3] =	sbarrier.arrive $0xFFFF;
	s2 =	simm.s32 @!p0 $0x1C02  }
0x29: {  	[timem:s3], [sflag:s2] =	dma.local @!p0 [hbm:s0], s1  }
0x2a: {  	s0 =	simm.s32 @!p0 $0x2  }
0x2b: {  	_ =	swait.ge @!p0 [sflag:s0], s1  }
0x2c: {  	s1 =	ssub.s32 @!p0 $0x0, s1;
	[sflag:s0] =	ssyncset.done @!p0 $0x0  }
0x2d: {  	[sflag:s0] =	ssyncadd.s32 @!p0 s1  }
0x2e: {  	[bflag:$0x3] =	sbarrier.arrive $0xFFFF  }
0x2f: {  	_ =	shalt  }

// kernel: kernel.32.cloned.1.call-start
scs
__scs_entry_jumppad:
0x0: {  	(pc) =	sbr.rel $0x88, $3  }
0x1: {  	(tag) =	ssettag $0x0;
	lr =	simm.s32 $0x1  }
0x2: {  	[smem:$0x3F97] =	sst lr;
	_ =	strace $0xD0000000  }
0x3: {  	_ = 	snop  }
0x4: {  	_ = 	snop  }
0x5: {  	_ = 	snop  }
0x6: {  	_ = 	snop  }
0x7: {  	_ = 	snop  }
__scs_overlays_trampoline_lowered:
0x8: {  	[smem:$0x3FA6] =	sst s0  }
0x9: {  	[smem:$0x3FA7] =	sst s1  }
0xa: {  	[smem:$0x3FA8] =	sst s2  }
0xb: {  	[smem:$0x3FA9] =	sst s3  }
0xc: {  	[smem:$0x3FAA] =	sst s4  }
0xd: {  	[smem:$0x3FAB] =	sst s5  }
0xe: {  	[smem:$0x3FAC] =	sst s6  }
0xf: {  	[smem:$0x3FAD] =	sst s7  }
0x10: {  	[smem:$0x3FAE] =	sst s8  }
0x11: {  	[smem:$0x3FAF] =	sst s9;
	s0 =	simm.s32 @!p0 $0x0  }
0x12: {  	s1 =	sld [smem:$0x3F95];
	s0 =	simm.s32 @p0 $0x1  }
0x13: {  	[smem:$0x3FB0] =	sst s0;
	s0 =	simm.s32 @!p1 $0x0  }
0x14: {  	s2 =	sld [smem:$0x3F94];
	s0 =	simm.s32 @p1 $0x1  }
0x15: {  	[smem:$0x3FB1] =	sst s0;
	s0 =	simm.s32 @!p2 $0x0  }
0x16: {  	s3 =	sld [smem:$0x3FDB];
	s0 =	simm.s32 @p2 $0x1  }
0x17: {  	s4 =	simm.s32 $0x1BF5;
	[smem:$0x3FB3] =	sst s0  }
0x18: {  	s0 =	sld [smem:$0x3F96];
	_ =	swait.ge [sflag:s4], $0x0  }
0x19: {  	s7 =	sld [smem:$0x3F97]  }
0x1a: {  	s8 =	sadd.s32 $0xFFFFE003, lr  }
0x1b: {  	s9 =	sadd.s32 $0xFFFFFEF7, lr;
	s5 =	simm.s32 $0xFFFFFFFF;
	p2 =	slt.u32 s8, $0xFFFFF086  }
0x1c: {  	p1 =	slt.u32 s9, $0xF7A;
	s5 =	simm.s32 @!p2 $0x0  }
0x1d: {  	s5 =	simm.s32 @p1 $0x1;
	p0 =	seq.s32 s7, s2  }
0x1e: {  	s7 =	smul.u32 @!p0 $0xF7A, s2;
	p2 =	seq.s32 @!p0 s5, $0x0  }
0x1f: {  	s9 =	smul.u32 $0xF7A, s1;
	s8 =	simm.s32 @!p0 $0x1BF5;
	p2 =	por !p2, p0  }
0x20: {  	[sflag:s8] =	ssyncset.s32 @!p0 $0xFFFFF086;
	s6 =	sadd.s32 @!p0 s3, s7;
	s7 =	simm.s32 @!p0 $0x108  }
0x21: {  	s3 =	sadd.s32 s3, s9;
	s6 =	sadd.s32 @!p0 $0x88, s6;
	s7 =	simm.s32 @p2 $0x1082  }
0x22: {  	[simem:s7], [sflag:s8] =	dma.local @!p0 [hbm:s6], $0xF7A  }
0x23: {  	s9 =	sor.u32 $0xD0000000, s2;
	s6 =	simm.s32 $0x108;
	_ =	swait.ge @!p0 [sflag:s8], $0x0  }
0x24: {  	s3 =	sadd.s32 $0x88, s3;
	s6 =	simm.s32 @!p1 $0x1082;
	[sflag:s4] =	ssyncset.s32 $0xFFFFF086  }
0x25: {  	[simem:s6], [sflag:s4] =	dma.local [hbm:s3], $0xF7A  }
0x26: {  	[smem:$0x3F97] =	sst s1;
	(tag) =	ssettag s2;
	_ =	strace s9  }
0x27: {  	s1 =	sld [smem:$0x3FA7]  }
0x28: {  	s2 =	sld [smem:$0x3FA8]  }
0x29: {  	s4 =	sld [smem:$0x3FAA]  }
0x2a: {  	p0 =	seq.s32 s5, $0x0;
	s5 =	sld [smem:$0x3FAB]  }
0x2b: {  	s6 =	sld [smem:$0x3FAC]  }
0x2c: {  	s7 =	sld [smem:$0x3FAD]  }
0x2d: {  	s3 =	simm.s32 $0x108;
	s8 =	sld [smem:$0x3FAE]  }
0x2e: {  	s3 =	simm.s32 @!p0 $0x1082;
	s9 =	sld [smem:$0x3FAF]  }
0x2f: {  	lr =	sadd.s32 s0, s3;
	s0 =	sld [smem:$0x3FA6]  }
0x30: {  	s3 =	sld [smem:$0x3FA9]  }
0x31: {  	[smem:$0x3FB2] =	sst s10  }
0x32: {  	s10 =	sld [smem:$0x3FB0];
	_ =	sdelay $0x3  }
0x33: {  	p0 =	seq.s32 s10, $0x1;
	s10 =	sld [smem:$0x3FB2];
	_ =	sdelay $0x3  }
0x34: {  	[smem:$0x3FB2] =	sst s10  }
0x35: {  	s10 =	sld [smem:$0x3FB1];
	_ =	sdelay $0x3  }
0x36: {  	p1 =	seq.s32 s10, $0x1;
	s10 =	sld [smem:$0x3FB2];
	_ =	sdelay $0x3  }
0x37: {  	[smem:$0x3FB2] =	sst s10  }
0x38: {  	s10 =	sld [smem:$0x3FB3]  }
0x39: {  	_ = 	snop;
	(pc) =	sbr.ind lr, $3  }
0x3a: {  	_ = 	snop  }
0x3b: {  	_ = 	snop  }
0x3c: {  	p2 =	seq.s32 s10, $0x1;
	s10 =	sld [smem:$0x3FB2]  }
0x3d: {  	_ =	shalt  }
0x3e: {  	_ =	shalt  }
0x3f: {  	_ =	shalt  }
0x40: {  	_ =	shalt  }
0x41: {  	_ =	shalt  }
0x42: {  	_ =	shalt  }
0x43: {  	_ =	shalt  }
0x44: {  	_ =	shalt  }
0x45: {  	_ =	shalt  }
0x46: {  	_ =	shalt  }
0x47: {  	_ =	shalt  }
0x48: {  	_ =	shalt  }
0x49: {  	_ =	shalt  }
0x4a: {  	_ =	shalt  }
0x4b: {  	_ =	shalt  }
0x4c: {  	_ =	shalt  }
0x4d: {  	_ =	shalt  }
0x4e: {  	_ =	shalt  }
0x4f: {  	_ =	shalt  }
0x50: {  	_ =	shalt  }
0x51: {  	_ =	shalt  }
0x52: {  	_ =	shalt  }
0x53: {  	_ =	shalt  }
0x54: {  	_ =	shalt  }
0x55: {  	_ =	shalt  }
0x56: {  	_ =	shalt  }
0x57: {  	_ =	shalt  }
0x58: {  	_ =	shalt  }
0x59: {  	_ =	shalt  }
0x5a: {  	_ =	shalt  }
0x5b: {  	_ =	shalt  }
0x5c: {  	_ =	shalt  }
0x5d: {  	_ =	shalt  }
0x5e: {  	_ =	shalt  }
0x5f: {  	_ =	shalt  }
0x60: {  	_ =	shalt  }
0x61: {  	_ =	shalt  }
0x62: {  	_ =	shalt  }
0x63: {  	_ =	shalt  }
0x64: {  	_ =	shalt  }
0x65: {  	_ =	shalt  }
0x66: {  	_ =	shalt  }
0x67: {  	_ =	shalt  }
0x68: {  	_ =	shalt  }
0x69: {  	_ =	shalt  }
0x6a: {  	_ =	shalt  }
0x6b: {  	_ =	shalt  }
0x6c: {  	_ =	shalt  }
0x6d: {  	_ =	shalt  }
0x6e: {  	_ =	shalt  }
0x6f: {  	_ =	shalt  }
0x70: {  	_ =	shalt  }
0x71: {  	_ =	shalt  }
0x72: {  	_ =	shalt  }
0x73: {  	_ =	shalt  }
0x74: {  	_ =	shalt  }
0x75: {  	_ =	shalt  }
0x76: {  	_ =	shalt  }
0x77: {  	_ =	shalt  }
0x78: {  	_ =	shalt  }
0x79: {  	_ =	shalt  }
0x7a: {  	_ =	shalt  }
0x7b: {  	_ =	shalt  }
0x7c: {  	_ =	shalt  }
0x7d: {  	_ =	shalt  }
0x7e: {  	_ =	shalt  }
0x7f: {  	_ =	shalt  }
0x80: {  	_ =	shalt  }
0x81: {  	_ =	shalt  }
0x82: {  	_ =	shalt  }
0x83: {  	_ =	shalt  }
0x84: {  	_ =	shalt  }
0x85: {  	_ =	shalt  }
0x86: {  	_ =	shalt  }
0x87: {  	_ =	shalt  }
.Lfunc_end0:
.L_simem_size_0:
called_computation.4_lowered:
.L_overlay_start_0:
0x88: {  	s2 =	sld [smem:$0x3FD9]  }
0x89: {  	s3 =	sld [smem:$0x3FFE];
	_ =	sdelay $0x1  }
0x8a: {  	s1 =	srdreg.scid  }
0x8b: {  	s0 =	sand.u32 $0x1, s1  }
0x8c: {  	s16 =	sshll.u32 s0, $0xA;
	s2 =	sadd.s32 s3, s2  }
0x8d: {  	s2 =	sadd.s32 s2, s16  }
0x8e: {  	[smem:$0x3FBE] =	sst s2  }
0x8f: {  	_ = 	snop  }
0x90: {  	(tm) =	ssettm $0x1  }
0x91: {  	s17 =	sld [smem:$0x3FFB];
	_ =	sdelay $0x3  }
0x92: {  	_ =	strace s17  }
0x93: {  	s2 =	sld [smem:$0x3FFC];
	_ =	sdelay $0x3  }
0x94: {  	_ =	strace s2  }
0x95: {  	s2 =	sld [smem:$0x3FFD];
	_ =	sdelay $0x3  }
0x96: {  	_ =	strace s2  }
0x97: {  	_ =	strace $0x8FFFFFFF  }
0x98: {  	s18 =	sld [smem:$0x3FDB];
	_ =	sdelay $0x1  }
0x99: {  	s19 =	simm.s32 $_scs_section_size  }
0x9a: {  	s4 =	simm.s32 $_size__tile_overlayer_lowered;
	s5 =	simm.s32 $_tile_overlayer_lowered  }
0x9b: {  	s22 =	simm.s32 $0x1BFF;
	s21 =	sshll.u32 s5, $0x1;
	s2 =	sadd.s32 s19, s18  }
0x9c: {  	s6 =	simm.s32 $0x0;
	s20 =	sshll.u32 s4, $0x1;
	s4 =	sadd.s32 s21, s2  }
0x9d: {  	[timem:s6], [sflag:s22] =	dma.local [hbm:s4], s20  }
0x9e: {  	_ =	swait.ge [sflag:s22], s20  }
0x9f: {  	s3 =	ssub.s32 $0x0, s20;
	[sflag:s22] =	ssyncset.done $0x0  }
0xa0: {  	[sflag:s22] =	ssyncadd.s32 s3;
	_ =	sdelay $0x1  }
0xa1: {  	s23 =	simm.s32 $0x1B8B  }
0xa2: {  	_ =	swait.ge [sflag:s23], $0x1  }
0xa3: {  	[sflag:s23] =	ssyncset.done $0x0  }
0xa4: {  	s25 =	simm.s32 $0x1B8E;
	s24 =	sld [smem:$0x3FFE];
	[sflag:s23] =	ssyncadd.s32 $0xFFFFFFFF  }
0xa5: {  	s26 =	simm.s32 $execute0_lowered;
	[smem:$0x3FD2] =	sst s25  }
0xa6: {  	s4 =	sshll.u32 s26, $0x1;
	_ =	strace $0x80000052;
	[dreg:$0x1] =	wrdreg $0xFFFFFFFF  }
0xa7: {  	s28 =	simm.s32 $_size_execute0_lowered;
	s2 =	sadd.s32 s2, s4;
	[dreg:$0x0] =	wrdreg $0x0  }
0xa8: {  	s4 =	sshll.u32 s28, $0x1;
	[dreg:$0x2] =	wrdreg s2  }
0xa9: {  	[dreg:$0x3] =	wrdreg s4  }
0xaa: {  	[dreg:$0x4] =	wrdreg $0xC0  }
0xab: {  	_ =	task [dreg:s6], $0x5FFFF  }
0xac: {  	[dreg:$0x1] =	wrdreg $0xFFFFFFFF  }
0xad: {  	[dreg:$0x0] =	wrdreg $0x60  }
0xae: {  	[dreg:$0x2] =	wrdreg s24  }
0xaf: {  	[dreg:$0x3] =	wrdreg $0x9  }
0xb0: {  	_ =	task.clear_ibuf [dreg:s6], $0x4FFFF;
	_ =	strace $0x90000052  }
0xb1: {  	s29 =	simm.s32 $0x9;
	_ =	strace $0x80000054  }
0xb2: {  	_ =	swait.ge [sflag:s29], $0x1  }
0xb3: {  	[sflag:s29] =	ssyncadd.s32 $0xFFFFFFFF  }
0xb4: {  	_ =	strace $0x90000054  }
0xb5: {  	_ =	sfence  }
0xb6: {  	s30 =	sld [smem:$0x0];
	_ =	sdelay $0x2  }
0xb7: {  	s31 =	sshll.u32 s1, $0xD;
	s1 =	sshrl.u32 s1, $0x2  }
0xb8: {  	s3 =	sand.u32 $0x4000, s31;
	s1 =	sadd.s32 s1, s30  }
0xb9: {  	s0 =	sor.u32 s3, s0;
	s1 =	sshll.u32 s1, $0x11  }
0xba: {  	s0 =	sor.u32 s1, s0  }
0xbb: {  	s0 =	sadd.s32 $0x8F2B, s0  }
0xbc: {  	[sflag:s0] =	ssyncadd.remote.s32 $0x1  }
0xbd: {  	_ =	sfence.sel $0xFFFF  }
0xbe: {  	[dreg:$0x0] =	wrdreg $0xFFFFFFFF;
	(pc) =	sbr.abs _section_cstart, $3  }
0xbf: {  	[dreg:$0x1] =	wrdreg $0xFFFFFFFF  }
0xc0: {  	_ =	task.clear_ibuf [dreg:s6], $0x2FFFF;
	_ =	strace $0x9FFFFFFF  }
0xc1: {  	(tm) =	ssettm $0x7FFFFFFF  }
tec
execute0_lowered:
.L_overlay_start_1:
0x0: {  	(tag) =	ssettag $0x1  }
0x1: {  	s1 =	srdreg.scid  }
0x2: {  	s0 =	stileid.u32;
	s6 =	sand.u32 $0x1, s1  }
0x3: {  	s8 =	rddreg [dreg:$0x0];
	s30 =	sshll.u32 s0, $0x8;
	s2 =	sshll.u32 s6, $0x7  }
0x4: {  	s7 =	simm.s32 $0x1;
	s1 =	rddreg [dreg:$0x1];
	s9 =	sor.u32 s2, s30  }
0x5: {  	s5 =	sadd.s32 $0x4400, s8;
	s2 =	simm.s32 $0x0;
	s3 =	sshrl.u32 s9, $0x3  }
0x6: {  	s10 =	ssub.s32 $0x2, s6;
	[smem:$0x7FF] =	sst s2;
	s3 =	sadd.s32 s3, s8  }
0x7: {  	_ =	strace $0x80000053;
	s4 =	sadd.s32 $0x84A00, s3;
	s3 =	simm.s32 $0x2  }
0x8: {  	[tilespmem:s2], [sflag:$0x2] =	stream.linear.gather [hbm4b:s4+s2], $0x80, $0x38;
	[tilespmem:$0x4080] =	vst v63  }
0x9: {  	s6 =	simm.s32 $0x80;
	s11 =	sshrl.u32 s10, $0x1;
	_ =	swait.ge [sflag:s3], $0x80  }
0xa: {  	s9 =	sshll.u32 s9, $0x4;
	s31 =	ssub.s32 s10, s11;
	[sflag:s3] =	ssyncset.done $0x0  }
0xb: {  	s8 =	sadd.s32 s9, s8;
	s9 =	smax.u32 s31, $0x1;
	[sflag:s3] =	ssyncadd.s32 $0xFFFFFF80  }
0xc: {  	[tilespmem:s6], [sflag:$0x1] =	stream.indirect.gather [hbm4b:s5+s6], $0x80, s2, s6, $0xb8;
	[tilespmem:$0x4080] =	vst v63  }
0xd: {  	p0 =	sne.s32 s9, $0x1;
	_ =	swait.ge [sflag:s7], $0x4000  }
.Ltmp0:
0xe: {  	[sflag:s7] =	ssyncset.done $0x0;
	(pc) =	sbr.rel @!p0 .LBB2_2-.Ltmp0, $4  }
0xf: {  	s8 =	sadd.s32 $0x85400, s8;
	[sflag:s7] =	ssyncadd.s32 $0xFFFFC000  }
0x10: {  	[hbm4b:s8+s2] =	stream.linear.scatter [tilespmem:s6], [sflag:$0x2], $0x4000, $0x38;
	[tilespmem:$0x4080] =	vst v63  }
0x11: {  	_ =	swait.ge [sflag:s3], $0x4000  }
0x12: {  	s9 =	sadd.s32 $0xFFFFFFFF, s9;
	[sflag:s3] =	ssyncset.done $0x0  }
.LBB2_1:
0x13: {  	p0 =	sne.s32 s9, $0x1;
	s9 =	sadd.s32 $0xFFFFFFFF, s9;
	[sflag:s3] =	ssyncadd.s32 $0xFFFFC000  }
0x14: {  	[tilespmem:s2], [sflag:$0x2] =	stream.linear.gather [hbm4b:s4+s2], $0x80, $0x38;
	[tilespmem:$0x4080] =	vst v63  }
0x15: {  	_ =	swait.ge [sflag:s3], $0x80  }
0x16: {  	[sflag:s3] =	ssyncset.done $0x0  }
0x17: {  	[sflag:s3] =	ssyncadd.s32 $0xFFFFFF80  }
0x18: {  	[tilespmem:s6], [sflag:$0x1] =	stream.indirect.gather [hbm4b:s5+s6], $0x80, s2, s6, $0xb8;
	[tilespmem:$0x4080] =	vst v63  }
0x19: {  	_ =	swait.ge [sflag:s7], $0x4000  }
.Ltmp1:
0x1a: {  	[sflag:s7] =	ssyncset.done $0x0;
	(pc) =	sbr.rel @p0 .LBB2_1-.Ltmp1, $4  }
0x1b: {  	[sflag:s7] =	ssyncadd.s32 $0xFFFFC000  }
0x1c: {  	[hbm4b:s8+s2] =	stream.linear.scatter [tilespmem:s6], [sflag:$0x2], $0x4000, $0x38;
	[tilespmem:$0x4080] =	vst v63  }
0x1d: {  	_ =	swait.ge [sflag:s3], $0x4000  }
0x1e: {  	[sflag:s3] =	ssyncset.done $0x0  }
.LBB2_2:
0x1f: {  	[sflag:s3] =	ssyncadd.s32 $0xFFFFC000  }
0x20: {  	_ =	sfence.sel $0x180000  }
0x21: {  	[bflag:$0x0] =	sbarrier.arrive $0xFFFF  }
0x22: {  	p0 =	sne.s32 s0, $0x0;
	_ =	strace $0x90000053  }
0x23: {  	s0 =	sadd.s32 @!p0 $0x100000, s1;
	[bflag:$0x2] =	sbarrier.arrive $0xFFFF  }
0x24: {  	[sflag:s0] =	ssyncadd.tile.s32 @!p0 $0x1;
	_ =	shalt  }
.Lfunc_end2:
_tile_overlayer_lowered:
.L_overlay_start_2:
0x25: {  	(tag) =	ssettag $0x2  }
0x26: {  	s0 =	rddreg [dreg:$0x0];
	s2 =	stileid.u32  }
0x27: {  	s1 =	rddreg [dreg:$0x1];
	p0 =	sne.s32 s2, $0x0  }
0x28: {  	s3 =	rddreg [dreg:$0x2];
	[bflag:$0x3] =	sbarrier.arrive $0xFFFF;
	s2 =	simm.s32 @!p0 $0x1C02  }
0x29: {  	[timem:s3], [sflag:s2] =	dma.local @!p0 [hbm:s0], s1  }
0x2a: {  	s0 =	simm.s32 @!p0 $0x2  }
0x2b: {  	_ =	swait.ge @!p0 [sflag:s0], s1  }
0x2c: {  	s1 =	ssub.s32 @!p0 $0x0, s1;
	[sflag:s0] =	ssyncset.done @!p0 $0x0  }
0x2d: {  	[sflag:s0] =	ssyncadd.s32 @!p0 s1  }
0x2e: {  	[bflag:$0x3] =	sbarrier.arrive $0xFFFF  }
0x2f: {  	_ =	shalt  }

// kernel: kernel.35.cloned.1.call-start
scs
__scs_entry_jumppad:
0x0: {  	(pc) =	sbr.rel $0x88, $3  }
0x1: {  	(tag) =	ssettag $0x0;
	lr =	simm.s32 $0x1  }
0x2: {  	[smem:$0x3F97] =	sst lr;
	_ =	strace $0xD0000000  }
0x3: {  	_ = 	snop  }
0x4: {  	_ = 	snop  }
0x5: {  	_ = 	snop  }
0x6: {  	_ = 	snop  }
0x7: {  	_ = 	snop  }
__scs_overlays_trampoline_lowered:
0x8: {  	[smem:$0x3FA6] =	sst s0  }
0x9: {  	[smem:$0x3FA7] =	sst s1  }
0xa: {  	[smem:$0x3FA8] =	sst s2  }
0xb: {  	[smem:$0x3FA9] =	sst s3  }
0xc: {  	[smem:$0x3FAA] =	sst s4  }
0xd: {  	[smem:$0x3FAB] =	sst s5  }
0xe: {  	[smem:$0x3FAC] =	sst s6  }
0xf: {  	[smem:$0x3FAD] =	sst s7  }
0x10: {  	[smem:$0x3FAE] =	sst s8  }
0x11: {  	[smem:$0x3FAF] =	sst s9;
	s0 =	simm.s32 @!p0 $0x0  }
0x12: {  	s1 =	sld [smem:$0x3F95];
	s0 =	simm.s32 @p0 $0x1  }
0x13: {  	[smem:$0x3FB0] =	sst s0;
	s0 =	simm.s32 @!p1 $0x0  }
0x14: {  	s2 =	sld [smem:$0x3F94];
	s0 =	simm.s32 @p1 $0x1  }
0x15: {  	[smem:$0x3FB1] =	sst s0;
	s0 =	simm.s32 @!p2 $0x0  }
0x16: {  	s3 =	sld [smem:$0x3FDB];
	s0 =	simm.s32 @p2 $0x1  }
0x17: {  	s4 =	simm.s32 $0x1BF5;
	[smem:$0x3FB3] =	sst s0  }
0x18: {  	s0 =	sld [smem:$0x3F96];
	_ =	swait.ge [sflag:s4], $0x0  }
0x19: {  	s7 =	sld [smem:$0x3F97]  }
0x1a: {  	s8 =	sadd.s32 $0xFFFFE003, lr  }
0x1b: {  	s9 =	sadd.s32 $0xFFFFFEF7, lr;
	s5 =	simm.s32 $0xFFFFFFFF;
	p2 =	slt.u32 s8, $0xFFFFF086  }
0x1c: {  	p1 =	slt.u32 s9, $0xF7A;
	s5 =	simm.s32 @!p2 $0x0  }
0x1d: {  	s5 =	simm.s32 @p1 $0x1;
	p0 =	seq.s32 s7, s2  }
0x1e: {  	s7 =	smul.u32 @!p0 $0xF7A, s2;
	p2 =	seq.s32 @!p0 s5, $0x0  }
0x1f: {  	s9 =	smul.u32 $0xF7A, s1;
	s8 =	simm.s32 @!p0 $0x1BF5;
	p2 =	por !p2, p0  }
0x20: {  	[sflag:s8] =	ssyncset.s32 @!p0 $0xFFFFF086;
	s6 =	sadd.s32 @!p0 s3, s7;
	s7 =	simm.s32 @!p0 $0x108  }
0x21: {  	s3 =	sadd.s32 s3, s9;
	s6 =	sadd.s32 @!p0 $0x88, s6;
	s7 =	simm.s32 @p2 $0x1082  }
0x22: {  	[simem:s7], [sflag:s8] =	dma.local @!p0 [hbm:s6], $0xF7A  }
0x23: {  	s9 =	sor.u32 $0xD0000000, s2;
	s6 =	simm.s32 $0x108;
	_ =	swait.ge @!p0 [sflag:s8], $0x0  }
0x24: {  	s3 =	sadd.s32 $0x88, s3;
	s6 =	simm.s32 @!p1 $0x1082;
	[sflag:s4] =	ssyncset.s32 $0xFFFFF086  }
0x25: {  	[simem:s6], [sflag:s4] =	dma.local [hbm:s3], $0xF7A  }
0x26: {  	[smem:$0x3F97] =	sst s1;
	(tag) =	ssettag s2;
	_ =	strace s9  }
0x27: {  	s1 =	sld [smem:$0x3FA7]  }
0x28: {  	s2 =	sld [smem:$0x3FA8]  }
0x29: {  	s4 =	sld [smem:$0x3FAA]  }
0x2a: {  	p0 =	seq.s32 s5, $0x0;
	s5 =	sld [smem:$0x3FAB]  }
0x2b: {  	s6 =	sld [smem:$0x3FAC]  }
0x2c: {  	s7 =	sld [smem:$0x3FAD]  }
0x2d: {  	s3 =	simm.s32 $0x108;
	s8 =	sld [smem:$0x3FAE]  }
0x2e: {  	s3 =	simm.s32 @!p0 $0x1082;
	s9 =	sld [smem:$0x3FAF]  }
0x2f: {  	lr =	sadd.s32 s0, s3;
	s0 =	sld [smem:$0x3FA6]  }
0x30: {  	s3 =	sld [smem:$0x3FA9]  }
0x31: {  	[smem:$0x3FB2] =	sst s10  }
0x32: {  	s10 =	sld [smem:$0x3FB0];
	_ =	sdelay $0x3  }
0x33: {  	p0 =	seq.s32 s10, $0x1;
	s10 =	sld [smem:$0x3FB2];
	_ =	sdelay $0x3  }
0x34: {  	[smem:$0x3FB2] =	sst s10  }
0x35: {  	s10 =	sld [smem:$0x3FB1];
	_ =	sdelay $0x3  }
0x36: {  	p1 =	seq.s32 s10, $0x1;
	s10 =	sld [smem:$0x3FB2];
	_ =	sdelay $0x3  }
0x37: {  	[smem:$0x3FB2] =	sst s10  }
0x38: {  	s10 =	sld [smem:$0x3FB3]  }
0x39: {  	_ = 	snop;
	(pc) =	sbr.ind lr, $3  }
0x3a: {  	_ = 	snop  }
0x3b: {  	_ = 	snop  }
0x3c: {  	p2 =	seq.s32 s10, $0x1;
	s10 =	sld [smem:$0x3FB2]  }
0x3d: {  	_ =	shalt  }
0x3e: {  	_ =	shalt  }
0x3f: {  	_ =	shalt  }
0x40: {  	_ =	shalt  }
0x41: {  	_ =	shalt  }
0x42: {  	_ =	shalt  }
0x43: {  	_ =	shalt  }
0x44: {  	_ =	shalt  }
0x45: {  	_ =	shalt  }
0x46: {  	_ =	shalt  }
0x47: {  	_ =	shalt  }
0x48: {  	_ =	shalt  }
0x49: {  	_ =	shalt  }
0x4a: {  	_ =	shalt  }
0x4b: {  	_ =	shalt  }
0x4c: {  	_ =	shalt  }
0x4d: {  	_ =	shalt  }
0x4e: {  	_ =	shalt  }
0x4f: {  	_ =	shalt  }
0x50: {  	_ =	shalt  }
0x51: {  	_ =	shalt  }
0x52: {  	_ =	shalt  }
0x53: {  	_ =	shalt  }
0x54: {  	_ =	shalt  }
0x55: {  	_ =	shalt  }
0x56: {  	_ =	shalt  }
0x57: {  	_ =	shalt  }
0x58: {  	_ =	shalt  }
0x59: {  	_ =	shalt  }
0x5a: {  	_ =	shalt  }
0x5b: {  	_ =	shalt  }
0x5c: {  	_ =	shalt  }
0x5d: {  	_ =	shalt  }
0x5e: {  	_ =	shalt  }
0x5f: {  	_ =	shalt  }
0x60: {  	_ =	shalt  }
0x61: {  	_ =	shalt  }
0x62: {  	_ =	shalt  }
0x63: {  	_ =	shalt  }
0x64: {  	_ =	shalt  }
0x65: {  	_ =	shalt  }
0x66: {  	_ =	shalt  }
0x67: {  	_ =	shalt  }
0x68: {  	_ =	shalt  }
0x69: {  	_ =	shalt  }
0x6a: {  	_ =	shalt  }
0x6b: {  	_ =	shalt  }
0x6c: {  	_ =	shalt  }
0x6d: {  	_ =	shalt  }
0x6e: {  	_ =	shalt  }
0x6f: {  	_ =	shalt  }
0x70: {  	_ =	shalt  }
0x71: {  	_ =	shalt  }
0x72: {  	_ =	shalt  }
0x73: {  	_ =	shalt  }
0x74: {  	_ =	shalt  }
0x75: {  	_ =	shalt  }
0x76: {  	_ =	shalt  }
0x77: {  	_ =	shalt  }
0x78: {  	_ =	shalt  }
0x79: {  	_ =	shalt  }
0x7a: {  	_ =	shalt  }
0x7b: {  	_ =	shalt  }
0x7c: {  	_ =	shalt  }
0x7d: {  	_ =	shalt  }
0x7e: {  	_ =	shalt  }
0x7f: {  	_ =	shalt  }
0x80: {  	_ =	shalt  }
0x81: {  	_ =	shalt  }
0x82: {  	_ =	shalt  }
0x83: {  	_ =	shalt  }
0x84: {  	_ =	shalt  }
0x85: {  	_ =	shalt  }
0x86: {  	_ =	shalt  }
0x87: {  	_ =	shalt  }
.Lfunc_end0:
.L_simem_size_0:
called_computation.5_lowered:
.L_overlay_start_0:
0x88: {  	s2 =	sld [smem:$0x3FD9]  }
0x89: {  	s3 =	sld [smem:$0x3FFE];
	_ =	sdelay $0x1  }
0x8a: {  	s1 =	srdreg.scid  }
0x8b: {  	s0 =	sand.u32 $0x1, s1  }
0x8c: {  	s16 =	sshll.u32 s0, $0xA;
	s2 =	sadd.s32 s3, s2  }
0x8d: {  	s2 =	sadd.s32 s2, s16  }
0x8e: {  	[smem:$0x3FBE] =	sst s2  }
0x8f: {  	_ = 	snop  }
0x90: {  	(tm) =	ssettm $0x1  }
0x91: {  	s17 =	sld [smem:$0x3FFB];
	_ =	sdelay $0x3  }
0x92: {  	_ =	strace s17  }
0x93: {  	s2 =	sld [smem:$0x3FFC];
	_ =	sdelay $0x3  }
0x94: {  	_ =	strace s2  }
0x95: {  	s2 =	sld [smem:$0x3FFD];
	_ =	sdelay $0x3  }
0x96: {  	_ =	strace s2  }
0x97: {  	_ =	strace $0x8FFFFFFF  }
0x98: {  	s18 =	sld [smem:$0x3FDB];
	_ =	sdelay $0x1  }
0x99: {  	s19 =	simm.s32 $_scs_section_size  }
0x9a: {  	s4 =	simm.s32 $_size__tile_overlayer_lowered;
	s5 =	simm.s32 $_tile_overlayer_lowered  }
0x9b: {  	s22 =	simm.s32 $0x1BFF;
	s21 =	sshll.u32 s5, $0x1;
	s2 =	sadd.s32 s19, s18  }
0x9c: {  	s6 =	simm.s32 $0x0;
	s20 =	sshll.u32 s4, $0x1;
	s4 =	sadd.s32 s21, s2  }
0x9d: {  	[timem:s6], [sflag:s22] =	dma.local [hbm:s4], s20  }
0x9e: {  	_ =	swait.ge [sflag:s22], s20  }
0x9f: {  	s3 =	ssub.s32 $0x0, s20;
	[sflag:s22] =	ssyncset.done $0x0  }
0xa0: {  	[sflag:s22] =	ssyncadd.s32 s3;
	_ =	sdelay $0x1  }
0xa1: {  	s23 =	simm.s32 $0x1B8B  }
0xa2: {  	_ =	swait.ge [sflag:s23], $0x1  }
0xa3: {  	[sflag:s23] =	ssyncset.done $0x0  }
0xa4: {  	s25 =	simm.s32 $0x1B8E;
	s24 =	sld [smem:$0x3FFE];
	[sflag:s23] =	ssyncadd.s32 $0xFFFFFFFF  }
0xa5: {  	s26 =	simm.s32 $execute0_lowered;
	[smem:$0x3FD2] =	sst s25  }
0xa6: {  	s4 =	sshll.u32 s26, $0x1;
	_ =	strace $0x80000055;
	[dreg:$0x1] =	wrdreg $0xFFFFFFFF  }
0xa7: {  	s28 =	simm.s32 $_size_execute0_lowered;
	s2 =	sadd.s32 s2, s4;
	[dreg:$0x0] =	wrdreg $0x0  }
0xa8: {  	s4 =	sshll.u32 s28, $0x1;
	[dreg:$0x2] =	wrdreg s2  }
0xa9: {  	[dreg:$0x3] =	wrdreg s4  }
0xaa: {  	[dreg:$0x4] =	wrdreg $0xC0  }
0xab: {  	_ =	task [dreg:s6], $0x5FFFF  }
0xac: {  	[dreg:$0x1] =	wrdreg $0xFFFFFFFF  }
0xad: {  	[dreg:$0x0] =	wrdreg $0x60  }
0xae: {  	[dreg:$0x2] =	wrdreg s24  }
0xaf: {  	[dreg:$0x3] =	wrdreg $0x9  }
0xb0: {  	_ =	task.clear_ibuf [dreg:s6], $0x4FFFF;
	_ =	strace $0x90000055  }
0xb1: {  	s29 =	simm.s32 $0x9;
	_ =	strace $0x80000057  }
0xb2: {  	_ =	swait.ge [sflag:s29], $0x1  }
0xb3: {  	[sflag:s29] =	ssyncadd.s32 $0xFFFFFFFF  }
0xb4: {  	_ =	strace $0x90000057  }
0xb5: {  	_ =	sfence  }
0xb6: {  	s30 =	sld [smem:$0x0];
	_ =	sdelay $0x2  }
0xb7: {  	s31 =	sshll.u32 s1, $0xD;
	s1 =	sshrl.u32 s1, $0x2  }
0xb8: {  	s3 =	sand.u32 $0x4000, s31;
	s1 =	sadd.s32 s1, s30  }
0xb9: {  	s0 =	sor.u32 s3, s0;
	s1 =	sshll.u32 s1, $0x11  }
0xba: {  	s0 =	sor.u32 s1, s0  }
0xbb: {  	s0 =	sadd.s32 $0x8F2B, s0  }
0xbc: {  	[sflag:s0] =	ssyncadd.remote.s32 $0x1  }
0xbd: {  	_ =	sfence.sel $0xFFFF  }
0xbe: {  	[dreg:$0x0] =	wrdreg $0xFFFFFFFF;
	(pc) =	sbr.abs _section_cstart, $3  }
0xbf: {  	[dreg:$0x1] =	wrdreg $0xFFFFFFFF  }
0xc0: {  	_ =	task.clear_ibuf [dreg:s6], $0x2FFFF;
	_ =	strace $0x9FFFFFFF  }
0xc1: {  	(tm) =	ssettm $0x7FFFFFFF  }
tec
execute0_lowered:
.L_overlay_start_1:
0x0: {  	(tag) =	ssettag $0x1  }
0x1: {  	s1 =	srdreg.scid  }
0x2: {  	s0 =	stileid.u32;
	s6 =	sand.u32 $0x1, s1  }
0x3: {  	s8 =	rddreg [dreg:$0x0];
	s30 =	sshll.u32 s0, $0x8;
	s2 =	sshll.u32 s6, $0x7  }
0x4: {  	s7 =	simm.s32 $0x1;
	s1 =	rddreg [dreg:$0x1];
	s9 =	sor.u32 s2, s30  }
0x5: {  	s5 =	sadd.s32 $0x4400, s8;
	s2 =	simm.s32 $0x0;
	s3 =	sshrl.u32 s9, $0x3  }
0x6: {  	s10 =	ssub.s32 $0x2, s6;
	[smem:$0x7FF] =	sst s2;
	s3 =	sadd.s32 s3, s8  }
0x7: {  	_ =	strace $0x80000056;
	s4 =	sadd.s32 $0x84C00, s3;
	s3 =	simm.s32 $0x2  }
0x8: {  	[tilespmem:s2], [sflag:$0x2] =	stream.linear.gather [hbm4b:s4+s2], $0x80, $0x38;
	[tilespmem:$0x4080] =	vst v63  }
0x9: {  	s6 =	simm.s32 $0x80;
	s11 =	sshrl.u32 s10, $0x1;
	_ =	swait.ge [sflag:s3], $0x80  }
0xa: {  	s9 =	sshll.u32 s9, $0x4;
	s31 =	ssub.s32 s10, s11;
	[sflag:s3] =	ssyncset.done $0x0  }
0xb: {  	s8 =	sadd.s32 s9, s8;
	s9 =	smax.u32 s31, $0x1;
	[sflag:s3] =	ssyncadd.s32 $0xFFFFFF80  }
0xc: {  	[tilespmem:s6], [sflag:$0x1] =	stream.indirect.gather [hbm4b:s5+s6], $0x80, s2, s6, $0xb8;
	[tilespmem:$0x4080] =	vst v63  }
0xd: {  	p0 =	sne.s32 s9, $0x1;
	_ =	swait.ge [sflag:s7], $0x4000  }
.Ltmp0:
0xe: {  	[sflag:s7] =	ssyncset.done $0x0;
	(pc) =	sbr.rel @!p0 .LBB2_2-.Ltmp0, $4  }
0xf: {  	s8 =	sadd.s32 $0x85400, s8;
	[sflag:s7] =	ssyncadd.s32 $0xFFFFC000  }
0x10: {  	[hbm4b:s8+s2] =	stream.linear.scatter [tilespmem:s6], [sflag:$0x2], $0x4000, $0x38;
	[tilespmem:$0x4080] =	vst v63  }
0x11: {  	_ =	swait.ge [sflag:s3], $0x4000  }
0x12: {  	s9 =	sadd.s32 $0xFFFFFFFF, s9;
	[sflag:s3] =	ssyncset.done $0x0  }
.LBB2_1:
0x13: {  	p0 =	sne.s32 s9, $0x1;
	s9 =	sadd.s32 $0xFFFFFFFF, s9;
	[sflag:s3] =	ssyncadd.s32 $0xFFFFC000  }
0x14: {  	[tilespmem:s2], [sflag:$0x2] =	stream.linear.gather [hbm4b:s4+s2], $0x80, $0x38;
	[tilespmem:$0x4080] =	vst v63  }
0x15: {  	_ =	swait.ge [sflag:s3], $0x80  }
0x16: {  	[sflag:s3] =	ssyncset.done $0x0  }
0x17: {  	[sflag:s3] =	ssyncadd.s32 $0xFFFFFF80  }
0x18: {  	[tilespmem:s6], [sflag:$0x1] =	stream.indirect.gather [hbm4b:s5+s6], $0x80, s2, s6, $0xb8;
	[tilespmem:$0x4080] =	vst v63  }
0x19: {  	_ =	swait.ge [sflag:s7], $0x4000  }
.Ltmp1:
0x1a: {  	[sflag:s7] =	ssyncset.done $0x0;
	(pc) =	sbr.rel @p0 .LBB2_1-.Ltmp1, $4  }
0x1b: {  	[sflag:s7] =	ssyncadd.s32 $0xFFFFC000  }
0x1c: {  	[hbm4b:s8+s2] =	stream.linear.scatter [tilespmem:s6], [sflag:$0x2], $0x4000, $0x38;
	[tilespmem:$0x4080] =	vst v63  }
0x1d: {  	_ =	swait.ge [sflag:s3], $0x4000  }
0x1e: {  	[sflag:s3] =	ssyncset.done $0x0  }
.LBB2_2:
0x1f: {  	[sflag:s3] =	ssyncadd.s32 $0xFFFFC000  }
0x20: {  	_ =	sfence.sel $0x180000  }
0x21: {  	[bflag:$0x0] =	sbarrier.arrive $0xFFFF  }
0x22: {  	p0 =	sne.s32 s0, $0x0;
	_ =	strace $0x90000056  }
0x23: {  	s0 =	sadd.s32 @!p0 $0x100000, s1;
	[bflag:$0x2] =	sbarrier.arrive $0xFFFF  }
0x24: {  	[sflag:s0] =	ssyncadd.tile.s32 @!p0 $0x1;
	_ =	shalt  }
.Lfunc_end2:
_tile_overlayer_lowered:
.L_overlay_start_2:
0x25: {  	(tag) =	ssettag $0x2  }
0x26: {  	s0 =	rddreg [dreg:$0x0];
	s2 =	stileid.u32  }
0x27: {  	s1 =	rddreg [dreg:$0x1];
	p0 =	sne.s32 s2, $0x0  }
0x28: {  	s3 =	rddreg [dreg:$0x2];
	[bflag:$0x3] =	sbarrier.arrive $0xFFFF;
	s2 =	simm.s32 @!p0 $0x1C02  }
0x29: {  	[timem:s3], [sflag:s2] =	dma.local @!p0 [hbm:s0], s1  }
0x2a: {  	s0 =	simm.s32 @!p0 $0x2  }
0x2b: {  	_ =	swait.ge @!p0 [sflag:s0], s1  }
0x2c: {  	s1 =	ssub.s32 @!p0 $0x0, s1;
	[sflag:s0] =	ssyncset.done @!p0 $0x0  }
0x2d: {  	[sflag:s0] =	ssyncadd.s32 @!p0 s1  }
0x2e: {  	[bflag:$0x3] =	sbarrier.arrive $0xFFFF  }
0x2f: {  	_ =	shalt  }

// kernel: kernel.38.cloned.1.call-start
scs
__scs_entry_jumppad:
0x0: {  	(pc) =	sbr.rel $0x88, $3  }
0x1: {  	(tag) =	ssettag $0x0;
	lr =	simm.s32 $0x1  }
0x2: {  	[smem:$0x3F97] =	sst lr;
	_ =	strace $0xD0000000  }
0x3: {  	_ = 	snop  }
0x4: {  	_ = 	snop  }
0x5: {  	_ = 	snop  }
0x6: {  	_ = 	snop  }
0x7: {  	_ = 	snop  }
__scs_overlays_trampoline_lowered:
0x8: {  	[smem:$0x3FA6] =	sst s0  }
0x9: {  	[smem:$0x3FA7] =	sst s1  }
0xa: {  	[smem:$0x3FA8] =	sst s2  }
0xb: {  	[smem:$0x3FA9] =	sst s3  }
0xc: {  	[smem:$0x3FAA] =	sst s4  }
0xd: {  	[smem:$0x3FAB] =	sst s5  }
0xe: {  	[smem:$0x3FAC] =	sst s6  }
0xf: {  	[smem:$0x3FAD] =	sst s7  }
0x10: {  	[smem:$0x3FAE] =	sst s8  }
0x11: {  	[smem:$0x3FAF] =	sst s9;
	s0 =	simm.s32 @!p0 $0x0  }
0x12: {  	s1 =	sld [smem:$0x3F95];
	s0 =	simm.s32 @p0 $0x1  }
0x13: {  	[smem:$0x3FB0] =	sst s0;
	s0 =	simm.s32 @!p1 $0x0  }
0x14: {  	s2 =	sld [smem:$0x3F94];
	s0 =	simm.s32 @p1 $0x1  }
0x15: {  	[smem:$0x3FB1] =	sst s0;
	s0 =	simm.s32 @!p2 $0x0  }
0x16: {  	s3 =	sld [smem:$0x3FDB];
	s0 =	simm.s32 @p2 $0x1  }
0x17: {  	s4 =	simm.s32 $0x1BF5;
	[smem:$0x3FB3] =	sst s0  }
0x18: {  	s0 =	sld [smem:$0x3F96];
	_ =	swait.ge [sflag:s4], $0x0  }
0x19: {  	s7 =	sld [smem:$0x3F97]  }
0x1a: {  	s8 =	sadd.s32 $0xFFFFE003, lr  }
0x1b: {  	s9 =	sadd.s32 $0xFFFFFEF7, lr;
	s5 =	simm.s32 $0xFFFFFFFF;
	p2 =	slt.u32 s8, $0xFFFFF086  }
0x1c: {  	p1 =	slt.u32 s9, $0xF7A;
	s5 =	simm.s32 @!p2 $0x0  }
0x1d: {  	s5 =	simm.s32 @p1 $0x1;
	p0 =	seq.s32 s7, s2  }
0x1e: {  	s7 =	smul.u32 @!p0 $0xF7A, s2;
	p2 =	seq.s32 @!p0 s5, $0x0  }
0x1f: {  	s9 =	smul.u32 $0xF7A, s1;
	s8 =	simm.s32 @!p0 $0x1BF5;
	p2 =	por !p2, p0  }
0x20: {  	[sflag:s8] =	ssyncset.s32 @!p0 $0xFFFFF086;
	s6 =	sadd.s32 @!p0 s3, s7;
	s7 =	simm.s32 @!p0 $0x108  }
0x21: {  	s3 =	sadd.s32 s3, s9;
	s6 =	sadd.s32 @!p0 $0x88, s6;
	s7 =	simm.s32 @p2 $0x1082  }
0x22: {  	[simem:s7], [sflag:s8] =	dma.local @!p0 [hbm:s6], $0xF7A  }
0x23: {  	s9 =	sor.u32 $0xD0000000, s2;
	s6 =	simm.s32 $0x108;
	_ =	swait.ge @!p0 [sflag:s8], $0x0  }
0x24: {  	s3 =	sadd.s32 $0x88, s3;
	s6 =	simm.s32 @!p1 $0x1082;
	[sflag:s4] =	ssyncset.s32 $0xFFFFF086  }
0x25: {  	[simem:s6], [sflag:s4] =	dma.local [hbm:s3], $0xF7A  }
0x26: {  	[smem:$0x3F97] =	sst s1;
	(tag) =	ssettag s2;
	_ =	strace s9  }
0x27: {  	s1 =	sld [smem:$0x3FA7]  }
0x28: {  	s2 =	sld [smem:$0x3FA8]  }
0x29: {  	s4 =	sld [smem:$0x3FAA]  }
0x2a: {  	p0 =	seq.s32 s5, $0x0;
	s5 =	sld [smem:$0x3FAB]  }
0x2b: {  	s6 =	sld [smem:$0x3FAC]  }
0x2c: {  	s7 =	sld [smem:$0x3FAD]  }
0x2d: {  	s3 =	simm.s32 $0x108;
	s8 =	sld [smem:$0x3FAE]  }
0x2e: {  	s3 =	simm.s32 @!p0 $0x1082;
	s9 =	sld [smem:$0x3FAF]  }
0x2f: {  	lr =	sadd.s32 s0, s3;
	s0 =	sld [smem:$0x3FA6]  }
0x30: {  	s3 =	sld [smem:$0x3FA9]  }
0x31: {  	[smem:$0x3FB2] =	sst s10  }
0x32: {  	s10 =	sld [smem:$0x3FB0];
	_ =	sdelay $0x3  }
0x33: {  	p0 =	seq.s32 s10, $0x1;
	s10 =	sld [smem:$0x3FB2];
	_ =	sdelay $0x3  }
0x34: {  	[smem:$0x3FB2] =	sst s10  }
0x35: {  	s10 =	sld [smem:$0x3FB1];
	_ =	sdelay $0x3  }
0x36: {  	p1 =	seq.s32 s10, $0x1;
	s10 =	sld [smem:$0x3FB2];
	_ =	sdelay $0x3  }
0x37: {  	[smem:$0x3FB2] =	sst s10  }
0x38: {  	s10 =	sld [smem:$0x3FB3]  }
0x39: {  	_ = 	snop;
	(pc) =	sbr.ind lr, $3  }
0x3a: {  	_ = 	snop  }
0x3b: {  	_ = 	snop  }
0x3c: {  	p2 =	seq.s32 s10, $0x1;
	s10 =	sld [smem:$0x3FB2]  }
0x3d: {  	_ =	shalt  }
0x3e: {  	_ =	shalt  }
0x3f: {  	_ =	shalt  }
0x40: {  	_ =	shalt  }
0x41: {  	_ =	shalt  }
0x42: {  	_ =	shalt  }
0x43: {  	_ =	shalt  }
0x44: {  	_ =	shalt  }
0x45: {  	_ =	shalt  }
0x46: {  	_ =	shalt  }
0x47: {  	_ =	shalt  }
0x48: {  	_ =	shalt  }
0x49: {  	_ =	shalt  }
0x4a: {  	_ =	shalt  }
0x4b: {  	_ =	shalt  }
0x4c: {  	_ =	shalt  }
0x4d: {  	_ =	shalt  }
0x4e: {  	_ =	shalt  }
0x4f: {  	_ =	shalt  }
0x50: {  	_ =	shalt  }
0x51: {  	_ =	shalt  }
0x52: {  	_ =	shalt  }
0x53: {  	_ =	shalt  }
0x54: {  	_ =	shalt  }
0x55: {  	_ =	shalt  }
0x56: {  	_ =	shalt  }
0x57: {  	_ =	shalt  }
0x58: {  	_ =	shalt  }
0x59: {  	_ =	shalt  }
0x5a: {  	_ =	shalt  }
0x5b: {  	_ =	shalt  }
0x5c: {  	_ =	shalt  }
0x5d: {  	_ =	shalt  }
0x5e: {  	_ =	shalt  }
0x5f: {  	_ =	shalt  }
0x60: {  	_ =	shalt  }
0x61: {  	_ =	shalt  }
0x62: {  	_ =	shalt  }
0x63: {  	_ =	shalt  }
0x64: {  	_ =	shalt  }
0x65: {  	_ =	shalt  }
0x66: {  	_ =	shalt  }
0x67: {  	_ =	shalt  }
0x68: {  	_ =	shalt  }
0x69: {  	_ =	shalt  }
0x6a: {  	_ =	shalt  }
0x6b: {  	_ =	shalt  }
0x6c: {  	_ =	shalt  }
0x6d: {  	_ =	shalt  }
0x6e: {  	_ =	shalt  }
0x6f: {  	_ =	shalt  }
0x70: {  	_ =	shalt  }
0x71: {  	_ =	shalt  }
0x72: {  	_ =	shalt  }
0x73: {  	_ =	shalt  }
0x74: {  	_ =	shalt  }
0x75: {  	_ =	shalt  }
0x76: {  	_ =	shalt  }
0x77: {  	_ =	shalt  }
0x78: {  	_ =	shalt  }
0x79: {  	_ =	shalt  }
0x7a: {  	_ =	shalt  }
0x7b: {  	_ =	shalt  }
0x7c: {  	_ =	shalt  }
0x7d: {  	_ =	shalt  }
0x7e: {  	_ =	shalt  }
0x7f: {  	_ =	shalt  }
0x80: {  	_ =	shalt  }
0x81: {  	_ =	shalt  }
0x82: {  	_ =	shalt  }
0x83: {  	_ =	shalt  }
0x84: {  	_ =	shalt  }
0x85: {  	_ =	shalt  }
0x86: {  	_ =	shalt  }
0x87: {  	_ =	shalt  }
.Lfunc_end0:
.L_simem_size_0:
called_computation.6_lowered:
.L_overlay_start_0:
0x88: {  	s2 =	sld [smem:$0x3FD9]  }
0x89: {  	s3 =	sld [smem:$0x3FFE];
	_ =	sdelay $0x1  }
0x8a: {  	s1 =	srdreg.scid  }
0x8b: {  	s0 =	sand.u32 $0x1, s1  }
0x8c: {  	s16 =	sshll.u32 s0, $0xA;
	s2 =	sadd.s32 s3, s2  }
0x8d: {  	s2 =	sadd.s32 s2, s16  }
0x8e: {  	[smem:$0x3FBE] =	sst s2  }
0x8f: {  	_ = 	snop  }
0x90: {  	(tm) =	ssettm $0x1  }
0x91: {  	s17 =	sld [smem:$0x3FFB];
	_ =	sdelay $0x3  }
0x92: {  	_ =	strace s17  }
0x93: {  	s2 =	sld [smem:$0x3FFC];
	_ =	sdelay $0x3  }
0x94: {  	_ =	strace s2  }
0x95: {  	s2 =	sld [smem:$0x3FFD];
	_ =	sdelay $0x3  }
0x96: {  	_ =	strace s2  }
0x97: {  	_ =	strace $0x8FFFFFFF  }
0x98: {  	s18 =	sld [smem:$0x3FDB];
	_ =	sdelay $0x1  }
0x99: {  	s19 =	simm.s32 $_scs_section_size  }
0x9a: {  	s4 =	simm.s32 $_size__tile_overlayer_lowered;
	s5 =	simm.s32 $_tile_overlayer_lowered  }
0x9b: {  	s22 =	simm.s32 $0x1BFF;
	s21 =	sshll.u32 s5, $0x1;
	s2 =	sadd.s32 s19, s18  }
0x9c: {  	s6 =	simm.s32 $0x0;
	s20 =	sshll.u32 s4, $0x1;
	s4 =	sadd.s32 s21, s2  }
0x9d: {  	[timem:s6], [sflag:s22] =	dma.local [hbm:s4], s20  }
0x9e: {  	_ =	swait.ge [sflag:s22], s20  }
0x9f: {  	s3 =	ssub.s32 $0x0, s20;
	[sflag:s22] =	ssyncset.done $0x0  }
0xa0: {  	[sflag:s22] =	ssyncadd.s32 s3;
	_ =	sdelay $0x1  }
0xa1: {  	s23 =	simm.s32 $0x1B8B  }
0xa2: {  	_ =	swait.ge [sflag:s23], $0x1  }
0xa3: {  	[sflag:s23] =	ssyncset.done $0x0  }
0xa4: {  	s25 =	simm.s32 $0x1B8E;
	s24 =	sld [smem:$0x3FFE];
	[sflag:s23] =	ssyncadd.s32 $0xFFFFFFFF  }
0xa5: {  	s26 =	simm.s32 $execute0_lowered;
	[smem:$0x3FD2] =	sst s25  }
0xa6: {  	s4 =	sshll.u32 s26, $0x1;
	_ =	strace $0x80000058;
	[dreg:$0x1] =	wrdreg $0xFFFFFFFF  }
0xa7: {  	s28 =	simm.s32 $_size_execute0_lowered;
	s2 =	sadd.s32 s2, s4;
	[dreg:$0x0] =	wrdreg $0x0  }
0xa8: {  	s4 =	sshll.u32 s28, $0x1;
	[dreg:$0x2] =	wrdreg s2  }
0xa9: {  	[dreg:$0x3] =	wrdreg s4  }
0xaa: {  	[dreg:$0x4] =	wrdreg $0xC0  }
0xab: {  	_ =	task [dreg:s6], $0x5FFFF  }
0xac: {  	[dreg:$0x1] =	wrdreg $0xFFFFFFFF  }
0xad: {  	[dreg:$0x0] =	wrdreg $0x60  }
0xae: {  	[dreg:$0x2] =	wrdreg s24  }
0xaf: {  	[dreg:$0x3] =	wrdreg $0x9  }
0xb0: {  	_ =	task.clear_ibuf [dreg:s6], $0x4FFFF;
	_ =	strace $0x90000058  }
0xb1: {  	s29 =	simm.s32 $0x9;
	_ =	strace $0x8000005A  }
0xb2: {  	_ =	swait.ge [sflag:s29], $0x1  }
0xb3: {  	[sflag:s29] =	ssyncadd.s32 $0xFFFFFFFF  }
0xb4: {  	_ =	strace $0x9000005A  }
0xb5: {  	_ =	sfence  }
0xb6: {  	s30 =	sld [smem:$0x0];
	_ =	sdelay $0x2  }
0xb7: {  	s31 =	sshll.u32 s1, $0xD;
	s1 =	sshrl.u32 s1, $0x2  }
0xb8: {  	s3 =	sand.u32 $0x4000, s31;
	s1 =	sadd.s32 s1, s30  }
0xb9: {  	s0 =	sor.u32 s3, s0;
	s1 =	sshll.u32 s1, $0x11  }
0xba: {  	s0 =	sor.u32 s1, s0  }
0xbb: {  	s0 =	sadd.s32 $0x8F2B, s0  }
0xbc: {  	[sflag:s0] =	ssyncadd.remote.s32 $0x1  }
0xbd: {  	_ =	sfence.sel $0xFFFF  }
0xbe: {  	[dreg:$0x0] =	wrdreg $0xFFFFFFFF;
	(pc) =	sbr.abs _section_cstart, $3  }
0xbf: {  	[dreg:$0x1] =	wrdreg $0xFFFFFFFF  }
0xc0: {  	_ =	task.clear_ibuf [dreg:s6], $0x2FFFF;
	_ =	strace $0x9FFFFFFF  }
0xc1: {  	(tm) =	ssettm $0x7FFFFFFF  }
tec
execute0_lowered:
.L_overlay_start_1:
0x0: {  	(tag) =	ssettag $0x1  }
0x1: {  	s1 =	srdreg.scid  }
0x2: {  	s0 =	stileid.u32;
	s6 =	sand.u32 $0x1, s1  }
0x3: {  	s8 =	rddreg [dreg:$0x0];
	s30 =	sshll.u32 s0, $0x8;
	s2 =	sshll.u32 s6, $0x7  }
0x4: {  	s7 =	simm.s32 $0x1;
	s1 =	rddreg [dreg:$0x1];
	s9 =	sor.u32 s2, s30  }
0x5: {  	s5 =	sadd.s32 $0x4400, s8;
	s2 =	simm.s32 $0x0;
	s3 =	sshrl.u32 s9, $0x3  }
0x6: {  	s10 =	ssub.s32 $0x2, s6;
	[smem:$0x7FF] =	sst s2;
	s3 =	sadd.s32 s3, s8  }
0x7: {  	_ =	strace $0x80000059;
	s4 =	sadd.s32 $0x84E00, s3;
	s3 =	simm.s32 $0x2  }
0x8: {  	[tilespmem:s2], [sflag:$0x2] =	stream.linear.gather [hbm4b:s4+s2], $0x80, $0x38;
	[tilespmem:$0x4080] =	vst v63  }
0x9: {  	s6 =	simm.s32 $0x80;
	s11 =	sshrl.u32 s10, $0x1;
	_ =	swait.ge [sflag:s3], $0x80  }
0xa: {  	s9 =	sshll.u32 s9, $0x4;
	s31 =	ssub.s32 s10, s11;
	[sflag:s3] =	ssyncset.done $0x0  }
0xb: {  	s8 =	sadd.s32 s9, s8;
	s9 =	smax.u32 s31, $0x1;
	[sflag:s3] =	ssyncadd.s32 $0xFFFFFF80  }
0xc: {  	[tilespmem:s6], [sflag:$0x1] =	stream.indirect.gather [hbm4b:s5+s6], $0x80, s2, s6, $0xb8;
	[tilespmem:$0x4080] =	vst v63  }
0xd: {  	p0 =	sne.s32 s9, $0x1;
	_ =	swait.ge [sflag:s7], $0x4000  }
.Ltmp0:
0xe: {  	[sflag:s7] =	ssyncset.done $0x0;
	(pc) =	sbr.rel @!p0 .LBB2_2-.Ltmp0, $4  }
0xf: {  	s8 =	sadd.s32 $0x85400, s8;
	[sflag:s7] =	ssyncadd.s32 $0xFFFFC000  }
0x10: {  	[hbm4b:s8+s2] =	stream.linear.scatter [tilespmem:s6], [sflag:$0x2], $0x4000, $0x38;
	[tilespmem:$0x4080] =	vst v63  }
0x11: {  	_ =	swait.ge [sflag:s3], $0x4000  }
0x12: {  	s9 =	sadd.s32 $0xFFFFFFFF, s9;
	[sflag:s3] =	ssyncset.done $0x0  }
.LBB2_1:
0x13: {  	p0 =	sne.s32 s9, $0x1;
	s9 =	sadd.s32 $0xFFFFFFFF, s9;
	[sflag:s3] =	ssyncadd.s32 $0xFFFFC000  }
0x14: {  	[tilespmem:s2], [sflag:$0x2] =	stream.linear.gather [hbm4b:s4+s2], $0x80, $0x38;
	[tilespmem:$0x4080] =	vst v63  }
0x15: {  	_ =	swait.ge [sflag:s3], $0x80  }
0x16: {  	[sflag:s3] =	ssyncset.done $0x0  }
0x17: {  	[sflag:s3] =	ssyncadd.s32 $0xFFFFFF80  }
0x18: {  	[tilespmem:s6], [sflag:$0x1] =	stream.indirect.gather [hbm4b:s5+s6], $0x80, s2, s6, $0xb8;
	[tilespmem:$0x4080] =	vst v63  }
0x19: {  	_ =	swait.ge [sflag:s7], $0x4000  }
.Ltmp1:
0x1a: {  	[sflag:s7] =	ssyncset.done $0x0;
	(pc) =	sbr.rel @p0 .LBB2_1-.Ltmp1, $4  }
0x1b: {  	[sflag:s7] =	ssyncadd.s32 $0xFFFFC000  }
0x1c: {  	[hbm4b:s8+s2] =	stream.linear.scatter [tilespmem:s6], [sflag:$0x2], $0x4000, $0x38;
	[tilespmem:$0x4080] =	vst v63  }
0x1d: {  	_ =	swait.ge [sflag:s3], $0x4000  }
0x1e: {  	[sflag:s3] =	ssyncset.done $0x0  }
.LBB2_2:
0x1f: {  	[sflag:s3] =	ssyncadd.s32 $0xFFFFC000  }
0x20: {  	_ =	sfence.sel $0x180000  }
0x21: {  	[bflag:$0x0] =	sbarrier.arrive $0xFFFF  }
0x22: {  	p0 =	sne.s32 s0, $0x0;
	_ =	strace $0x90000059  }
0x23: {  	s0 =	sadd.s32 @!p0 $0x100000, s1;
	[bflag:$0x2] =	sbarrier.arrive $0xFFFF  }
0x24: {  	[sflag:s0] =	ssyncadd.tile.s32 @!p0 $0x1;
	_ =	shalt  }
.Lfunc_end2:
_tile_overlayer_lowered:
.L_overlay_start_2:
0x25: {  	(tag) =	ssettag $0x2  }
0x26: {  	s0 =	rddreg [dreg:$0x0];
	s2 =	stileid.u32  }
0x27: {  	s1 =	rddreg [dreg:$0x1];
	p0 =	sne.s32 s2, $0x0  }
0x28: {  	s3 =	rddreg [dreg:$0x2];
	[bflag:$0x3] =	sbarrier.arrive $0xFFFF;
	s2 =	simm.s32 @!p0 $0x1C02  }
0x29: {  	[timem:s3], [sflag:s2] =	dma.local @!p0 [hbm:s0], s1  }
0x2a: {  	s0 =	simm.s32 @!p0 $0x2  }
0x2b: {  	_ =	swait.ge @!p0 [sflag:s0], s1  }
0x2c: {  	s1 =	ssub.s32 @!p0 $0x0, s1;
	[sflag:s0] =	ssyncset.done @!p0 $0x0  }
0x2d: {  	[sflag:s0] =	ssyncadd.s32 @!p0 s1  }
0x2e: {  	[bflag:$0x3] =	sbarrier.arrive $0xFFFF  }
0x2f: {  	_ =	shalt  }

// kernel: kernel.41.cloned.1.call-start
scs
__scs_entry_jumppad:
0x0: {  	(pc) =	sbr.rel $0x88, $3  }
0x1: {  	(tag) =	ssettag $0x0;
	lr =	simm.s32 $0x1  }
0x2: {  	[smem:$0x3F97] =	sst lr;
	_ =	strace $0xD0000000  }
0x3: {  	_ = 	snop  }
0x4: {  	_ = 	snop  }
0x5: {  	_ = 	snop  }
0x6: {  	_ = 	snop  }
0x7: {  	_ = 	snop  }
__scs_overlays_trampoline_lowered:
0x8: {  	[smem:$0x3FA6] =	sst s0  }
0x9: {  	[smem:$0x3FA7] =	sst s1  }
0xa: {  	[smem:$0x3FA8] =	sst s2  }
0xb: {  	[smem:$0x3FA9] =	sst s3  }
0xc: {  	[smem:$0x3FAA] =	sst s4  }
0xd: {  	[smem:$0x3FAB] =	sst s5  }
0xe: {  	[smem:$0x3FAC] =	sst s6  }
0xf: {  	[smem:$0x3FAD] =	sst s7  }
0x10: {  	[smem:$0x3FAE] =	sst s8  }
0x11: {  	[smem:$0x3FAF] =	sst s9;
	s0 =	simm.s32 @!p0 $0x0  }
0x12: {  	s1 =	sld [smem:$0x3F95];
	s0 =	simm.s32 @p0 $0x1  }
0x13: {  	[smem:$0x3FB0] =	sst s0;
	s0 =	simm.s32 @!p1 $0x0  }
0x14: {  	s2 =	sld [smem:$0x3F94];
	s0 =	simm.s32 @p1 $0x1  }
0x15: {  	[smem:$0x3FB1] =	sst s0;
	s0 =	simm.s32 @!p2 $0x0  }
0x16: {  	s3 =	sld [smem:$0x3FDB];
	s0 =	simm.s32 @p2 $0x1  }
0x17: {  	s4 =	simm.s32 $0x1BF5;
	[smem:$0x3FB3] =	sst s0  }
0x18: {  	s0 =	sld [smem:$0x3F96];
	_ =	swait.ge [sflag:s4], $0x0  }
0x19: {  	s7 =	sld [smem:$0x3F97]  }
0x1a: {  	s8 =	sadd.s32 $0xFFFFE003, lr  }
0x1b: {  	s9 =	sadd.s32 $0xFFFFFEF7, lr;
	s5 =	simm.s32 $0xFFFFFFFF;
	p2 =	slt.u32 s8, $0xFFFFF086  }
0x1c: {  	p1 =	slt.u32 s9, $0xF7A;
	s5 =	simm.s32 @!p2 $0x0  }
0x1d: {  	s5 =	simm.s32 @p1 $0x1;
	p0 =	seq.s32 s7, s2  }
0x1e: {  	s7 =	smul.u32 @!p0 $0xF7A, s2;
	p2 =	seq.s32 @!p0 s5, $0x0  }
0x1f: {  	s9 =	smul.u32 $0xF7A, s1;
	s8 =	simm.s32 @!p0 $0x1BF5;
	p2 =	por !p2, p0  }
0x20: {  	[sflag:s8] =	ssyncset.s32 @!p0 $0xFFFFF086;
	s6 =	sadd.s32 @!p0 s3, s7;
	s7 =	simm.s32 @!p0 $0x108  }
0x21: {  	s3 =	sadd.s32 s3, s9;
	s6 =	sadd.s32 @!p0 $0x88, s6;
	s7 =	simm.s32 @p2 $0x1082  }
0x22: {  	[simem:s7], [sflag:s8] =	dma.local @!p0 [hbm:s6], $0xF7A  }
0x23: {  	s9 =	sor.u32 $0xD0000000, s2;
	s6 =	simm.s32 $0x108;
	_ =	swait.ge @!p0 [sflag:s8], $0x0  }
0x24: {  	s3 =	sadd.s32 $0x88, s3;
	s6 =	simm.s32 @!p1 $0x1082;
	[sflag:s4] =	ssyncset.s32 $0xFFFFF086  }
0x25: {  	[simem:s6], [sflag:s4] =	dma.local [hbm:s3], $0xF7A  }
0x26: {  	[smem:$0x3F97] =	sst s1;
	(tag) =	ssettag s2;
	_ =	strace s9  }
0x27: {  	s1 =	sld [smem:$0x3FA7]  }
0x28: {  	s2 =	sld [smem:$0x3FA8]  }
0x29: {  	s4 =	sld [smem:$0x3FAA]  }
0x2a: {  	p0 =	seq.s32 s5, $0x0;
	s5 =	sld [smem:$0x3FAB]  }
0x2b: {  	s6 =	sld [smem:$0x3FAC]  }
0x2c: {  	s7 =	sld [smem:$0x3FAD]  }
0x2d: {  	s3 =	simm.s32 $0x108;
	s8 =	sld [smem:$0x3FAE]  }
0x2e: {  	s3 =	simm.s32 @!p0 $0x1082;
	s9 =	sld [smem:$0x3FAF]  }
0x2f: {  	lr =	sadd.s32 s0, s3;
	s0 =	sld [smem:$0x3FA6]  }
0x30: {  	s3 =	sld [smem:$0x3FA9]  }
0x31: {  	[smem:$0x3FB2] =	sst s10  }
0x32: {  	s10 =	sld [smem:$0x3FB0];
	_ =	sdelay $0x3  }
0x33: {  	p0 =	seq.s32 s10, $0x1;
	s10 =	sld [smem:$0x3FB2];
	_ =	sdelay $0x3  }
0x34: {  	[smem:$0x3FB2] =	sst s10  }
0x35: {  	s10 =	sld [smem:$0x3FB1];
	_ =	sdelay $0x3  }
0x36: {  	p1 =	seq.s32 s10, $0x1;
	s10 =	sld [smem:$0x3FB2];
	_ =	sdelay $0x3  }
0x37: {  	[smem:$0x3FB2] =	sst s10  }
0x38: {  	s10 =	sld [smem:$0x3FB3]  }
0x39: {  	_ = 	snop;
	(pc) =	sbr.ind lr, $3  }
0x3a: {  	_ = 	snop  }
0x3b: {  	_ = 	snop  }
0x3c: {  	p2 =	seq.s32 s10, $0x1;
	s10 =	sld [smem:$0x3FB2]  }
0x3d: {  	_ =	shalt  }
0x3e: {  	_ =	shalt  }
0x3f: {  	_ =	shalt  }
0x40: {  	_ =	shalt  }
0x41: {  	_ =	shalt  }
0x42: {  	_ =	shalt  }
0x43: {  	_ =	shalt  }
0x44: {  	_ =	shalt  }
0x45: {  	_ =	shalt  }
0x46: {  	_ =	shalt  }
0x47: {  	_ =	shalt  }
0x48: {  	_ =	shalt  }
0x49: {  	_ =	shalt  }
0x4a: {  	_ =	shalt  }
0x4b: {  	_ =	shalt  }
0x4c: {  	_ =	shalt  }
0x4d: {  	_ =	shalt  }
0x4e: {  	_ =	shalt  }
0x4f: {  	_ =	shalt  }
0x50: {  	_ =	shalt  }
0x51: {  	_ =	shalt  }
0x52: {  	_ =	shalt  }
0x53: {  	_ =	shalt  }
0x54: {  	_ =	shalt  }
0x55: {  	_ =	shalt  }
0x56: {  	_ =	shalt  }
0x57: {  	_ =	shalt  }
0x58: {  	_ =	shalt  }
0x59: {  	_ =	shalt  }
0x5a: {  	_ =	shalt  }
0x5b: {  	_ =	shalt  }
0x5c: {  	_ =	shalt  }
0x5d: {  	_ =	shalt  }
0x5e: {  	_ =	shalt  }
0x5f: {  	_ =	shalt  }
0x60: {  	_ =	shalt  }
0x61: {  	_ =	shalt  }
0x62: {  	_ =	shalt  }
0x63: {  	_ =	shalt  }
0x64: {  	_ =	shalt  }
0x65: {  	_ =	shalt  }
0x66: {  	_ =	shalt  }
0x67: {  	_ =	shalt  }
0x68: {  	_ =	shalt  }
0x69: {  	_ =	shalt  }
0x6a: {  	_ =	shalt  }
0x6b: {  	_ =	shalt  }
0x6c: {  	_ =	shalt  }
0x6d: {  	_ =	shalt  }
0x6e: {  	_ =	shalt  }
0x6f: {  	_ =	shalt  }
0x70: {  	_ =	shalt  }
0x71: {  	_ =	shalt  }
0x72: {  	_ =	shalt  }
0x73: {  	_ =	shalt  }
0x74: {  	_ =	shalt  }
0x75: {  	_ =	shalt  }
0x76: {  	_ =	shalt  }
0x77: {  	_ =	shalt  }
0x78: {  	_ =	shalt  }
0x79: {  	_ =	shalt  }
0x7a: {  	_ =	shalt  }
0x7b: {  	_ =	shalt  }
0x7c: {  	_ =	shalt  }
0x7d: {  	_ =	shalt  }
0x7e: {  	_ =	shalt  }
0x7f: {  	_ =	shalt  }
0x80: {  	_ =	shalt  }
0x81: {  	_ =	shalt  }
0x82: {  	_ =	shalt  }
0x83: {  	_ =	shalt  }
0x84: {  	_ =	shalt  }
0x85: {  	_ =	shalt  }
0x86: {  	_ =	shalt  }
0x87: {  	_ =	shalt  }
.Lfunc_end0:
.L_simem_size_0:
called_computation.7_lowered:
.L_overlay_start_0:
0x88: {  	s2 =	sld [smem:$0x3FD9]  }
0x89: {  	s3 =	sld [smem:$0x3FFE];
	_ =	sdelay $0x1  }
0x8a: {  	s1 =	srdreg.scid  }
0x8b: {  	s0 =	sand.u32 $0x1, s1  }
0x8c: {  	s16 =	sshll.u32 s0, $0xA;
	s2 =	sadd.s32 s3, s2  }
0x8d: {  	s2 =	sadd.s32 s2, s16  }
0x8e: {  	[smem:$0x3FBE] =	sst s2  }
0x8f: {  	_ = 	snop  }
0x90: {  	(tm) =	ssettm $0x1  }
0x91: {  	s17 =	sld [smem:$0x3FFB];
	_ =	sdelay $0x3  }
0x92: {  	_ =	strace s17  }
0x93: {  	s2 =	sld [smem:$0x3FFC];
	_ =	sdelay $0x3  }
0x94: {  	_ =	strace s2  }
0x95: {  	s2 =	sld [smem:$0x3FFD];
	_ =	sdelay $0x3  }
0x96: {  	_ =	strace s2  }
0x97: {  	_ =	strace $0x8FFFFFFF  }
0x98: {  	s18 =	sld [smem:$0x3FDB];
	_ =	sdelay $0x1  }
0x99: {  	s19 =	simm.s32 $_scs_section_size  }
0x9a: {  	s4 =	simm.s32 $_size__tile_overlayer_lowered;
	s5 =	simm.s32 $_tile_overlayer_lowered  }
0x9b: {  	s22 =	simm.s32 $0x1BFF;
	s21 =	sshll.u32 s5, $0x1;
	s2 =	sadd.s32 s19, s18  }
0x9c: {  	s6 =	simm.s32 $0x0;
	s20 =	sshll.u32 s4, $0x1;
	s4 =	sadd.s32 s21, s2  }
0x9d: {  	[timem:s6], [sflag:s22] =	dma.local [hbm:s4], s20  }
0x9e: {  	_ =	swait.ge [sflag:s22], s20  }
0x9f: {  	s3 =	ssub.s32 $0x0, s20;
	[sflag:s22] =	ssyncset.done $0x0  }
0xa0: {  	[sflag:s22] =	ssyncadd.s32 s3;
	_ =	sdelay $0x1  }
0xa1: {  	s23 =	simm.s32 $0x1B8B  }
0xa2: {  	_ =	swait.ge [sflag:s23], $0x1  }
0xa3: {  	[sflag:s23] =	ssyncset.done $0x0  }
0xa4: {  	s25 =	simm.s32 $0x1B8E;
	s24 =	sld [smem:$0x3FFE];
	[sflag:s23] =	ssyncadd.s32 $0xFFFFFFFF  }
0xa5: {  	s26 =	simm.s32 $execute0_lowered;
	[smem:$0x3FD2] =	sst s25  }
0xa6: {  	s4 =	sshll.u32 s26, $0x1;
	_ =	strace $0x8000005B;
	[dreg:$0x1] =	wrdreg $0xFFFFFFFF  }
0xa7: {  	s28 =	simm.s32 $_size_execute0_lowered;
	s2 =	sadd.s32 s2, s4;
	[dreg:$0x0] =	wrdreg $0x0  }
0xa8: {  	s4 =	sshll.u32 s28, $0x1;
	[dreg:$0x2] =	wrdreg s2  }
0xa9: {  	[dreg:$0x3] =	wrdreg s4  }
0xaa: {  	[dreg:$0x4] =	wrdreg $0xC0  }
0xab: {  	_ =	task [dreg:s6], $0x5FFFF  }
0xac: {  	[dreg:$0x1] =	wrdreg $0xFFFFFFFF  }
0xad: {  	[dreg:$0x0] =	wrdreg $0x60  }
0xae: {  	[dreg:$0x2] =	wrdreg s24  }
0xaf: {  	[dreg:$0x3] =	wrdreg $0x9  }
0xb0: {  	_ =	task.clear_ibuf [dreg:s6], $0x4FFFF;
	_ =	strace $0x9000005B  }
0xb1: {  	s29 =	simm.s32 $0x9;
	_ =	strace $0x8000005D  }
0xb2: {  	_ =	swait.ge [sflag:s29], $0x1  }
0xb3: {  	[sflag:s29] =	ssyncadd.s32 $0xFFFFFFFF  }
0xb4: {  	_ =	strace $0x9000005D  }
0xb5: {  	_ =	sfence  }
0xb6: {  	s30 =	sld [smem:$0x0];
	_ =	sdelay $0x2  }
0xb7: {  	s31 =	sshll.u32 s1, $0xD;
	s1 =	sshrl.u32 s1, $0x2  }
0xb8: {  	s3 =	sand.u32 $0x4000, s31;
	s1 =	sadd.s32 s1, s30  }
0xb9: {  	s0 =	sor.u32 s3, s0;
	s1 =	sshll.u32 s1, $0x11  }
0xba: {  	s0 =	sor.u32 s1, s0  }
0xbb: {  	s0 =	sadd.s32 $0x8F2B, s0  }
0xbc: {  	[sflag:s0] =	ssyncadd.remote.s32 $0x1  }
0xbd: {  	_ =	sfence.sel $0xFFFF  }
0xbe: {  	[dreg:$0x0] =	wrdreg $0xFFFFFFFF;
	(pc) =	sbr.abs _section_cstart, $3  }
0xbf: {  	[dreg:$0x1] =	wrdreg $0xFFFFFFFF  }
0xc0: {  	_ =	task.clear_ibuf [dreg:s6], $0x2FFFF;
	_ =	strace $0x9FFFFFFF  }
0xc1: {  	(tm) =	ssettm $0x7FFFFFFF  }
tec
execute0_lowered:
.L_overlay_start_1:
0x0: {  	(tag) =	ssettag $0x1  }
0x1: {  	s1 =	srdreg.scid  }
0x2: {  	s0 =	stileid.u32;
	s6 =	sand.u32 $0x1, s1  }
0x3: {  	s8 =	rddreg [dreg:$0x0];
	s30 =	sshll.u32 s0, $0x8;
	s2 =	sshll.u32 s6, $0x7  }
0x4: {  	s7 =	simm.s32 $0x1;
	s1 =	rddreg [dreg:$0x1];
	s9 =	sor.u32 s2, s30  }
0x5: {  	s5 =	sadd.s32 $0x4400, s8;
	s2 =	simm.s32 $0x0;
	s3 =	sshrl.u32 s9, $0x3  }
0x6: {  	s10 =	ssub.s32 $0x2, s6;
	[smem:$0x7FF] =	sst s2;
	s3 =	sadd.s32 s3, s8  }
0x7: {  	_ =	strace $0x8000005C;
	s4 =	sadd.s32 $0x85000, s3;
	s3 =	simm.s32 $0x2  }
0x8: {  	[tilespmem:s2], [sflag:$0x2] =	stream.linear.gather [hbm4b:s4+s2], $0x80, $0x38;
	[tilespmem:$0x4080] =	vst v63  }
0x9: {  	s6 =	simm.s32 $0x80;
	s11 =	sshrl.u32 s10, $0x1;
	_ =	swait.ge [sflag:s3], $0x80  }
0xa: {  	s9 =	sshll.u32 s9, $0x4;
	s31 =	ssub.s32 s10, s11;
	[sflag:s3] =	ssyncset.done $0x0  }
0xb: {  	s8 =	sadd.s32 s9, s8;
	s9 =	smax.u32 s31, $0x1;
	[sflag:s3] =	ssyncadd.s32 $0xFFFFFF80  }
0xc: {  	[tilespmem:s6], [sflag:$0x1] =	stream.indirect.gather [hbm4b:s5+s6], $0x80, s2, s6, $0xb8;
	[tilespmem:$0x4080] =	vst v63  }
0xd: {  	p0 =	sne.s32 s9, $0x1;
	_ =	swait.ge [sflag:s7], $0x4000  }
.Ltmp0:
0xe: {  	[sflag:s7] =	ssyncset.done $0x0;
	(pc) =	sbr.rel @!p0 .LBB2_2-.Ltmp0, $4  }
0xf: {  	s8 =	sadd.s32 $0x85400, s8;
	[sflag:s7] =	ssyncadd.s32 $0xFFFFC000  }
0x10: {  	[hbm4b:s8+s2] =	stream.linear.scatter [tilespmem:s6], [sflag:$0x2], $0x4000, $0x38;
	[tilespmem:$0x4080] =	vst v63  }
0x11: {  	_ =	swait.ge [sflag:s3], $0x4000  }
0x12: {  	s9 =	sadd.s32 $0xFFFFFFFF, s9;
	[sflag:s3] =	ssyncset.done $0x0  }
.LBB2_1:
0x13: {  	p0 =	sne.s32 s9, $0x1;
	s9 =	sadd.s32 $0xFFFFFFFF, s9;
	[sflag:s3] =	ssyncadd.s32 $0xFFFFC000  }
0x14: {  	[tilespmem:s2], [sflag:$0x2] =	stream.linear.gather [hbm4b:s4+s2], $0x80, $0x38;
	[tilespmem:$0x4080] =	vst v63  }
0x15: {  	_ =	swait.ge [sflag:s3], $0x80  }
0x16: {  	[sflag:s3] =	ssyncset.done $0x0  }
0x17: {  	[sflag:s3] =	ssyncadd.s32 $0xFFFFFF80  }
0x18: {  	[tilespmem:s6], [sflag:$0x1] =	stream.indirect.gather [hbm4b:s5+s6], $0x80, s2, s6, $0xb8;
	[tilespmem:$0x4080] =	vst v63  }
0x19: {  	_ =	swait.ge [sflag:s7], $0x4000  }
.Ltmp1:
0x1a: {  	[sflag:s7] =	ssyncset.done $0x0;
	(pc) =	sbr.rel @p0 .LBB2_1-.Ltmp1, $4  }
0x1b: {  	[sflag:s7] =	ssyncadd.s32 $0xFFFFC000  }
0x1c: {  	[hbm4b:s8+s2] =	stream.linear.scatter [tilespmem:s6], [sflag:$0x2], $0x4000, $0x38;
	[tilespmem:$0x4080] =	vst v63  }
0x1d: {  	_ =	swait.ge [sflag:s3], $0x4000  }
0x1e: {  	[sflag:s3] =	ssyncset.done $0x0  }
.LBB2_2:
0x1f: {  	[sflag:s3] =	ssyncadd.s32 $0xFFFFC000  }
0x20: {  	_ =	sfence.sel $0x180000  }
0x21: {  	[bflag:$0x0] =	sbarrier.arrive $0xFFFF  }
0x22: {  	p0 =	sne.s32 s0, $0x0;
	_ =	strace $0x9000005C  }
0x23: {  	s0 =	sadd.s32 @!p0 $0x100000, s1;
	[bflag:$0x2] =	sbarrier.arrive $0xFFFF  }
0x24: {  	[sflag:s0] =	ssyncadd.tile.s32 @!p0 $0x1;
	_ =	shalt  }
.Lfunc_end2:
_tile_overlayer_lowered:
.L_overlay_start_2:
0x25: {  	(tag) =	ssettag $0x2  }
0x26: {  	s0 =	rddreg [dreg:$0x0];
	s2 =	stileid.u32  }
0x27: {  	s1 =	rddreg [dreg:$0x1];
	p0 =	sne.s32 s2, $0x0  }
0x28: {  	s3 =	rddreg [dreg:$0x2];
	[bflag:$0x3] =	sbarrier.arrive $0xFFFF;
	s2 =	simm.s32 @!p0 $0x1C02  }
0x29: {  	[timem:s3], [sflag:s2] =	dma.local @!p0 [hbm:s0], s1  }
0x2a: {  	s0 =	simm.s32 @!p0 $0x2  }
0x2b: {  	_ =	swait.ge @!p0 [sflag:s0], s1  }
0x2c: {  	s1 =	ssub.s32 @!p0 $0x0, s1;
	[sflag:s0] =	ssyncset.done @!p0 $0x0  }
0x2d: {  	[sflag:s0] =	ssyncadd.s32 @!p0 s1  }
0x2e: {  	[bflag:$0x3] =	sbarrier.arrive $0xFFFF  }
0x2f: {  	_ =	shalt  }

// kernel: kernel.44.cloned.1.call-start
scs
__scs_entry_jumppad:
0x0: {  	(pc) =	sbr.rel $0x88, $3  }
0x1: {  	(tag) =	ssettag $0x0;
	lr =	simm.s32 $0x1  }
0x2: {  	[smem:$0x3F97] =	sst lr;
	_ =	strace $0xD0000000  }
0x3: {  	_ = 	snop  }
0x4: {  	_ = 	snop  }
0x5: {  	_ = 	snop  }
0x6: {  	_ = 	snop  }
0x7: {  	_ = 	snop  }
__scs_overlays_trampoline_lowered:
0x8: {  	[smem:$0x3FA6] =	sst s0  }
0x9: {  	[smem:$0x3FA7] =	sst s1  }
0xa: {  	[smem:$0x3FA8] =	sst s2  }
0xb: {  	[smem:$0x3FA9] =	sst s3  }
0xc: {  	[smem:$0x3FAA] =	sst s4  }
0xd: {  	[smem:$0x3FAB] =	sst s5  }
0xe: {  	[smem:$0x3FAC] =	sst s6  }
0xf: {  	[smem:$0x3FAD] =	sst s7  }
0x10: {  	[smem:$0x3FAE] =	sst s8  }
0x11: {  	[smem:$0x3FAF] =	sst s9;
	s0 =	simm.s32 @!p0 $0x0  }
0x12: {  	s1 =	sld [smem:$0x3F95];
	s0 =	simm.s32 @p0 $0x1  }
0x13: {  	[smem:$0x3FB0] =	sst s0;
	s0 =	simm.s32 @!p1 $0x0  }
0x14: {  	s2 =	sld [smem:$0x3F94];
	s0 =	simm.s32 @p1 $0x1  }
0x15: {  	[smem:$0x3FB1] =	sst s0;
	s0 =	simm.s32 @!p2 $0x0  }
0x16: {  	s3 =	sld [smem:$0x3FDB];
	s0 =	simm.s32 @p2 $0x1  }
0x17: {  	s4 =	simm.s32 $0x1BF5;
	[smem:$0x3FB3] =	sst s0  }
0x18: {  	s0 =	sld [smem:$0x3F96];
	_ =	swait.ge [sflag:s4], $0x0  }
0x19: {  	s7 =	sld [smem:$0x3F97]  }
0x1a: {  	s8 =	sadd.s32 $0xFFFFE003, lr  }
0x1b: {  	s9 =	sadd.s32 $0xFFFFFEF7, lr;
	s5 =	simm.s32 $0xFFFFFFFF;
	p2 =	slt.u32 s8, $0xFFFFF086  }
0x1c: {  	p1 =	slt.u32 s9, $0xF7A;
	s5 =	simm.s32 @!p2 $0x0  }
0x1d: {  	s5 =	simm.s32 @p1 $0x1;
	p0 =	seq.s32 s7, s2  }
0x1e: {  	s7 =	smul.u32 @!p0 $0xF7A, s2;
	p2 =	seq.s32 @!p0 s5, $0x0  }
0x1f: {  	s9 =	smul.u32 $0xF7A, s1;
	s8 =	simm.s32 @!p0 $0x1BF5;
	p2 =	por !p2, p0  }
0x20: {  	[sflag:s8] =	ssyncset.s32 @!p0 $0xFFFFF086;
	s6 =	sadd.s32 @!p0 s3, s7;
	s7 =	simm.s32 @!p0 $0x108  }
0x21: {  	s3 =	sadd.s32 s3, s9;
	s6 =	sadd.s32 @!p0 $0x88, s6;
	s7 =	simm.s32 @p2 $0x1082  }
0x22: {  	[simem:s7], [sflag:s8] =	dma.local @!p0 [hbm:s6], $0xF7A  }
0x23: {  	s9 =	sor.u32 $0xD0000000, s2;
	s6 =	simm.s32 $0x108;
	_ =	swait.ge @!p0 [sflag:s8], $0x0  }
0x24: {  	s3 =	sadd.s32 $0x88, s3;
	s6 =	simm.s32 @!p1 $0x1082;
	[sflag:s4] =	ssyncset.s32 $0xFFFFF086  }
0x25: {  	[simem:s6], [sflag:s4] =	dma.local [hbm:s3], $0xF7A  }
0x26: {  	[smem:$0x3F97] =	sst s1;
	(tag) =	ssettag s2;
	_ =	strace s9  }
0x27: {  	s1 =	sld [smem:$0x3FA7]  }
0x28: {  	s2 =	sld [smem:$0x3FA8]  }
0x29: {  	s4 =	sld [smem:$0x3FAA]  }
0x2a: {  	p0 =	seq.s32 s5, $0x0;
	s5 =	sld [smem:$0x3FAB]  }
0x2b: {  	s6 =	sld [smem:$0x3FAC]  }
0x2c: {  	s7 =	sld [smem:$0x3FAD]  }
0x2d: {  	s3 =	simm.s32 $0x108;
	s8 =	sld [smem:$0x3FAE]  }
0x2e: {  	s3 =	simm.s32 @!p0 $0x1082;
	s9 =	sld [smem:$0x3FAF]  }
0x2f: {  	lr =	sadd.s32 s0, s3;
	s0 =	sld [smem:$0x3FA6]  }
0x30: {  	s3 =	sld [smem:$0x3FA9]  }
0x31: {  	[smem:$0x3FB2] =	sst s10  }
0x32: {  	s10 =	sld [smem:$0x3FB0];
	_ =	sdelay $0x3  }
0x33: {  	p0 =	seq.s32 s10, $0x1;
	s10 =	sld [smem:$0x3FB2];
	_ =	sdelay $0x3  }
0x34: {  	[smem:$0x3FB2] =	sst s10  }
0x35: {  	s10 =	sld [smem:$0x3FB1];
	_ =	sdelay $0x3  }
0x36: {  	p1 =	seq.s32 s10, $0x1;
	s10 =	sld [smem:$0x3FB2];
	_ =	sdelay $0x3  }
0x37: {  	[smem:$0x3FB2] =	sst s10  }
0x38: {  	s10 =	sld [smem:$0x3FB3]  }
0x39: {  	_ = 	snop;
	(pc) =	sbr.ind lr, $3  }
0x3a: {  	_ = 	snop  }
0x3b: {  	_ = 	snop  }
0x3c: {  	p2 =	seq.s32 s10, $0x1;
	s10 =	sld [smem:$0x3FB2]  }
0x3d: {  	_ =	shalt  }
0x3e: {  	_ =	shalt  }
0x3f: {  	_ =	shalt  }
0x40: {  	_ =	shalt  }
0x41: {  	_ =	shalt  }
0x42: {  	_ =	shalt  }
0x43: {  	_ =	shalt  }
0x44: {  	_ =	shalt  }
0x45: {  	_ =	shalt  }
0x46: {  	_ =	shalt  }
0x47: {  	_ =	shalt  }
0x48: {  	_ =	shalt  }
0x49: {  	_ =	shalt  }
0x4a: {  	_ =	shalt  }
0x4b: {  	_ =	shalt  }
0x4c: {  	_ =	shalt  }
0x4d: {  	_ =	shalt  }
0x4e: {  	_ =	shalt  }
0x4f: {  	_ =	shalt  }
0x50: {  	_ =	shalt  }
0x51: {  	_ =	shalt  }
0x52: {  	_ =	shalt  }
0x53: {  	_ =	shalt  }
0x54: {  	_ =	shalt  }
0x55: {  	_ =	shalt  }
0x56: {  	_ =	shalt  }
0x57: {  	_ =	shalt  }
0x58: {  	_ =	shalt  }
0x59: {  	_ =	shalt  }
0x5a: {  	_ =	shalt  }
0x5b: {  	_ =	shalt  }
0x5c: {  	_ =	shalt  }
0x5d: {  	_ =	shalt  }
0x5e: {  	_ =	shalt  }
0x5f: {  	_ =	shalt  }
0x60: {  	_ =	shalt  }
0x61: {  	_ =	shalt  }
0x62: {  	_ =	shalt  }
0x63: {  	_ =	shalt  }
0x64: {  	_ =	shalt  }
0x65: {  	_ =	shalt  }
0x66: {  	_ =	shalt  }
0x67: {  	_ =	shalt  }
0x68: {  	_ =	shalt  }
0x69: {  	_ =	shalt  }
0x6a: {  	_ =	shalt  }
0x6b: {  	_ =	shalt  }
0x6c: {  	_ =	shalt  }
0x6d: {  	_ =	shalt  }
0x6e: {  	_ =	shalt  }
0x6f: {  	_ =	shalt  }
0x70: {  	_ =	shalt  }
0x71: {  	_ =	shalt  }
0x72: {  	_ =	shalt  }
0x73: {  	_ =	shalt  }
0x74: {  	_ =	shalt  }
0x75: {  	_ =	shalt  }
0x76: {  	_ =	shalt  }
0x77: {  	_ =	shalt  }
0x78: {  	_ =	shalt  }
0x79: {  	_ =	shalt  }
0x7a: {  	_ =	shalt  }
0x7b: {  	_ =	shalt  }
0x7c: {  	_ =	shalt  }
0x7d: {  	_ =	shalt  }
0x7e: {  	_ =	shalt  }
0x7f: {  	_ =	shalt  }
0x80: {  	_ =	shalt  }
0x81: {  	_ =	shalt  }
0x82: {  	_ =	shalt  }
0x83: {  	_ =	shalt  }
0x84: {  	_ =	shalt  }
0x85: {  	_ =	shalt  }
0x86: {  	_ =	shalt  }
0x87: {  	_ =	shalt  }
.Lfunc_end0:
.L_simem_size_0:
called_computation.8_lowered:
.L_overlay_start_0:
0x88: {  	s2 =	sld [smem:$0x3FD9]  }
0x89: {  	s3 =	sld [smem:$0x3FFE];
	_ =	sdelay $0x1  }
0x8a: {  	s1 =	srdreg.scid  }
0x8b: {  	s0 =	sand.u32 $0x1, s1  }
0x8c: {  	s16 =	sshll.u32 s0, $0xA;
	s2 =	sadd.s32 s3, s2  }
0x8d: {  	s2 =	sadd.s32 s2, s16  }
0x8e: {  	[smem:$0x3FBE] =	sst s2  }
0x8f: {  	_ = 	snop  }
0x90: {  	(tm) =	ssettm $0x1  }
0x91: {  	s17 =	sld [smem:$0x3FFB];
	_ =	sdelay $0x3  }
0x92: {  	_ =	strace s17  }
0x93: {  	s2 =	sld [smem:$0x3FFC];
	_ =	sdelay $0x3  }
0x94: {  	_ =	strace s2  }
0x95: {  	s2 =	sld [smem:$0x3FFD];
	_ =	sdelay $0x3  }
0x96: {  	_ =	strace s2  }
0x97: {  	_ =	strace $0x8FFFFFFF  }
0x98: {  	s18 =	sld [smem:$0x3FDB];
	_ =	sdelay $0x1  }
0x99: {  	s19 =	simm.s32 $_scs_section_size  }
0x9a: {  	s4 =	simm.s32 $_size__tile_overlayer_lowered;
	s5 =	simm.s32 $_tile_overlayer_lowered  }
0x9b: {  	s22 =	simm.s32 $0x1BFF;
	s21 =	sshll.u32 s5, $0x1;
	s2 =	sadd.s32 s19, s18  }
0x9c: {  	s6 =	simm.s32 $0x0;
	s20 =	sshll.u32 s4, $0x1;
	s4 =	sadd.s32 s21, s2  }
0x9d: {  	[timem:s6], [sflag:s22] =	dma.local [hbm:s4], s20  }
0x9e: {  	_ =	swait.ge [sflag:s22], s20  }
0x9f: {  	s3 =	ssub.s32 $0x0, s20;
	[sflag:s22] =	ssyncset.done $0x0  }
0xa0: {  	[sflag:s22] =	ssyncadd.s32 s3;
	_ =	sdelay $0x1  }
0xa1: {  	s23 =	simm.s32 $0x1B8B  }
0xa2: {  	_ =	swait.ge [sflag:s23], $0x1  }
0xa3: {  	[sflag:s23] =	ssyncset.done $0x0  }
0xa4: {  	s25 =	simm.s32 $0x1B8E;
	s24 =	sld [smem:$0x3FFE];
	[sflag:s23] =	ssyncadd.s32 $0xFFFFFFFF  }
0xa5: {  	s26 =	simm.s32 $execute0_lowered;
	[smem:$0x3FD2] =	sst s25  }
0xa6: {  	s4 =	sshll.u32 s26, $0x1;
	_ =	strace $0x8000005E;
	[dreg:$0x1] =	wrdreg $0xFFFFFFFF  }
0xa7: {  	s28 =	simm.s32 $_size_execute0_lowered;
	s2 =	sadd.s32 s2, s4;
	[dreg:$0x0] =	wrdreg $0x0  }
0xa8: {  	s4 =	sshll.u32 s28, $0x1;
	[dreg:$0x2] =	wrdreg s2  }
0xa9: {  	[dreg:$0x3] =	wrdreg s4  }
0xaa: {  	[dreg:$0x4] =	wrdreg $0xC0  }
0xab: {  	_ =	task [dreg:s6], $0x5FFFF  }
0xac: {  	[dreg:$0x1] =	wrdreg $0xFFFFFFFF  }
0xad: {  	[dreg:$0x0] =	wrdreg $0x60  }
0xae: {  	[dreg:$0x2] =	wrdreg s24  }
0xaf: {  	[dreg:$0x3] =	wrdreg $0x9  }
0xb0: {  	_ =	task.clear_ibuf [dreg:s6], $0x4FFFF;
	_ =	strace $0x9000005E  }
0xb1: {  	s29 =	simm.s32 $0x9;
	_ =	strace $0x80000060  }
0xb2: {  	_ =	swait.ge [sflag:s29], $0x1  }
0xb3: {  	[sflag:s29] =	ssyncadd.s32 $0xFFFFFFFF  }
0xb4: {  	_ =	strace $0x90000060  }
0xb5: {  	_ =	sfence  }
0xb6: {  	s30 =	sld [smem:$0x0];
	_ =	sdelay $0x2  }
0xb7: {  	s31 =	sshll.u32 s1, $0xD;
	s1 =	sshrl.u32 s1, $0x2  }
0xb8: {  	s3 =	sand.u32 $0x4000, s31;
	s1 =	sadd.s32 s1, s30  }
0xb9: {  	s0 =	sor.u32 s3, s0;
	s1 =	sshll.u32 s1, $0x11  }
0xba: {  	s0 =	sor.u32 s1, s0  }
0xbb: {  	s0 =	sadd.s32 $0x8F2B, s0  }
0xbc: {  	[sflag:s0] =	ssyncadd.remote.s32 $0x1  }
0xbd: {  	_ =	sfence.sel $0xFFFF  }
0xbe: {  	[dreg:$0x0] =	wrdreg $0xFFFFFFFF;
	(pc) =	sbr.abs _section_cstart, $3  }
0xbf: {  	[dreg:$0x1] =	wrdreg $0xFFFFFFFF  }
0xc0: {  	_ =	task.clear_ibuf [dreg:s6], $0x2FFFF;
	_ =	strace $0x9FFFFFFF  }
0xc1: {  	(tm) =	ssettm $0x7FFFFFFF  }
tec
execute0_lowered:
.L_overlay_start_1:
0x0: {  	(tag) =	ssettag $0x1  }
0x1: {  	s1 =	srdreg.scid  }
0x2: {  	s0 =	stileid.u32;
	s6 =	sand.u32 $0x1, s1  }
0x3: {  	s8 =	rddreg [dreg:$0x0];
	s30 =	sshll.u32 s0, $0x8;
	s2 =	sshll.u32 s6, $0x7  }
0x4: {  	s7 =	simm.s32 $0x1;
	s1 =	rddreg [dreg:$0x1];
	s9 =	sor.u32 s2, s30  }
0x5: {  	s5 =	sadd.s32 $0x4400, s8;
	s2 =	simm.s32 $0x0;
	s3 =	sshrl.u32 s9, $0x3  }
0x6: {  	s10 =	ssub.s32 $0x2, s6;
	[smem:$0x7FF] =	sst s2;
	s3 =	sadd.s32 s3, s8  }
0x7: {  	_ =	strace $0x8000005F;
	s4 =	sadd.s32 $0x85200, s3;
	s3 =	simm.s32 $0x2  }
0x8: {  	[tilespmem:s2], [sflag:$0x2] =	stream.linear.gather [hbm4b:s4+s2], $0x80, $0x38;
	[tilespmem:$0x4080] =	vst v63  }
0x9: {  	s6 =	simm.s32 $0x80;
	s11 =	sshrl.u32 s10, $0x1;
	_ =	swait.ge [sflag:s3], $0x80  }
0xa: {  	s9 =	sshll.u32 s9, $0x4;
	s31 =	ssub.s32 s10, s11;
	[sflag:s3] =	ssyncset.done $0x0  }
0xb: {  	s8 =	sadd.s32 s9, s8;
	s9 =	smax.u32 s31, $0x1;
	[sflag:s3] =	ssyncadd.s32 $0xFFFFFF80  }
0xc: {  	[tilespmem:s6], [sflag:$0x1] =	stream.indirect.gather [hbm4b:s5+s6], $0x80, s2, s6, $0xb8;
	[tilespmem:$0x4080] =	vst v63  }
0xd: {  	p0 =	sne.s32 s9, $0x1;
	_ =	swait.ge [sflag:s7], $0x4000  }
.Ltmp0:
0xe: {  	[sflag:s7] =	ssyncset.done $0x0;
	(pc) =	sbr.rel @!p0 .LBB2_2-.Ltmp0, $4  }
0xf: {  	s8 =	sadd.s32 $0x85400, s8;
	[sflag:s7] =	ssyncadd.s32 $0xFFFFC000  }
0x10: {  	[hbm4b:s8+s2] =	stream.linear.scatter [tilespmem:s6], [sflag:$0x2], $0x4000, $0x38;
	[tilespmem:$0x4080] =	vst v63  }
0x11: {  	_ =	swait.ge [sflag:s3], $0x4000  }
0x12: {  	s9 =	sadd.s32 $0xFFFFFFFF, s9;
	[sflag:s3] =	ssyncset.done $0x0  }
.LBB2_1:
0x13: {  	p0 =	sne.s32 s9, $0x1;
	s9 =	sadd.s32 $0xFFFFFFFF, s9;
	[sflag:s3] =	ssyncadd.s32 $0xFFFFC000  }
0x14: {  	[tilespmem:s2], [sflag:$0x2] =	stream.linear.gather [hbm4b:s4+s2], $0x80, $0x38;
	[tilespmem:$0x4080] =	vst v63  }
0x15: {  	_ =	swait.ge [sflag:s3], $0x80  }
0x16: {  	[sflag:s3] =	ssyncset.done $0x0  }
0x17: {  	[sflag:s3] =	ssyncadd.s32 $0xFFFFFF80  }
0x18: {  	[tilespmem:s6], [sflag:$0x1] =	stream.indirect.gather [hbm4b:s5+s6], $0x80, s2, s6, $0xb8;
	[tilespmem:$0x4080] =	vst v63  }
0x19: {  	_ =	swait.ge [sflag:s7], $0x4000  }
.Ltmp1:
0x1a: {  	[sflag:s7] =	ssyncset.done $0x0;
	(pc) =	sbr.rel @p0 .LBB2_1-.Ltmp1, $4  }
0x1b: {  	[sflag:s7] =	ssyncadd.s32 $0xFFFFC000  }
0x1c: {  	[hbm4b:s8+s2] =	stream.linear.scatter [tilespmem:s6], [sflag:$0x2], $0x4000, $0x38;
	[tilespmem:$0x4080] =	vst v63  }
0x1d: {  	_ =	swait.ge [sflag:s3], $0x4000  }
0x1e: {  	[sflag:s3] =	ssyncset.done $0x0  }
.LBB2_2:
0x1f: {  	[sflag:s3] =	ssyncadd.s32 $0xFFFFC000  }
0x20: {  	_ =	sfence.sel $0x180000  }
0x21: {  	[bflag:$0x0] =	sbarrier.arrive $0xFFFF  }
0x22: {  	p0 =	sne.s32 s0, $0x0;
	_ =	strace $0x9000005F  }
0x23: {  	s0 =	sadd.s32 @!p0 $0x100000, s1;
	[bflag:$0x2] =	sbarrier.arrive $0xFFFF  }
0x24: {  	[sflag:s0] =	ssyncadd.tile.s32 @!p0 $0x1;
	_ =	shalt  }
.Lfunc_end2:
_tile_overlayer_lowered:
.L_overlay_start_2:
0x25: {  	(tag) =	ssettag $0x2  }
0x26: {  	s0 =	rddreg [dreg:$0x0];
	s2 =	stileid.u32  }
0x27: {  	s1 =	rddreg [dreg:$0x1];
	p0 =	sne.s32 s2, $0x0  }
0x28: {  	s3 =	rddreg [dreg:$0x2];
	[bflag:$0x3] =	sbarrier.arrive $0xFFFF;
	s2 =	simm.s32 @!p0 $0x1C02  }
0x29: {  	[timem:s3], [sflag:s2] =	dma.local @!p0 [hbm:s0], s1  }
0x2a: {  	s0 =	simm.s32 @!p0 $0x2  }
0x2b: {  	_ =	swait.ge @!p0 [sflag:s0], s1  }
0x2c: {  	s1 =	ssub.s32 @!p0 $0x0, s1;
	[sflag:s0] =	ssyncset.done @!p0 $0x0  }
0x2d: {  	[sflag:s0] =	ssyncadd.s32 @!p0 s1  }
0x2e: {  	[bflag:$0x3] =	sbarrier.arrive $0xFFFF  }
0x2f: {  	_ =	shalt  }

</sc_bundles>
